<compile_context>
chip_gen: v7x
topology: tpu7x:2x2x1
jax: 0.10.2.dev20260603
libtpu: 0.0.44.dev20260713+nightly
codegen_flags: <defaults>
</compile_context>

<pallas_src>
import jax
import jax.numpy as jnp
from jax import lax
from jax.experimental import pallas as pl
from jax.experimental.pallas import tpu as pltpu
from jax.experimental.pallas import tpu_sc as plsc

_N = 10000
_H = 128
_E = 320000
_NC = 2
_NS = 16
_NW = _NC * _NS
_CH = 200
_ROWS_W = 50
_NB = 10
_NBLK = _ROWS_W // _NB
_NPAD = 10112
_RPT = _NPAD // _NS

_mesh = plsc.VectorSubcoreMesh(core_axis_name="c", subcore_axis_name="s")
_sc_params = pltpu.CompilerParams(use_tc_tiling_on_sc=False)

_ZPIECES = tuple((o, min(_CH, _RPT - o)) for o in range(0, _RPT, _CH))


def _zero_rows(ref, nrows, width):
    zv = jnp.zeros((16,), jnp.float32)

    @pl.loop(0, nrows)
    def _(r):
        @pl.loop(0, width, step=16)
        def _(k):
            ref[r, pl.ds(k, 16)] = zv


def _sc_agg_body(h_hbm, srcp_hbm, dstp_hbm, out_hbm,
                 acc, srcv, dstv, rows0, rows1, rows2, rows3,
                 sem0, sem1, sem2, sem3, semi):
    c = lax.axis_index("c")
    s = lax.axis_index("s")
    wid = c * _NS + s
    bufs = (rows0, rows1, rows2, rows3)
    sems = (sem0, sem1, sem2, sem3)
    zv = jnp.zeros((32,), jnp.bfloat16)

    @pl.loop(0, _CH)
    def _(r):
        @pl.loop(0, _H, step=32)
        def _(k):
            rows0[r, pl.ds(k, 32)] = zv
    zb = s * _RPT
    zcps = [pltpu.async_copy(rows0.at[pl.ds(0, n)],
                             acc.at[pl.ds(zb + off, n)], semi)
            for off, n in _ZPIECES]
    for zcp in zcps:
        zcp.wait()
    plsc.subcore_barrier()

    base0 = wid * _ROWS_W
    pltpu.sync_copy(srcp_hbm.at[pl.ds(base0, _ROWS_W)], srcv)
    pltpu.sync_copy(dstp_hbm.at[pl.ds(base0, _ROWS_W)], dstv)
    for k in range(3):
        pltpu.async_copy(h_hbm.at[srcv.at[k]], bufs[k], sems[k])

    @pl.loop(0, _ROWS_W - 2, step=4)
    def _(j):
        for k in range(4):
            kf = (k + 3) % 4

            @pl.when(j + k + 3 < _ROWS_W)
            def _(k=k, kf=kf):
                pltpu.async_copy(h_hbm.at[srcv.at[j + k + 3]],
                                 bufs[kf], sems[kf])

            pltpu.make_async_copy(h_hbm.at[srcv.at[j + k]],
                                  bufs[k], sems[k]).wait()
            pltpu.sync_copy(bufs[k], acc.at[dstv.at[j + k]], add=True)

    for ctail in (_ROWS_W - 2, _ROWS_W - 1):
        kk = ctail % 4
        pltpu.make_async_copy(h_hbm.at[srcv.at[ctail]],
                              bufs[kk], sems[kk]).wait()
        pltpu.sync_copy(bufs[kk], acc.at[dstv.at[ctail]], add=True)

    plsc.subcore_barrier()
    pltpu.sync_copy(acc.at[pl.ds(zb, _RPT)], out_hbm.at[c, pl.ds(zb, _RPT)])


_sc_agg = pl.kernel(
    _sc_agg_body,
    out_type=jax.ShapeDtypeStruct((_NC, _NPAD, _H), jnp.bfloat16),
    mesh=_mesh,
    scratch_types=[
        pltpu.VMEM_SHARED((_NPAD, _H), jnp.bfloat16),
        pltpu.VMEM((_ROWS_W, _CH), jnp.int32),
        pltpu.VMEM((_ROWS_W, _CH), jnp.int32),
        pltpu.VMEM((_CH, _H), jnp.bfloat16),
        pltpu.VMEM((_CH, _H), jnp.bfloat16),
        pltpu.VMEM((_CH, _H), jnp.bfloat16),
        pltpu.VMEM((_CH, _H), jnp.bfloat16),
        pltpu.SemaphoreType.DMA,
        pltpu.SemaphoreType.DMA,
        pltpu.SemaphoreType.DMA,
        pltpu.SemaphoreType.DMA,
        pltpu.SemaphoreType.DMA,
    ],
    compiler_params=_sc_params,
)


def _sc_cnt_body(dstp_hbm, cnt_hbm, cnt_acc, dstv, onesv, sem0):
    c = lax.axis_index("c")
    s = lax.axis_index("s")
    wid = c * _NS + s
    _zero_rows(onesv, _CH, 16)
    zb = s * _RPT
    for off, n in _ZPIECES:
        pltpu.sync_copy(onesv.at[pl.ds(0, n)], cnt_acc.at[pl.ds(zb + off, n)])
    ov = jnp.full((16,), 1.0, jnp.float32)

    @pl.loop(0, _CH)
    def _(r):
        onesv[r, :] = ov

    plsc.subcore_barrier()

    @pl.loop(0, _NBLK)
    def _(b):
        pltpu.sync_copy(
            dstp_hbm.at[pl.ds(wid * _ROWS_W + b * _NB, _NB)], dstv)

        @pl.loop(0, _NB)
        def _(j):
            pltpu.sync_copy(onesv, cnt_acc.at[dstv.at[j]], add=True)

    plsc.subcore_barrier()
    pltpu.sync_copy(cnt_acc.at[pl.ds(zb, _RPT)], cnt_hbm.at[c, pl.ds(zb, _RPT)])


_sc_cnt = pl.kernel(
    _sc_cnt_body,
    out_type=jax.ShapeDtypeStruct((_NC, _NPAD, 16), jnp.float32),
    mesh=_mesh,
    scratch_types=[
        pltpu.VMEM_SHARED((_NPAD, 16), jnp.float32),
        pltpu.VMEM((_NB, _CH), jnp.int32),
        pltpu.VMEM((_CH, 16), jnp.float32),
        pltpu.SemaphoreType.DMA,
    ],
    compiler_params=_sc_params,
)


def _ln_relu(y, g, be):
    m = jnp.mean(y, axis=-1, keepdims=True)
    v = jnp.mean((y - m) * (y - m), axis=-1, keepdims=True)
    return jax.nn.relu((y - m) * lax.rsqrt(v + 1e-5) * g + be)


def _in_body(x_ref, w_ref, b_ref, g_ref, be_ref, wr_ref, blr_ref,
             hb_ref, hr_ref):
    y = jnp.dot(x_ref[...], w_ref[...], preferred_element_type=jnp.float32)
    h = _ln_relu(y + b_ref[...], g_ref[...], be_ref[...])
    hb_ref[...] = h.astype(jnp.bfloat16)
    hr_ref[...] = jnp.dot(h, wr_ref[...],
                          preferred_element_type=jnp.float32) + blr_ref[...]


def _combine(p_ref, inv, hr_ref, wl_ref, g_ref, be_ref):
    psum = (p_ref[0, :_N, :].astype(jnp.float32)
            + p_ref[1, :_N, :].astype(jnp.float32))
    agg = psum * inv
    out = jnp.dot(agg, wl_ref[...], preferred_element_type=jnp.float32)
    out = out + hr_ref[...]
    nrm = jnp.sqrt(jnp.sum(out * out, axis=-1, keepdims=True))
    out = out / jnp.maximum(nrm, 1e-12)
    return _ln_relu(out, g_ref[...], be_ref[...])


def _comb0_body(p_ref, cp_ref, hr_ref, wl_ref, g_ref, be_ref,
                wr_ref, blr_ref, h_ref, hb_ref, inv_ref, hrn_ref):
    cnt = cp_ref[0, :_N, :] + cp_ref[1, :_N, :]
    inv16 = 1.0 / jnp.maximum(cnt, 1.0)
    inv_ref[...] = inv16
    h = _combine(p_ref, inv16[:, 0:1], hr_ref, wl_ref, g_ref, be_ref)
    h_ref[...] = h
    hb_ref[...] = h.astype(jnp.bfloat16)
    hrn_ref[...] = jnp.dot(h, wr_ref[...],
                           preferred_element_type=jnp.float32) + blr_ref[...]


def _comb_mid_body(p_ref, inv_ref, hr_ref, wl_ref, g_ref, be_ref,
                   wr_ref, blr_ref, h_ref, hb_ref, hrn_ref):
    h = _combine(p_ref, inv_ref[:, 0:1], hr_ref, wl_ref, g_ref, be_ref)
    h_ref[...] = h
    hb_ref[...] = h.astype(jnp.bfloat16)
    hrn_ref[...] = jnp.dot(h, wr_ref[...],
                           preferred_element_type=jnp.float32) + blr_ref[...]


def _comb_last_head_body(p_ref, inv_ref, hr_ref, wl_ref, g_ref, be_ref,
                         h1_ref, h2_ref, wjk_ref, bjk_ref, gjk_ref, bejk_ref,
                         wp1_ref, bp1_ref, gp_ref, bep_ref, wp2_ref, bp2_ref,
                         o_ref):
    h3 = _combine(p_ref, inv_ref[:, 0:1], hr_ref, wl_ref, g_ref, be_ref)
    y = jnp.dot(h1_ref[...], wjk_ref[0:128, :], preferred_element_type=jnp.float32)
    y = y + jnp.dot(h2_ref[...], wjk_ref[128:256, :], preferred_element_type=jnp.float32)
    y = y + jnp.dot(h3, wjk_ref[256:384, :], preferred_element_type=jnp.float32)
    h = _ln_relu(y + bjk_ref[...], gjk_ref[...], bejk_ref[...])
    y2 = jnp.dot(h, wp1_ref[...], preferred_element_type=jnp.float32) + bp1_ref[...]
    hp = _ln_relu(y2, gp_ref[...], bep_ref[...])
    o_ref[...] = jnp.dot(hp, wp2_ref[...], preferred_element_type=jnp.float32) + bp2_ref[...]


def _tc(body, *out_specs):
    if not out_specs:
        out_specs = ((_H, jnp.float32),)
    shapes = tuple(jax.ShapeDtypeStruct((_N, c), dt) for c, dt in out_specs)
    return pl.pallas_call(
        body, out_shape=shapes if len(shapes) > 1 else shapes[0])


def kernel(x, edge_index, W_in, b_in, g_in, be_in, W_l0, b_l0, W_r0, g_0, be_0,
           W_l1, b_l1, W_r1, g_1, be_1, W_l2, b_l2, W_r2, g_2, be_2,
           W_jk, b_jk, g_jk, be_jk, W_p1, b_p1, g_p, be_p, W_p2, b_p2):
    srcp = edge_index[0].reshape(_E // _CH, _CH)
    dstp = edge_index[1].reshape(_E // _CH, _CH)

    cp = _sc_cnt(dstp)
    h0b, hr0 = _tc(_in_body, (_H, jnp.bfloat16), (_H, jnp.float32))(
        x, W_in, b_in, g_in, be_in, W_r0, b_l0)

    p0 = _sc_agg(h0b, srcp, dstp)
    h1, h1b, inv16, hr1 = _tc(
        _comb0_body, (_H, jnp.float32), (_H, jnp.bfloat16),
        (16, jnp.float32), (_H, jnp.float32))(
        p0, cp, hr0, W_l0, g_0, be_0, W_r1, b_l1)

    p1 = _sc_agg(h1b, srcp, dstp)
    h2, h2b, hr2 = _tc(
        _comb_mid_body, (_H, jnp.float32), (_H, jnp.bfloat16),
        (_H, jnp.float32))(
        p1, inv16, hr1, W_l1, g_1, be_1, W_r2, b_l2)

    p2 = _sc_agg(h2b, srcp, dstp)
    return _tc(_comb_last_head_body)(
        p2, inv16, hr2, W_l2, g_2, be_2, h1, h2,
        W_jk, b_jk, g_jk, be_jk, W_p1, b_p1, g_p, be_p, W_p2, b_p2)

# --- scband reference (transcript-rebuilt; emitter-appended) ---
"""Pipeline reference for scband-asset-graph-sage-90151363543730 (READ-ONLY COPY).

The authoritative reference and input builder live on the scoring server;
editing this copy changes nothing except your own understanding.
"""

import jax, jax.numpy as jnp
import numpy as np

N = 10000
E = 320000
D_IN = 128
H = 128
OUT = 128

def _ln(x, g, b):
    m = jnp.mean(x, axis=-1, keepdims=True)
    v = jnp.var(x, axis=-1, keepdims=True)
    return (x - m) / jnp.sqrt(v + 1e-5) * g + b

def _sage(h, src, dst, Wl, bl, Wr):
    msg = h[src]
    agg = jax.ops.segment_sum(msg, dst, num_segments=N)
    cnt = jax.ops.segment_sum(jnp.ones((src.shape[0],), h.dtype), dst, num_segments=N)
    agg = agg / jnp.clip(cnt, 1.0)[:, None]
    out = agg @ Wl + bl + h @ Wr
    nrm = jnp.sqrt(jnp.sum(out * out, axis=-1, keepdims=True))
    return out / jnp.maximum(nrm, 1e-12)

def _forward(x, W_in, b_in, g_in, be_in, W_l0, b_l0, W_r0, g_0, be_0, W_l1, b_l1, W_r1, g_1, be_1, W_l2, b_l2, W_r2, g_2, be_2, W_jk, b_jk, g_jk, be_jk, W_p1, b_p1, g_p, be_p, W_p2, b_p2, src, dst):
    h = jax.nn.relu(_ln(x @ W_in + b_in, g_in, be_in))
    outs = []
    for (Wl, bl, Wr, g, be) in ((W_l0, b_l0, W_r0, g_0, be_0), (W_l1, b_l1, W_r1, g_1, be_1), (W_l2, b_l2, W_r2, g_2, be_2)):
        h = _sage(h, src, dst, Wl, bl, Wr)
        h = jax.nn.relu(_ln(h, g, be))
        outs.append(h)
    jk = jnp.concatenate(outs, axis=-1)
    h = jax.nn.relu(_ln(jk @ W_jk + b_jk, g_jk, be_jk))
    h2 = jax.nn.relu(_ln(h @ W_p1 + b_p1, g_p, be_p))
    return h2 @ W_p2 + b_p2

def _glorot(k, shp):
    lim = float(np.sqrt(6.0 / (shp[0] + shp[1])))
    return jax.random.uniform(k, shp, jnp.float32, -lim, lim)

def setup_inputs(seed: int = 0):
    key = jax.random.key(seed)
    d = {}
    d["x"] = jax.random.normal(jax.random.fold_in(key, 0), (N, D_IN), jnp.float32)
    d["edge_index"] = jax.random.randint(jax.random.fold_in(key, 1), (2, E), 0, N, dtype=jnp.int32)
    kc = 2
    d["W_in"] = _glorot(jax.random.fold_in(key, kc), (D_IN, H)); kc += 1
    d["b_in"] = jnp.zeros((H,), jnp.float32)
    d["g_in"] = jnp.ones((H,), jnp.float32)
    d["be_in"] = jnp.zeros((H,), jnp.float32)
    for i in range(3):
        d["W_l%d" % i] = _glorot(jax.random.fold_in(key, kc), (H, H)); kc += 1
        d["b_l%d" % i] = jnp.zeros((H,), jnp.float32)
        d["W_r%d" % i] = _glorot(jax.random.fold_in(key, kc), (H, H)); kc += 1
        d["g_%d" % i] = jnp.ones((H,), jnp.float32)
        d["be_%d" % i] = jnp.zeros((H,), jnp.float32)
    d["W_jk"] = _glorot(jax.random.fold_in(key, kc), (3 * H, H)); kc += 1
    d["b_jk"] = jnp.zeros((H,), jnp.float32)
    d["g_jk"] = jnp.ones((H,), jnp.float32)
    d["be_jk"] = jnp.zeros((H,), jnp.float32)
    d["W_p1"] = _glorot(jax.random.fold_in(key, kc), (H, H)); kc += 1
    d["b_p1"] = jnp.zeros((H,), jnp.float32)
    d["g_p"] = jnp.ones((H,), jnp.float32)
    d["be_p"] = jnp.zeros((H,), jnp.float32)
    d["W_p2"] = _glorot(jax.random.fold_in(key, kc), (H, OUT)); kc += 1
    d["b_p2"] = jnp.zeros((OUT,), jnp.float32)
    return d

def reference(x, edge_index, W_in, b_in, g_in, be_in, W_l0, b_l0, W_r0, g_0, be_0, W_l1, b_l1, W_r1, g_1, be_1, W_l2, b_l2, W_r2, g_2, be_2, W_jk, b_jk, g_jk, be_jk, W_p1, b_p1, g_p, be_p, W_p2, b_p2):
    src = edge_index[0]
    dst = edge_index[1]
    return _forward(x, W_in, b_in, g_in, be_in, W_l0, b_l0, W_r0, g_0, be_0, W_l1, b_l1, W_r1, g_1, be_1, W_l2, b_l2, W_r2, g_2, be_2, W_jk, b_jk, g_jk, be_jk, W_p1, b_p1, g_p, be_p, W_p2, b_p2, src, dst)

if __name__ == "__main__":
    import jax
    _d = setup_inputs()
    print(jax.jit(kernel)(*tuple(_d.values())))

</pallas_src>

<mosaic_0001>
#map = affine_map<(d0, d1) -> (0, 0)>
#map1 = affine_map<(d0, d1) -> (0, 0, 0)>
module attributes {stable_mosaic.version = 14 : i64} {
  func.func @_sc_cnt_body(%arg0: i32, %arg1: i32, %arg2: memref<1600x200xi32, #tpu.memory_space<hbm>>, %arg3: memref<2x10112x16xf32, #tpu.memory_space<hbm>>, %arg4: memref<10112x16xf32, #tpu.memory_space<vmem_shared>>, %arg5: memref<10x200xi32, #tpu.memory_space<vmem>>, %arg6: memref<200x16xf32, #tpu.memory_space<vmem>>, %arg7: memref<!tpu.dma_semaphore, #tpu.memory_space<semaphore_mem>>) attributes {dimension_semantics = [#tpu.dimension_semantics<core_parallel>, #tpu.dimension_semantics<subcore_parallel>], iteration_bounds = array<i64: 2, 16>, scalar_prefetch = 0 : i64, scratch_operands = 4 : i64, tpu.core_type = #tpu.core_type<sc_vector_subcore>, window_params = [{transform_indices = #map}, {transform_indices = #map1}]} {
    %mul3A = arith.constant 16 : i32
    %mul3A_0 = arith.muli %arg0, %mul3A : i32
    %add3A = arith.addi %mul3A_0, %arg1 : i32
    %broadcast_in_dim3A = arith.constant 0.000000e+00 : f32
    %broadcast_in_dim3A_1 = vector.broadcast %broadcast_in_dim3A : f32 to vector<16xf32>
    %scan3A = arith.constant 0 : i32
    %scan3A_2 = arith.constant 200 : i32
    %scan3A_3 = arith.addi %scan3A, %scan3A_2 : i32
    %scan3A_4 = arith.constant 1 : i32
    scf.for %scan3A_29 = %scan3A to %scan3A_3 step %scan3A_4  : i32 {
      %mul3A_30 = arith.constant 1 : i32
      %mul3A_31 = arith.muli %scan3A_29, %mul3A_30 : i32
      %add3A_32 = arith.constant 0 : i32
      %add3A_33 = arith.addi %add3A_32, %mul3A_31 : i32
      %scan3A_34 = arith.constant 0 : i32
      %mul3A_35 = arith.constant 16 : i32
      %mul3A_36 = arith.muli %scan3A_34, %mul3A_35 : i32
      %add3A_37 = arith.constant 0 : i32
      %add3A_38 = arith.addi %add3A_37, %mul3A_36 : i32
      %swap3A = arith.index_cast %add3A_33 : i32 to index
      %swap3A_39 = arith.index_cast %add3A_38 : i32 to index
      %swap3A_40 = tpu.vector_load %arg6[%swap3A, %swap3A_39] {strides = array<i32>} : memref<200x16xf32, #tpu.memory_space<vmem>>, vector<1x16xf32>,
      %swap3A_41 = vector.shape_cast %swap3A_40 : vector<1x16xf32> to vector<16xf32>
      %swap3A_42 = vector.shape_cast %broadcast_in_dim3A_1 : vector<16xf32> to vector<1x16xf32>
      tpu.vector_store %arg6[%swap3A, %swap3A_39], %swap3A_42 {strides = array<i32>} : memref<200x16xf32, #tpu.memory_space<vmem>>, vector<1x16xf32>,
      %scan3A_43 = arith.constant 1 : i32
    }
    %scan3A_5 = arith.constant 200 : i32
    %mul3A_6 = arith.constant 632 : i32
    %mul3A_7 = arith.muli %arg1, %mul3A_6 : i32
    %add3A_8 = arith.constant 0 : i32
    %add3A_9 = arith.addi %mul3A_7, %add3A_8 : i32
    "tpu.region"() ({
      %run_scoped3A = tpu.sem_alloc : memref<!tpu.dma_semaphore, #tpu.memory_space<semaphore_mem>>
      %dma_start3A = arith.constant 0 : i32
      %dma_start3A_29 = arith.constant 0 : i32
      %dma_start3A_30 = tpu.memref_slice %arg6[%dma_start3A, %dma_start3A_29] : memref<200x16xf32, #tpu.memory_space<vmem>> -> memref<200x16xf32, #tpu.memory_space<vmem>>
      %dma_start3A_31 = arith.constant 0 : i32
      %dma_start3A_32 = tpu.memref_slice %arg4[%add3A_9, %dma_start3A_31] : memref<10112x16xf32, #tpu.memory_space<vmem_shared>> -> memref<200x16xf32, #tpu.memory_space<vmem_shared>>
      %dma_start3A_33 = arith.constant 0 : i32
      %dma_start3A_34 = tpu.memref_slice %arg4[%add3A_9, %dma_start3A_33] : memref<10112x16xf32, #tpu.memory_space<vmem_shared>> -> memref<200x16xf32, #tpu.memory_space<vmem_shared>>
      %dma_start3A_35 = arith.constant 0 : i32
      %dma_start3A_36 = arith.constant 0 : i32
      %dma_start3A_37 = tpu.memref_slice %arg6[%dma_start3A_35, %dma_start3A_36] : memref<200x16xf32, #tpu.memory_space<vmem>> -> memref<200x16xf32, #tpu.memory_space<vmem>>
      tpu.enqueue_dma source(%dma_start3A_37 : memref<200x16xf32, #tpu.memory_space<vmem>>) target(%dma_start3A_34 : memref<200x16xf32, #tpu.memory_space<vmem_shared>>) target_semaphore(%run_scoped3A : memref<!tpu.dma_semaphore, #tpu.memory_space<semaphore_mem>>)
      %dma_wait3A = arith.constant 0 : i32
      %dma_wait3A_38 = arith.constant 0 : i32
      %dma_wait3A_39 = tpu.memref_slice %arg6[%dma_wait3A, %dma_wait3A_38] : memref<200x16xf32, #tpu.memory_space<vmem>> -> memref<200x16xf32, #tpu.memory_space<vmem>>
      %dma_wait3A_40 = arith.constant 0 : i32
      %dma_wait3A_41 = tpu.memref_slice %arg4[%add3A_9, %dma_wait3A_40] : memref<10112x16xf32, #tpu.memory_space<vmem_shared>> -> memref<200x16xf32, #tpu.memory_space<vmem_shared>>
      %dma_wait3A_42 = arith.constant 0 : i32
      %dma_wait3A_43 = tpu.memref_slice %arg4[%add3A_9, %dma_wait3A_42] : memref<10112x16xf32, #tpu.memory_space<vmem_shared>> -> memref<200x16xf32, #tpu.memory_space<vmem_shared>>
      %dma_wait3A_44 = arith.constant 0 : i32
      %dma_wait3A_45 = arith.constant 0 : i32
      %dma_wait3A_46 = tpu.memref_slice %arg6[%dma_wait3A_44, %dma_wait3A_45] : memref<200x16xf32, #tpu.memory_space<vmem>> -> memref<200x16xf32, #tpu.memory_space<vmem>>
      tpu.wait_dma2 semaphore(%run_scoped3A : memref<!tpu.dma_semaphore, #tpu.memory_space<semaphore_mem>>) src(%dma_wait3A_46 : memref<200x16xf32, #tpu.memory_space<vmem>>) dst(%dma_wait3A_43 : memref<200x16xf32, #tpu.memory_space<vmem_shared>>)
      tpu.yield
    }) : () -> ()
    %add3A_10 = arith.constant 200 : i32
    %add3A_11 = arith.addi %mul3A_7, %add3A_10 : i32
    "tpu.region"() ({
      %run_scoped3A = tpu.sem_alloc : memref<!tpu.dma_semaphore, #tpu.memory_space<semaphore_mem>>
      %dma_start3A = arith.constant 0 : i32
      %dma_start3A_29 = arith.constant 0 : i32
      %dma_start3A_30 = tpu.memref_slice %arg6[%dma_start3A, %dma_start3A_29] : memref<200x16xf32, #tpu.memory_space<vmem>> -> memref<200x16xf32, #tpu.memory_space<vmem>>
      %dma_start3A_31 = arith.constant 0 : i32
      %dma_start3A_32 = tpu.memref_slice %arg4[%add3A_11, %dma_start3A_31] : memref<10112x16xf32, #tpu.memory_space<vmem_shared>> -> memref<200x16xf32, #tpu.memory_space<vmem_shared>>
      %dma_start3A_33 = arith.constant 0 : i32
      %dma_start3A_34 = tpu.memref_slice %arg4[%add3A_11, %dma_start3A_33] : memref<10112x16xf32, #tpu.memory_space<vmem_shared>> -> memref<200x16xf32, #tpu.memory_space<vmem_shared>>
      %dma_start3A_35 = arith.constant 0 : i32
      %dma_start3A_36 = arith.constant 0 : i32
      %dma_start3A_37 = tpu.memref_slice %arg6[%dma_start3A_35, %dma_start3A_36] : memref<200x16xf32, #tpu.memory_space<vmem>> -> memref<200x16xf32, #tpu.memory_space<vmem>>
      tpu.enqueue_dma source(%dma_start3A_37 : memref<200x16xf32, #tpu.memory_space<vmem>>) target(%dma_start3A_34 : memref<200x16xf32, #tpu.memory_space<vmem_shared>>) target_semaphore(%run_scoped3A : memref<!tpu.dma_semaphore, #tpu.memory_space<semaphore_mem>>)
      %dma_wait3A = arith.constant 0 : i32
      %dma_wait3A_38 = arith.constant 0 : i32
      %dma_wait3A_39 = tpu.memref_slice %arg6[%dma_wait3A, %dma_wait3A_38] : memref<200x16xf32, #tpu.memory_space<vmem>> -> memref<200x16xf32, #tpu.memory_space<vmem>>
      %dma_wait3A_40 = arith.constant 0 : i32
      %dma_wait3A_41 = tpu.memref_slice %arg4[%add3A_11, %dma_wait3A_40] : memref<10112x16xf32, #tpu.memory_space<vmem_shared>> -> memref<200x16xf32, #tpu.memory_space<vmem_shared>>
      %dma_wait3A_42 = arith.constant 0 : i32
      %dma_wait3A_43 = tpu.memref_slice %arg4[%add3A_11, %dma_wait3A_42] : memref<10112x16xf32, #tpu.memory_space<vmem_shared>> -> memref<200x16xf32, #tpu.memory_space<vmem_shared>>
      %dma_wait3A_44 = arith.constant 0 : i32
      %dma_wait3A_45 = arith.constant 0 : i32
      %dma_wait3A_46 = tpu.memref_slice %arg6[%dma_wait3A_44, %dma_wait3A_45] : memref<200x16xf32, #tpu.memory_space<vmem>> -> memref<200x16xf32, #tpu.memory_space<vmem>>
      tpu.wait_dma2 semaphore(%run_scoped3A : memref<!tpu.dma_semaphore, #tpu.memory_space<semaphore_mem>>) src(%dma_wait3A_46 : memref<200x16xf32, #tpu.memory_space<vmem>>) dst(%dma_wait3A_43 : memref<200x16xf32, #tpu.memory_space<vmem_shared>>)
      tpu.yield
    }) : () -> ()
    %add3A_12 = arith.constant 400 : i32
    %add3A_13 = arith.addi %mul3A_7, %add3A_12 : i32
    "tpu.region"() ({
      %run_scoped3A = tpu.sem_alloc : memref<!tpu.dma_semaphore, #tpu.memory_space<semaphore_mem>>
      %dma_start3A = arith.constant 0 : i32
      %dma_start3A_29 = arith.constant 0 : i32
      %dma_start3A_30 = tpu.memref_slice %arg6[%dma_start3A, %dma_start3A_29] : memref<200x16xf32, #tpu.memory_space<vmem>> -> memref<200x16xf32, #tpu.memory_space<vmem>>
      %dma_start3A_31 = arith.constant 0 : i32
      %dma_start3A_32 = tpu.memref_slice %arg4[%add3A_13, %dma_start3A_31] : memref<10112x16xf32, #tpu.memory_space<vmem_shared>> -> memref<200x16xf32, #tpu.memory_space<vmem_shared>>
      %dma_start3A_33 = arith.constant 0 : i32
      %dma_start3A_34 = tpu.memref_slice %arg4[%add3A_13, %dma_start3A_33] : memref<10112x16xf32, #tpu.memory_space<vmem_shared>> -> memref<200x16xf32, #tpu.memory_space<vmem_shared>>
      %dma_start3A_35 = arith.constant 0 : i32
      %dma_start3A_36 = arith.constant 0 : i32
      %dma_start3A_37 = tpu.memref_slice %arg6[%dma_start3A_35, %dma_start3A_36] : memref<200x16xf32, #tpu.memory_space<vmem>> -> memref<200x16xf32, #tpu.memory_space<vmem>>
      tpu.enqueue_dma source(%dma_start3A_37 : memref<200x16xf32, #tpu.memory_space<vmem>>) target(%dma_start3A_34 : memref<200x16xf32, #tpu.memory_space<vmem_shared>>) target_semaphore(%run_scoped3A : memref<!tpu.dma_semaphore, #tpu.memory_space<semaphore_mem>>)
      %dma_wait3A = arith.constant 0 : i32
      %dma_wait3A_38 = arith.constant 0 : i32
      %dma_wait3A_39 = tpu.memref_slice %arg6[%dma_wait3A, %dma_wait3A_38] : memref<200x16xf32, #tpu.memory_space<vmem>> -> memref<200x16xf32, #tpu.memory_space<vmem>>
      %dma_wait3A_40 = arith.constant 0 : i32
      %dma_wait3A_41 = tpu.memref_slice %arg4[%add3A_13, %dma_wait3A_40] : memref<10112x16xf32, #tpu.memory_space<vmem_shared>> -> memref<200x16xf32, #tpu.memory_space<vmem_shared>>
      %dma_wait3A_42 = arith.constant 0 : i32
      %dma_wait3A_43 = tpu.memref_slice %arg4[%add3A_13, %dma_wait3A_42] : memref<10112x16xf32, #tpu.memory_space<vmem_shared>> -> memref<200x16xf32, #tpu.memory_space<vmem_shared>>
      %dma_wait3A_44 = arith.constant 0 : i32
      %dma_wait3A_45 = arith.constant 0 : i32
      %dma_wait3A_46 = tpu.memref_slice %arg6[%dma_wait3A_44, %dma_wait3A_45] : memref<200x16xf32, #tpu.memory_space<vmem>> -> memref<200x16xf32, #tpu.memory_space<vmem>>
      tpu.wait_dma2 semaphore(%run_scoped3A : memref<!tpu.dma_semaphore, #tpu.memory_space<semaphore_mem>>) src(%dma_wait3A_46 : memref<200x16xf32, #tpu.memory_space<vmem>>) dst(%dma_wait3A_43 : memref<200x16xf32, #tpu.memory_space<vmem_shared>>)
      tpu.yield
    }) : () -> ()
    %add3A_14 = arith.constant 600 : i32
    %add3A_15 = arith.addi %mul3A_7, %add3A_14 : i32
    "tpu.region"() ({
      %run_scoped3A = tpu.sem_alloc : memref<!tpu.dma_semaphore, #tpu.memory_space<semaphore_mem>>
      %dma_start3A = arith.constant 0 : i32
      %dma_start3A_29 = arith.constant 0 : i32
      %dma_start3A_30 = tpu.memref_slice %arg6[%dma_start3A, %dma_start3A_29] : memref<200x16xf32, #tpu.memory_space<vmem>> -> memref<32x16xf32, #tpu.memory_space<vmem>>
      %dma_start3A_31 = arith.constant 0 : i32
      %dma_start3A_32 = tpu.memref_slice %arg4[%add3A_15, %dma_start3A_31] : memref<10112x16xf32, #tpu.memory_space<vmem_shared>> -> memref<32x16xf32, #tpu.memory_space<vmem_shared>>
      %dma_start3A_33 = arith.constant 0 : i32
      %dma_start3A_34 = tpu.memref_slice %arg4[%add3A_15, %dma_start3A_33] : memref<10112x16xf32, #tpu.memory_space<vmem_shared>> -> memref<32x16xf32, #tpu.memory_space<vmem_shared>>
      %dma_start3A_35 = arith.constant 0 : i32
      %dma_start3A_36 = arith.constant 0 : i32
      %dma_start3A_37 = tpu.memref_slice %arg6[%dma_start3A_35, %dma_start3A_36] : memref<200x16xf32, #tpu.memory_space<vmem>> -> memref<32x16xf32, #tpu.memory_space<vmem>>
      tpu.enqueue_dma source(%dma_start3A_37 : memref<32x16xf32, #tpu.memory_space<vmem>>) target(%dma_start3A_34 : memref<32x16xf32, #tpu.memory_space<vmem_shared>>) target_semaphore(%run_scoped3A : memref<!tpu.dma_semaphore, #tpu.memory_space<semaphore_mem>>)
      %dma_wait3A = arith.constant 0 : i32
      %dma_wait3A_38 = arith.constant 0 : i32
      %dma_wait3A_39 = tpu.memref_slice %arg6[%dma_wait3A, %dma_wait3A_38] : memref<200x16xf32, #tpu.memory_space<vmem>> -> memref<32x16xf32, #tpu.memory_space<vmem>>
      %dma_wait3A_40 = arith.constant 0 : i32
      %dma_wait3A_41 = tpu.memref_slice %arg4[%add3A_15, %dma_wait3A_40] : memref<10112x16xf32, #tpu.memory_space<vmem_shared>> -> memref<32x16xf32, #tpu.memory_space<vmem_shared>>
      %dma_wait3A_42 = arith.constant 0 : i32
      %dma_wait3A_43 = tpu.memref_slice %arg4[%add3A_15, %dma_wait3A_42] : memref<10112x16xf32, #tpu.memory_space<vmem_shared>> -> memref<32x16xf32, #tpu.memory_space<vmem_shared>>
      %dma_wait3A_44 = arith.constant 0 : i32
      %dma_wait3A_45 = arith.constant 0 : i32
      %dma_wait3A_46 = tpu.memref_slice %arg6[%dma_wait3A_44, %dma_wait3A_45] : memref<200x16xf32, #tpu.memory_space<vmem>> -> memref<32x16xf32, #tpu.memory_space<vmem>>
      tpu.wait_dma2 semaphore(%run_scoped3A : memref<!tpu.dma_semaphore, #tpu.memory_space<semaphore_mem>>) src(%dma_wait3A_46 : memref<32x16xf32, #tpu.memory_space<vmem>>) dst(%dma_wait3A_43 : memref<32x16xf32, #tpu.memory_space<vmem_shared>>)
      tpu.yield
    }) : () -> ()
    %broadcast_in_dim3A_16 = arith.constant 1.000000e+00 : f32
    %broadcast_in_dim3A_17 = vector.broadcast %broadcast_in_dim3A_16 : f32 to vector<16xf32>
    %scan3A_18 = arith.constant 0 : i32
    %scan3A_19 = arith.constant 200 : i32
    %scan3A_20 = arith.addi %scan3A_18, %scan3A_19 : i32
    %scan3A_21 = arith.constant 1 : i32
    scf.for %scan3A_29 = %scan3A_18 to %scan3A_20 step %scan3A_21  : i32 {
      %mul3A_30 = arith.constant 1 : i32
      %mul3A_31 = arith.muli %scan3A_29, %mul3A_30 : i32
      %add3A_32 = arith.constant 0 : i32
      %add3A_33 = arith.addi %add3A_32, %mul3A_31 : i32
      %swap3A = arith.index_cast %add3A_33 : i32 to index
      %swap3A_34 = arith.constant 0 : index
      %swap3A_35 = tpu.vector_load %arg6[%swap3A, %swap3A_34] {strides = array<i32>} : memref<200x16xf32, #tpu.memory_space<vmem>>, vector<1x16xf32>,
      %swap3A_36 = vector.shape_cast %swap3A_35 : vector<1x16xf32> to vector<16xf32>
      %swap3A_37 = vector.shape_cast %broadcast_in_dim3A_17 : vector<16xf32> to vector<1x16xf32>
      tpu.vector_store %arg6[%swap3A, %swap3A_34], %swap3A_37 {strides = array<i32>} : memref<200x16xf32, #tpu.memory_space<vmem>>, vector<1x16xf32>,
    }
    %scan3A_22 = arith.constant 200 : i32
    %barrier3A = arith.constant 0 : index
    tpu.barrier barrier_id(%barrier3A)
    %scan3A_23 = arith.constant 0 : i32
    %scan3A_24 = arith.constant 5 : i32
    %scan3A_25 = arith.addi %scan3A_23, %scan3A_24 : i32
    %scan3A_26 = arith.constant 1 : i32
    scf.for %scan3A_29 = %scan3A_23 to %scan3A_25 step %scan3A_26  : i32 {
      %mul3A_30 = arith.constant 1 : i32
      %mul3A_31 = arith.muli %scan3A_29, %mul3A_30 : i32
      %add3A_32 = arith.constant 0 : i32
      %add3A_33 = arith.addi %add3A_32, %mul3A_31 : i32
      %mul3A_34 = arith.constant 50 : i32
      %mul3A_35 = arith.muli %add3A, %mul3A_34 : i32
      %mul3A_36 = arith.constant 10 : i32
      %mul3A_37 = arith.muli %add3A_33, %mul3A_36 : i32
      %add3A_38 = arith.addi %mul3A_35, %mul3A_37 : i32
      "tpu.region"() ({
        %run_scoped3A = tpu.sem_alloc : memref<!tpu.dma_semaphore, #tpu.memory_space<semaphore_mem>>
        %dma_start3A = arith.constant 0 : i32
        %dma_start3A_44 = tpu.memref_slice %arg2[%add3A_38, %dma_start3A] : memref<1600x200xi32, #tpu.memory_space<hbm>> -> memref<10x200xi32, #tpu.memory_space<hbm>>
        %dma_start3A_45 = arith.constant 0 : i32
        %dma_start3A_46 = tpu.memref_slice %arg2[%add3A_38, %dma_start3A_45] : memref<1600x200xi32, #tpu.memory_space<hbm>> -> memref<10x200xi32, #tpu.memory_space<hbm>>
        tpu.enqueue_dma source(%dma_start3A_46 : memref<10x200xi32, #tpu.memory_space<hbm>>) target(%arg5 : memref<10x200xi32, #tpu.memory_space<vmem>>) target_semaphore(%run_scoped3A : memref<!tpu.dma_semaphore, #tpu.memory_space<semaphore_mem>>)
        %dma_wait3A = arith.constant 0 : i32
        %dma_wait3A_47 = tpu.memref_slice %arg2[%add3A_38, %dma_wait3A] : memref<1600x200xi32, #tpu.memory_space<hbm>> -> memref<10x200xi32, #tpu.memory_space<hbm>>
        %dma_wait3A_48 = arith.constant 0 : i32
        %dma_wait3A_49 = tpu.memref_slice %arg2[%add3A_38, %dma_wait3A_48] : memref<1600x200xi32, #tpu.memory_space<hbm>> -> memref<10x200xi32, #tpu.memory_space<hbm>>
        tpu.wait_dma2 semaphore(%run_scoped3A : memref<!tpu.dma_semaphore, #tpu.memory_space<semaphore_mem>>) src(%dma_wait3A_49 : memref<10x200xi32, #tpu.memory_space<hbm>>) dst(%arg5 : memref<10x200xi32, #tpu.memory_space<vmem>>)
        tpu.yield
      }) : () -> ()
      %scan3A_39 = arith.constant 0 : i32
      %scan3A_40 = arith.constant 10 : i32
      %scan3A_41 = arith.addi %scan3A_39, %scan3A_40 : i32
      %scan3A_42 = arith.constant 1 : i32
      scf.for %scan3A_44 = %scan3A_39 to %scan3A_41 step %scan3A_42  : i32 {
        %mul3A_45 = arith.constant 1 : i32
        %mul3A_46 = arith.muli %scan3A_44, %mul3A_45 : i32
        %add3A_47 = arith.constant 0 : i32
        %add3A_48 = arith.addi %add3A_47, %mul3A_46 : i32
        "tpu.region"() ({
          %run_scoped3A = tpu.sem_alloc : memref<!tpu.dma_semaphore, #tpu.memory_space<semaphore_mem>>
          %dma_start3A = arith.constant 0 : i32
          %dma_start3A_49 = tpu.memref_slice %arg5[%add3A_48, %dma_start3A] : memref<10x200xi32, #tpu.memory_space<vmem>> -> memref<1x200xi32, #tpu.memory_space<vmem>>
          %dma_start3A_50 = tpu.memref_squeeze %dma_start3A_49 : memref<1x200xi32, #tpu.memory_space<vmem>> -> memref<200xi32, #tpu.memory_space<vmem>>
          %dma_start3A_51 = arith.constant 0 : i32
          %dma_start3A_52 = arith.constant 0 : i32
          %dma_start3A_53 = tpu.memref_slice %arg4[%dma_start3A_51, %dma_start3A_52] : memref<10112x16xf32, #tpu.memory_space<vmem_shared>> -> memref<10112x16xf32, #tpu.memory_space<vmem_shared>>
          tpu.enqueue_indirect_dma source(%arg6 : memref<200x16xf32, #tpu.memory_space<vmem>>) target(%dma_start3A_53 : memref<10112x16xf32, #tpu.memory_space<vmem_shared>>) offsets(%dma_start3A_50 : memref<200xi32, #tpu.memory_space<vmem>>) semaphore(%run_scoped3A : memref<!tpu.dma_semaphore, #tpu.memory_space<semaphore_mem>>) {add = true}
          %dma_wait3A = arith.constant 0 : i32
          %dma_wait3A_54 = tpu.memref_slice %arg5[%add3A_48, %dma_wait3A] : memref<10x200xi32, #tpu.memory_space<vmem>> -> memref<1x200xi32, #tpu.memory_space<vmem>>
          %dma_wait3A_55 = tpu.memref_squeeze %dma_wait3A_54 : memref<1x200xi32, #tpu.memory_space<vmem>> -> memref<200xi32, #tpu.memory_space<vmem>>
          %dma_wait3A_56 = arith.constant 0 : i32
          %dma_wait3A_57 = arith.constant 0 : i32
          %dma_wait3A_58 = tpu.memref_slice %arg4[%dma_wait3A_56, %dma_wait3A_57] : memref<10112x16xf32, #tpu.memory_space<vmem_shared>> -> memref<10112x16xf32, #tpu.memory_space<vmem_shared>>
          tpu.wait_indirect_dma semaphore(%run_scoped3A : memref<!tpu.dma_semaphore, #tpu.memory_space<semaphore_mem>>) src(%arg6 : memref<200x16xf32, #tpu.memory_space<vmem>>) dst(%dma_wait3A_58 : memref<10112x16xf32, #tpu.memory_space<vmem_shared>>)
          tpu.yield
        }) : () -> ()
      }
      %scan3A_43 = arith.constant 10 : i32
    }
    %scan3A_27 = arith.constant 5 : i32
    %barrier3A_28 = arith.constant 0 : index
    tpu.barrier barrier_id(%barrier3A_28)
    "tpu.region"() ({
      %run_scoped3A = tpu.sem_alloc : memref<!tpu.dma_semaphore, #tpu.memory_space<semaphore_mem>>
      %dma_start3A = arith.constant 0 : i32
      %dma_start3A_29 = tpu.memref_slice %arg3[%arg0, %mul3A_7, %dma_start3A] : memref<2x10112x16xf32, #tpu.memory_space<hbm>> -> memref<1x632x16xf32, #tpu.memory_space<hbm>>
      %dma_start3A_30 = tpu.memref_squeeze %dma_start3A_29 : memref<1x632x16xf32, #tpu.memory_space<hbm>> -> memref<632x16xf32, #tpu.memory_space<hbm>>
      %dma_start3A_31 = arith.constant 0 : i32
      %dma_start3A_32 = tpu.memref_slice %arg4[%mul3A_7, %dma_start3A_31] : memref<10112x16xf32, #tpu.memory_space<vmem_shared>> -> memref<632x16xf32, #tpu.memory_space<vmem_shared>>
      tpu.enqueue_dma source(%dma_start3A_32 : memref<632x16xf32, #tpu.memory_space<vmem_shared>>) target(%dma_start3A_30 : memref<632x16xf32, #tpu.memory_space<hbm>>) target_semaphore(%run_scoped3A : memref<!tpu.dma_semaphore, #tpu.memory_space<semaphore_mem>>)
      %dma_wait3A = arith.constant 0 : i32
      %dma_wait3A_33 = tpu.memref_slice %arg3[%arg0, %mul3A_7, %dma_wait3A] : memref<2x10112x16xf32, #tpu.memory_space<hbm>> -> memref<1x632x16xf32, #tpu.memory_space<hbm>>
      %dma_wait3A_34 = tpu.memref_squeeze %dma_wait3A_33 : memref<1x632x16xf32, #tpu.memory_space<hbm>> -> memref<632x16xf32, #tpu.memory_space<hbm>>
      %dma_wait3A_35 = arith.constant 0 : i32
      %dma_wait3A_36 = tpu.memref_slice %arg4[%mul3A_7, %dma_wait3A_35] : memref<10112x16xf32, #tpu.memory_space<vmem_shared>> -> memref<632x16xf32, #tpu.memory_space<vmem_shared>>
      tpu.wait_dma2 semaphore(%run_scoped3A : memref<!tpu.dma_semaphore, #tpu.memory_space<semaphore_mem>>) src(%dma_wait3A_36 : memref<632x16xf32, #tpu.memory_space<vmem_shared>>) dst(%dma_wait3A_34 : memref<632x16xf32, #tpu.memory_space<hbm>>)
      tpu.yield
    }) : () -> ()
    return
  }
}

#map = affine_map<(d0, d1) -> (0, 0)>
#map1 = affine_map<(d0, d1) -> (0, 0, 0)>
module attributes {stable_mosaic.version = 14 : i64} {
  func.func @_sc_agg_body(%arg0: i32, %arg1: i32, %arg2: memref<10000x128xbf16, #tpu.memory_space<hbm>>, %arg3: memref<1600x200xi32, #tpu.memory_space<hbm>>, %arg4: memref<1600x200xi32, #tpu.memory_space<hbm>>, %arg5: memref<2x10112x128xbf16, #tpu.memory_space<hbm>>, %arg6: memref<10112x128xbf16, #tpu.memory_space<vmem_shared>>, %arg7: memref<50x200xi32, #tpu.memory_space<vmem>>, %arg8: memref<50x200xi32, #tpu.memory_space<vmem>>, %arg9: memref<200x128xbf16, #tpu.memory_space<vmem>>, %arg10: memref<200x128xbf16, #tpu.memory_space<vmem>>, %arg11: memref<200x128xbf16, #tpu.memory_space<vmem>>, %arg12: memref<200x128xbf16, #tpu.memory_space<vmem>>, %arg13: memref<!tpu.dma_semaphore, #tpu.memory_space<semaphore_mem>>, %arg14: memref<!tpu.dma_semaphore, #tpu.memory_space<semaphore_mem>>, %arg15: memref<!tpu.dma_semaphore, #tpu.memory_space<semaphore_mem>>, %arg16: memref<!tpu.dma_semaphore, #tpu.memory_space<semaphore_mem>>, %arg17: memref<!tpu.dma_semaphore, #tpu.memory_space<semaphore_mem>>) attributes {dimension_semantics = [#tpu.dimension_semantics<core_parallel>, #tpu.dimension_semantics<subcore_parallel>], iteration_bounds = array<i64: 2, 16>, scalar_prefetch = 0 : i64, scratch_operands = 12 : i64, tpu.core_type = #tpu.core_type<sc_vector_subcore>, window_params = [{transform_indices = #map}, {transform_indices = #map}, {transform_indices = #map}, {transform_indices = #map1}]} {
    %mul3A = arith.constant 16 : i32
    %mul3A_0 = arith.muli %arg0, %mul3A : i32
    %add3A = arith.addi %mul3A_0, %arg1 : i32
    %broadcast_in_dim3A = arith.constant 0.000000e+00 : bf16
    %broadcast_in_dim3A_1 = vector.broadcast %broadcast_in_dim3A : bf16 to vector<32xbf16>
    %scan3A = arith.constant 0 : i32
    %scan3A_2 = arith.constant 200 : i32
    %scan3A_3 = arith.addi %scan3A, %scan3A_2 : i32
    %scan3A_4 = arith.constant 1 : i32
    scf.for %scan3A_138 = %scan3A to %scan3A_3 step %scan3A_4  : i32 {
      %mul3A_139 = arith.constant 1 : i32
      %mul3A_140 = arith.muli %scan3A_138, %mul3A_139 : i32
      %add3A_141 = arith.constant 0 : i32
      %add3A_142 = arith.addi %add3A_141, %mul3A_140 : i32
      %scan3A_143 = arith.constant 0 : i32
      %scan3A_144 = arith.constant 4 : i32
      %scan3A_145 = arith.addi %scan3A_143, %scan3A_144 : i32
      %scan3A_146 = arith.constant 1 : i32
      scf.for %scan3A_148 = %scan3A_143 to %scan3A_145 step %scan3A_146  : i32 {
        %mul3A_149 = arith.constant 32 : i32
        %mul3A_150 = arith.muli %scan3A_148, %mul3A_149 : i32
        %add3A_151 = arith.constant 0 : i32
        %add3A_152 = arith.addi %add3A_151, %mul3A_150 : i32
        %swap3A = arith.index_cast %add3A_142 : i32 to index
        %swap3A_153 = arith.index_cast %add3A_152 : i32 to index
        %swap3A_154 = tpu.vector_load %arg9[%swap3A, %swap3A_153] {strides = array<i32>} : memref<200x128xbf16, #tpu.memory_space<vmem>>, vector<1x32xbf16>,
        %swap3A_155 = vector.shape_cast %swap3A_154 : vector<1x32xbf16> to vector<32xbf16>
        %swap3A_156 = vector.shape_cast %broadcast_in_dim3A_1 : vector<32xbf16> to vector<1x32xbf16>
        tpu.vector_store %arg9[%swap3A, %swap3A_153], %swap3A_156 {strides = array<i32>} : memref<200x128xbf16, #tpu.memory_space<vmem>>, vector<1x32xbf16>,
      }
      %scan3A_147 = arith.constant 4 : i32
    }
    %scan3A_5 = arith.constant 200 : i32
    %mul3A_6 = arith.constant 632 : i32
    %mul3A_7 = arith.muli %arg1, %mul3A_6 : i32
    %add3A_8 = arith.constant 0 : i32
    %add3A_9 = arith.addi %mul3A_7, %add3A_8 : i32
    %dma_start3A = arith.constant 0 : i32
    %dma_start3A_10 = arith.constant 0 : i32
    %dma_start3A_11 = tpu.memref_slice %arg9[%dma_start3A, %dma_start3A_10] : memref<200x128xbf16, #tpu.memory_space<vmem>> -> memref<200x128xbf16, #tpu.memory_space<vmem>>
    %dma_start3A_12 = arith.constant 0 : i32
    %dma_start3A_13 = tpu.memref_slice %arg6[%add3A_9, %dma_start3A_12] : memref<10112x128xbf16, #tpu.memory_space<vmem_shared>> -> memref<200x128xbf16, #tpu.memory_space<vmem_shared>>
    %dma_start3A_14 = arith.constant 0 : i32
    %dma_start3A_15 = tpu.memref_slice %arg6[%add3A_9, %dma_start3A_14] : memref<10112x128xbf16, #tpu.memory_space<vmem_shared>> -> memref<200x128xbf16, #tpu.memory_space<vmem_shared>>
    %dma_start3A_16 = arith.constant 0 : i32
    %dma_start3A_17 = arith.constant 0 : i32
    %dma_start3A_18 = tpu.memref_slice %arg9[%dma_start3A_16, %dma_start3A_17] : memref<200x128xbf16, #tpu.memory_space<vmem>> -> memref<200x128xbf16, #tpu.memory_space<vmem>>
    tpu.enqueue_dma source(%dma_start3A_18 : memref<200x128xbf16, #tpu.memory_space<vmem>>) target(%dma_start3A_15 : memref<200x128xbf16, #tpu.memory_space<vmem_shared>>) target_semaphore(%arg17 : memref<!tpu.dma_semaphore, #tpu.memory_space<semaphore_mem>>)
    %add3A_19 = arith.constant 200 : i32
    %add3A_20 = arith.addi %mul3A_7, %add3A_19 : i32
    %dma_start3A_21 = arith.constant 0 : i32
    %dma_start3A_22 = arith.constant 0 : i32
    %dma_start3A_23 = tpu.memref_slice %arg9[%dma_start3A_21, %dma_start3A_22] : memref<200x128xbf16, #tpu.memory_space<vmem>> -> memref<200x128xbf16, #tpu.memory_space<vmem>>
    %dma_start3A_24 = arith.constant 0 : i32
    %dma_start3A_25 = tpu.memref_slice %arg6[%add3A_20, %dma_start3A_24] : memref<10112x128xbf16, #tpu.memory_space<vmem_shared>> -> memref<200x128xbf16, #tpu.memory_space<vmem_shared>>
    %dma_start3A_26 = arith.constant 0 : i32
    %dma_start3A_27 = tpu.memref_slice %arg6[%add3A_20, %dma_start3A_26] : memref<10112x128xbf16, #tpu.memory_space<vmem_shared>> -> memref<200x128xbf16, #tpu.memory_space<vmem_shared>>
    %dma_start3A_28 = arith.constant 0 : i32
    %dma_start3A_29 = arith.constant 0 : i32
    %dma_start3A_30 = tpu.memref_slice %arg9[%dma_start3A_28, %dma_start3A_29] : memref<200x128xbf16, #tpu.memory_space<vmem>> -> memref<200x128xbf16, #tpu.memory_space<vmem>>
    tpu.enqueue_dma source(%dma_start3A_30 : memref<200x128xbf16, #tpu.memory_space<vmem>>) target(%dma_start3A_27 : memref<200x128xbf16, #tpu.memory_space<vmem_shared>>) target_semaphore(%arg17 : memref<!tpu.dma_semaphore, #tpu.memory_space<semaphore_mem>>)
    %add3A_31 = arith.constant 400 : i32
    %add3A_32 = arith.addi %mul3A_7, %add3A_31 : i32
    %dma_start3A_33 = arith.constant 0 : i32
    %dma_start3A_34 = arith.constant 0 : i32
    %dma_start3A_35 = tpu.memref_slice %arg9[%dma_start3A_33, %dma_start3A_34] : memref<200x128xbf16, #tpu.memory_space<vmem>> -> memref<200x128xbf16, #tpu.memory_space<vmem>>
    %dma_start3A_36 = arith.constant 0 : i32
    %dma_start3A_37 = tpu.memref_slice %arg6[%add3A_32, %dma_start3A_36] : memref<10112x128xbf16, #tpu.memory_space<vmem_shared>> -> memref<200x128xbf16, #tpu.memory_space<vmem_shared>>
    %dma_start3A_38 = arith.constant 0 : i32
    %dma_start3A_39 = tpu.memref_slice %arg6[%add3A_32, %dma_start3A_38] : memref<10112x128xbf16, #tpu.memory_space<vmem_shared>> -> memref<200x128xbf16, #tpu.memory_space<vmem_shared>>
    %dma_start3A_40 = arith.constant 0 : i32
    %dma_start3A_41 = arith.constant 0 : i32
    %dma_start3A_42 = tpu.memref_slice %arg9[%dma_start3A_40, %dma_start3A_41] : memref<200x128xbf16, #tpu.memory_space<vmem>> -> memref<200x128xbf16, #tpu.memory_space<vmem>>
    tpu.enqueue_dma source(%dma_start3A_42 : memref<200x128xbf16, #tpu.memory_space<vmem>>) target(%dma_start3A_39 : memref<200x128xbf16, #tpu.memory_space<vmem_shared>>) target_semaphore(%arg17 : memref<!tpu.dma_semaphore, #tpu.memory_space<semaphore_mem>>)
    %add3A_43 = arith.constant 600 : i32
    %add3A_44 = arith.addi %mul3A_7, %add3A_43 : i32
    %dma_start3A_45 = arith.constant 0 : i32
    %dma_start3A_46 = arith.constant 0 : i32
    %dma_start3A_47 = tpu.memref_slice %arg9[%dma_start3A_45, %dma_start3A_46] : memref<200x128xbf16, #tpu.memory_space<vmem>> -> memref<32x128xbf16, #tpu.memory_space<vmem>>
    %dma_start3A_48 = arith.constant 0 : i32
    %dma_start3A_49 = tpu.memref_slice %arg6[%add3A_44, %dma_start3A_48] : memref<10112x128xbf16, #tpu.memory_space<vmem_shared>> -> memref<32x128xbf16, #tpu.memory_space<vmem_shared>>
    %dma_start3A_50 = arith.constant 0 : i32
    %dma_start3A_51 = tpu.memref_slice %arg6[%add3A_44, %dma_start3A_50] : memref<10112x128xbf16, #tpu.memory_space<vmem_shared>> -> memref<32x128xbf16, #tpu.memory_space<vmem_shared>>
    %dma_start3A_52 = arith.constant 0 : i32
    %dma_start3A_53 = arith.constant 0 : i32
    %dma_start3A_54 = tpu.memref_slice %arg9[%dma_start3A_52, %dma_start3A_53] : memref<200x128xbf16, #tpu.memory_space<vmem>> -> memref<32x128xbf16, #tpu.memory_space<vmem>>
    tpu.enqueue_dma source(%dma_start3A_54 : memref<32x128xbf16, #tpu.memory_space<vmem>>) target(%dma_start3A_51 : memref<32x128xbf16, #tpu.memory_space<vmem_shared>>) target_semaphore(%arg17 : memref<!tpu.dma_semaphore, #tpu.memory_space<semaphore_mem>>)
    %dma_wait3A = arith.constant 0 : i32
    %dma_wait3A_55 = arith.constant 0 : i32
    %dma_wait3A_56 = tpu.memref_slice %arg9[%dma_wait3A, %dma_wait3A_55] : memref<200x128xbf16, #tpu.memory_space<vmem>> -> memref<200x128xbf16, #tpu.memory_space<vmem>>
    %dma_wait3A_57 = arith.constant 0 : i32
    %dma_wait3A_58 = tpu.memref_slice %arg6[%add3A_9, %dma_wait3A_57] : memref<10112x128xbf16, #tpu.memory_space<vmem_shared>> -> memref<200x128xbf16, #tpu.memory_space<vmem_shared>>
    %dma_wait3A_59 = arith.constant 0 : i32
    %dma_wait3A_60 = tpu.memref_slice %arg6[%add3A_9, %dma_wait3A_59] : memref<10112x128xbf16, #tpu.memory_space<vmem_shared>> -> memref<200x128xbf16, #tpu.memory_space<vmem_shared>>
    %dma_wait3A_61 = arith.constant 0 : i32
    %dma_wait3A_62 = arith.constant 0 : i32
    %dma_wait3A_63 = tpu.memref_slice %arg9[%dma_wait3A_61, %dma_wait3A_62] : memref<200x128xbf16, #tpu.memory_space<vmem>> -> memref<200x128xbf16, #tpu.memory_space<vmem>>
    tpu.wait_dma2 semaphore(%arg17 : memref<!tpu.dma_semaphore, #tpu.memory_space<semaphore_mem>>) src(%dma_wait3A_63 : memref<200x128xbf16, #tpu.memory_space<vmem>>) dst(%dma_wait3A_60 : memref<200x128xbf16, #tpu.memory_space<vmem_shared>>)
    %dma_wait3A_64 = arith.constant 0 : i32
    %dma_wait3A_65 = arith.constant 0 : i32
    %dma_wait3A_66 = tpu.memref_slice %arg9[%dma_wait3A_64, %dma_wait3A_65] : memref<200x128xbf16, #tpu.memory_space<vmem>> -> memref<200x128xbf16, #tpu.memory_space<vmem>>
    %dma_wait3A_67 = arith.constant 0 : i32
    %dma_wait3A_68 = tpu.memref_slice %arg6[%add3A_20, %dma_wait3A_67] : memref<10112x128xbf16, #tpu.memory_space<vmem_shared>> -> memref<200x128xbf16, #tpu.memory_space<vmem_shared>>
    %dma_wait3A_69 = arith.constant 0 : i32
    %dma_wait3A_70 = tpu.memref_slice %arg6[%add3A_20, %dma_wait3A_69] : memref<10112x128xbf16, #tpu.memory_space<vmem_shared>> -> memref<200x128xbf16, #tpu.memory_space<vmem_shared>>
    %dma_wait3A_71 = arith.constant 0 : i32
    %dma_wait3A_72 = arith.constant 0 : i32
    %dma_wait3A_73 = tpu.memref_slice %arg9[%dma_wait3A_71, %dma_wait3A_72] : memref<200x128xbf16, #tpu.memory_space<vmem>> -> memref<200x128xbf16, #tpu.memory_space<vmem>>
    tpu.wait_dma2 semaphore(%arg17 : memref<!tpu.dma_semaphore, #tpu.memory_space<semaphore_mem>>) src(%dma_wait3A_73 : memref<200x128xbf16, #tpu.memory_space<vmem>>) dst(%dma_wait3A_70 : memref<200x128xbf16, #tpu.memory_space<vmem_shared>>)
    %dma_wait3A_74 = arith.constant 0 : i32
    %dma_wait3A_75 = arith.constant 0 : i32
    %dma_wait3A_76 = tpu.memref_slice %arg9[%dma_wait3A_74, %dma_wait3A_75] : memref<200x128xbf16, #tpu.memory_space<vmem>> -> memref<200x128xbf16, #tpu.memory_space<vmem>>
    %dma_wait3A_77 = arith.constant 0 : i32
    %dma_wait3A_78 = tpu.memref_slice %arg6[%add3A_32, %dma_wait3A_77] : memref<10112x128xbf16, #tpu.memory_space<vmem_shared>> -> memref<200x128xbf16, #tpu.memory_space<vmem_shared>>
    %dma_wait3A_79 = arith.constant 0 : i32
    %dma_wait3A_80 = tpu.memref_slice %arg6[%add3A_32, %dma_wait3A_79] : memref<10112x128xbf16, #tpu.memory_space<vmem_shared>> -> memref<200x128xbf16, #tpu.memory_space<vmem_shared>>
    %dma_wait3A_81 = arith.constant 0 : i32
    %dma_wait3A_82 = arith.constant 0 : i32
    %dma_wait3A_83 = tpu.memref_slice %arg9[%dma_wait3A_81, %dma_wait3A_82] : memref<200x128xbf16, #tpu.memory_space<vmem>> -> memref<200x128xbf16, #tpu.memory_space<vmem>>
    tpu.wait_dma2 semaphore(%arg17 : memref<!tpu.dma_semaphore, #tpu.memory_space<semaphore_mem>>) src(%dma_wait3A_83 : memref<200x128xbf16, #tpu.memory_space<vmem>>) dst(%dma_wait3A_80 : memref<200x128xbf16, #tpu.memory_space<vmem_shared>>)
    %dma_wait3A_84 = arith.constant 0 : i32
    %dma_wait3A_85 = arith.constant 0 : i32
    %dma_wait3A_86 = tpu.memref_slice %arg9[%dma_wait3A_84, %dma_wait3A_85] : memref<200x128xbf16, #tpu.memory_space<vmem>> -> memref<32x128xbf16, #tpu.memory_space<vmem>>
    %dma_wait3A_87 = arith.constant 0 : i32
    %dma_wait3A_88 = tpu.memref_slice %arg6[%add3A_44, %dma_wait3A_87] : memref<10112x128xbf16, #tpu.memory_space<vmem_shared>> -> memref<32x128xbf16, #tpu.memory_space<vmem_shared>>
    %dma_wait3A_89 = arith.constant 0 : i32
    %dma_wait3A_90 = tpu.memref_slice %arg6[%add3A_44, %dma_wait3A_89] : memref<10112x128xbf16, #tpu.memory_space<vmem_shared>> -> memref<32x128xbf16, #tpu.memory_space<vmem_shared>>
    %dma_wait3A_91 = arith.constant 0 : i32
    %dma_wait3A_92 = arith.constant 0 : i32
    %dma_wait3A_93 = tpu.memref_slice %arg9[%dma_wait3A_91, %dma_wait3A_92] : memref<200x128xbf16, #tpu.memory_space<vmem>> -> memref<32x128xbf16, #tpu.memory_space<vmem>>
    tpu.wait_dma2 semaphore(%arg17 : memref<!tpu.dma_semaphore, #tpu.memory_space<semaphore_mem>>) src(%dma_wait3A_93 : memref<32x128xbf16, #tpu.memory_space<vmem>>) dst(%dma_wait3A_90 : memref<32x128xbf16, #tpu.memory_space<vmem_shared>>)
    %barrier3A = arith.constant 0 : index
    tpu.barrier barrier_id(%barrier3A)
    %mul3A_94 = arith.constant 50 : i32
    %mul3A_95 = arith.muli %add3A, %mul3A_94 : i32
    "tpu.region"() ({
      %run_scoped3A_138 = tpu.sem_alloc : memref<!tpu.dma_semaphore, #tpu.memory_space<semaphore_mem>>
      %dma_start3A_139 = arith.constant 0 : i32
      %dma_start3A_140 = tpu.memref_slice %arg3[%mul3A_95, %dma_start3A_139] : memref<1600x200xi32, #tpu.memory_space<hbm>> -> memref<50x200xi32, #tpu.memory_space<hbm>>
      %dma_start3A_141 = arith.constant 0 : i32
      %dma_start3A_142 = tpu.memref_slice %arg3[%mul3A_95, %dma_start3A_141] : memref<1600x200xi32, #tpu.memory_space<hbm>> -> memref<50x200xi32, #tpu.memory_space<hbm>>
      tpu.enqueue_dma source(%dma_start3A_142 : memref<50x200xi32, #tpu.memory_space<hbm>>) target(%arg7 : memref<50x200xi32, #tpu.memory_space<vmem>>) target_semaphore(%run_scoped3A_138 : memref<!tpu.dma_semaphore, #tpu.memory_space<semaphore_mem>>)
      %dma_wait3A_143 = arith.constant 0 : i32
      %dma_wait3A_144 = tpu.memref_slice %arg3[%mul3A_95, %dma_wait3A_143] : memref<1600x200xi32, #tpu.memory_space<hbm>> -> memref<50x200xi32, #tpu.memory_space<hbm>>
      %dma_wait3A_145 = arith.constant 0 : i32
      %dma_wait3A_146 = tpu.memref_slice %arg3[%mul3A_95, %dma_wait3A_145] : memref<1600x200xi32, #tpu.memory_space<hbm>> -> memref<50x200xi32, #tpu.memory_space<hbm>>
      tpu.wait_dma2 semaphore(%run_scoped3A_138 : memref<!tpu.dma_semaphore, #tpu.memory_space<semaphore_mem>>) src(%dma_wait3A_146 : memref<50x200xi32, #tpu.memory_space<hbm>>) dst(%arg7 : memref<50x200xi32, #tpu.memory_space<vmem>>)
      tpu.yield
    }) : () -> ()
    "tpu.region"() ({
      %run_scoped3A_138 = tpu.sem_alloc : memref<!tpu.dma_semaphore, #tpu.memory_space<semaphore_mem>>
      %dma_start3A_139 = arith.constant 0 : i32
      %dma_start3A_140 = tpu.memref_slice %arg4[%mul3A_95, %dma_start3A_139] : memref<1600x200xi32, #tpu.memory_space<hbm>> -> memref<50x200xi32, #tpu.memory_space<hbm>>
      %dma_start3A_141 = arith.constant 0 : i32
      %dma_start3A_142 = tpu.memref_slice %arg4[%mul3A_95, %dma_start3A_141] : memref<1600x200xi32, #tpu.memory_space<hbm>> -> memref<50x200xi32, #tpu.memory_space<hbm>>
      tpu.enqueue_dma source(%dma_start3A_142 : memref<50x200xi32, #tpu.memory_space<hbm>>) target(%arg8 : memref<50x200xi32, #tpu.memory_space<vmem>>) target_semaphore(%run_scoped3A_138 : memref<!tpu.dma_semaphore, #tpu.memory_space<semaphore_mem>>)
      %dma_wait3A_143 = arith.constant 0 : i32
      %dma_wait3A_144 = tpu.memref_slice %arg4[%mul3A_95, %dma_wait3A_143] : memref<1600x200xi32, #tpu.memory_space<hbm>> -> memref<50x200xi32, #tpu.memory_space<hbm>>
      %dma_wait3A_145 = arith.constant 0 : i32
      %dma_wait3A_146 = tpu.memref_slice %arg4[%mul3A_95, %dma_wait3A_145] : memref<1600x200xi32, #tpu.memory_space<hbm>> -> memref<50x200xi32, #tpu.memory_space<hbm>>
      tpu.wait_dma2 semaphore(%run_scoped3A_138 : memref<!tpu.dma_semaphore, #tpu.memory_space<semaphore_mem>>) src(%dma_wait3A_146 : memref<50x200xi32, #tpu.memory_space<hbm>>) dst(%arg8 : memref<50x200xi32, #tpu.memory_space<vmem>>)
      tpu.yield
    }) : () -> ()
    %dma_start3A_96 = arith.constant 0 : i32
    %dma_start3A_97 = arith.constant 0 : i32
    %dma_start3A_98 = tpu.memref_slice %arg7[%dma_start3A_96, %dma_start3A_97] : memref<50x200xi32, #tpu.memory_space<vmem>> -> memref<1x200xi32, #tpu.memory_space<vmem>>
    %dma_start3A_99 = tpu.memref_squeeze %dma_start3A_98 : memref<1x200xi32, #tpu.memory_space<vmem>> -> memref<200xi32, #tpu.memory_space<vmem>>
    %dma_start3A_100 = arith.constant 0 : i32
    %dma_start3A_101 = arith.constant 0 : i32
    %dma_start3A_102 = tpu.memref_slice %arg2[%dma_start3A_100, %dma_start3A_101] : memref<10000x128xbf16, #tpu.memory_space<hbm>> -> memref<10000x128xbf16, #tpu.memory_space<hbm>>
    tpu.enqueue_indirect_dma source(%dma_start3A_102 : memref<10000x128xbf16, #tpu.memory_space<hbm>>) target(%arg9 : memref<200x128xbf16, #tpu.memory_space<vmem>>) offsets(%dma_start3A_99 : memref<200xi32, #tpu.memory_space<vmem>>) semaphore(%arg13 : memref<!tpu.dma_semaphore, #tpu.memory_space<semaphore_mem>>)
    %dma_start3A_103 = arith.constant 1 : i32
    %dma_start3A_104 = arith.constant 0 : i32
    %dma_start3A_105 = tpu.memref_slice %arg7[%dma_start3A_103, %dma_start3A_104] : memref<50x200xi32, #tpu.memory_space<vmem>> -> memref<1x200xi32, #tpu.memory_space<vmem>>
    %dma_start3A_106 = tpu.memref_squeeze %dma_start3A_105 : memref<1x200xi32, #tpu.memory_space<vmem>> -> memref<200xi32, #tpu.memory_space<vmem>>
    %dma_start3A_107 = arith.constant 0 : i32
    %dma_start3A_108 = arith.constant 0 : i32
    %dma_start3A_109 = tpu.memref_slice %arg2[%dma_start3A_107, %dma_start3A_108] : memref<10000x128xbf16, #tpu.memory_space<hbm>> -> memref<10000x128xbf16, #tpu.memory_space<hbm>>
    tpu.enqueue_indirect_dma source(%dma_start3A_109 : memref<10000x128xbf16, #tpu.memory_space<hbm>>) target(%arg10 : memref<200x128xbf16, #tpu.memory_space<vmem>>) offsets(%dma_start3A_106 : memref<200xi32, #tpu.memory_space<vmem>>) semaphore(%arg14 : memref<!tpu.dma_semaphore, #tpu.memory_space<semaphore_mem>>)
    %dma_start3A_110 = arith.constant 2 : i32
    %dma_start3A_111 = arith.constant 0 : i32
    %dma_start3A_112 = tpu.memref_slice %arg7[%dma_start3A_110, %dma_start3A_111] : memref<50x200xi32, #tpu.memory_space<vmem>> -> memref<1x200xi32, #tpu.memory_space<vmem>>
    %dma_start3A_113 = tpu.memref_squeeze %dma_start3A_112 : memref<1x200xi32, #tpu.memory_space<vmem>> -> memref<200xi32, #tpu.memory_space<vmem>>
    %dma_start3A_114 = arith.constant 0 : i32
    %dma_start3A_115 = arith.constant 0 : i32
    %dma_start3A_116 = tpu.memref_slice %arg2[%dma_start3A_114, %dma_start3A_115] : memref<10000x128xbf16, #tpu.memory_space<hbm>> -> memref<10000x128xbf16, #tpu.memory_space<hbm>>
    tpu.enqueue_indirect_dma source(%dma_start3A_116 : memref<10000x128xbf16, #tpu.memory_space<hbm>>) target(%arg11 : memref<200x128xbf16, #tpu.memory_space<vmem>>) offsets(%dma_start3A_113 : memref<200xi32, #tpu.memory_space<vmem>>) semaphore(%arg15 : memref<!tpu.dma_semaphore, #tpu.memory_space<semaphore_mem>>)
    %scan3A_117 = arith.constant 0 : i32
    %scan3A_118 = arith.constant 12 : i32
    %scan3A_119 = arith.addi %scan3A_117, %scan3A_118 : i32
    %scan3A_120 = arith.constant 1 : i32
    scf.for %scan3A_138 = %scan3A_117 to %scan3A_119 step %scan3A_120  : i32 {
      %mul3A_139 = arith.constant 4 : i32
      %mul3A_140 = arith.muli %scan3A_138, %mul3A_139 : i32
      %add3A_141 = arith.constant 0 : i32
      %add3A_142 = arith.addi %add3A_141, %mul3A_140 : i32
      %add3A_143 = arith.constant 0 : i32
      %add3A_144 = arith.addi %add3A_142, %add3A_143 : i32
      %add3A_145 = arith.constant 3 : i32
      %add3A_146 = arith.addi %add3A_144, %add3A_145 : i32
      %lt3A = arith.constant 50 : i32
      %lt3A_147 = arith.cmpi slt, %add3A_146, %lt3A : i32
      %convert_element_type3A = arith.extui %lt3A_147 : i1 to i32
      %cond3A = arith.constant 0 : i32
      %cond3A_148 = arith.cmpi ne, %convert_element_type3A, %cond3A : i32
      scf.if %cond3A_148 {
        %add3A_216 = arith.constant 0 : i32
        %add3A_217 = arith.addi %add3A_142, %add3A_216 : i32
        %add3A_218 = arith.constant 3 : i32
        %add3A_219 = arith.addi %add3A_217, %add3A_218 : i32
        %dma_start3A_220 = arith.constant 0 : i32
        %dma_start3A_221 = tpu.memref_slice %arg7[%add3A_219, %dma_start3A_220] : memref<50x200xi32, #tpu.memory_space<vmem>> -> memref<1x200xi32, #tpu.memory_space<vmem>>
        %dma_start3A_222 = tpu.memref_squeeze %dma_start3A_221 : memref<1x200xi32, #tpu.memory_space<vmem>> -> memref<200xi32, #tpu.memory_space<vmem>>
        %dma_start3A_223 = arith.constant 0 : i32
        %dma_start3A_224 = arith.constant 0 : i32
        %dma_start3A_225 = tpu.memref_slice %arg2[%dma_start3A_223, %dma_start3A_224] : memref<10000x128xbf16, #tpu.memory_space<hbm>> -> memref<10000x128xbf16, #tpu.memory_space<hbm>>
        tpu.enqueue_indirect_dma source(%dma_start3A_225 : memref<10000x128xbf16, #tpu.memory_space<hbm>>) target(%arg12 : memref<200x128xbf16, #tpu.memory_space<vmem>>) offsets(%dma_start3A_222 : memref<200xi32, #tpu.memory_space<vmem>>) semaphore(%arg16 : memref<!tpu.dma_semaphore, #tpu.memory_space<semaphore_mem>>)
      } else {
      }
      %add3A_149 = arith.constant 0 : i32
      %add3A_150 = arith.addi %add3A_142, %add3A_149 : i32
      %dma_wait3A_151 = arith.constant 0 : i32
      %dma_wait3A_152 = tpu.memref_slice %arg7[%add3A_150, %dma_wait3A_151] : memref<50x200xi32, #tpu.memory_space<vmem>> -> memref<1x200xi32, #tpu.memory_space<vmem>>
      %dma_wait3A_153 = tpu.memref_squeeze %dma_wait3A_152 : memref<1x200xi32, #tpu.memory_space<vmem>> -> memref<200xi32, #tpu.memory_space<vmem>>
      %dma_wait3A_154 = arith.constant 0 : i32
      %dma_wait3A_155 = arith.constant 0 : i32
      %dma_wait3A_156 = tpu.memref_slice %arg2[%dma_wait3A_154, %dma_wait3A_155] : memref<10000x128xbf16, #tpu.memory_space<hbm>> -> memref<10000x128xbf16, #tpu.memory_space<hbm>>
      tpu.wait_indirect_dma semaphore(%arg13 : memref<!tpu.dma_semaphore, #tpu.memory_space<semaphore_mem>>) src(%dma_wait3A_156 : memref<10000x128xbf16, #tpu.memory_space<hbm>>) dst(%arg9 : memref<200x128xbf16, #tpu.memory_space<vmem>>)
      %add3A_157 = arith.constant 0 : i32
      %add3A_158 = arith.addi %add3A_142, %add3A_157 : i32
      "tpu.region"() ({
        %run_scoped3A_216 = tpu.sem_alloc : memref<!tpu.dma_semaphore, #tpu.memory_space<semaphore_mem>>
        %dma_start3A_217 = arith.constant 0 : i32
        %dma_start3A_218 = tpu.memref_slice %arg8[%add3A_158, %dma_start3A_217] : memref<50x200xi32, #tpu.memory_space<vmem>> -> memref<1x200xi32, #tpu.memory_space<vmem>>
        %dma_start3A_219 = tpu.memref_squeeze %dma_start3A_218 : memref<1x200xi32, #tpu.memory_space<vmem>> -> memref<200xi32, #tpu.memory_space<vmem>>
        %dma_start3A_220 = arith.constant 0 : i32
        %dma_start3A_221 = arith.constant 0 : i32
        %dma_start3A_222 = tpu.memref_slice %arg6[%dma_start3A_220, %dma_start3A_221] : memref<10112x128xbf16, #tpu.memory_space<vmem_shared>> -> memref<10112x128xbf16, #tpu.memory_space<vmem_shared>>
        tpu.enqueue_indirect_dma source(%arg9 : memref<200x128xbf16, #tpu.memory_space<vmem>>) target(%dma_start3A_222 : memref<10112x128xbf16, #tpu.memory_space<vmem_shared>>) offsets(%dma_start3A_219 : memref<200xi32, #tpu.memory_space<vmem>>) semaphore(%run_scoped3A_216 : memref<!tpu.dma_semaphore, #tpu.memory_space<semaphore_mem>>) {add = true}
        %dma_wait3A_223 = arith.constant 0 : i32
        %dma_wait3A_224 = tpu.memref_slice %arg8[%add3A_158, %dma_wait3A_223] : memref<50x200xi32, #tpu.memory_space<vmem>> -> memref<1x200xi32, #tpu.memory_space<vmem>>
        %dma_wait3A_225 = tpu.memref_squeeze %dma_wait3A_224 : memref<1x200xi32, #tpu.memory_space<vmem>> -> memref<200xi32, #tpu.memory_space<vmem>>
        %dma_wait3A_226 = arith.constant 0 : i32
        %dma_wait3A_227 = arith.constant 0 : i32
        %dma_wait3A_228 = tpu.memref_slice %arg6[%dma_wait3A_226, %dma_wait3A_227] : memref<10112x128xbf16, #tpu.memory_space<vmem_shared>> -> memref<10112x128xbf16, #tpu.memory_space<vmem_shared>>
        tpu.wait_indirect_dma semaphore(%run_scoped3A_216 : memref<!tpu.dma_semaphore, #tpu.memory_space<semaphore_mem>>) src(%arg9 : memref<200x128xbf16, #tpu.memory_space<vmem>>) dst(%dma_wait3A_228 : memref<10112x128xbf16, #tpu.memory_space<vmem_shared>>)
        tpu.yield
      }) : () -> ()
      %add3A_159 = arith.constant 1 : i32
      %add3A_160 = arith.addi %add3A_142, %add3A_159 : i32
      %add3A_161 = arith.constant 3 : i32
      %add3A_162 = arith.addi %add3A_160, %add3A_161 : i32
      %lt3A_163 = arith.constant 50 : i32
      %lt3A_164 = arith.cmpi slt, %add3A_162, %lt3A_163 : i32
      %convert_element_type3A_165 = arith.extui %lt3A_164 : i1 to i32
      %cond3A_166 = arith.constant 0 : i32
      %cond3A_167 = arith.cmpi ne, %convert_element_type3A_165, %cond3A_166 : i32
      scf.if %cond3A_167 {
        %add3A_216 = arith.constant 1 : i32
        %add3A_217 = arith.addi %add3A_142, %add3A_216 : i32
        %add3A_218 = arith.constant 3 : i32
        %add3A_219 = arith.addi %add3A_217, %add3A_218 : i32
        %dma_start3A_220 = arith.constant 0 : i32
        %dma_start3A_221 = tpu.memref_slice %arg7[%add3A_219, %dma_start3A_220] : memref<50x200xi32, #tpu.memory_space<vmem>> -> memref<1x200xi32, #tpu.memory_space<vmem>>
        %dma_start3A_222 = tpu.memref_squeeze %dma_start3A_221 : memref<1x200xi32, #tpu.memory_space<vmem>> -> memref<200xi32, #tpu.memory_space<vmem>>
        %dma_start3A_223 = arith.constant 0 : i32
        %dma_start3A_224 = arith.constant 0 : i32
        %dma_start3A_225 = tpu.memref_slice %arg2[%dma_start3A_223, %dma_start3A_224] : memref<10000x128xbf16, #tpu.memory_space<hbm>> -> memref<10000x128xbf16, #tpu.memory_space<hbm>>
        tpu.enqueue_indirect_dma source(%dma_start3A_225 : memref<10000x128xbf16, #tpu.memory_space<hbm>>) target(%arg9 : memref<200x128xbf16, #tpu.memory_space<vmem>>) offsets(%dma_start3A_222 : memref<200xi32, #tpu.memory_space<vmem>>) semaphore(%arg13 : memref<!tpu.dma_semaphore, #tpu.memory_space<semaphore_mem>>)
      } else {
      }
      %add3A_168 = arith.constant 1 : i32
      %add3A_169 = arith.addi %add3A_142, %add3A_168 : i32
      %dma_wait3A_170 = arith.constant 0 : i32
      %dma_wait3A_171 = tpu.memref_slice %arg7[%add3A_169, %dma_wait3A_170] : memref<50x200xi32, #tpu.memory_space<vmem>> -> memref<1x200xi32, #tpu.memory_space<vmem>>
      %dma_wait3A_172 = tpu.memref_squeeze %dma_wait3A_171 : memref<1x200xi32, #tpu.memory_space<vmem>> -> memref<200xi32, #tpu.memory_space<vmem>>
      %dma_wait3A_173 = arith.constant 0 : i32
      %dma_wait3A_174 = arith.constant 0 : i32
      %dma_wait3A_175 = tpu.memref_slice %arg2[%dma_wait3A_173, %dma_wait3A_174] : memref<10000x128xbf16, #tpu.memory_space<hbm>> -> memref<10000x128xbf16, #tpu.memory_space<hbm>>
      tpu.wait_indirect_dma semaphore(%arg14 : memref<!tpu.dma_semaphore, #tpu.memory_space<semaphore_mem>>) src(%dma_wait3A_175 : memref<10000x128xbf16, #tpu.memory_space<hbm>>) dst(%arg10 : memref<200x128xbf16, #tpu.memory_space<vmem>>)
      %add3A_176 = arith.constant 1 : i32
      %add3A_177 = arith.addi %add3A_142, %add3A_176 : i32
      "tpu.region"() ({
        %run_scoped3A_216 = tpu.sem_alloc : memref<!tpu.dma_semaphore, #tpu.memory_space<semaphore_mem>>
        %dma_start3A_217 = arith.constant 0 : i32
        %dma_start3A_218 = tpu.memref_slice %arg8[%add3A_177, %dma_start3A_217] : memref<50x200xi32, #tpu.memory_space<vmem>> -> memref<1x200xi32, #tpu.memory_space<vmem>>
        %dma_start3A_219 = tpu.memref_squeeze %dma_start3A_218 : memref<1x200xi32, #tpu.memory_space<vmem>> -> memref<200xi32, #tpu.memory_space<vmem>>
        %dma_start3A_220 = arith.constant 0 : i32
        %dma_start3A_221 = arith.constant 0 : i32
        %dma_start3A_222 = tpu.memref_slice %arg6[%dma_start3A_220, %dma_start3A_221] : memref<10112x128xbf16, #tpu.memory_space<vmem_shared>> -> memref<10112x128xbf16, #tpu.memory_space<vmem_shared>>
        tpu.enqueue_indirect_dma source(%arg10 : memref<200x128xbf16, #tpu.memory_space<vmem>>) target(%dma_start3A_222 : memref<10112x128xbf16, #tpu.memory_space<vmem_shared>>) offsets(%dma_start3A_219 : memref<200xi32, #tpu.memory_space<vmem>>) semaphore(%run_scoped3A_216 : memref<!tpu.dma_semaphore, #tpu.memory_space<semaphore_mem>>) {add = true}
        %dma_wait3A_223 = arith.constant 0 : i32
        %dma_wait3A_224 = tpu.memref_slice %arg8[%add3A_177, %dma_wait3A_223] : memref<50x200xi32, #tpu.memory_space<vmem>> -> memref<1x200xi32, #tpu.memory_space<vmem>>
        %dma_wait3A_225 = tpu.memref_squeeze %dma_wait3A_224 : memref<1x200xi32, #tpu.memory_space<vmem>> -> memref<200xi32, #tpu.memory_space<vmem>>
        %dma_wait3A_226 = arith.constant 0 : i32
        %dma_wait3A_227 = arith.constant 0 : i32
        %dma_wait3A_228 = tpu.memref_slice %arg6[%dma_wait3A_226, %dma_wait3A_227] : memref<10112x128xbf16, #tpu.memory_space<vmem_shared>> -> memref<10112x128xbf16, #tpu.memory_space<vmem_shared>>
        tpu.wait_indirect_dma semaphore(%run_scoped3A_216 : memref<!tpu.dma_semaphore, #tpu.memory_space<semaphore_mem>>) src(%arg10 : memref<200x128xbf16, #tpu.memory_space<vmem>>) dst(%dma_wait3A_228 : memref<10112x128xbf16, #tpu.memory_space<vmem_shared>>)
        tpu.yield
      }) : () -> ()
      %add3A_178 = arith.constant 2 : i32
      %add3A_179 = arith.addi %add3A_142, %add3A_178 : i32
      %add3A_180 = arith.constant 3 : i32
      %add3A_181 = arith.addi %add3A_179, %add3A_180 : i32
      %lt3A_182 = arith.constant 50 : i32
      %lt3A_183 = arith.cmpi slt, %add3A_181, %lt3A_182 : i32
      %convert_element_type3A_184 = arith.extui %lt3A_183 : i1 to i32
      %cond3A_185 = arith.constant 0 : i32
      %cond3A_186 = arith.cmpi ne, %convert_element_type3A_184, %cond3A_185 : i32
      scf.if %cond3A_186 {
        %add3A_216 = arith.constant 2 : i32
        %add3A_217 = arith.addi %add3A_142, %add3A_216 : i32
        %add3A_218 = arith.constant 3 : i32
        %add3A_219 = arith.addi %add3A_217, %add3A_218 : i32
        %dma_start3A_220 = arith.constant 0 : i32
        %dma_start3A_221 = tpu.memref_slice %arg7[%add3A_219, %dma_start3A_220] : memref<50x200xi32, #tpu.memory_space<vmem>> -> memref<1x200xi32, #tpu.memory_space<vmem>>
        %dma_start3A_222 = tpu.memref_squeeze %dma_start3A_221 : memref<1x200xi32, #tpu.memory_space<vmem>> -> memref<200xi32, #tpu.memory_space<vmem>>
        %dma_start3A_223 = arith.constant 0 : i32
        %dma_start3A_224 = arith.constant 0 : i32
        %dma_start3A_225 = tpu.memref_slice %arg2[%dma_start3A_223, %dma_start3A_224] : memref<10000x128xbf16, #tpu.memory_space<hbm>> -> memref<10000x128xbf16, #tpu.memory_space<hbm>>
        tpu.enqueue_indirect_dma source(%dma_start3A_225 : memref<10000x128xbf16, #tpu.memory_space<hbm>>) target(%arg10 : memref<200x128xbf16, #tpu.memory_space<vmem>>) offsets(%dma_start3A_222 : memref<200xi32, #tpu.memory_space<vmem>>) semaphore(%arg14 : memref<!tpu.dma_semaphore, #tpu.memory_space<semaphore_mem>>)
      } else {
      }
      %add3A_187 = arith.constant 2 : i32
      %add3A_188 = arith.addi %add3A_142, %add3A_187 : i32
      %dma_wait3A_189 = arith.constant 0 : i32
      %dma_wait3A_190 = tpu.memref_slice %arg7[%add3A_188, %dma_wait3A_189] : memref<50x200xi32, #tpu.memory_space<vmem>> -> memref<1x200xi32, #tpu.memory_space<vmem>>
      %dma_wait3A_191 = tpu.memref_squeeze %dma_wait3A_190 : memref<1x200xi32, #tpu.memory_space<vmem>> -> memref<200xi32, #tpu.memory_space<vmem>>
      %dma_wait3A_192 = arith.constant 0 : i32
      %dma_wait3A_193 = arith.constant 0 : i32
      %dma_wait3A_194 = tpu.memref_slice %arg2[%dma_wait3A_192, %dma_wait3A_193] : memref<10000x128xbf16, #tpu.memory_space<hbm>> -> memref<10000x128xbf16, #tpu.memory_space<hbm>>
      tpu.wait_indirect_dma semaphore(%arg15 : memref<!tpu.dma_semaphore, #tpu.memory_space<semaphore_mem>>) src(%dma_wait3A_194 : memref<10000x128xbf16, #tpu.memory_space<hbm>>) dst(%arg11 : memref<200x128xbf16, #tpu.memory_space<vmem>>)
      %add3A_195 = arith.constant 2 : i32
      %add3A_196 = arith.addi %add3A_142, %add3A_195 : i32
      "tpu.region"() ({
        %run_scoped3A_216 = tpu.sem_alloc : memref<!tpu.dma_semaphore, #tpu.memory_space<semaphore_mem>>
        %dma_start3A_217 = arith.constant 0 : i32
        %dma_start3A_218 = tpu.memref_slice %arg8[%add3A_196, %dma_start3A_217] : memref<50x200xi32, #tpu.memory_space<vmem>> -> memref<1x200xi32, #tpu.memory_space<vmem>>
        %dma_start3A_219 = tpu.memref_squeeze %dma_start3A_218 : memref<1x200xi32, #tpu.memory_space<vmem>> -> memref<200xi32, #tpu.memory_space<vmem>>
        %dma_start3A_220 = arith.constant 0 : i32
        %dma_start3A_221 = arith.constant 0 : i32
        %dma_start3A_222 = tpu.memref_slice %arg6[%dma_start3A_220, %dma_start3A_221] : memref<10112x128xbf16, #tpu.memory_space<vmem_shared>> -> memref<10112x128xbf16, #tpu.memory_space<vmem_shared>>
        tpu.enqueue_indirect_dma source(%arg11 : memref<200x128xbf16, #tpu.memory_space<vmem>>) target(%dma_start3A_222 : memref<10112x128xbf16, #tpu.memory_space<vmem_shared>>) offsets(%dma_start3A_219 : memref<200xi32, #tpu.memory_space<vmem>>) semaphore(%run_scoped3A_216 : memref<!tpu.dma_semaphore, #tpu.memory_space<semaphore_mem>>) {add = true}
        %dma_wait3A_223 = arith.constant 0 : i32
        %dma_wait3A_224 = tpu.memref_slice %arg8[%add3A_196, %dma_wait3A_223] : memref<50x200xi32, #tpu.memory_space<vmem>> -> memref<1x200xi32, #tpu.memory_space<vmem>>
        %dma_wait3A_225 = tpu.memref_squeeze %dma_wait3A_224 : memref<1x200xi32, #tpu.memory_space<vmem>> -> memref<200xi32, #tpu.memory_space<vmem>>
        %dma_wait3A_226 = arith.constant 0 : i32
        %dma_wait3A_227 = arith.constant 0 : i32
        %dma_wait3A_228 = tpu.memref_slice %arg6[%dma_wait3A_226, %dma_wait3A_227] : memref<10112x128xbf16, #tpu.memory_space<vmem_shared>> -> memref<10112x128xbf16, #tpu.memory_space<vmem_shared>>
        tpu.wait_indirect_dma semaphore(%run_scoped3A_216 : memref<!tpu.dma_semaphore, #tpu.memory_space<semaphore_mem>>) src(%arg11 : memref<200x128xbf16, #tpu.memory_space<vmem>>) dst(%dma_wait3A_228 : memref<10112x128xbf16, #tpu.memory_space<vmem_shared>>)
        tpu.yield
      }) : () -> ()
      %add3A_197 = arith.constant 3 : i32
      %add3A_198 = arith.addi %add3A_142, %add3A_197 : i32
      %add3A_199 = arith.constant 3 : i32
      %add3A_200 = arith.addi %add3A_198, %add3A_199 : i32
      %lt3A_201 = arith.constant 50 : i32
      %lt3A_202 = arith.cmpi slt, %add3A_200, %lt3A_201 : i32
      %convert_element_type3A_203 = arith.extui %lt3A_202 : i1 to i32
      %cond3A_204 = arith.constant 0 : i32
      %cond3A_205 = arith.cmpi ne, %convert_element_type3A_203, %cond3A_204 : i32
      scf.if %cond3A_205 {
        %add3A_216 = arith.constant 3 : i32
        %add3A_217 = arith.addi %add3A_142, %add3A_216 : i32
        %add3A_218 = arith.constant 3 : i32
        %add3A_219 = arith.addi %add3A_217, %add3A_218 : i32
        %dma_start3A_220 = arith.constant 0 : i32
        %dma_start3A_221 = tpu.memref_slice %arg7[%add3A_219, %dma_start3A_220] : memref<50x200xi32, #tpu.memory_space<vmem>> -> memref<1x200xi32, #tpu.memory_space<vmem>>
        %dma_start3A_222 = tpu.memref_squeeze %dma_start3A_221 : memref<1x200xi32, #tpu.memory_space<vmem>> -> memref<200xi32, #tpu.memory_space<vmem>>
        %dma_start3A_223 = arith.constant 0 : i32
        %dma_start3A_224 = arith.constant 0 : i32
        %dma_start3A_225 = tpu.memref_slice %arg2[%dma_start3A_223, %dma_start3A_224] : memref<10000x128xbf16, #tpu.memory_space<hbm>> -> memref<10000x128xbf16, #tpu.memory_space<hbm>>
        tpu.enqueue_indirect_dma source(%dma_start3A_225 : memref<10000x128xbf16, #tpu.memory_space<hbm>>) target(%arg11 : memref<200x128xbf16, #tpu.memory_space<vmem>>) offsets(%dma_start3A_222 : memref<200xi32, #tpu.memory_space<vmem>>) semaphore(%arg15 : memref<!tpu.dma_semaphore, #tpu.memory_space<semaphore_mem>>)
      } else {
      }
      %add3A_206 = arith.constant 3 : i32
      %add3A_207 = arith.addi %add3A_142, %add3A_206 : i32
      %dma_wait3A_208 = arith.constant 0 : i32
      %dma_wait3A_209 = tpu.memref_slice %arg7[%add3A_207, %dma_wait3A_208] : memref<50x200xi32, #tpu.memory_space<vmem>> -> memref<1x200xi32, #tpu.memory_space<vmem>>
      %dma_wait3A_210 = tpu.memref_squeeze %dma_wait3A_209 : memref<1x200xi32, #tpu.memory_space<vmem>> -> memref<200xi32, #tpu.memory_space<vmem>>
      %dma_wait3A_211 = arith.constant 0 : i32
      %dma_wait3A_212 = arith.constant 0 : i32
      %dma_wait3A_213 = tpu.memref_slice %arg2[%dma_wait3A_211, %dma_wait3A_212] : memref<10000x128xbf16, #tpu.memory_space<hbm>> -> memref<10000x128xbf16, #tpu.memory_space<hbm>>
      tpu.wait_indirect_dma semaphore(%arg16 : memref<!tpu.dma_semaphore, #tpu.memory_space<semaphore_mem>>) src(%dma_wait3A_213 : memref<10000x128xbf16, #tpu.memory_space<hbm>>) dst(%arg12 : memref<200x128xbf16, #tpu.memory_space<vmem>>)
      %add3A_214 = arith.constant 3 : i32
      %add3A_215 = arith.addi %add3A_142, %add3A_214 : i32
      "tpu.region"() ({
        %run_scoped3A_216 = tpu.sem_alloc : memref<!tpu.dma_semaphore, #tpu.memory_space<semaphore_mem>>
        %dma_start3A_217 = arith.constant 0 : i32
        %dma_start3A_218 = tpu.memref_slice %arg8[%add3A_215, %dma_start3A_217] : memref<50x200xi32, #tpu.memory_space<vmem>> -> memref<1x200xi32, #tpu.memory_space<vmem>>
        %dma_start3A_219 = tpu.memref_squeeze %dma_start3A_218 : memref<1x200xi32, #tpu.memory_space<vmem>> -> memref<200xi32, #tpu.memory_space<vmem>>
        %dma_start3A_220 = arith.constant 0 : i32
        %dma_start3A_221 = arith.constant 0 : i32
        %dma_start3A_222 = tpu.memref_slice %arg6[%dma_start3A_220, %dma_start3A_221] : memref<10112x128xbf16, #tpu.memory_space<vmem_shared>> -> memref<10112x128xbf16, #tpu.memory_space<vmem_shared>>
        tpu.enqueue_indirect_dma source(%arg12 : memref<200x128xbf16, #tpu.memory_space<vmem>>) target(%dma_start3A_222 : memref<10112x128xbf16, #tpu.memory_space<vmem_shared>>) offsets(%dma_start3A_219 : memref<200xi32, #tpu.memory_space<vmem>>) semaphore(%run_scoped3A_216 : memref<!tpu.dma_semaphore, #tpu.memory_space<semaphore_mem>>) {add = true}
        %dma_wait3A_223 = arith.constant 0 : i32
        %dma_wait3A_224 = tpu.memref_slice %arg8[%add3A_215, %dma_wait3A_223] : memref<50x200xi32, #tpu.memory_space<vmem>> -> memref<1x200xi32, #tpu.memory_space<vmem>>
        %dma_wait3A_225 = tpu.memref_squeeze %dma_wait3A_224 : memref<1x200xi32, #tpu.memory_space<vmem>> -> memref<200xi32, #tpu.memory_space<vmem>>
        %dma_wait3A_226 = arith.constant 0 : i32
        %dma_wait3A_227 = arith.constant 0 : i32
        %dma_wait3A_228 = tpu.memref_slice %arg6[%dma_wait3A_226, %dma_wait3A_227] : memref<10112x128xbf16, #tpu.memory_space<vmem_shared>> -> memref<10112x128xbf16, #tpu.memory_space<vmem_shared>>
        tpu.wait_indirect_dma semaphore(%run_scoped3A_216 : memref<!tpu.dma_semaphore, #tpu.memory_space<semaphore_mem>>) src(%arg12 : memref<200x128xbf16, #tpu.memory_space<vmem>>) dst(%dma_wait3A_228 : memref<10112x128xbf16, #tpu.memory_space<vmem_shared>>)
        tpu.yield
      }) : () -> ()
    }
    %scan3A_121 = arith.constant 12 : i32
    %dma_wait3A_122 = arith.constant 48 : i32
    %dma_wait3A_123 = arith.constant 0 : i32
    %dma_wait3A_124 = tpu.memref_slice %arg7[%dma_wait3A_122, %dma_wait3A_123] : memref<50x200xi32, #tpu.memory_space<vmem>> -> memref<1x200xi32, #tpu.memory_space<vmem>>
    %dma_wait3A_125 = tpu.memref_squeeze %dma_wait3A_124 : memref<1x200xi32, #tpu.memory_space<vmem>> -> memref<200xi32, #tpu.memory_space<vmem>>
    %dma_wait3A_126 = arith.constant 0 : i32
    %dma_wait3A_127 = arith.constant 0 : i32
    %dma_wait3A_128 = tpu.memref_slice %arg2[%dma_wait3A_126, %dma_wait3A_127] : memref<10000x128xbf16, #tpu.memory_space<hbm>> -> memref<10000x128xbf16, #tpu.memory_space<hbm>>
    tpu.wait_indirect_dma semaphore(%arg13 : memref<!tpu.dma_semaphore, #tpu.memory_space<semaphore_mem>>) src(%dma_wait3A_128 : memref<10000x128xbf16, #tpu.memory_space<hbm>>) dst(%arg9 : memref<200x128xbf16, #tpu.memory_space<vmem>>)
    %run_scoped3A = arith.constant 48 : i32
    "tpu.region"() ({
      %run_scoped3A_138 = tpu.sem_alloc : memref<!tpu.dma_semaphore, #tpu.memory_space<semaphore_mem>>
      %dma_start3A_139 = arith.constant 0 : i32
      %dma_start3A_140 = tpu.memref_slice %arg8[%run_scoped3A, %dma_start3A_139] : memref<50x200xi32, #tpu.memory_space<vmem>> -> memref<1x200xi32, #tpu.memory_space<vmem>>
      %dma_start3A_141 = tpu.memref_squeeze %dma_start3A_140 : memref<1x200xi32, #tpu.memory_space<vmem>> -> memref<200xi32, #tpu.memory_space<vmem>>
      %dma_start3A_142 = arith.constant 0 : i32
      %dma_start3A_143 = arith.constant 0 : i32
      %dma_start3A_144 = tpu.memref_slice %arg6[%dma_start3A_142, %dma_start3A_143] : memref<10112x128xbf16, #tpu.memory_space<vmem_shared>> -> memref<10112x128xbf16, #tpu.memory_space<vmem_shared>>
      tpu.enqueue_indirect_dma source(%arg9 : memref<200x128xbf16, #tpu.memory_space<vmem>>) target(%dma_start3A_144 : memref<10112x128xbf16, #tpu.memory_space<vmem_shared>>) offsets(%dma_start3A_141 : memref<200xi32, #tpu.memory_space<vmem>>) semaphore(%run_scoped3A_138 : memref<!tpu.dma_semaphore, #tpu.memory_space<semaphore_mem>>) {add = true}
      %dma_wait3A_145 = arith.constant 0 : i32
      %dma_wait3A_146 = tpu.memref_slice %arg8[%run_scoped3A, %dma_wait3A_145] : memref<50x200xi32, #tpu.memory_space<vmem>> -> memref<1x200xi32, #tpu.memory_space<vmem>>
      %dma_wait3A_147 = tpu.memref_squeeze %dma_wait3A_146 : memref<1x200xi32, #tpu.memory_space<vmem>> -> memref<200xi32, #tpu.memory_space<vmem>>
      %dma_wait3A_148 = arith.constant 0 : i32
      %dma_wait3A_149 = arith.constant 0 : i32
      %dma_wait3A_150 = tpu.memref_slice %arg6[%dma_wait3A_148, %dma_wait3A_149] : memref<10112x128xbf16, #tpu.memory_space<vmem_shared>> -> memref<10112x128xbf16, #tpu.memory_space<vmem_shared>>
      tpu.wait_indirect_dma semaphore(%run_scoped3A_138 : memref<!tpu.dma_semaphore, #tpu.memory_space<semaphore_mem>>) src(%arg9 : memref<200x128xbf16, #tpu.memory_space<vmem>>) dst(%dma_wait3A_150 : memref<10112x128xbf16, #tpu.memory_space<vmem_shared>>)
      tpu.yield
    }) : () -> ()
    %dma_wait3A_129 = arith.constant 49 : i32
    %dma_wait3A_130 = arith.constant 0 : i32
    %dma_wait3A_131 = tpu.memref_slice %arg7[%dma_wait3A_129, %dma_wait3A_130] : memref<50x200xi32, #tpu.memory_space<vmem>> -> memref<1x200xi32, #tpu.memory_space<vmem>>
    %dma_wait3A_132 = tpu.memref_squeeze %dma_wait3A_131 : memref<1x200xi32, #tpu.memory_space<vmem>> -> memref<200xi32, #tpu.memory_space<vmem>>
    %dma_wait3A_133 = arith.constant 0 : i32
    %dma_wait3A_134 = arith.constant 0 : i32
    %dma_wait3A_135 = tpu.memref_slice %arg2[%dma_wait3A_133, %dma_wait3A_134] : memref<10000x128xbf16, #tpu.memory_space<hbm>> -> memref<10000x128xbf16, #tpu.memory_space<hbm>>
    tpu.wait_indirect_dma semaphore(%arg14 : memref<!tpu.dma_semaphore, #tpu.memory_space<semaphore_mem>>) src(%dma_wait3A_135 : memref<10000x128xbf16, #tpu.memory_space<hbm>>) dst(%arg10 : memref<200x128xbf16, #tpu.memory_space<vmem>>)
    %run_scoped3A_136 = arith.constant 49 : i32
    "tpu.region"() ({
      %run_scoped3A_138 = tpu.sem_alloc : memref<!tpu.dma_semaphore, #tpu.memory_space<semaphore_mem>>
      %dma_start3A_139 = arith.constant 0 : i32
      %dma_start3A_140 = tpu.memref_slice %arg8[%run_scoped3A_136, %dma_start3A_139] : memref<50x200xi32, #tpu.memory_space<vmem>> -> memref<1x200xi32, #tpu.memory_space<vmem>>
      %dma_start3A_141 = tpu.memref_squeeze %dma_start3A_140 : memref<1x200xi32, #tpu.memory_space<vmem>> -> memref<200xi32, #tpu.memory_space<vmem>>
      %dma_start3A_142 = arith.constant 0 : i32
      %dma_start3A_143 = arith.constant 0 : i32
      %dma_start3A_144 = tpu.memref_slice %arg6[%dma_start3A_142, %dma_start3A_143] : memref<10112x128xbf16, #tpu.memory_space<vmem_shared>> -> memref<10112x128xbf16, #tpu.memory_space<vmem_shared>>
      tpu.enqueue_indirect_dma source(%arg10 : memref<200x128xbf16, #tpu.memory_space<vmem>>) target(%dma_start3A_144 : memref<10112x128xbf16, #tpu.memory_space<vmem_shared>>) offsets(%dma_start3A_141 : memref<200xi32, #tpu.memory_space<vmem>>) semaphore(%run_scoped3A_138 : memref<!tpu.dma_semaphore, #tpu.memory_space<semaphore_mem>>) {add = true}
      %dma_wait3A_145 = arith.constant 0 : i32
      %dma_wait3A_146 = tpu.memref_slice %arg8[%run_scoped3A_136, %dma_wait3A_145] : memref<50x200xi32, #tpu.memory_space<vmem>> -> memref<1x200xi32, #tpu.memory_space<vmem>>
      %dma_wait3A_147 = tpu.memref_squeeze %dma_wait3A_146 : memref<1x200xi32, #tpu.memory_space<vmem>> -> memref<200xi32, #tpu.memory_space<vmem>>
      %dma_wait3A_148 = arith.constant 0 : i32
      %dma_wait3A_149 = arith.constant 0 : i32
      %dma_wait3A_150 = tpu.memref_slice %arg6[%dma_wait3A_148, %dma_wait3A_149] : memref<10112x128xbf16, #tpu.memory_space<vmem_shared>> -> memref<10112x128xbf16, #tpu.memory_space<vmem_shared>>
      tpu.wait_indirect_dma semaphore(%run_scoped3A_138 : memref<!tpu.dma_semaphore, #tpu.memory_space<semaphore_mem>>) src(%arg10 : memref<200x128xbf16, #tpu.memory_space<vmem>>) dst(%dma_wait3A_150 : memref<10112x128xbf16, #tpu.memory_space<vmem_shared>>)
      tpu.yield
    }) : () -> ()
    %barrier3A_137 = arith.constant 0 : index
    tpu.barrier barrier_id(%barrier3A_137)
    "tpu.region"() ({
      %run_scoped3A_138 = tpu.sem_alloc : memref<!tpu.dma_semaphore, #tpu.memory_space<semaphore_mem>>
      %dma_start3A_139 = arith.constant 0 : i32
      %dma_start3A_140 = tpu.memref_slice %arg5[%arg0, %mul3A_7, %dma_start3A_139] : memref<2x10112x128xbf16, #tpu.memory_space<hbm>> -> memref<1x632x128xbf16, #tpu.memory_space<hbm>>
      %dma_start3A_141 = tpu.memref_squeeze %dma_start3A_140 : memref<1x632x128xbf16, #tpu.memory_space<hbm>> -> memref<632x128xbf16, #tpu.memory_space<hbm>>
      %dma_start3A_142 = arith.constant 0 : i32
      %dma_start3A_143 = tpu.memref_slice %arg6[%mul3A_7, %dma_start3A_142] : memref<10112x128xbf16, #tpu.memory_space<vmem_shared>> -> memref<632x128xbf16, #tpu.memory_space<vmem_shared>>
      tpu.enqueue_dma source(%dma_start3A_143 : memref<632x128xbf16, #tpu.memory_space<vmem_shared>>) target(%dma_start3A_141 : memref<632x128xbf16, #tpu.memory_space<hbm>>) target_semaphore(%run_scoped3A_138 : memref<!tpu.dma_semaphore, #tpu.memory_space<semaphore_mem>>)
      %dma_wait3A_144 = arith.constant 0 : i32
      %dma_wait3A_145 = tpu.memref_slice %arg5[%arg0, %mul3A_7, %dma_wait3A_144] : memref<2x10112x128xbf16, #tpu.memory_space<hbm>> -> memref<1x632x128xbf16, #tpu.memory_space<hbm>>
      %dma_wait3A_146 = tpu.memref_squeeze %dma_wait3A_145 : memref<1x632x128xbf16, #tpu.memory_space<hbm>> -> memref<632x128xbf16, #tpu.memory_space<hbm>>
      %dma_wait3A_147 = arith.constant 0 : i32
      %dma_wait3A_148 = tpu.memref_slice %arg6[%mul3A_7, %dma_wait3A_147] : memref<10112x128xbf16, #tpu.memory_space<vmem_shared>> -> memref<632x128xbf16, #tpu.memory_space<vmem_shared>>
      tpu.wait_dma2 semaphore(%run_scoped3A_138 : memref<!tpu.dma_semaphore, #tpu.memory_space<semaphore_mem>>) src(%dma_wait3A_148 : memref<632x128xbf16, #tpu.memory_space<vmem_shared>>) dst(%dma_wait3A_146 : memref<632x128xbf16, #tpu.memory_space<hbm>>)
      tpu.yield
    }) : () -> ()
    return
  }
}

#map = affine_map<(d0, d1) -> (0, 0)>
#map1 = affine_map<(d0, d1) -> (0, 0, 0)>
module attributes {stable_mosaic.version = 14 : i64} {
  func.func @_sc_agg_body(%arg0: i32, %arg1: i32, %arg2: memref<10000x128xbf16, #tpu.memory_space<hbm>>, %arg3: memref<1600x200xi32, #tpu.memory_space<hbm>>, %arg4: memref<1600x200xi32, #tpu.memory_space<hbm>>, %arg5: memref<2x10112x128xbf16, #tpu.memory_space<hbm>>, %arg6: memref<10112x128xbf16, #tpu.memory_space<vmem_shared>>, %arg7: memref<50x200xi32, #tpu.memory_space<vmem>>, %arg8: memref<50x200xi32, #tpu.memory_space<vmem>>, %arg9: memref<200x128xbf16, #tpu.memory_space<vmem>>, %arg10: memref<200x128xbf16, #tpu.memory_space<vmem>>, %arg11: memref<200x128xbf16, #tpu.memory_space<vmem>>, %arg12: memref<200x128xbf16, #tpu.memory_space<vmem>>, %arg13: memref<!tpu.dma_semaphore, #tpu.memory_space<semaphore_mem>>, %arg14: memref<!tpu.dma_semaphore, #tpu.memory_space<semaphore_mem>>, %arg15: memref<!tpu.dma_semaphore, #tpu.memory_space<semaphore_mem>>, %arg16: memref<!tpu.dma_semaphore, #tpu.memory_space<semaphore_mem>>, %arg17: memref<!tpu.dma_semaphore, #tpu.memory_space<semaphore_mem>>) attributes {dimension_semantics = [#tpu.dimension_semantics<core_parallel>, #tpu.dimension_semantics<subcore_parallel>], iteration_bounds = array<i64: 2, 16>, scalar_prefetch = 0 : i64, scratch_operands = 12 : i64, tpu.core_type = #tpu.core_type<sc_vector_subcore>, window_params = [{transform_indices = #map}, {transform_indices = #map}, {transform_indices = #map}, {transform_indices = #map1}]} {
    %mul3A = arith.constant 16 : i32
    %mul3A_0 = arith.muli %arg0, %mul3A : i32
    %add3A = arith.addi %mul3A_0, %arg1 : i32
    %broadcast_in_dim3A = arith.constant 0.000000e+00 : bf16
    %broadcast_in_dim3A_1 = vector.broadcast %broadcast_in_dim3A : bf16 to vector<32xbf16>
    %scan3A = arith.constant 0 : i32
    %scan3A_2 = arith.constant 200 : i32
    %scan3A_3 = arith.addi %scan3A, %scan3A_2 : i32
    %scan3A_4 = arith.constant 1 : i32
    scf.for %scan3A_138 = %scan3A to %scan3A_3 step %scan3A_4  : i32 {
      %mul3A_139 = arith.constant 1 : i32
      %mul3A_140 = arith.muli %scan3A_138, %mul3A_139 : i32
      %add3A_141 = arith.constant 0 : i32
      %add3A_142 = arith.addi %add3A_141, %mul3A_140 : i32
      %scan3A_143 = arith.constant 0 : i32
      %scan3A_144 = arith.constant 4 : i32
      %scan3A_145 = arith.addi %scan3A_143, %scan3A_144 : i32
      %scan3A_146 = arith.constant 1 : i32
      scf.for %scan3A_148 = %scan3A_143 to %scan3A_145 step %scan3A_146  : i32 {
        %mul3A_149 = arith.constant 32 : i32
        %mul3A_150 = arith.muli %scan3A_148, %mul3A_149 : i32
        %add3A_151 = arith.constant 0 : i32
        %add3A_152 = arith.addi %add3A_151, %mul3A_150 : i32
        %swap3A = arith.index_cast %add3A_142 : i32 to index
        %swap3A_153 = arith.index_cast %add3A_152 : i32 to index
        %swap3A_154 = tpu.vector_load %arg9[%swap3A, %swap3A_153] {strides = array<i32>} : memref<200x128xbf16, #tpu.memory_space<vmem>>, vector<1x32xbf16>,
        %swap3A_155 = vector.shape_cast %swap3A_154 : vector<1x32xbf16> to vector<32xbf16>
        %swap3A_156 = vector.shape_cast %broadcast_in_dim3A_1 : vector<32xbf16> to vector<1x32xbf16>
        tpu.vector_store %arg9[%swap3A, %swap3A_153], %swap3A_156 {strides = array<i32>} : memref<200x128xbf16, #tpu.memory_space<vmem>>, vector<1x32xbf16>,
      }
      %scan3A_147 = arith.constant 4 : i32
    }
    %scan3A_5 = arith.constant 200 : i32
    %mul3A_6 = arith.constant 632 : i32
    %mul3A_7 = arith.muli %arg1, %mul3A_6 : i32
    %add3A_8 = arith.constant 0 : i32
    %add3A_9 = arith.addi %mul3A_7, %add3A_8 : i32
    %dma_start3A = arith.constant 0 : i32
    %dma_start3A_10 = arith.constant 0 : i32
    %dma_start3A_11 = tpu.memref_slice %arg9[%dma_start3A, %dma_start3A_10] : memref<200x128xbf16, #tpu.memory_space<vmem>> -> memref<200x128xbf16, #tpu.memory_space<vmem>>
    %dma_start3A_12 = arith.constant 0 : i32
    %dma_start3A_13 = tpu.memref_slice %arg6[%add3A_9, %dma_start3A_12] : memref<10112x128xbf16, #tpu.memory_space<vmem_shared>> -> memref<200x128xbf16, #tpu.memory_space<vmem_shared>>
    %dma_start3A_14 = arith.constant 0 : i32
    %dma_start3A_15 = tpu.memref_slice %arg6[%add3A_9, %dma_start3A_14] : memref<10112x128xbf16, #tpu.memory_space<vmem_shared>> -> memref<200x128xbf16, #tpu.memory_space<vmem_shared>>
    %dma_start3A_16 = arith.constant 0 : i32
    %dma_start3A_17 = arith.constant 0 : i32
    %dma_start3A_18 = tpu.memref_slice %arg9[%dma_start3A_16, %dma_start3A_17] : memref<200x128xbf16, #tpu.memory_space<vmem>> -> memref<200x128xbf16, #tpu.memory_space<vmem>>
    tpu.enqueue_dma source(%dma_start3A_18 : memref<200x128xbf16, #tpu.memory_space<vmem>>) target(%dma_start3A_15 : memref<200x128xbf16, #tpu.memory_space<vmem_shared>>) target_semaphore(%arg17 : memref<!tpu.dma_semaphore, #tpu.memory_space<semaphore_mem>>)
    %add3A_19 = arith.constant 200 : i32
    %add3A_20 = arith.addi %mul3A_7, %add3A_19 : i32
    %dma_start3A_21 = arith.constant 0 : i32
    %dma_start3A_22 = arith.constant 0 : i32
    %dma_start3A_23 = tpu.memref_slice %arg9[%dma_start3A_21, %dma_start3A_22] : memref<200x128xbf16, #tpu.memory_space<vmem>> -> memref<200x128xbf16, #tpu.memory_space<vmem>>
    %dma_start3A_24 = arith.constant 0 : i32
    %dma_start3A_25 = tpu.memref_slice %arg6[%add3A_20, %dma_start3A_24] : memref<10112x128xbf16, #tpu.memory_space<vmem_shared>> -> memref<200x128xbf16, #tpu.memory_space<vmem_shared>>
    %dma_start3A_26 = arith.constant 0 : i32
    %dma_start3A_27 = tpu.memref_slice %arg6[%add3A_20, %dma_start3A_26] : memref<10112x128xbf16, #tpu.memory_space<vmem_shared>> -> memref<200x128xbf16, #tpu.memory_space<vmem_shared>>
    %dma_start3A_28 = arith.constant 0 : i32
    %dma_start3A_29 = arith.constant 0 : i32
    %dma_start3A_30 = tpu.memref_slice %arg9[%dma_start3A_28, %dma_start3A_29] : memref<200x128xbf16, #tpu.memory_space<vmem>> -> memref<200x128xbf16, #tpu.memory_space<vmem>>
    tpu.enqueue_dma source(%dma_start3A_30 : memref<200x128xbf16, #tpu.memory_space<vmem>>) target(%dma_start3A_27 : memref<200x128xbf16, #tpu.memory_space<vmem_shared>>) target_semaphore(%arg17 : memref<!tpu.dma_semaphore, #tpu.memory_space<semaphore_mem>>)
    %add3A_31 = arith.constant 400 : i32
    %add3A_32 = arith.addi %mul3A_7, %add3A_31 : i32
    %dma_start3A_33 = arith.constant 0 : i32
    %dma_start3A_34 = arith.constant 0 : i32
    %dma_start3A_35 = tpu.memref_slice %arg9[%dma_start3A_33, %dma_start3A_34] : memref<200x128xbf16, #tpu.memory_space<vmem>> -> memref<200x128xbf16, #tpu.memory_space<vmem>>
    %dma_start3A_36 = arith.constant 0 : i32
    %dma_start3A_37 = tpu.memref_slice %arg6[%add3A_32, %dma_start3A_36] : memref<10112x128xbf16, #tpu.memory_space<vmem_shared>> -> memref<200x128xbf16, #tpu.memory_space<vmem_shared>>
    %dma_start3A_38 = arith.constant 0 : i32
    %dma_start3A_39 = tpu.memref_slice %arg6[%add3A_32, %dma_start3A_38] : memref<10112x128xbf16, #tpu.memory_space<vmem_shared>> -> memref<200x128xbf16, #tpu.memory_space<vmem_shared>>
    %dma_start3A_40 = arith.constant 0 : i32
    %dma_start3A_41 = arith.constant 0 : i32
    %dma_start3A_42 = tpu.memref_slice %arg9[%dma_start3A_40, %dma_start3A_41] : memref<200x128xbf16, #tpu.memory_space<vmem>> -> memref<200x128xbf16, #tpu.memory_space<vmem>>
    tpu.enqueue_dma source(%dma_start3A_42 : memref<200x128xbf16, #tpu.memory_space<vmem>>) target(%dma_start3A_39 : memref<200x128xbf16, #tpu.memory_space<vmem_shared>>) target_semaphore(%arg17 : memref<!tpu.dma_semaphore, #tpu.memory_space<semaphore_mem>>)
    %add3A_43 = arith.constant 600 : i32
    %add3A_44 = arith.addi %mul3A_7, %add3A_43 : i32
    %dma_start3A_45 = arith.constant 0 : i32
    %dma_start3A_46 = arith.constant 0 : i32
    %dma_start3A_47 = tpu.memref_slice %arg9[%dma_start3A_45, %dma_start3A_46] : memref<200x128xbf16, #tpu.memory_space<vmem>> -> memref<32x128xbf16, #tpu.memory_space<vmem>>
    %dma_start3A_48 = arith.constant 0 : i32
    %dma_start3A_49 = tpu.memref_slice %arg6[%add3A_44, %dma_start3A_48] : memref<10112x128xbf16, #tpu.memory_space<vmem_shared>> -> memref<32x128xbf16, #tpu.memory_space<vmem_shared>>
    %dma_start3A_50 = arith.constant 0 : i32
    %dma_start3A_51 = tpu.memref_slice %arg6[%add3A_44, %dma_start3A_50] : memref<10112x128xbf16, #tpu.memory_space<vmem_shared>> -> memref<32x128xbf16, #tpu.memory_space<vmem_shared>>
    %dma_start3A_52 = arith.constant 0 : i32
    %dma_start3A_53 = arith.constant 0 : i32
    %dma_start3A_54 = tpu.memref_slice %arg9[%dma_start3A_52, %dma_start3A_53] : memref<200x128xbf16, #tpu.memory_space<vmem>> -> memref<32x128xbf16, #tpu.memory_space<vmem>>
    tpu.enqueue_dma source(%dma_start3A_54 : memref<32x128xbf16, #tpu.memory_space<vmem>>) target(%dma_start3A_51 : memref<32x128xbf16, #tpu.memory_space<vmem_shared>>) target_semaphore(%arg17 : memref<!tpu.dma_semaphore, #tpu.memory_space<semaphore_mem>>)
    %dma_wait3A = arith.constant 0 : i32
    %dma_wait3A_55 = arith.constant 0 : i32
    %dma_wait3A_56 = tpu.memref_slice %arg9[%dma_wait3A, %dma_wait3A_55] : memref<200x128xbf16, #tpu.memory_space<vmem>> -> memref<200x128xbf16, #tpu.memory_space<vmem>>
    %dma_wait3A_57 = arith.constant 0 : i32
    %dma_wait3A_58 = tpu.memref_slice %arg6[%add3A_9, %dma_wait3A_57] : memref<10112x128xbf16, #tpu.memory_space<vmem_shared>> -> memref<200x128xbf16, #tpu.memory_space<vmem_shared>>
    %dma_wait3A_59 = arith.constant 0 : i32
    %dma_wait3A_60 = tpu.memref_slice %arg6[%add3A_9, %dma_wait3A_59] : memref<10112x128xbf16, #tpu.memory_space<vmem_shared>> -> memref<200x128xbf16, #tpu.memory_space<vmem_shared>>
    %dma_wait3A_61 = arith.constant 0 : i32
    %dma_wait3A_62 = arith.constant 0 : i32
    %dma_wait3A_63 = tpu.memref_slice %arg9[%dma_wait3A_61, %dma_wait3A_62] : memref<200x128xbf16, #tpu.memory_space<vmem>> -> memref<200x128xbf16, #tpu.memory_space<vmem>>
    tpu.wait_dma2 semaphore(%arg17 : memref<!tpu.dma_semaphore, #tpu.memory_space<semaphore_mem>>) src(%dma_wait3A_63 : memref<200x128xbf16, #tpu.memory_space<vmem>>) dst(%dma_wait3A_60 : memref<200x128xbf16, #tpu.memory_space<vmem_shared>>)
    %dma_wait3A_64 = arith.constant 0 : i32
    %dma_wait3A_65 = arith.constant 0 : i32
    %dma_wait3A_66 = tpu.memref_slice %arg9[%dma_wait3A_64, %dma_wait3A_65] : memref<200x128xbf16, #tpu.memory_space<vmem>> -> memref<200x128xbf16, #tpu.memory_space<vmem>>
    %dma_wait3A_67 = arith.constant 0 : i32
    %dma_wait3A_68 = tpu.memref_slice %arg6[%add3A_20, %dma_wait3A_67] : memref<10112x128xbf16, #tpu.memory_space<vmem_shared>> -> memref<200x128xbf16, #tpu.memory_space<vmem_shared>>
    %dma_wait3A_69 = arith.constant 0 : i32
    %dma_wait3A_70 = tpu.memref_slice %arg6[%add3A_20, %dma_wait3A_69] : memref<10112x128xbf16, #tpu.memory_space<vmem_shared>> -> memref<200x128xbf16, #tpu.memory_space<vmem_shared>>
    %dma_wait3A_71 = arith.constant 0 : i32
    %dma_wait3A_72 = arith.constant 0 : i32
    %dma_wait3A_73 = tpu.memref_slice %arg9[%dma_wait3A_71, %dma_wait3A_72] : memref<200x128xbf16, #tpu.memory_space<vmem>> -> memref<200x128xbf16, #tpu.memory_space<vmem>>
    tpu.wait_dma2 semaphore(%arg17 : memref<!tpu.dma_semaphore, #tpu.memory_space<semaphore_mem>>) src(%dma_wait3A_73 : memref<200x128xbf16, #tpu.memory_space<vmem>>) dst(%dma_wait3A_70 : memref<200x128xbf16, #tpu.memory_space<vmem_shared>>)
    %dma_wait3A_74 = arith.constant 0 : i32
    %dma_wait3A_75 = arith.constant 0 : i32
    %dma_wait3A_76 = tpu.memref_slice %arg9[%dma_wait3A_74, %dma_wait3A_75] : memref<200x128xbf16, #tpu.memory_space<vmem>> -> memref<200x128xbf16, #tpu.memory_space<vmem>>
    %dma_wait3A_77 = arith.constant 0 : i32
    %dma_wait3A_78 = tpu.memref_slice %arg6[%add3A_32, %dma_wait3A_77] : memref<10112x128xbf16, #tpu.memory_space<vmem_shared>> -> memref<200x128xbf16, #tpu.memory_space<vmem_shared>>
    %dma_wait3A_79 = arith.constant 0 : i32
    %dma_wait3A_80 = tpu.memref_slice %arg6[%add3A_32, %dma_wait3A_79] : memref<10112x128xbf16, #tpu.memory_space<vmem_shared>> -> memref<200x128xbf16, #tpu.memory_space<vmem_shared>>
    %dma_wait3A_81 = arith.constant 0 : i32
    %dma_wait3A_82 = arith.constant 0 : i32
    %dma_wait3A_83 = tpu.memref_slice %arg9[%dma_wait3A_81, %dma_wait3A_82] : memref<200x128xbf16, #tpu.memory_space<vmem>> -> memref<200x128xbf16, #tpu.memory_space<vmem>>
    tpu.wait_dma2 semaphore(%arg17 : memref<!tpu.dma_semaphore, #tpu.memory_space<semaphore_mem>>) src(%dma_wait3A_83 : memref<200x128xbf16, #tpu.memory_space<vmem>>) dst(%dma_wait3A_80 : memref<200x128xbf16, #tpu.memory_space<vmem_shared>>)
    %dma_wait3A_84 = arith.constant 0 : i32
    %dma_wait3A_85 = arith.constant 0 : i32
    %dma_wait3A_86 = tpu.memref_slice %arg9[%dma_wait3A_84, %dma_wait3A_85] : memref<200x128xbf16, #tpu.memory_space<vmem>> -> memref<32x128xbf16, #tpu.memory_space<vmem>>
    %dma_wait3A_87 = arith.constant 0 : i32
    %dma_wait3A_88 = tpu.memref_slice %arg6[%add3A_44, %dma_wait3A_87] : memref<10112x128xbf16, #tpu.memory_space<vmem_shared>> -> memref<32x128xbf16, #tpu.memory_space<vmem_shared>>
    %dma_wait3A_89 = arith.constant 0 : i32
    %dma_wait3A_90 = tpu.memref_slice %arg6[%add3A_44, %dma_wait3A_89] : memref<10112x128xbf16, #tpu.memory_space<vmem_shared>> -> memref<32x128xbf16, #tpu.memory_space<vmem_shared>>
    %dma_wait3A_91 = arith.constant 0 : i32
    %dma_wait3A_92 = arith.constant 0 : i32
    %dma_wait3A_93 = tpu.memref_slice %arg9[%dma_wait3A_91, %dma_wait3A_92] : memref<200x128xbf16, #tpu.memory_space<vmem>> -> memref<32x128xbf16, #tpu.memory_space<vmem>>
    tpu.wait_dma2 semaphore(%arg17 : memref<!tpu.dma_semaphore, #tpu.memory_space<semaphore_mem>>) src(%dma_wait3A_93 : memref<32x128xbf16, #tpu.memory_space<vmem>>) dst(%dma_wait3A_90 : memref<32x128xbf16, #tpu.memory_space<vmem_shared>>)
    %barrier3A = arith.constant 0 : index
    tpu.barrier barrier_id(%barrier3A)
    %mul3A_94 = arith.constant 50 : i32
    %mul3A_95 = arith.muli %add3A, %mul3A_94 : i32
    "tpu.region"() ({
      %run_scoped3A_138 = tpu.sem_alloc : memref<!tpu.dma_semaphore, #tpu.memory_space<semaphore_mem>>
      %dma_start3A_139 = arith.constant 0 : i32
      %dma_start3A_140 = tpu.memref_slice %arg3[%mul3A_95, %dma_start3A_139] : memref<1600x200xi32, #tpu.memory_space<hbm>> -> memref<50x200xi32, #tpu.memory_space<hbm>>
      %dma_start3A_141 = arith.constant 0 : i32
      %dma_start3A_142 = tpu.memref_slice %arg3[%mul3A_95, %dma_start3A_141] : memref<1600x200xi32, #tpu.memory_space<hbm>> -> memref<50x200xi32, #tpu.memory_space<hbm>>
      tpu.enqueue_dma source(%dma_start3A_142 : memref<50x200xi32, #tpu.memory_space<hbm>>) target(%arg7 : memref<50x200xi32, #tpu.memory_space<vmem>>) target_semaphore(%run_scoped3A_138 : memref<!tpu.dma_semaphore, #tpu.memory_space<semaphore_mem>>)
      %dma_wait3A_143 = arith.constant 0 : i32
      %dma_wait3A_144 = tpu.memref_slice %arg3[%mul3A_95, %dma_wait3A_143] : memref<1600x200xi32, #tpu.memory_space<hbm>> -> memref<50x200xi32, #tpu.memory_space<hbm>>
      %dma_wait3A_145 = arith.constant 0 : i32
      %dma_wait3A_146 = tpu.memref_slice %arg3[%mul3A_95, %dma_wait3A_145] : memref<1600x200xi32, #tpu.memory_space<hbm>> -> memref<50x200xi32, #tpu.memory_space<hbm>>
      tpu.wait_dma2 semaphore(%run_scoped3A_138 : memref<!tpu.dma_semaphore, #tpu.memory_space<semaphore_mem>>) src(%dma_wait3A_146 : memref<50x200xi32, #tpu.memory_space<hbm>>) dst(%arg7 : memref<50x200xi32, #tpu.memory_space<vmem>>)
      tpu.yield
    }) : () -> ()
    "tpu.region"() ({
      %run_scoped3A_138 = tpu.sem_alloc : memref<!tpu.dma_semaphore, #tpu.memory_space<semaphore_mem>>
      %dma_start3A_139 = arith.constant 0 : i32
      %dma_start3A_140 = tpu.memref_slice %arg4[%mul3A_95, %dma_start3A_139] : memref<1600x200xi32, #tpu.memory_space<hbm>> -> memref<50x200xi32, #tpu.memory_space<hbm>>
      %dma_start3A_141 = arith.constant 0 : i32
      %dma_start3A_142 = tpu.memref_slice %arg4[%mul3A_95, %dma_start3A_141] : memref<1600x200xi32, #tpu.memory_space<hbm>> -> memref<50x200xi32, #tpu.memory_space<hbm>>
      tpu.enqueue_dma source(%dma_start3A_142 : memref<50x200xi32, #tpu.memory_space<hbm>>) target(%arg8 : memref<50x200xi32, #tpu.memory_space<vmem>>) target_semaphore(%run_scoped3A_138 : memref<!tpu.dma_semaphore, #tpu.memory_space<semaphore_mem>>)
      %dma_wait3A_143 = arith.constant 0 : i32
      %dma_wait3A_144 = tpu.memref_slice %arg4[%mul3A_95, %dma_wait3A_143] : memref<1600x200xi32, #tpu.memory_space<hbm>> -> memref<50x200xi32, #tpu.memory_space<hbm>>
      %dma_wait3A_145 = arith.constant 0 : i32
      %dma_wait3A_146 = tpu.memref_slice %arg4[%mul3A_95, %dma_wait3A_145] : memref<1600x200xi32, #tpu.memory_space<hbm>> -> memref<50x200xi32, #tpu.memory_space<hbm>>
      tpu.wait_dma2 semaphore(%run_scoped3A_138 : memref<!tpu.dma_semaphore, #tpu.memory_space<semaphore_mem>>) src(%dma_wait3A_146 : memref<50x200xi32, #tpu.memory_space<hbm>>) dst(%arg8 : memref<50x200xi32, #tpu.memory_space<vmem>>)
      tpu.yield
    }) : () -> ()
    %dma_start3A_96 = arith.constant 0 : i32
    %dma_start3A_97 = arith.constant 0 : i32
    %dma_start3A_98 = tpu.memref_slice %arg7[%dma_start3A_96, %dma_start3A_97] : memref<50x200xi32, #tpu.memory_space<vmem>> -> memref<1x200xi32, #tpu.memory_space<vmem>>
    %dma_start3A_99 = tpu.memref_squeeze %dma_start3A_98 : memref<1x200xi32, #tpu.memory_space<vmem>> -> memref<200xi32, #tpu.memory_space<vmem>>
    %dma_start3A_100 = arith.constant 0 : i32
    %dma_start3A_101 = arith.constant 0 : i32
    %dma_start3A_102 = tpu.memref_slice %arg2[%dma_start3A_100, %dma_start3A_101] : memref<10000x128xbf16, #tpu.memory_space<hbm>> -> memref<10000x128xbf16, #tpu.memory_space<hbm>>
    tpu.enqueue_indirect_dma source(%dma_start3A_102 : memref<10000x128xbf16, #tpu.memory_space<hbm>>) target(%arg9 : memref<200x128xbf16, #tpu.memory_space<vmem>>) offsets(%dma_start3A_99 : memref<200xi32, #tpu.memory_space<vmem>>) semaphore(%arg13 : memref<!tpu.dma_semaphore, #tpu.memory_space<semaphore_mem>>)
    %dma_start3A_103 = arith.constant 1 : i32
    %dma_start3A_104 = arith.constant 0 : i32
    %dma_start3A_105 = tpu.memref_slice %arg7[%dma_start3A_103, %dma_start3A_104] : memref<50x200xi32, #tpu.memory_space<vmem>> -> memref<1x200xi32, #tpu.memory_space<vmem>>
    %dma_start3A_106 = tpu.memref_squeeze %dma_start3A_105 : memref<1x200xi32, #tpu.memory_space<vmem>> -> memref<200xi32, #tpu.memory_space<vmem>>
    %dma_start3A_107 = arith.constant 0 : i32
    %dma_start3A_108 = arith.constant 0 : i32
    %dma_start3A_109 = tpu.memref_slice %arg2[%dma_start3A_107, %dma_start3A_108] : memref<10000x128xbf16, #tpu.memory_space<hbm>> -> memref<10000x128xbf16, #tpu.memory_space<hbm>>
    tpu.enqueue_indirect_dma source(%dma_start3A_109 : memref<10000x128xbf16, #tpu.memory_space<hbm>>) target(%arg10 : memref<200x128xbf16, #tpu.memory_space<vmem>>) offsets(%dma_start3A_106 : memref<200xi32, #tpu.memory_space<vmem>>) semaphore(%arg14 : memref<!tpu.dma_semaphore, #tpu.memory_space<semaphore_mem>>)
    %dma_start3A_110 = arith.constant 2 : i32
    %dma_start3A_111 = arith.constant 0 : i32
    %dma_start3A_112 = tpu.memref_slice %arg7[%dma_start3A_110, %dma_start3A_111] : memref<50x200xi32, #tpu.memory_space<vmem>> -> memref<1x200xi32, #tpu.memory_space<vmem>>
    %dma_start3A_113 = tpu.memref_squeeze %dma_start3A_112 : memref<1x200xi32, #tpu.memory_space<vmem>> -> memref<200xi32, #tpu.memory_space<vmem>>
    %dma_start3A_114 = arith.constant 0 : i32
    %dma_start3A_115 = arith.constant 0 : i32
    %dma_start3A_116 = tpu.memref_slice %arg2[%dma_start3A_114, %dma_start3A_115] : memref<10000x128xbf16, #tpu.memory_space<hbm>> -> memref<10000x128xbf16, #tpu.memory_space<hbm>>
    tpu.enqueue_indirect_dma source(%dma_start3A_116 : memref<10000x128xbf16, #tpu.memory_space<hbm>>) target(%arg11 : memref<200x128xbf16, #tpu.memory_space<vmem>>) offsets(%dma_start3A_113 : memref<200xi32, #tpu.memory_space<vmem>>) semaphore(%arg15 : memref<!tpu.dma_semaphore, #tpu.memory_space<semaphore_mem>>)
    %scan3A_117 = arith.constant 0 : i32
    %scan3A_118 = arith.constant 12 : i32
    %scan3A_119 = arith.addi %scan3A_117, %scan3A_118 : i32
    %scan3A_120 = arith.constant 1 : i32
    scf.for %scan3A_138 = %scan3A_117 to %scan3A_119 step %scan3A_120  : i32 {
      %mul3A_139 = arith.constant 4 : i32
      %mul3A_140 = arith.muli %scan3A_138, %mul3A_139 : i32
      %add3A_141 = arith.constant 0 : i32
      %add3A_142 = arith.addi %add3A_141, %mul3A_140 : i32
      %add3A_143 = arith.constant 0 : i32
      %add3A_144 = arith.addi %add3A_142, %add3A_143 : i32
      %add3A_145 = arith.constant 3 : i32
      %add3A_146 = arith.addi %add3A_144, %add3A_145 : i32
      %lt3A = arith.constant 50 : i32
      %lt3A_147 = arith.cmpi slt, %add3A_146, %lt3A : i32
      %convert_element_type3A = arith.extui %lt3A_147 : i1 to i32
      %cond3A = arith.constant 0 : i32
      %cond3A_148 = arith.cmpi ne, %convert_element_type3A, %cond3A : i32
      scf.if %cond3A_148 {
        %add3A_216 = arith.constant 0 : i32
        %add3A_217 = arith.addi %add3A_142, %add3A_216 : i32
        %add3A_218 = arith.constant 3 : i32
        %add3A_219 = arith.addi %add3A_217, %add3A_218 : i32
        %dma_start3A_220 = arith.constant 0 : i32
        %dma_start3A_221 = tpu.memref_slice %arg7[%add3A_219, %dma_start3A_220] : memref<50x200xi32, #tpu.memory_space<vmem>> -> memref<1x200xi32, #tpu.memory_space<vmem>>
        %dma_start3A_222 = tpu.memref_squeeze %dma_start3A_221 : memref<1x200xi32, #tpu.memory_space<vmem>> -> memref<200xi32, #tpu.memory_space<vmem>>
        %dma_start3A_223 = arith.constant 0 : i32
        %dma_start3A_224 = arith.constant 0 : i32
        %dma_start3A_225 = tpu.memref_slice %arg2[%dma_start3A_223, %dma_start3A_224] : memref<10000x128xbf16, #tpu.memory_space<hbm>> -> memref<10000x128xbf16, #tpu.memory_space<hbm>>
        tpu.enqueue_indirect_dma source(%dma_start3A_225 : memref<10000x128xbf16, #tpu.memory_space<hbm>>) target(%arg12 : memref<200x128xbf16, #tpu.memory_space<vmem>>) offsets(%dma_start3A_222 : memref<200xi32, #tpu.memory_space<vmem>>) semaphore(%arg16 : memref<!tpu.dma_semaphore, #tpu.memory_space<semaphore_mem>>)
      } else {
      }
      %add3A_149 = arith.constant 0 : i32
      %add3A_150 = arith.addi %add3A_142, %add3A_149 : i32
      %dma_wait3A_151 = arith.constant 0 : i32
      %dma_wait3A_152 = tpu.memref_slice %arg7[%add3A_150, %dma_wait3A_151] : memref<50x200xi32, #tpu.memory_space<vmem>> -> memref<1x200xi32, #tpu.memory_space<vmem>>
      %dma_wait3A_153 = tpu.memref_squeeze %dma_wait3A_152 : memref<1x200xi32, #tpu.memory_space<vmem>> -> memref<200xi32, #tpu.memory_space<vmem>>
      %dma_wait3A_154 = arith.constant 0 : i32
      %dma_wait3A_155 = arith.constant 0 : i32
      %dma_wait3A_156 = tpu.memref_slice %arg2[%dma_wait3A_154, %dma_wait3A_155] : memref<10000x128xbf16, #tpu.memory_space<hbm>> -> memref<10000x128xbf16, #tpu.memory_space<hbm>>
      tpu.wait_indirect_dma semaphore(%arg13 : memref<!tpu.dma_semaphore, #tpu.memory_space<semaphore_mem>>) src(%dma_wait3A_156 : memref<10000x128xbf16, #tpu.memory_space<hbm>>) dst(%arg9 : memref<200x128xbf16, #tpu.memory_space<vmem>>)
      %add3A_157 = arith.constant 0 : i32
      %add3A_158 = arith.addi %add3A_142, %add3A_157 : i32
      "tpu.region"() ({
        %run_scoped3A_216 = tpu.sem_alloc : memref<!tpu.dma_semaphore, #tpu.memory_space<semaphore_mem>>
        %dma_start3A_217 = arith.constant 0 : i32
        %dma_start3A_218 = tpu.memref_slice %arg8[%add3A_158, %dma_start3A_217] : memref<50x200xi32, #tpu.memory_space<vmem>> -> memref<1x200xi32, #tpu.memory_space<vmem>>
        %dma_start3A_219 = tpu.memref_squeeze %dma_start3A_218 : memref<1x200xi32, #tpu.memory_space<vmem>> -> memref<200xi32, #tpu.memory_space<vmem>>
        %dma_start3A_220 = arith.constant 0 : i32
        %dma_start3A_221 = arith.constant 0 : i32
        %dma_start3A_222 = tpu.memref_slice %arg6[%dma_start3A_220, %dma_start3A_221] : memref<10112x128xbf16, #tpu.memory_space<vmem_shared>> -> memref<10112x128xbf16, #tpu.memory_space<vmem_shared>>
        tpu.enqueue_indirect_dma source(%arg9 : memref<200x128xbf16, #tpu.memory_space<vmem>>) target(%dma_start3A_222 : memref<10112x128xbf16, #tpu.memory_space<vmem_shared>>) offsets(%dma_start3A_219 : memref<200xi32, #tpu.memory_space<vmem>>) semaphore(%run_scoped3A_216 : memref<!tpu.dma_semaphore, #tpu.memory_space<semaphore_mem>>) {add = true}
        %dma_wait3A_223 = arith.constant 0 : i32
        %dma_wait3A_224 = tpu.memref_slice %arg8[%add3A_158, %dma_wait3A_223] : memref<50x200xi32, #tpu.memory_space<vmem>> -> memref<1x200xi32, #tpu.memory_space<vmem>>
        %dma_wait3A_225 = tpu.memref_squeeze %dma_wait3A_224 : memref<1x200xi32, #tpu.memory_space<vmem>> -> memref<200xi32, #tpu.memory_space<vmem>>
        %dma_wait3A_226 = arith.constant 0 : i32
        %dma_wait3A_227 = arith.constant 0 : i32
        %dma_wait3A_228 = tpu.memref_slice %arg6[%dma_wait3A_226, %dma_wait3A_227] : memref<10112x128xbf16, #tpu.memory_space<vmem_shared>> -> memref<10112x128xbf16, #tpu.memory_space<vmem_shared>>
        tpu.wait_indirect_dma semaphore(%run_scoped3A_216 : memref<!tpu.dma_semaphore, #tpu.memory_space<semaphore_mem>>) src(%arg9 : memref<200x128xbf16, #tpu.memory_space<vmem>>) dst(%dma_wait3A_228 : memref<10112x128xbf16, #tpu.memory_space<vmem_shared>>)
        tpu.yield
      }) : () -> ()
      %add3A_159 = arith.constant 1 : i32
      %add3A_160 = arith.addi %add3A_142, %add3A_159 : i32
      %add3A_161 = arith.constant 3 : i32
      %add3A_162 = arith.addi %add3A_160, %add3A_161 : i32
      %lt3A_163 = arith.constant 50 : i32
      %lt3A_164 = arith.cmpi slt, %add3A_162, %lt3A_163 : i32
      %convert_element_type3A_165 = arith.extui %lt3A_164 : i1 to i32
      %cond3A_166 = arith.constant 0 : i32
      %cond3A_167 = arith.cmpi ne, %convert_element_type3A_165, %cond3A_166 : i32
      scf.if %cond3A_167 {
        %add3A_216 = arith.constant 1 : i32
        %add3A_217 = arith.addi %add3A_142, %add3A_216 : i32
        %add3A_218 = arith.constant 3 : i32
        %add3A_219 = arith.addi %add3A_217, %add3A_218 : i32
        %dma_start3A_220 = arith.constant 0 : i32
        %dma_start3A_221 = tpu.memref_slice %arg7[%add3A_219, %dma_start3A_220] : memref<50x200xi32, #tpu.memory_space<vmem>> -> memref<1x200xi32, #tpu.memory_space<vmem>>
        %dma_start3A_222 = tpu.memref_squeeze %dma_start3A_221 : memref<1x200xi32, #tpu.memory_space<vmem>> -> memref<200xi32, #tpu.memory_space<vmem>>
        %dma_start3A_223 = arith.constant 0 : i32
        %dma_start3A_224 = arith.constant 0 : i32
        %dma_start3A_225 = tpu.memref_slice %arg2[%dma_start3A_223, %dma_start3A_224] : memref<10000x128xbf16, #tpu.memory_space<hbm>> -> memref<10000x128xbf16, #tpu.memory_space<hbm>>
        tpu.enqueue_indirect_dma source(%dma_start3A_225 : memref<10000x128xbf16, #tpu.memory_space<hbm>>) target(%arg9 : memref<200x128xbf16, #tpu.memory_space<vmem>>) offsets(%dma_start3A_222 : memref<200xi32, #tpu.memory_space<vmem>>) semaphore(%arg13 : memref<!tpu.dma_semaphore, #tpu.memory_space<semaphore_mem>>)
      } else {
      }
      %add3A_168 = arith.constant 1 : i32
      %add3A_169 = arith.addi %add3A_142, %add3A_168 : i32
      %dma_wait3A_170 = arith.constant 0 : i32
      %dma_wait3A_171 = tpu.memref_slice %arg7[%add3A_169, %dma_wait3A_170] : memref<50x200xi32, #tpu.memory_space<vmem>> -> memref<1x200xi32, #tpu.memory_space<vmem>>
      %dma_wait3A_172 = tpu.memref_squeeze %dma_wait3A_171 : memref<1x200xi32, #tpu.memory_space<vmem>> -> memref<200xi32, #tpu.memory_space<vmem>>
      %dma_wait3A_173 = arith.constant 0 : i32
      %dma_wait3A_174 = arith.constant 0 : i32
      %dma_wait3A_175 = tpu.memref_slice %arg2[%dma_wait3A_173, %dma_wait3A_174] : memref<10000x128xbf16, #tpu.memory_space<hbm>> -> memref<10000x128xbf16, #tpu.memory_space<hbm>>
      tpu.wait_indirect_dma semaphore(%arg14 : memref<!tpu.dma_semaphore, #tpu.memory_space<semaphore_mem>>) src(%dma_wait3A_175 : memref<10000x128xbf16, #tpu.memory_space<hbm>>) dst(%arg10 : memref<200x128xbf16, #tpu.memory_space<vmem>>)
      %add3A_176 = arith.constant 1 : i32
      %add3A_177 = arith.addi %add3A_142, %add3A_176 : i32
      "tpu.region"() ({
        %run_scoped3A_216 = tpu.sem_alloc : memref<!tpu.dma_semaphore, #tpu.memory_space<semaphore_mem>>
        %dma_start3A_217 = arith.constant 0 : i32
        %dma_start3A_218 = tpu.memref_slice %arg8[%add3A_177, %dma_start3A_217] : memref<50x200xi32, #tpu.memory_space<vmem>> -> memref<1x200xi32, #tpu.memory_space<vmem>>
        %dma_start3A_219 = tpu.memref_squeeze %dma_start3A_218 : memref<1x200xi32, #tpu.memory_space<vmem>> -> memref<200xi32, #tpu.memory_space<vmem>>
        %dma_start3A_220 = arith.constant 0 : i32
        %dma_start3A_221 = arith.constant 0 : i32
        %dma_start3A_222 = tpu.memref_slice %arg6[%dma_start3A_220, %dma_start3A_221] : memref<10112x128xbf16, #tpu.memory_space<vmem_shared>> -> memref<10112x128xbf16, #tpu.memory_space<vmem_shared>>
        tpu.enqueue_indirect_dma source(%arg10 : memref<200x128xbf16, #tpu.memory_space<vmem>>) target(%dma_start3A_222 : memref<10112x128xbf16, #tpu.memory_space<vmem_shared>>) offsets(%dma_start3A_219 : memref<200xi32, #tpu.memory_space<vmem>>) semaphore(%run_scoped3A_216 : memref<!tpu.dma_semaphore, #tpu.memory_space<semaphore_mem>>) {add = true}
        %dma_wait3A_223 = arith.constant 0 : i32
        %dma_wait3A_224 = tpu.memref_slice %arg8[%add3A_177, %dma_wait3A_223] : memref<50x200xi32, #tpu.memory_space<vmem>> -> memref<1x200xi32, #tpu.memory_space<vmem>>
        %dma_wait3A_225 = tpu.memref_squeeze %dma_wait3A_224 : memref<1x200xi32, #tpu.memory_space<vmem>> -> memref<200xi32, #tpu.memory_space<vmem>>
        %dma_wait3A_226 = arith.constant 0 : i32
        %dma_wait3A_227 = arith.constant 0 : i32
        %dma_wait3A_228 = tpu.memref_slice %arg6[%dma_wait3A_226, %dma_wait3A_227] : memref<10112x128xbf16, #tpu.memory_space<vmem_shared>> -> memref<10112x128xbf16, #tpu.memory_space<vmem_shared>>
        tpu.wait_indirect_dma semaphore(%run_scoped3A_216 : memref<!tpu.dma_semaphore, #tpu.memory_space<semaphore_mem>>) src(%arg10 : memref<200x128xbf16, #tpu.memory_space<vmem>>) dst(%dma_wait3A_228 : memref<10112x128xbf16, #tpu.memory_space<vmem_shared>>)
        tpu.yield
      }) : () -> ()
      %add3A_178 = arith.constant 2 : i32
      %add3A_179 = arith.addi %add3A_142, %add3A_178 : i32
      %add3A_180 = arith.constant 3 : i32
      %add3A_181 = arith.addi %add3A_179, %add3A_180 : i32
      %lt3A_182 = arith.constant 50 : i32
      %lt3A_183 = arith.cmpi slt, %add3A_181, %lt3A_182 : i32
      %convert_element_type3A_184 = arith.extui %lt3A_183 : i1 to i32
      %cond3A_185 = arith.constant 0 : i32
      %cond3A_186 = arith.cmpi ne, %convert_element_type3A_184, %cond3A_185 : i32
      scf.if %cond3A_186 {
        %add3A_216 = arith.constant 2 : i32
        %add3A_217 = arith.addi %add3A_142, %add3A_216 : i32
        %add3A_218 = arith.constant 3 : i32
        %add3A_219 = arith.addi %add3A_217, %add3A_218 : i32
        %dma_start3A_220 = arith.constant 0 : i32
        %dma_start3A_221 = tpu.memref_slice %arg7[%add3A_219, %dma_start3A_220] : memref<50x200xi32, #tpu.memory_space<vmem>> -> memref<1x200xi32, #tpu.memory_space<vmem>>
        %dma_start3A_222 = tpu.memref_squeeze %dma_start3A_221 : memref<1x200xi32, #tpu.memory_space<vmem>> -> memref<200xi32, #tpu.memory_space<vmem>>
        %dma_start3A_223 = arith.constant 0 : i32
        %dma_start3A_224 = arith.constant 0 : i32
        %dma_start3A_225 = tpu.memref_slice %arg2[%dma_start3A_223, %dma_start3A_224] : memref<10000x128xbf16, #tpu.memory_space<hbm>> -> memref<10000x128xbf16, #tpu.memory_space<hbm>>
        tpu.enqueue_indirect_dma source(%dma_start3A_225 : memref<10000x128xbf16, #tpu.memory_space<hbm>>) target(%arg10 : memref<200x128xbf16, #tpu.memory_space<vmem>>) offsets(%dma_start3A_222 : memref<200xi32, #tpu.memory_space<vmem>>) semaphore(%arg14 : memref<!tpu.dma_semaphore, #tpu.memory_space<semaphore_mem>>)
      } else {
      }
      %add3A_187 = arith.constant 2 : i32
      %add3A_188 = arith.addi %add3A_142, %add3A_187 : i32
      %dma_wait3A_189 = arith.constant 0 : i32
      %dma_wait3A_190 = tpu.memref_slice %arg7[%add3A_188, %dma_wait3A_189] : memref<50x200xi32, #tpu.memory_space<vmem>> -> memref<1x200xi32, #tpu.memory_space<vmem>>
      %dma_wait3A_191 = tpu.memref_squeeze %dma_wait3A_190 : memref<1x200xi32, #tpu.memory_space<vmem>> -> memref<200xi32, #tpu.memory_space<vmem>>
      %dma_wait3A_192 = arith.constant 0 : i32
      %dma_wait3A_193 = arith.constant 0 : i32
      %dma_wait3A_194 = tpu.memref_slice %arg2[%dma_wait3A_192, %dma_wait3A_193] : memref<10000x128xbf16, #tpu.memory_space<hbm>> -> memref<10000x128xbf16, #tpu.memory_space<hbm>>
      tpu.wait_indirect_dma semaphore(%arg15 : memref<!tpu.dma_semaphore, #tpu.memory_space<semaphore_mem>>) src(%dma_wait3A_194 : memref<10000x128xbf16, #tpu.memory_space<hbm>>) dst(%arg11 : memref<200x128xbf16, #tpu.memory_space<vmem>>)
      %add3A_195 = arith.constant 2 : i32
      %add3A_196 = arith.addi %add3A_142, %add3A_195 : i32
      "tpu.region"() ({
        %run_scoped3A_216 = tpu.sem_alloc : memref<!tpu.dma_semaphore, #tpu.memory_space<semaphore_mem>>
        %dma_start3A_217 = arith.constant 0 : i32
        %dma_start3A_218 = tpu.memref_slice %arg8[%add3A_196, %dma_start3A_217] : memref<50x200xi32, #tpu.memory_space<vmem>> -> memref<1x200xi32, #tpu.memory_space<vmem>>
        %dma_start3A_219 = tpu.memref_squeeze %dma_start3A_218 : memref<1x200xi32, #tpu.memory_space<vmem>> -> memref<200xi32, #tpu.memory_space<vmem>>
        %dma_start3A_220 = arith.constant 0 : i32
        %dma_start3A_221 = arith.constant 0 : i32
        %dma_start3A_222 = tpu.memref_slice %arg6[%dma_start3A_220, %dma_start3A_221] : memref<10112x128xbf16, #tpu.memory_space<vmem_shared>> -> memref<10112x128xbf16, #tpu.memory_space<vmem_shared>>
        tpu.enqueue_indirect_dma source(%arg11 : memref<200x128xbf16, #tpu.memory_space<vmem>>) target(%dma_start3A_222 : memref<10112x128xbf16, #tpu.memory_space<vmem_shared>>) offsets(%dma_start3A_219 : memref<200xi32, #tpu.memory_space<vmem>>) semaphore(%run_scoped3A_216 : memref<!tpu.dma_semaphore, #tpu.memory_space<semaphore_mem>>) {add = true}
        %dma_wait3A_223 = arith.constant 0 : i32
        %dma_wait3A_224 = tpu.memref_slice %arg8[%add3A_196, %dma_wait3A_223] : memref<50x200xi32, #tpu.memory_space<vmem>> -> memref<1x200xi32, #tpu.memory_space<vmem>>
        %dma_wait3A_225 = tpu.memref_squeeze %dma_wait3A_224 : memref<1x200xi32, #tpu.memory_space<vmem>> -> memref<200xi32, #tpu.memory_space<vmem>>
        %dma_wait3A_226 = arith.constant 0 : i32
        %dma_wait3A_227 = arith.constant 0 : i32
        %dma_wait3A_228 = tpu.memref_slice %arg6[%dma_wait3A_226, %dma_wait3A_227] : memref<10112x128xbf16, #tpu.memory_space<vmem_shared>> -> memref<10112x128xbf16, #tpu.memory_space<vmem_shared>>
        tpu.wait_indirect_dma semaphore(%run_scoped3A_216 : memref<!tpu.dma_semaphore, #tpu.memory_space<semaphore_mem>>) src(%arg11 : memref<200x128xbf16, #tpu.memory_space<vmem>>) dst(%dma_wait3A_228 : memref<10112x128xbf16, #tpu.memory_space<vmem_shared>>)
        tpu.yield
      }) : () -> ()
      %add3A_197 = arith.constant 3 : i32
      %add3A_198 = arith.addi %add3A_142, %add3A_197 : i32
      %add3A_199 = arith.constant 3 : i32
      %add3A_200 = arith.addi %add3A_198, %add3A_199 : i32
      %lt3A_201 = arith.constant 50 : i32
      %lt3A_202 = arith.cmpi slt, %add3A_200, %lt3A_201 : i32
      %convert_element_type3A_203 = arith.extui %lt3A_202 : i1 to i32
      %cond3A_204 = arith.constant 0 : i32
      %cond3A_205 = arith.cmpi ne, %convert_element_type3A_203, %cond3A_204 : i32
      scf.if %cond3A_205 {
        %add3A_216 = arith.constant 3 : i32
        %add3A_217 = arith.addi %add3A_142, %add3A_216 : i32
        %add3A_218 = arith.constant 3 : i32
        %add3A_219 = arith.addi %add3A_217, %add3A_218 : i32
        %dma_start3A_220 = arith.constant 0 : i32
        %dma_start3A_221 = tpu.memref_slice %arg7[%add3A_219, %dma_start3A_220] : memref<50x200xi32, #tpu.memory_space<vmem>> -> memref<1x200xi32, #tpu.memory_space<vmem>>
        %dma_start3A_222 = tpu.memref_squeeze %dma_start3A_221 : memref<1x200xi32, #tpu.memory_space<vmem>> -> memref<200xi32, #tpu.memory_space<vmem>>
        %dma_start3A_223 = arith.constant 0 : i32
        %dma_start3A_224 = arith.constant 0 : i32
        %dma_start3A_225 = tpu.memref_slice %arg2[%dma_start3A_223, %dma_start3A_224] : memref<10000x128xbf16, #tpu.memory_space<hbm>> -> memref<10000x128xbf16, #tpu.memory_space<hbm>>
        tpu.enqueue_indirect_dma source(%dma_start3A_225 : memref<10000x128xbf16, #tpu.memory_space<hbm>>) target(%arg11 : memref<200x128xbf16, #tpu.memory_space<vmem>>) offsets(%dma_start3A_222 : memref<200xi32, #tpu.memory_space<vmem>>) semaphore(%arg15 : memref<!tpu.dma_semaphore, #tpu.memory_space<semaphore_mem>>)
      } else {
      }
      %add3A_206 = arith.constant 3 : i32
      %add3A_207 = arith.addi %add3A_142, %add3A_206 : i32
      %dma_wait3A_208 = arith.constant 0 : i32
      %dma_wait3A_209 = tpu.memref_slice %arg7[%add3A_207, %dma_wait3A_208] : memref<50x200xi32, #tpu.memory_space<vmem>> -> memref<1x200xi32, #tpu.memory_space<vmem>>
      %dma_wait3A_210 = tpu.memref_squeeze %dma_wait3A_209 : memref<1x200xi32, #tpu.memory_space<vmem>> -> memref<200xi32, #tpu.memory_space<vmem>>
      %dma_wait3A_211 = arith.constant 0 : i32
      %dma_wait3A_212 = arith.constant 0 : i32
      %dma_wait3A_213 = tpu.memref_slice %arg2[%dma_wait3A_211, %dma_wait3A_212] : memref<10000x128xbf16, #tpu.memory_space<hbm>> -> memref<10000x128xbf16, #tpu.memory_space<hbm>>
      tpu.wait_indirect_dma semaphore(%arg16 : memref<!tpu.dma_semaphore, #tpu.memory_space<semaphore_mem>>) src(%dma_wait3A_213 : memref<10000x128xbf16, #tpu.memory_space<hbm>>) dst(%arg12 : memref<200x128xbf16, #tpu.memory_space<vmem>>)
      %add3A_214 = arith.constant 3 : i32
      %add3A_215 = arith.addi %add3A_142, %add3A_214 : i32
      "tpu.region"() ({
        %run_scoped3A_216 = tpu.sem_alloc : memref<!tpu.dma_semaphore, #tpu.memory_space<semaphore_mem>>
        %dma_start3A_217 = arith.constant 0 : i32
        %dma_start3A_218 = tpu.memref_slice %arg8[%add3A_215, %dma_start3A_217] : memref<50x200xi32, #tpu.memory_space<vmem>> -> memref<1x200xi32, #tpu.memory_space<vmem>>
        %dma_start3A_219 = tpu.memref_squeeze %dma_start3A_218 : memref<1x200xi32, #tpu.memory_space<vmem>> -> memref<200xi32, #tpu.memory_space<vmem>>
        %dma_start3A_220 = arith.constant 0 : i32
        %dma_start3A_221 = arith.constant 0 : i32
        %dma_start3A_222 = tpu.memref_slice %arg6[%dma_start3A_220, %dma_start3A_221] : memref<10112x128xbf16, #tpu.memory_space<vmem_shared>> -> memref<10112x128xbf16, #tpu.memory_space<vmem_shared>>
        tpu.enqueue_indirect_dma source(%arg12 : memref<200x128xbf16, #tpu.memory_space<vmem>>) target(%dma_start3A_222 : memref<10112x128xbf16, #tpu.memory_space<vmem_shared>>) offsets(%dma_start3A_219 : memref<200xi32, #tpu.memory_space<vmem>>) semaphore(%run_scoped3A_216 : memref<!tpu.dma_semaphore, #tpu.memory_space<semaphore_mem>>) {add = true}
        %dma_wait3A_223 = arith.constant 0 : i32
        %dma_wait3A_224 = tpu.memref_slice %arg8[%add3A_215, %dma_wait3A_223] : memref<50x200xi32, #tpu.memory_space<vmem>> -> memref<1x200xi32, #tpu.memory_space<vmem>>
        %dma_wait3A_225 = tpu.memref_squeeze %dma_wait3A_224 : memref<1x200xi32, #tpu.memory_space<vmem>> -> memref<200xi32, #tpu.memory_space<vmem>>
        %dma_wait3A_226 = arith.constant 0 : i32
        %dma_wait3A_227 = arith.constant 0 : i32
        %dma_wait3A_228 = tpu.memref_slice %arg6[%dma_wait3A_226, %dma_wait3A_227] : memref<10112x128xbf16, #tpu.memory_space<vmem_shared>> -> memref<10112x128xbf16, #tpu.memory_space<vmem_shared>>
        tpu.wait_indirect_dma semaphore(%run_scoped3A_216 : memref<!tpu.dma_semaphore, #tpu.memory_space<semaphore_mem>>) src(%arg12 : memref<200x128xbf16, #tpu.memory_space<vmem>>) dst(%dma_wait3A_228 : memref<10112x128xbf16, #tpu.memory_space<vmem_shared>>)
        tpu.yield
      }) : () -> ()
    }
    %scan3A_121 = arith.constant 12 : i32
    %dma_wait3A_122 = arith.constant 48 : i32
    %dma_wait3A_123 = arith.constant 0 : i32
    %dma_wait3A_124 = tpu.memref_slice %arg7[%dma_wait3A_122, %dma_wait3A_123] : memref<50x200xi32, #tpu.memory_space<vmem>> -> memref<1x200xi32, #tpu.memory_space<vmem>>
    %dma_wait3A_125 = tpu.memref_squeeze %dma_wait3A_124 : memref<1x200xi32, #tpu.memory_space<vmem>> -> memref<200xi32, #tpu.memory_space<vmem>>
    %dma_wait3A_126 = arith.constant 0 : i32
    %dma_wait3A_127 = arith.constant 0 : i32
    %dma_wait3A_128 = tpu.memref_slice %arg2[%dma_wait3A_126, %dma_wait3A_127] : memref<10000x128xbf16, #tpu.memory_space<hbm>> -> memref<10000x128xbf16, #tpu.memory_space<hbm>>
    tpu.wait_indirect_dma semaphore(%arg13 : memref<!tpu.dma_semaphore, #tpu.memory_space<semaphore_mem>>) src(%dma_wait3A_128 : memref<10000x128xbf16, #tpu.memory_space<hbm>>) dst(%arg9 : memref<200x128xbf16, #tpu.memory_space<vmem>>)
    %run_scoped3A = arith.constant 48 : i32
    "tpu.region"() ({
      %run_scoped3A_138 = tpu.sem_alloc : memref<!tpu.dma_semaphore, #tpu.memory_space<semaphore_mem>>
      %dma_start3A_139 = arith.constant 0 : i32
      %dma_start3A_140 = tpu.memref_slice %arg8[%run_scoped3A, %dma_start3A_139] : memref<50x200xi32, #tpu.memory_space<vmem>> -> memref<1x200xi32, #tpu.memory_space<vmem>>
      %dma_start3A_141 = tpu.memref_squeeze %dma_start3A_140 : memref<1x200xi32, #tpu.memory_space<vmem>> -> memref<200xi32, #tpu.memory_space<vmem>>
      %dma_start3A_142 = arith.constant 0 : i32
      %dma_start3A_143 = arith.constant 0 : i32
      %dma_start3A_144 = tpu.memref_slice %arg6[%dma_start3A_142, %dma_start3A_143] : memref<10112x128xbf16, #tpu.memory_space<vmem_shared>> -> memref<10112x128xbf16, #tpu.memory_space<vmem_shared>>
      tpu.enqueue_indirect_dma source(%arg9 : memref<200x128xbf16, #tpu.memory_space<vmem>>) target(%dma_start3A_144 : memref<10112x128xbf16, #tpu.memory_space<vmem_shared>>) offsets(%dma_start3A_141 : memref<200xi32, #tpu.memory_space<vmem>>) semaphore(%run_scoped3A_138 : memref<!tpu.dma_semaphore, #tpu.memory_space<semaphore_mem>>) {add = true}
      %dma_wait3A_145 = arith.constant 0 : i32
      %dma_wait3A_146 = tpu.memref_slice %arg8[%run_scoped3A, %dma_wait3A_145] : memref<50x200xi32, #tpu.memory_space<vmem>> -> memref<1x200xi32, #tpu.memory_space<vmem>>
      %dma_wait3A_147 = tpu.memref_squeeze %dma_wait3A_146 : memref<1x200xi32, #tpu.memory_space<vmem>> -> memref<200xi32, #tpu.memory_space<vmem>>
      %dma_wait3A_148 = arith.constant 0 : i32
      %dma_wait3A_149 = arith.constant 0 : i32
      %dma_wait3A_150 = tpu.memref_slice %arg6[%dma_wait3A_148, %dma_wait3A_149] : memref<10112x128xbf16, #tpu.memory_space<vmem_shared>> -> memref<10112x128xbf16, #tpu.memory_space<vmem_shared>>
      tpu.wait_indirect_dma semaphore(%run_scoped3A_138 : memref<!tpu.dma_semaphore, #tpu.memory_space<semaphore_mem>>) src(%arg9 : memref<200x128xbf16, #tpu.memory_space<vmem>>) dst(%dma_wait3A_150 : memref<10112x128xbf16, #tpu.memory_space<vmem_shared>>)
      tpu.yield
    }) : () -> ()
    %dma_wait3A_129 = arith.constant 49 : i32
    %dma_wait3A_130 = arith.constant 0 : i32
    %dma_wait3A_131 = tpu.memref_slice %arg7[%dma_wait3A_129, %dma_wait3A_130] : memref<50x200xi32, #tpu.memory_space<vmem>> -> memref<1x200xi32, #tpu.memory_space<vmem>>
    %dma_wait3A_132 = tpu.memref_squeeze %dma_wait3A_131 : memref<1x200xi32, #tpu.memory_space<vmem>> -> memref<200xi32, #tpu.memory_space<vmem>>
    %dma_wait3A_133 = arith.constant 0 : i32
    %dma_wait3A_134 = arith.constant 0 : i32
    %dma_wait3A_135 = tpu.memref_slice %arg2[%dma_wait3A_133, %dma_wait3A_134] : memref<10000x128xbf16, #tpu.memory_space<hbm>> -> memref<10000x128xbf16, #tpu.memory_space<hbm>>
    tpu.wait_indirect_dma semaphore(%arg14 : memref<!tpu.dma_semaphore, #tpu.memory_space<semaphore_mem>>) src(%dma_wait3A_135 : memref<10000x128xbf16, #tpu.memory_space<hbm>>) dst(%arg10 : memref<200x128xbf16, #tpu.memory_space<vmem>>)
    %run_scoped3A_136 = arith.constant 49 : i32
    "tpu.region"() ({
      %run_scoped3A_138 = tpu.sem_alloc : memref<!tpu.dma_semaphore, #tpu.memory_space<semaphore_mem>>
      %dma_start3A_139 = arith.constant 0 : i32
      %dma_start3A_140 = tpu.memref_slice %arg8[%run_scoped3A_136, %dma_start3A_139] : memref<50x200xi32, #tpu.memory_space<vmem>> -> memref<1x200xi32, #tpu.memory_space<vmem>>
      %dma_start3A_141 = tpu.memref_squeeze %dma_start3A_140 : memref<1x200xi32, #tpu.memory_space<vmem>> -> memref<200xi32, #tpu.memory_space<vmem>>
      %dma_start3A_142 = arith.constant 0 : i32
      %dma_start3A_143 = arith.constant 0 : i32
      %dma_start3A_144 = tpu.memref_slice %arg6[%dma_start3A_142, %dma_start3A_143] : memref<10112x128xbf16, #tpu.memory_space<vmem_shared>> -> memref<10112x128xbf16, #tpu.memory_space<vmem_shared>>
      tpu.enqueue_indirect_dma source(%arg10 : memref<200x128xbf16, #tpu.memory_space<vmem>>) target(%dma_start3A_144 : memref<10112x128xbf16, #tpu.memory_space<vmem_shared>>) offsets(%dma_start3A_141 : memref<200xi32, #tpu.memory_space<vmem>>) semaphore(%run_scoped3A_138 : memref<!tpu.dma_semaphore, #tpu.memory_space<semaphore_mem>>) {add = true}
      %dma_wait3A_145 = arith.constant 0 : i32
      %dma_wait3A_146 = tpu.memref_slice %arg8[%run_scoped3A_136, %dma_wait3A_145] : memref<50x200xi32, #tpu.memory_space<vmem>> -> memref<1x200xi32, #tpu.memory_space<vmem>>
      %dma_wait3A_147 = tpu.memref_squeeze %dma_wait3A_146 : memref<1x200xi32, #tpu.memory_space<vmem>> -> memref<200xi32, #tpu.memory_space<vmem>>
      %dma_wait3A_148 = arith.constant 0 : i32
      %dma_wait3A_149 = arith.constant 0 : i32
      %dma_wait3A_150 = tpu.memref_slice %arg6[%dma_wait3A_148, %dma_wait3A_149] : memref<10112x128xbf16, #tpu.memory_space<vmem_shared>> -> memref<10112x128xbf16, #tpu.memory_space<vmem_shared>>
      tpu.wait_indirect_dma semaphore(%run_scoped3A_138 : memref<!tpu.dma_semaphore, #tpu.memory_space<semaphore_mem>>) src(%arg10 : memref<200x128xbf16, #tpu.memory_space<vmem>>) dst(%dma_wait3A_150 : memref<10112x128xbf16, #tpu.memory_space<vmem_shared>>)
      tpu.yield
    }) : () -> ()
    %barrier3A_137 = arith.constant 0 : index
    tpu.barrier barrier_id(%barrier3A_137)
    "tpu.region"() ({
      %run_scoped3A_138 = tpu.sem_alloc : memref<!tpu.dma_semaphore, #tpu.memory_space<semaphore_mem>>
      %dma_start3A_139 = arith.constant 0 : i32
      %dma_start3A_140 = tpu.memref_slice %arg5[%arg0, %mul3A_7, %dma_start3A_139] : memref<2x10112x128xbf16, #tpu.memory_space<hbm>> -> memref<1x632x128xbf16, #tpu.memory_space<hbm>>
      %dma_start3A_141 = tpu.memref_squeeze %dma_start3A_140 : memref<1x632x128xbf16, #tpu.memory_space<hbm>> -> memref<632x128xbf16, #tpu.memory_space<hbm>>
      %dma_start3A_142 = arith.constant 0 : i32
      %dma_start3A_143 = tpu.memref_slice %arg6[%mul3A_7, %dma_start3A_142] : memref<10112x128xbf16, #tpu.memory_space<vmem_shared>> -> memref<632x128xbf16, #tpu.memory_space<vmem_shared>>
      tpu.enqueue_dma source(%dma_start3A_143 : memref<632x128xbf16, #tpu.memory_space<vmem_shared>>) target(%dma_start3A_141 : memref<632x128xbf16, #tpu.memory_space<hbm>>) target_semaphore(%run_scoped3A_138 : memref<!tpu.dma_semaphore, #tpu.memory_space<semaphore_mem>>)
      %dma_wait3A_144 = arith.constant 0 : i32
      %dma_wait3A_145 = tpu.memref_slice %arg5[%arg0, %mul3A_7, %dma_wait3A_144] : memref<2x10112x128xbf16, #tpu.memory_space<hbm>> -> memref<1x632x128xbf16, #tpu.memory_space<hbm>>
      %dma_wait3A_146 = tpu.memref_squeeze %dma_wait3A_145 : memref<1x632x128xbf16, #tpu.memory_space<hbm>> -> memref<632x128xbf16, #tpu.memory_space<hbm>>
      %dma_wait3A_147 = arith.constant 0 : i32
      %dma_wait3A_148 = tpu.memref_slice %arg6[%mul3A_7, %dma_wait3A_147] : memref<10112x128xbf16, #tpu.memory_space<vmem_shared>> -> memref<632x128xbf16, #tpu.memory_space<vmem_shared>>
      tpu.wait_dma2 semaphore(%run_scoped3A_138 : memref<!tpu.dma_semaphore, #tpu.memory_space<semaphore_mem>>) src(%dma_wait3A_148 : memref<632x128xbf16, #tpu.memory_space<vmem_shared>>) dst(%dma_wait3A_146 : memref<632x128xbf16, #tpu.memory_space<hbm>>)
      tpu.yield
    }) : () -> ()
    return
  }
}

#map = affine_map<(d0, d1) -> (0, 0)>
#map1 = affine_map<(d0, d1) -> (0, 0, 0)>
module attributes {stable_mosaic.version = 14 : i64} {
  func.func @_sc_agg_body(%arg0: i32, %arg1: i32, %arg2: memref<10000x128xbf16, #tpu.memory_space<hbm>>, %arg3: memref<1600x200xi32, #tpu.memory_space<hbm>>, %arg4: memref<1600x200xi32, #tpu.memory_space<hbm>>, %arg5: memref<2x10112x128xbf16, #tpu.memory_space<hbm>>, %arg6: memref<10112x128xbf16, #tpu.memory_space<vmem_shared>>, %arg7: memref<50x200xi32, #tpu.memory_space<vmem>>, %arg8: memref<50x200xi32, #tpu.memory_space<vmem>>, %arg9: memref<200x128xbf16, #tpu.memory_space<vmem>>, %arg10: memref<200x128xbf16, #tpu.memory_space<vmem>>, %arg11: memref<200x128xbf16, #tpu.memory_space<vmem>>, %arg12: memref<200x128xbf16, #tpu.memory_space<vmem>>, %arg13: memref<!tpu.dma_semaphore, #tpu.memory_space<semaphore_mem>>, %arg14: memref<!tpu.dma_semaphore, #tpu.memory_space<semaphore_mem>>, %arg15: memref<!tpu.dma_semaphore, #tpu.memory_space<semaphore_mem>>, %arg16: memref<!tpu.dma_semaphore, #tpu.memory_space<semaphore_mem>>, %arg17: memref<!tpu.dma_semaphore, #tpu.memory_space<semaphore_mem>>) attributes {dimension_semantics = [#tpu.dimension_semantics<core_parallel>, #tpu.dimension_semantics<subcore_parallel>], iteration_bounds = array<i64: 2, 16>, scalar_prefetch = 0 : i64, scratch_operands = 12 : i64, tpu.core_type = #tpu.core_type<sc_vector_subcore>, window_params = [{transform_indices = #map}, {transform_indices = #map}, {transform_indices = #map}, {transform_indices = #map1}]} {
    %mul3A = arith.constant 16 : i32
    %mul3A_0 = arith.muli %arg0, %mul3A : i32
    %add3A = arith.addi %mul3A_0, %arg1 : i32
    %broadcast_in_dim3A = arith.constant 0.000000e+00 : bf16
    %broadcast_in_dim3A_1 = vector.broadcast %broadcast_in_dim3A : bf16 to vector<32xbf16>
    %scan3A = arith.constant 0 : i32
    %scan3A_2 = arith.constant 200 : i32
    %scan3A_3 = arith.addi %scan3A, %scan3A_2 : i32
    %scan3A_4 = arith.constant 1 : i32
    scf.for %scan3A_138 = %scan3A to %scan3A_3 step %scan3A_4  : i32 {
      %mul3A_139 = arith.constant 1 : i32
      %mul3A_140 = arith.muli %scan3A_138, %mul3A_139 : i32
      %add3A_141 = arith.constant 0 : i32
      %add3A_142 = arith.addi %add3A_141, %mul3A_140 : i32
      %scan3A_143 = arith.constant 0 : i32
      %scan3A_144 = arith.constant 4 : i32
      %scan3A_145 = arith.addi %scan3A_143, %scan3A_144 : i32
      %scan3A_146 = arith.constant 1 : i32
      scf.for %scan3A_148 = %scan3A_143 to %scan3A_145 step %scan3A_146  : i32 {
        %mul3A_149 = arith.constant 32 : i32
        %mul3A_150 = arith.muli %scan3A_148, %mul3A_149 : i32
        %add3A_151 = arith.constant 0 : i32
        %add3A_152 = arith.addi %add3A_151, %mul3A_150 : i32
        %swap3A = arith.index_cast %add3A_142 : i32 to index
        %swap3A_153 = arith.index_cast %add3A_152 : i32 to index
        %swap3A_154 = tpu.vector_load %arg9[%swap3A, %swap3A_153] {strides = array<i32>} : memref<200x128xbf16, #tpu.memory_space<vmem>>, vector<1x32xbf16>,
        %swap3A_155 = vector.shape_cast %swap3A_154 : vector<1x32xbf16> to vector<32xbf16>
        %swap3A_156 = vector.shape_cast %broadcast_in_dim3A_1 : vector<32xbf16> to vector<1x32xbf16>
        tpu.vector_store %arg9[%swap3A, %swap3A_153], %swap3A_156 {strides = array<i32>} : memref<200x128xbf16, #tpu.memory_space<vmem>>, vector<1x32xbf16>,
      }
      %scan3A_147 = arith.constant 4 : i32
    }
    %scan3A_5 = arith.constant 200 : i32
    %mul3A_6 = arith.constant 632 : i32
    %mul3A_7 = arith.muli %arg1, %mul3A_6 : i32
    %add3A_8 = arith.constant 0 : i32
    %add3A_9 = arith.addi %mul3A_7, %add3A_8 : i32
    %dma_start3A = arith.constant 0 : i32
    %dma_start3A_10 = arith.constant 0 : i32
    %dma_start3A_11 = tpu.memref_slice %arg9[%dma_start3A, %dma_start3A_10] : memref<200x128xbf16, #tpu.memory_space<vmem>> -> memref<200x128xbf16, #tpu.memory_space<vmem>>
    %dma_start3A_12 = arith.constant 0 : i32
    %dma_start3A_13 = tpu.memref_slice %arg6[%add3A_9, %dma_start3A_12] : memref<10112x128xbf16, #tpu.memory_space<vmem_shared>> -> memref<200x128xbf16, #tpu.memory_space<vmem_shared>>
    %dma_start3A_14 = arith.constant 0 : i32
    %dma_start3A_15 = tpu.memref_slice %arg6[%add3A_9, %dma_start3A_14] : memref<10112x128xbf16, #tpu.memory_space<vmem_shared>> -> memref<200x128xbf16, #tpu.memory_space<vmem_shared>>
    %dma_start3A_16 = arith.constant 0 : i32
    %dma_start3A_17 = arith.constant 0 : i32
    %dma_start3A_18 = tpu.memref_slice %arg9[%dma_start3A_16, %dma_start3A_17] : memref<200x128xbf16, #tpu.memory_space<vmem>> -> memref<200x128xbf16, #tpu.memory_space<vmem>>
    tpu.enqueue_dma source(%dma_start3A_18 : memref<200x128xbf16, #tpu.memory_space<vmem>>) target(%dma_start3A_15 : memref<200x128xbf16, #tpu.memory_space<vmem_shared>>) target_semaphore(%arg17 : memref<!tpu.dma_semaphore, #tpu.memory_space<semaphore_mem>>)
    %add3A_19 = arith.constant 200 : i32
    %add3A_20 = arith.addi %mul3A_7, %add3A_19 : i32
    %dma_start3A_21 = arith.constant 0 : i32
    %dma_start3A_22 = arith.constant 0 : i32
    %dma_start3A_23 = tpu.memref_slice %arg9[%dma_start3A_21, %dma_start3A_22] : memref<200x128xbf16, #tpu.memory_space<vmem>> -> memref<200x128xbf16, #tpu.memory_space<vmem>>
    %dma_start3A_24 = arith.constant 0 : i32
    %dma_start3A_25 = tpu.memref_slice %arg6[%add3A_20, %dma_start3A_24] : memref<10112x128xbf16, #tpu.memory_space<vmem_shared>> -> memref<200x128xbf16, #tpu.memory_space<vmem_shared>>
    %dma_start3A_26 = arith.constant 0 : i32
    %dma_start3A_27 = tpu.memref_slice %arg6[%add3A_20, %dma_start3A_26] : memref<10112x128xbf16, #tpu.memory_space<vmem_shared>> -> memref<200x128xbf16, #tpu.memory_space<vmem_shared>>
    %dma_start3A_28 = arith.constant 0 : i32
    %dma_start3A_29 = arith.constant 0 : i32
    %dma_start3A_30 = tpu.memref_slice %arg9[%dma_start3A_28, %dma_start3A_29] : memref<200x128xbf16, #tpu.memory_space<vmem>> -> memref<200x128xbf16, #tpu.memory_space<vmem>>
    tpu.enqueue_dma source(%dma_start3A_30 : memref<200x128xbf16, #tpu.memory_space<vmem>>) target(%dma_start3A_27 : memref<200x128xbf16, #tpu.memory_space<vmem_shared>>) target_semaphore(%arg17 : memref<!tpu.dma_semaphore, #tpu.memory_space<semaphore_mem>>)
    %add3A_31 = arith.constant 400 : i32
    %add3A_32 = arith.addi %mul3A_7, %add3A_31 : i32
    %dma_start3A_33 = arith.constant 0 : i32
    %dma_start3A_34 = arith.constant 0 : i32
    %dma_start3A_35 = tpu.memref_slice %arg9[%dma_start3A_33, %dma_start3A_34] : memref<200x128xbf16, #tpu.memory_space<vmem>> -> memref<200x128xbf16, #tpu.memory_space<vmem>>
    %dma_start3A_36 = arith.constant 0 : i32
    %dma_start3A_37 = tpu.memref_slice %arg6[%add3A_32, %dma_start3A_36] : memref<10112x128xbf16, #tpu.memory_space<vmem_shared>> -> memref<200x128xbf16, #tpu.memory_space<vmem_shared>>
    %dma_start3A_38 = arith.constant 0 : i32
    %dma_start3A_39 = tpu.memref_slice %arg6[%add3A_32, %dma_start3A_38] : memref<10112x128xbf16, #tpu.memory_space<vmem_shared>> -> memref<200x128xbf16, #tpu.memory_space<vmem_shared>>
    %dma_start3A_40 = arith.constant 0 : i32
    %dma_start3A_41 = arith.constant 0 : i32
    %dma_start3A_42 = tpu.memref_slice %arg9[%dma_start3A_40, %dma_start3A_41] : memref<200x128xbf16, #tpu.memory_space<vmem>> -> memref<200x128xbf16, #tpu.memory_space<vmem>>
    tpu.enqueue_dma source(%dma_start3A_42 : memref<200x128xbf16, #tpu.memory_space<vmem>>) target(%dma_start3A_39 : memref<200x128xbf16, #tpu.memory_space<vmem_shared>>) target_semaphore(%arg17 : memref<!tpu.dma_semaphore, #tpu.memory_space<semaphore_mem>>)
    %add3A_43 = arith.constant 600 : i32
    %add3A_44 = arith.addi %mul3A_7, %add3A_43 : i32
    %dma_start3A_45 = arith.constant 0 : i32
    %dma_start3A_46 = arith.constant 0 : i32
    %dma_start3A_47 = tpu.memref_slice %arg9[%dma_start3A_45, %dma_start3A_46] : memref<200x128xbf16, #tpu.memory_space<vmem>> -> memref<32x128xbf16, #tpu.memory_space<vmem>>
    %dma_start3A_48 = arith.constant 0 : i32
    %dma_start3A_49 = tpu.memref_slice %arg6[%add3A_44, %dma_start3A_48] : memref<10112x128xbf16, #tpu.memory_space<vmem_shared>> -> memref<32x128xbf16, #tpu.memory_space<vmem_shared>>
    %dma_start3A_50 = arith.constant 0 : i32
    %dma_start3A_51 = tpu.memref_slice %arg6[%add3A_44, %dma_start3A_50] : memref<10112x128xbf16, #tpu.memory_space<vmem_shared>> -> memref<32x128xbf16, #tpu.memory_space<vmem_shared>>
    %dma_start3A_52 = arith.constant 0 : i32
    %dma_start3A_53 = arith.constant 0 : i32
    %dma_start3A_54 = tpu.memref_slice %arg9[%dma_start3A_52, %dma_start3A_53] : memref<200x128xbf16, #tpu.memory_space<vmem>> -> memref<32x128xbf16, #tpu.memory_space<vmem>>
    tpu.enqueue_dma source(%dma_start3A_54 : memref<32x128xbf16, #tpu.memory_space<vmem>>) target(%dma_start3A_51 : memref<32x128xbf16, #tpu.memory_space<vmem_shared>>) target_semaphore(%arg17 : memref<!tpu.dma_semaphore, #tpu.memory_space<semaphore_mem>>)
    %dma_wait3A = arith.constant 0 : i32
    %dma_wait3A_55 = arith.constant 0 : i32
    %dma_wait3A_56 = tpu.memref_slice %arg9[%dma_wait3A, %dma_wait3A_55] : memref<200x128xbf16, #tpu.memory_space<vmem>> -> memref<200x128xbf16, #tpu.memory_space<vmem>>
    %dma_wait3A_57 = arith.constant 0 : i32
    %dma_wait3A_58 = tpu.memref_slice %arg6[%add3A_9, %dma_wait3A_57] : memref<10112x128xbf16, #tpu.memory_space<vmem_shared>> -> memref<200x128xbf16, #tpu.memory_space<vmem_shared>>
    %dma_wait3A_59 = arith.constant 0 : i32
    %dma_wait3A_60 = tpu.memref_slice %arg6[%add3A_9, %dma_wait3A_59] : memref<10112x128xbf16, #tpu.memory_space<vmem_shared>> -> memref<200x128xbf16, #tpu.memory_space<vmem_shared>>
    %dma_wait3A_61 = arith.constant 0 : i32
    %dma_wait3A_62 = arith.constant 0 : i32
    %dma_wait3A_63 = tpu.memref_slice %arg9[%dma_wait3A_61, %dma_wait3A_62] : memref<200x128xbf16, #tpu.memory_space<vmem>> -> memref<200x128xbf16, #tpu.memory_space<vmem>>
    tpu.wait_dma2 semaphore(%arg17 : memref<!tpu.dma_semaphore, #tpu.memory_space<semaphore_mem>>) src(%dma_wait3A_63 : memref<200x128xbf16, #tpu.memory_space<vmem>>) dst(%dma_wait3A_60 : memref<200x128xbf16, #tpu.memory_space<vmem_shared>>)
    %dma_wait3A_64 = arith.constant 0 : i32
    %dma_wait3A_65 = arith.constant 0 : i32
    %dma_wait3A_66 = tpu.memref_slice %arg9[%dma_wait3A_64, %dma_wait3A_65] : memref<200x128xbf16, #tpu.memory_space<vmem>> -> memref<200x128xbf16, #tpu.memory_space<vmem>>
    %dma_wait3A_67 = arith.constant 0 : i32
    %dma_wait3A_68 = tpu.memref_slice %arg6[%add3A_20, %dma_wait3A_67] : memref<10112x128xbf16, #tpu.memory_space<vmem_shared>> -> memref<200x128xbf16, #tpu.memory_space<vmem_shared>>
    %dma_wait3A_69 = arith.constant 0 : i32
    %dma_wait3A_70 = tpu.memref_slice %arg6[%add3A_20, %dma_wait3A_69] : memref<10112x128xbf16, #tpu.memory_space<vmem_shared>> -> memref<200x128xbf16, #tpu.memory_space<vmem_shared>>
    %dma_wait3A_71 = arith.constant 0 : i32
    %dma_wait3A_72 = arith.constant 0 : i32
    %dma_wait3A_73 = tpu.memref_slice %arg9[%dma_wait3A_71, %dma_wait3A_72] : memref<200x128xbf16, #tpu.memory_space<vmem>> -> memref<200x128xbf16, #tpu.memory_space<vmem>>
    tpu.wait_dma2 semaphore(%arg17 : memref<!tpu.dma_semaphore, #tpu.memory_space<semaphore_mem>>) src(%dma_wait3A_73 : memref<200x128xbf16, #tpu.memory_space<vmem>>) dst(%dma_wait3A_70 : memref<200x128xbf16, #tpu.memory_space<vmem_shared>>)
    %dma_wait3A_74 = arith.constant 0 : i32
    %dma_wait3A_75 = arith.constant 0 : i32
    %dma_wait3A_76 = tpu.memref_slice %arg9[%dma_wait3A_74, %dma_wait3A_75] : memref<200x128xbf16, #tpu.memory_space<vmem>> -> memref<200x128xbf16, #tpu.memory_space<vmem>>
    %dma_wait3A_77 = arith.constant 0 : i32
    %dma_wait3A_78 = tpu.memref_slice %arg6[%add3A_32, %dma_wait3A_77] : memref<10112x128xbf16, #tpu.memory_space<vmem_shared>> -> memref<200x128xbf16, #tpu.memory_space<vmem_shared>>
    %dma_wait3A_79 = arith.constant 0 : i32
    %dma_wait3A_80 = tpu.memref_slice %arg6[%add3A_32, %dma_wait3A_79] : memref<10112x128xbf16, #tpu.memory_space<vmem_shared>> -> memref<200x128xbf16, #tpu.memory_space<vmem_shared>>
    %dma_wait3A_81 = arith.constant 0 : i32
    %dma_wait3A_82 = arith.constant 0 : i32
    %dma_wait3A_83 = tpu.memref_slice %arg9[%dma_wait3A_81, %dma_wait3A_82] : memref<200x128xbf16, #tpu.memory_space<vmem>> -> memref<200x128xbf16, #tpu.memory_space<vmem>>
    tpu.wait_dma2 semaphore(%arg17 : memref<!tpu.dma_semaphore, #tpu.memory_space<semaphore_mem>>) src(%dma_wait3A_83 : memref<200x128xbf16, #tpu.memory_space<vmem>>) dst(%dma_wait3A_80 : memref<200x128xbf16, #tpu.memory_space<vmem_shared>>)
    %dma_wait3A_84 = arith.constant 0 : i32
    %dma_wait3A_85 = arith.constant 0 : i32
    %dma_wait3A_86 = tpu.memref_slice %arg9[%dma_wait3A_84, %dma_wait3A_85] : memref<200x128xbf16, #tpu.memory_space<vmem>> -> memref<32x128xbf16, #tpu.memory_space<vmem>>
    %dma_wait3A_87 = arith.constant 0 : i32
    %dma_wait3A_88 = tpu.memref_slice %arg6[%add3A_44, %dma_wait3A_87] : memref<10112x128xbf16, #tpu.memory_space<vmem_shared>> -> memref<32x128xbf16, #tpu.memory_space<vmem_shared>>
    %dma_wait3A_89 = arith.constant 0 : i32
    %dma_wait3A_90 = tpu.memref_slice %arg6[%add3A_44, %dma_wait3A_89] : memref<10112x128xbf16, #tpu.memory_space<vmem_shared>> -> memref<32x128xbf16, #tpu.memory_space<vmem_shared>>
    %dma_wait3A_91 = arith.constant 0 : i32
    %dma_wait3A_92 = arith.constant 0 : i32
    %dma_wait3A_93 = tpu.memref_slice %arg9[%dma_wait3A_91, %dma_wait3A_92] : memref<200x128xbf16, #tpu.memory_space<vmem>> -> memref<32x128xbf16, #tpu.memory_space<vmem>>
    tpu.wait_dma2 semaphore(%arg17 : memref<!tpu.dma_semaphore, #tpu.memory_space<semaphore_mem>>) src(%dma_wait3A_93 : memref<32x128xbf16, #tpu.memory_space<vmem>>) dst(%dma_wait3A_90 : memref<32x128xbf16, #tpu.memory_space<vmem_shared>>)
    %barrier3A = arith.constant 0 : index
    tpu.barrier barrier_id(%barrier3A)
    %mul3A_94 = arith.constant 50 : i32
    %mul3A_95 = arith.muli %add3A, %mul3A_94 : i32
    "tpu.region"() ({
      %run_scoped3A_138 = tpu.sem_alloc : memref<!tpu.dma_semaphore, #tpu.memory_space<semaphore_mem>>
      %dma_start3A_139 = arith.constant 0 : i32
      %dma_start3A_140 = tpu.memref_slice %arg3[%mul3A_95, %dma_start3A_139] : memref<1600x200xi32, #tpu.memory_space<hbm>> -> memref<50x200xi32, #tpu.memory_space<hbm>>
      %dma_start3A_141 = arith.constant 0 : i32
      %dma_start3A_142 = tpu.memref_slice %arg3[%mul3A_95, %dma_start3A_141] : memref<1600x200xi32, #tpu.memory_space<hbm>> -> memref<50x200xi32, #tpu.memory_space<hbm>>
      tpu.enqueue_dma source(%dma_start3A_142 : memref<50x200xi32, #tpu.memory_space<hbm>>) target(%arg7 : memref<50x200xi32, #tpu.memory_space<vmem>>) target_semaphore(%run_scoped3A_138 : memref<!tpu.dma_semaphore, #tpu.memory_space<semaphore_mem>>)
      %dma_wait3A_143 = arith.constant 0 : i32
      %dma_wait3A_144 = tpu.memref_slice %arg3[%mul3A_95, %dma_wait3A_143] : memref<1600x200xi32, #tpu.memory_space<hbm>> -> memref<50x200xi32, #tpu.memory_space<hbm>>
      %dma_wait3A_145 = arith.constant 0 : i32
      %dma_wait3A_146 = tpu.memref_slice %arg3[%mul3A_95, %dma_wait3A_145] : memref<1600x200xi32, #tpu.memory_space<hbm>> -> memref<50x200xi32, #tpu.memory_space<hbm>>
      tpu.wait_dma2 semaphore(%run_scoped3A_138 : memref<!tpu.dma_semaphore, #tpu.memory_space<semaphore_mem>>) src(%dma_wait3A_146 : memref<50x200xi32, #tpu.memory_space<hbm>>) dst(%arg7 : memref<50x200xi32, #tpu.memory_space<vmem>>)
      tpu.yield
    }) : () -> ()
    "tpu.region"() ({
      %run_scoped3A_138 = tpu.sem_alloc : memref<!tpu.dma_semaphore, #tpu.memory_space<semaphore_mem>>
      %dma_start3A_139 = arith.constant 0 : i32
      %dma_start3A_140 = tpu.memref_slice %arg4[%mul3A_95, %dma_start3A_139] : memref<1600x200xi32, #tpu.memory_space<hbm>> -> memref<50x200xi32, #tpu.memory_space<hbm>>
      %dma_start3A_141 = arith.constant 0 : i32
      %dma_start3A_142 = tpu.memref_slice %arg4[%mul3A_95, %dma_start3A_141] : memref<1600x200xi32, #tpu.memory_space<hbm>> -> memref<50x200xi32, #tpu.memory_space<hbm>>
      tpu.enqueue_dma source(%dma_start3A_142 : memref<50x200xi32, #tpu.memory_space<hbm>>) target(%arg8 : memref<50x200xi32, #tpu.memory_space<vmem>>) target_semaphore(%run_scoped3A_138 : memref<!tpu.dma_semaphore, #tpu.memory_space<semaphore_mem>>)
      %dma_wait3A_143 = arith.constant 0 : i32
      %dma_wait3A_144 = tpu.memref_slice %arg4[%mul3A_95, %dma_wait3A_143] : memref<1600x200xi32, #tpu.memory_space<hbm>> -> memref<50x200xi32, #tpu.memory_space<hbm>>
      %dma_wait3A_145 = arith.constant 0 : i32
      %dma_wait3A_146 = tpu.memref_slice %arg4[%mul3A_95, %dma_wait3A_145] : memref<1600x200xi32, #tpu.memory_space<hbm>> -> memref<50x200xi32, #tpu.memory_space<hbm>>
      tpu.wait_dma2 semaphore(%run_scoped3A_138 : memref<!tpu.dma_semaphore, #tpu.memory_space<semaphore_mem>>) src(%dma_wait3A_146 : memref<50x200xi32, #tpu.memory_space<hbm>>) dst(%arg8 : memref<50x200xi32, #tpu.memory_space<vmem>>)
      tpu.yield
    }) : () -> ()
    %dma_start3A_96 = arith.constant 0 : i32
    %dma_start3A_97 = arith.constant 0 : i32
    %dma_start3A_98 = tpu.memref_slice %arg7[%dma_start3A_96, %dma_start3A_97] : memref<50x200xi32, #tpu.memory_space<vmem>> -> memref<1x200xi32, #tpu.memory_space<vmem>>
    %dma_start3A_99 = tpu.memref_squeeze %dma_start3A_98 : memref<1x200xi32, #tpu.memory_space<vmem>> -> memref<200xi32, #tpu.memory_space<vmem>>
    %dma_start3A_100 = arith.constant 0 : i32
    %dma_start3A_101 = arith.constant 0 : i32
    %dma_start3A_102 = tpu.memref_slice %arg2[%dma_start3A_100, %dma_start3A_101] : memref<10000x128xbf16, #tpu.memory_space<hbm>> -> memref<10000x128xbf16, #tpu.memory_space<hbm>>
    tpu.enqueue_indirect_dma source(%dma_start3A_102 : memref<10000x128xbf16, #tpu.memory_space<hbm>>) target(%arg9 : memref<200x128xbf16, #tpu.memory_space<vmem>>) offsets(%dma_start3A_99 : memref<200xi32, #tpu.memory_space<vmem>>) semaphore(%arg13 : memref<!tpu.dma_semaphore, #tpu.memory_space<semaphore_mem>>)
    %dma_start3A_103 = arith.constant 1 : i32
    %dma_start3A_104 = arith.constant 0 : i32
    %dma_start3A_105 = tpu.memref_slice %arg7[%dma_start3A_103, %dma_start3A_104] : memref<50x200xi32, #tpu.memory_space<vmem>> -> memref<1x200xi32, #tpu.memory_space<vmem>>
    %dma_start3A_106 = tpu.memref_squeeze %dma_start3A_105 : memref<1x200xi32, #tpu.memory_space<vmem>> -> memref<200xi32, #tpu.memory_space<vmem>>
    %dma_start3A_107 = arith.constant 0 : i32
    %dma_start3A_108 = arith.constant 0 : i32
    %dma_start3A_109 = tpu.memref_slice %arg2[%dma_start3A_107, %dma_start3A_108] : memref<10000x128xbf16, #tpu.memory_space<hbm>> -> memref<10000x128xbf16, #tpu.memory_space<hbm>>
    tpu.enqueue_indirect_dma source(%dma_start3A_109 : memref<10000x128xbf16, #tpu.memory_space<hbm>>) target(%arg10 : memref<200x128xbf16, #tpu.memory_space<vmem>>) offsets(%dma_start3A_106 : memref<200xi32, #tpu.memory_space<vmem>>) semaphore(%arg14 : memref<!tpu.dma_semaphore, #tpu.memory_space<semaphore_mem>>)
    %dma_start3A_110 = arith.constant 2 : i32
    %dma_start3A_111 = arith.constant 0 : i32
    %dma_start3A_112 = tpu.memref_slice %arg7[%dma_start3A_110, %dma_start3A_111] : memref<50x200xi32, #tpu.memory_space<vmem>> -> memref<1x200xi32, #tpu.memory_space<vmem>>
    %dma_start3A_113 = tpu.memref_squeeze %dma_start3A_112 : memref<1x200xi32, #tpu.memory_space<vmem>> -> memref<200xi32, #tpu.memory_space<vmem>>
    %dma_start3A_114 = arith.constant 0 : i32
    %dma_start3A_115 = arith.constant 0 : i32
    %dma_start3A_116 = tpu.memref_slice %arg2[%dma_start3A_114, %dma_start3A_115] : memref<10000x128xbf16, #tpu.memory_space<hbm>> -> memref<10000x128xbf16, #tpu.memory_space<hbm>>
    tpu.enqueue_indirect_dma source(%dma_start3A_116 : memref<10000x128xbf16, #tpu.memory_space<hbm>>) target(%arg11 : memref<200x128xbf16, #tpu.memory_space<vmem>>) offsets(%dma_start3A_113 : memref<200xi32, #tpu.memory_space<vmem>>) semaphore(%arg15 : memref<!tpu.dma_semaphore, #tpu.memory_space<semaphore_mem>>)
    %scan3A_117 = arith.constant 0 : i32
    %scan3A_118 = arith.constant 12 : i32
    %scan3A_119 = arith.addi %scan3A_117, %scan3A_118 : i32
    %scan3A_120 = arith.constant 1 : i32
    scf.for %scan3A_138 = %scan3A_117 to %scan3A_119 step %scan3A_120  : i32 {
      %mul3A_139 = arith.constant 4 : i32
      %mul3A_140 = arith.muli %scan3A_138, %mul3A_139 : i32
      %add3A_141 = arith.constant 0 : i32
      %add3A_142 = arith.addi %add3A_141, %mul3A_140 : i32
      %add3A_143 = arith.constant 0 : i32
      %add3A_144 = arith.addi %add3A_142, %add3A_143 : i32
      %add3A_145 = arith.constant 3 : i32
      %add3A_146 = arith.addi %add3A_144, %add3A_145 : i32
      %lt3A = arith.constant 50 : i32
      %lt3A_147 = arith.cmpi slt, %add3A_146, %lt3A : i32
      %convert_element_type3A = arith.extui %lt3A_147 : i1 to i32
      %cond3A = arith.constant 0 : i32
      %cond3A_148 = arith.cmpi ne, %convert_element_type3A, %cond3A : i32
      scf.if %cond3A_148 {
        %add3A_216 = arith.constant 0 : i32
        %add3A_217 = arith.addi %add3A_142, %add3A_216 : i32
        %add3A_218 = arith.constant 3 : i32
        %add3A_219 = arith.addi %add3A_217, %add3A_218 : i32
        %dma_start3A_220 = arith.constant 0 : i32
        %dma_start3A_221 = tpu.memref_slice %arg7[%add3A_219, %dma_start3A_220] : memref<50x200xi32, #tpu.memory_space<vmem>> -> memref<1x200xi32, #tpu.memory_space<vmem>>
        %dma_start3A_222 = tpu.memref_squeeze %dma_start3A_221 : memref<1x200xi32, #tpu.memory_space<vmem>> -> memref<200xi32, #tpu.memory_space<vmem>>
        %dma_start3A_223 = arith.constant 0 : i32
        %dma_start3A_224 = arith.constant 0 : i32
        %dma_start3A_225 = tpu.memref_slice %arg2[%dma_start3A_223, %dma_start3A_224] : memref<10000x128xbf16, #tpu.memory_space<hbm>> -> memref<10000x128xbf16, #tpu.memory_space<hbm>>
        tpu.enqueue_indirect_dma source(%dma_start3A_225 : memref<10000x128xbf16, #tpu.memory_space<hbm>>) target(%arg12 : memref<200x128xbf16, #tpu.memory_space<vmem>>) offsets(%dma_start3A_222 : memref<200xi32, #tpu.memory_space<vmem>>) semaphore(%arg16 : memref<!tpu.dma_semaphore, #tpu.memory_space<semaphore_mem>>)
      } else {
      }
      %add3A_149 = arith.constant 0 : i32
      %add3A_150 = arith.addi %add3A_142, %add3A_149 : i32
      %dma_wait3A_151 = arith.constant 0 : i32
      %dma_wait3A_152 = tpu.memref_slice %arg7[%add3A_150, %dma_wait3A_151] : memref<50x200xi32, #tpu.memory_space<vmem>> -> memref<1x200xi32, #tpu.memory_space<vmem>>
      %dma_wait3A_153 = tpu.memref_squeeze %dma_wait3A_152 : memref<1x200xi32, #tpu.memory_space<vmem>> -> memref<200xi32, #tpu.memory_space<vmem>>
      %dma_wait3A_154 = arith.constant 0 : i32
      %dma_wait3A_155 = arith.constant 0 : i32
      %dma_wait3A_156 = tpu.memref_slice %arg2[%dma_wait3A_154, %dma_wait3A_155] : memref<10000x128xbf16, #tpu.memory_space<hbm>> -> memref<10000x128xbf16, #tpu.memory_space<hbm>>
      tpu.wait_indirect_dma semaphore(%arg13 : memref<!tpu.dma_semaphore, #tpu.memory_space<semaphore_mem>>) src(%dma_wait3A_156 : memref<10000x128xbf16, #tpu.memory_space<hbm>>) dst(%arg9 : memref<200x128xbf16, #tpu.memory_space<vmem>>)
      %add3A_157 = arith.constant 0 : i32
      %add3A_158 = arith.addi %add3A_142, %add3A_157 : i32
      "tpu.region"() ({
        %run_scoped3A_216 = tpu.sem_alloc : memref<!tpu.dma_semaphore, #tpu.memory_space<semaphore_mem>>
        %dma_start3A_217 = arith.constant 0 : i32
        %dma_start3A_218 = tpu.memref_slice %arg8[%add3A_158, %dma_start3A_217] : memref<50x200xi32, #tpu.memory_space<vmem>> -> memref<1x200xi32, #tpu.memory_space<vmem>>
        %dma_start3A_219 = tpu.memref_squeeze %dma_start3A_218 : memref<1x200xi32, #tpu.memory_space<vmem>> -> memref<200xi32, #tpu.memory_space<vmem>>
        %dma_start3A_220 = arith.constant 0 : i32
        %dma_start3A_221 = arith.constant 0 : i32
        %dma_start3A_222 = tpu.memref_slice %arg6[%dma_start3A_220, %dma_start3A_221] : memref<10112x128xbf16, #tpu.memory_space<vmem_shared>> -> memref<10112x128xbf16, #tpu.memory_space<vmem_shared>>
        tpu.enqueue_indirect_dma source(%arg9 : memref<200x128xbf16, #tpu.memory_space<vmem>>) target(%dma_start3A_222 : memref<10112x128xbf16, #tpu.memory_space<vmem_shared>>) offsets(%dma_start3A_219 : memref<200xi32, #tpu.memory_space<vmem>>) semaphore(%run_scoped3A_216 : memref<!tpu.dma_semaphore, #tpu.memory_space<semaphore_mem>>) {add = true}
        %dma_wait3A_223 = arith.constant 0 : i32
        %dma_wait3A_224 = tpu.memref_slice %arg8[%add3A_158, %dma_wait3A_223] : memref<50x200xi32, #tpu.memory_space<vmem>> -> memref<1x200xi32, #tpu.memory_space<vmem>>
        %dma_wait3A_225 = tpu.memref_squeeze %dma_wait3A_224 : memref<1x200xi32, #tpu.memory_space<vmem>> -> memref<200xi32, #tpu.memory_space<vmem>>
        %dma_wait3A_226 = arith.constant 0 : i32
        %dma_wait3A_227 = arith.constant 0 : i32
        %dma_wait3A_228 = tpu.memref_slice %arg6[%dma_wait3A_226, %dma_wait3A_227] : memref<10112x128xbf16, #tpu.memory_space<vmem_shared>> -> memref<10112x128xbf16, #tpu.memory_space<vmem_shared>>
        tpu.wait_indirect_dma semaphore(%run_scoped3A_216 : memref<!tpu.dma_semaphore, #tpu.memory_space<semaphore_mem>>) src(%arg9 : memref<200x128xbf16, #tpu.memory_space<vmem>>) dst(%dma_wait3A_228 : memref<10112x128xbf16, #tpu.memory_space<vmem_shared>>)
        tpu.yield
      }) : () -> ()
      %add3A_159 = arith.constant 1 : i32
      %add3A_160 = arith.addi %add3A_142, %add3A_159 : i32
      %add3A_161 = arith.constant 3 : i32
      %add3A_162 = arith.addi %add3A_160, %add3A_161 : i32
      %lt3A_163 = arith.constant 50 : i32
      %lt3A_164 = arith.cmpi slt, %add3A_162, %lt3A_163 : i32
      %convert_element_type3A_165 = arith.extui %lt3A_164 : i1 to i32
      %cond3A_166 = arith.constant 0 : i32
      %cond3A_167 = arith.cmpi ne, %convert_element_type3A_165, %cond3A_166 : i32
      scf.if %cond3A_167 {
        %add3A_216 = arith.constant 1 : i32
        %add3A_217 = arith.addi %add3A_142, %add3A_216 : i32
        %add3A_218 = arith.constant 3 : i32
        %add3A_219 = arith.addi %add3A_217, %add3A_218 : i32
        %dma_start3A_220 = arith.constant 0 : i32
        %dma_start3A_221 = tpu.memref_slice %arg7[%add3A_219, %dma_start3A_220] : memref<50x200xi32, #tpu.memory_space<vmem>> -> memref<1x200xi32, #tpu.memory_space<vmem>>
        %dma_start3A_222 = tpu.memref_squeeze %dma_start3A_221 : memref<1x200xi32, #tpu.memory_space<vmem>> -> memref<200xi32, #tpu.memory_space<vmem>>
        %dma_start3A_223 = arith.constant 0 : i32
        %dma_start3A_224 = arith.constant 0 : i32
        %dma_start3A_225 = tpu.memref_slice %arg2[%dma_start3A_223, %dma_start3A_224] : memref<10000x128xbf16, #tpu.memory_space<hbm>> -> memref<10000x128xbf16, #tpu.memory_space<hbm>>
        tpu.enqueue_indirect_dma source(%dma_start3A_225 : memref<10000x128xbf16, #tpu.memory_space<hbm>>) target(%arg9 : memref<200x128xbf16, #tpu.memory_space<vmem>>) offsets(%dma_start3A_222 : memref<200xi32, #tpu.memory_space<vmem>>) semaphore(%arg13 : memref<!tpu.dma_semaphore, #tpu.memory_space<semaphore_mem>>)
      } else {
      }
      %add3A_168 = arith.constant 1 : i32
      %add3A_169 = arith.addi %add3A_142, %add3A_168 : i32
      %dma_wait3A_170 = arith.constant 0 : i32
      %dma_wait3A_171 = tpu.memref_slice %arg7[%add3A_169, %dma_wait3A_170] : memref<50x200xi32, #tpu.memory_space<vmem>> -> memref<1x200xi32, #tpu.memory_space<vmem>>
      %dma_wait3A_172 = tpu.memref_squeeze %dma_wait3A_171 : memref<1x200xi32, #tpu.memory_space<vmem>> -> memref<200xi32, #tpu.memory_space<vmem>>
      %dma_wait3A_173 = arith.constant 0 : i32
      %dma_wait3A_174 = arith.constant 0 : i32
      %dma_wait3A_175 = tpu.memref_slice %arg2[%dma_wait3A_173, %dma_wait3A_174] : memref<10000x128xbf16, #tpu.memory_space<hbm>> -> memref<10000x128xbf16, #tpu.memory_space<hbm>>
      tpu.wait_indirect_dma semaphore(%arg14 : memref<!tpu.dma_semaphore, #tpu.memory_space<semaphore_mem>>) src(%dma_wait3A_175 : memref<10000x128xbf16, #tpu.memory_space<hbm>>) dst(%arg10 : memref<200x128xbf16, #tpu.memory_space<vmem>>)
      %add3A_176 = arith.constant 1 : i32
      %add3A_177 = arith.addi %add3A_142, %add3A_176 : i32
      "tpu.region"() ({
        %run_scoped3A_216 = tpu.sem_alloc : memref<!tpu.dma_semaphore, #tpu.memory_space<semaphore_mem>>
        %dma_start3A_217 = arith.constant 0 : i32
        %dma_start3A_218 = tpu.memref_slice %arg8[%add3A_177, %dma_start3A_217] : memref<50x200xi32, #tpu.memory_space<vmem>> -> memref<1x200xi32, #tpu.memory_space<vmem>>
        %dma_start3A_219 = tpu.memref_squeeze %dma_start3A_218 : memref<1x200xi32, #tpu.memory_space<vmem>> -> memref<200xi32, #tpu.memory_space<vmem>>
        %dma_start3A_220 = arith.constant 0 : i32
        %dma_start3A_221 = arith.constant 0 : i32
        %dma_start3A_222 = tpu.memref_slice %arg6[%dma_start3A_220, %dma_start3A_221] : memref<10112x128xbf16, #tpu.memory_space<vmem_shared>> -> memref<10112x128xbf16, #tpu.memory_space<vmem_shared>>
        tpu.enqueue_indirect_dma source(%arg10 : memref<200x128xbf16, #tpu.memory_space<vmem>>) target(%dma_start3A_222 : memref<10112x128xbf16, #tpu.memory_space<vmem_shared>>) offsets(%dma_start3A_219 : memref<200xi32, #tpu.memory_space<vmem>>) semaphore(%run_scoped3A_216 : memref<!tpu.dma_semaphore, #tpu.memory_space<semaphore_mem>>) {add = true}
        %dma_wait3A_223 = arith.constant 0 : i32
        %dma_wait3A_224 = tpu.memref_slice %arg8[%add3A_177, %dma_wait3A_223] : memref<50x200xi32, #tpu.memory_space<vmem>> -> memref<1x200xi32, #tpu.memory_space<vmem>>
        %dma_wait3A_225 = tpu.memref_squeeze %dma_wait3A_224 : memref<1x200xi32, #tpu.memory_space<vmem>> -> memref<200xi32, #tpu.memory_space<vmem>>
        %dma_wait3A_226 = arith.constant 0 : i32
        %dma_wait3A_227 = arith.constant 0 : i32
        %dma_wait3A_228 = tpu.memref_slice %arg6[%dma_wait3A_226, %dma_wait3A_227] : memref<10112x128xbf16, #tpu.memory_space<vmem_shared>> -> memref<10112x128xbf16, #tpu.memory_space<vmem_shared>>
        tpu.wait_indirect_dma semaphore(%run_scoped3A_216 : memref<!tpu.dma_semaphore, #tpu.memory_space<semaphore_mem>>) src(%arg10 : memref<200x128xbf16, #tpu.memory_space<vmem>>) dst(%dma_wait3A_228 : memref<10112x128xbf16, #tpu.memory_space<vmem_shared>>)
        tpu.yield
      }) : () -> ()
      %add3A_178 = arith.constant 2 : i32
      %add3A_179 = arith.addi %add3A_142, %add3A_178 : i32
      %add3A_180 = arith.constant 3 : i32
      %add3A_181 = arith.addi %add3A_179, %add3A_180 : i32
      %lt3A_182 = arith.constant 50 : i32
      %lt3A_183 = arith.cmpi slt, %add3A_181, %lt3A_182 : i32
      %convert_element_type3A_184 = arith.extui %lt3A_183 : i1 to i32
      %cond3A_185 = arith.constant 0 : i32
      %cond3A_186 = arith.cmpi ne, %convert_element_type3A_184, %cond3A_185 : i32
      scf.if %cond3A_186 {
        %add3A_216 = arith.constant 2 : i32
        %add3A_217 = arith.addi %add3A_142, %add3A_216 : i32
        %add3A_218 = arith.constant 3 : i32
        %add3A_219 = arith.addi %add3A_217, %add3A_218 : i32
        %dma_start3A_220 = arith.constant 0 : i32
        %dma_start3A_221 = tpu.memref_slice %arg7[%add3A_219, %dma_start3A_220] : memref<50x200xi32, #tpu.memory_space<vmem>> -> memref<1x200xi32, #tpu.memory_space<vmem>>
        %dma_start3A_222 = tpu.memref_squeeze %dma_start3A_221 : memref<1x200xi32, #tpu.memory_space<vmem>> -> memref<200xi32, #tpu.memory_space<vmem>>
        %dma_start3A_223 = arith.constant 0 : i32
        %dma_start3A_224 = arith.constant 0 : i32
        %dma_start3A_225 = tpu.memref_slice %arg2[%dma_start3A_223, %dma_start3A_224] : memref<10000x128xbf16, #tpu.memory_space<hbm>> -> memref<10000x128xbf16, #tpu.memory_space<hbm>>
        tpu.enqueue_indirect_dma source(%dma_start3A_225 : memref<10000x128xbf16, #tpu.memory_space<hbm>>) target(%arg10 : memref<200x128xbf16, #tpu.memory_space<vmem>>) offsets(%dma_start3A_222 : memref<200xi32, #tpu.memory_space<vmem>>) semaphore(%arg14 : memref<!tpu.dma_semaphore, #tpu.memory_space<semaphore_mem>>)
      } else {
      }
      %add3A_187 = arith.constant 2 : i32
      %add3A_188 = arith.addi %add3A_142, %add3A_187 : i32
      %dma_wait3A_189 = arith.constant 0 : i32
      %dma_wait3A_190 = tpu.memref_slice %arg7[%add3A_188, %dma_wait3A_189] : memref<50x200xi32, #tpu.memory_space<vmem>> -> memref<1x200xi32, #tpu.memory_space<vmem>>
      %dma_wait3A_191 = tpu.memref_squeeze %dma_wait3A_190 : memref<1x200xi32, #tpu.memory_space<vmem>> -> memref<200xi32, #tpu.memory_space<vmem>>
      %dma_wait3A_192 = arith.constant 0 : i32
      %dma_wait3A_193 = arith.constant 0 : i32
      %dma_wait3A_194 = tpu.memref_slice %arg2[%dma_wait3A_192, %dma_wait3A_193] : memref<10000x128xbf16, #tpu.memory_space<hbm>> -> memref<10000x128xbf16, #tpu.memory_space<hbm>>
      tpu.wait_indirect_dma semaphore(%arg15 : memref<!tpu.dma_semaphore, #tpu.memory_space<semaphore_mem>>) src(%dma_wait3A_194 : memref<10000x128xbf16, #tpu.memory_space<hbm>>) dst(%arg11 : memref<200x128xbf16, #tpu.memory_space<vmem>>)
      %add3A_195 = arith.constant 2 : i32
      %add3A_196 = arith.addi %add3A_142, %add3A_195 : i32
      "tpu.region"() ({
        %run_scoped3A_216 = tpu.sem_alloc : memref<!tpu.dma_semaphore, #tpu.memory_space<semaphore_mem>>
        %dma_start3A_217 = arith.constant 0 : i32
        %dma_start3A_218 = tpu.memref_slice %arg8[%add3A_196, %dma_start3A_217] : memref<50x200xi32, #tpu.memory_space<vmem>> -> memref<1x200xi32, #tpu.memory_space<vmem>>
        %dma_start3A_219 = tpu.memref_squeeze %dma_start3A_218 : memref<1x200xi32, #tpu.memory_space<vmem>> -> memref<200xi32, #tpu.memory_space<vmem>>
        %dma_start3A_220 = arith.constant 0 : i32
        %dma_start3A_221 = arith.constant 0 : i32
        %dma_start3A_222 = tpu.memref_slice %arg6[%dma_start3A_220, %dma_start3A_221] : memref<10112x128xbf16, #tpu.memory_space<vmem_shared>> -> memref<10112x128xbf16, #tpu.memory_space<vmem_shared>>
        tpu.enqueue_indirect_dma source(%arg11 : memref<200x128xbf16, #tpu.memory_space<vmem>>) target(%dma_start3A_222 : memref<10112x128xbf16, #tpu.memory_space<vmem_shared>>) offsets(%dma_start3A_219 : memref<200xi32, #tpu.memory_space<vmem>>) semaphore(%run_scoped3A_216 : memref<!tpu.dma_semaphore, #tpu.memory_space<semaphore_mem>>) {add = true}
        %dma_wait3A_223 = arith.constant 0 : i32
        %dma_wait3A_224 = tpu.memref_slice %arg8[%add3A_196, %dma_wait3A_223] : memref<50x200xi32, #tpu.memory_space<vmem>> -> memref<1x200xi32, #tpu.memory_space<vmem>>
        %dma_wait3A_225 = tpu.memref_squeeze %dma_wait3A_224 : memref<1x200xi32, #tpu.memory_space<vmem>> -> memref<200xi32, #tpu.memory_space<vmem>>
        %dma_wait3A_226 = arith.constant 0 : i32
        %dma_wait3A_227 = arith.constant 0 : i32
        %dma_wait3A_228 = tpu.memref_slice %arg6[%dma_wait3A_226, %dma_wait3A_227] : memref<10112x128xbf16, #tpu.memory_space<vmem_shared>> -> memref<10112x128xbf16, #tpu.memory_space<vmem_shared>>
        tpu.wait_indirect_dma semaphore(%run_scoped3A_216 : memref<!tpu.dma_semaphore, #tpu.memory_space<semaphore_mem>>) src(%arg11 : memref<200x128xbf16, #tpu.memory_space<vmem>>) dst(%dma_wait3A_228 : memref<10112x128xbf16, #tpu.memory_space<vmem_shared>>)
        tpu.yield
      }) : () -> ()
      %add3A_197 = arith.constant 3 : i32
      %add3A_198 = arith.addi %add3A_142, %add3A_197 : i32
      %add3A_199 = arith.constant 3 : i32
      %add3A_200 = arith.addi %add3A_198, %add3A_199 : i32
      %lt3A_201 = arith.constant 50 : i32
      %lt3A_202 = arith.cmpi slt, %add3A_200, %lt3A_201 : i32
      %convert_element_type3A_203 = arith.extui %lt3A_202 : i1 to i32
      %cond3A_204 = arith.constant 0 : i32
      %cond3A_205 = arith.cmpi ne, %convert_element_type3A_203, %cond3A_204 : i32
      scf.if %cond3A_205 {
        %add3A_216 = arith.constant 3 : i32
        %add3A_217 = arith.addi %add3A_142, %add3A_216 : i32
        %add3A_218 = arith.constant 3 : i32
        %add3A_219 = arith.addi %add3A_217, %add3A_218 : i32
        %dma_start3A_220 = arith.constant 0 : i32
        %dma_start3A_221 = tpu.memref_slice %arg7[%add3A_219, %dma_start3A_220] : memref<50x200xi32, #tpu.memory_space<vmem>> -> memref<1x200xi32, #tpu.memory_space<vmem>>
        %dma_start3A_222 = tpu.memref_squeeze %dma_start3A_221 : memref<1x200xi32, #tpu.memory_space<vmem>> -> memref<200xi32, #tpu.memory_space<vmem>>
        %dma_start3A_223 = arith.constant 0 : i32
        %dma_start3A_224 = arith.constant 0 : i32
        %dma_start3A_225 = tpu.memref_slice %arg2[%dma_start3A_223, %dma_start3A_224] : memref<10000x128xbf16, #tpu.memory_space<hbm>> -> memref<10000x128xbf16, #tpu.memory_space<hbm>>
        tpu.enqueue_indirect_dma source(%dma_start3A_225 : memref<10000x128xbf16, #tpu.memory_space<hbm>>) target(%arg11 : memref<200x128xbf16, #tpu.memory_space<vmem>>) offsets(%dma_start3A_222 : memref<200xi32, #tpu.memory_space<vmem>>) semaphore(%arg15 : memref<!tpu.dma_semaphore, #tpu.memory_space<semaphore_mem>>)
      } else {
      }
      %add3A_206 = arith.constant 3 : i32
      %add3A_207 = arith.addi %add3A_142, %add3A_206 : i32
      %dma_wait3A_208 = arith.constant 0 : i32
      %dma_wait3A_209 = tpu.memref_slice %arg7[%add3A_207, %dma_wait3A_208] : memref<50x200xi32, #tpu.memory_space<vmem>> -> memref<1x200xi32, #tpu.memory_space<vmem>>
      %dma_wait3A_210 = tpu.memref_squeeze %dma_wait3A_209 : memref<1x200xi32, #tpu.memory_space<vmem>> -> memref<200xi32, #tpu.memory_space<vmem>>
      %dma_wait3A_211 = arith.constant 0 : i32
      %dma_wait3A_212 = arith.constant 0 : i32
      %dma_wait3A_213 = tpu.memref_slice %arg2[%dma_wait3A_211, %dma_wait3A_212] : memref<10000x128xbf16, #tpu.memory_space<hbm>> -> memref<10000x128xbf16, #tpu.memory_space<hbm>>
      tpu.wait_indirect_dma semaphore(%arg16 : memref<!tpu.dma_semaphore, #tpu.memory_space<semaphore_mem>>) src(%dma_wait3A_213 : memref<10000x128xbf16, #tpu.memory_space<hbm>>) dst(%arg12 : memref<200x128xbf16, #tpu.memory_space<vmem>>)
      %add3A_214 = arith.constant 3 : i32
      %add3A_215 = arith.addi %add3A_142, %add3A_214 : i32
      "tpu.region"() ({
        %run_scoped3A_216 = tpu.sem_alloc : memref<!tpu.dma_semaphore, #tpu.memory_space<semaphore_mem>>
        %dma_start3A_217 = arith.constant 0 : i32
        %dma_start3A_218 = tpu.memref_slice %arg8[%add3A_215, %dma_start3A_217] : memref<50x200xi32, #tpu.memory_space<vmem>> -> memref<1x200xi32, #tpu.memory_space<vmem>>
        %dma_start3A_219 = tpu.memref_squeeze %dma_start3A_218 : memref<1x200xi32, #tpu.memory_space<vmem>> -> memref<200xi32, #tpu.memory_space<vmem>>
        %dma_start3A_220 = arith.constant 0 : i32
        %dma_start3A_221 = arith.constant 0 : i32
        %dma_start3A_222 = tpu.memref_slice %arg6[%dma_start3A_220, %dma_start3A_221] : memref<10112x128xbf16, #tpu.memory_space<vmem_shared>> -> memref<10112x128xbf16, #tpu.memory_space<vmem_shared>>
        tpu.enqueue_indirect_dma source(%arg12 : memref<200x128xbf16, #tpu.memory_space<vmem>>) target(%dma_start3A_222 : memref<10112x128xbf16, #tpu.memory_space<vmem_shared>>) offsets(%dma_start3A_219 : memref<200xi32, #tpu.memory_space<vmem>>) semaphore(%run_scoped3A_216 : memref<!tpu.dma_semaphore, #tpu.memory_space<semaphore_mem>>) {add = true}
        %dma_wait3A_223 = arith.constant 0 : i32
        %dma_wait3A_224 = tpu.memref_slice %arg8[%add3A_215, %dma_wait3A_223] : memref<50x200xi32, #tpu.memory_space<vmem>> -> memref<1x200xi32, #tpu.memory_space<vmem>>
        %dma_wait3A_225 = tpu.memref_squeeze %dma_wait3A_224 : memref<1x200xi32, #tpu.memory_space<vmem>> -> memref<200xi32, #tpu.memory_space<vmem>>
        %dma_wait3A_226 = arith.constant 0 : i32
        %dma_wait3A_227 = arith.constant 0 : i32
        %dma_wait3A_228 = tpu.memref_slice %arg6[%dma_wait3A_226, %dma_wait3A_227] : memref<10112x128xbf16, #tpu.memory_space<vmem_shared>> -> memref<10112x128xbf16, #tpu.memory_space<vmem_shared>>
        tpu.wait_indirect_dma semaphore(%run_scoped3A_216 : memref<!tpu.dma_semaphore, #tpu.memory_space<semaphore_mem>>) src(%arg12 : memref<200x128xbf16, #tpu.memory_space<vmem>>) dst(%dma_wait3A_228 : memref<10112x128xbf16, #tpu.memory_space<vmem_shared>>)
        tpu.yield
      }) : () -> ()
    }
    %scan3A_121 = arith.constant 12 : i32
    %dma_wait3A_122 = arith.constant 48 : i32
    %dma_wait3A_123 = arith.constant 0 : i32
    %dma_wait3A_124 = tpu.memref_slice %arg7[%dma_wait3A_122, %dma_wait3A_123] : memref<50x200xi32, #tpu.memory_space<vmem>> -> memref<1x200xi32, #tpu.memory_space<vmem>>
    %dma_wait3A_125 = tpu.memref_squeeze %dma_wait3A_124 : memref<1x200xi32, #tpu.memory_space<vmem>> -> memref<200xi32, #tpu.memory_space<vmem>>
    %dma_wait3A_126 = arith.constant 0 : i32
    %dma_wait3A_127 = arith.constant 0 : i32
    %dma_wait3A_128 = tpu.memref_slice %arg2[%dma_wait3A_126, %dma_wait3A_127] : memref<10000x128xbf16, #tpu.memory_space<hbm>> -> memref<10000x128xbf16, #tpu.memory_space<hbm>>
    tpu.wait_indirect_dma semaphore(%arg13 : memref<!tpu.dma_semaphore, #tpu.memory_space<semaphore_mem>>) src(%dma_wait3A_128 : memref<10000x128xbf16, #tpu.memory_space<hbm>>) dst(%arg9 : memref<200x128xbf16, #tpu.memory_space<vmem>>)
    %run_scoped3A = arith.constant 48 : i32
    "tpu.region"() ({
      %run_scoped3A_138 = tpu.sem_alloc : memref<!tpu.dma_semaphore, #tpu.memory_space<semaphore_mem>>
      %dma_start3A_139 = arith.constant 0 : i32
      %dma_start3A_140 = tpu.memref_slice %arg8[%run_scoped3A, %dma_start3A_139] : memref<50x200xi32, #tpu.memory_space<vmem>> -> memref<1x200xi32, #tpu.memory_space<vmem>>
      %dma_start3A_141 = tpu.memref_squeeze %dma_start3A_140 : memref<1x200xi32, #tpu.memory_space<vmem>> -> memref<200xi32, #tpu.memory_space<vmem>>
      %dma_start3A_142 = arith.constant 0 : i32
      %dma_start3A_143 = arith.constant 0 : i32
      %dma_start3A_144 = tpu.memref_slice %arg6[%dma_start3A_142, %dma_start3A_143] : memref<10112x128xbf16, #tpu.memory_space<vmem_shared>> -> memref<10112x128xbf16, #tpu.memory_space<vmem_shared>>
      tpu.enqueue_indirect_dma source(%arg9 : memref<200x128xbf16, #tpu.memory_space<vmem>>) target(%dma_start3A_144 : memref<10112x128xbf16, #tpu.memory_space<vmem_shared>>) offsets(%dma_start3A_141 : memref<200xi32, #tpu.memory_space<vmem>>) semaphore(%run_scoped3A_138 : memref<!tpu.dma_semaphore, #tpu.memory_space<semaphore_mem>>) {add = true}
      %dma_wait3A_145 = arith.constant 0 : i32
      %dma_wait3A_146 = tpu.memref_slice %arg8[%run_scoped3A, %dma_wait3A_145] : memref<50x200xi32, #tpu.memory_space<vmem>> -> memref<1x200xi32, #tpu.memory_space<vmem>>
      %dma_wait3A_147 = tpu.memref_squeeze %dma_wait3A_146 : memref<1x200xi32, #tpu.memory_space<vmem>> -> memref<200xi32, #tpu.memory_space<vmem>>
      %dma_wait3A_148 = arith.constant 0 : i32
      %dma_wait3A_149 = arith.constant 0 : i32
      %dma_wait3A_150 = tpu.memref_slice %arg6[%dma_wait3A_148, %dma_wait3A_149] : memref<10112x128xbf16, #tpu.memory_space<vmem_shared>> -> memref<10112x128xbf16, #tpu.memory_space<vmem_shared>>
      tpu.wait_indirect_dma semaphore(%run_scoped3A_138 : memref<!tpu.dma_semaphore, #tpu.memory_space<semaphore_mem>>) src(%arg9 : memref<200x128xbf16, #tpu.memory_space<vmem>>) dst(%dma_wait3A_150 : memref<10112x128xbf16, #tpu.memory_space<vmem_shared>>)
      tpu.yield
    }) : () -> ()
    %dma_wait3A_129 = arith.constant 49 : i32
    %dma_wait3A_130 = arith.constant 0 : i32
    %dma_wait3A_131 = tpu.memref_slice %arg7[%dma_wait3A_129, %dma_wait3A_130] : memref<50x200xi32, #tpu.memory_space<vmem>> -> memref<1x200xi32, #tpu.memory_space<vmem>>
    %dma_wait3A_132 = tpu.memref_squeeze %dma_wait3A_131 : memref<1x200xi32, #tpu.memory_space<vmem>> -> memref<200xi32, #tpu.memory_space<vmem>>
    %dma_wait3A_133 = arith.constant 0 : i32
    %dma_wait3A_134 = arith.constant 0 : i32
    %dma_wait3A_135 = tpu.memref_slice %arg2[%dma_wait3A_133, %dma_wait3A_134] : memref<10000x128xbf16, #tpu.memory_space<hbm>> -> memref<10000x128xbf16, #tpu.memory_space<hbm>>
    tpu.wait_indirect_dma semaphore(%arg14 : memref<!tpu.dma_semaphore, #tpu.memory_space<semaphore_mem>>) src(%dma_wait3A_135 : memref<10000x128xbf16, #tpu.memory_space<hbm>>) dst(%arg10 : memref<200x128xbf16, #tpu.memory_space<vmem>>)
    %run_scoped3A_136 = arith.constant 49 : i32
    "tpu.region"() ({
      %run_scoped3A_138 = tpu.sem_alloc : memref<!tpu.dma_semaphore, #tpu.memory_space<semaphore_mem>>
      %dma_start3A_139 = arith.constant 0 : i32
      %dma_start3A_140 = tpu.memref_slice %arg8[%run_scoped3A_136, %dma_start3A_139] : memref<50x200xi32, #tpu.memory_space<vmem>> -> memref<1x200xi32, #tpu.memory_space<vmem>>
      %dma_start3A_141 = tpu.memref_squeeze %dma_start3A_140 : memref<1x200xi32, #tpu.memory_space<vmem>> -> memref<200xi32, #tpu.memory_space<vmem>>
      %dma_start3A_142 = arith.constant 0 : i32
      %dma_start3A_143 = arith.constant 0 : i32
      %dma_start3A_144 = tpu.memref_slice %arg6[%dma_start3A_142, %dma_start3A_143] : memref<10112x128xbf16, #tpu.memory_space<vmem_shared>> -> memref<10112x128xbf16, #tpu.memory_space<vmem_shared>>
      tpu.enqueue_indirect_dma source(%arg10 : memref<200x128xbf16, #tpu.memory_space<vmem>>) target(%dma_start3A_144 : memref<10112x128xbf16, #tpu.memory_space<vmem_shared>>) offsets(%dma_start3A_141 : memref<200xi32, #tpu.memory_space<vmem>>) semaphore(%run_scoped3A_138 : memref<!tpu.dma_semaphore, #tpu.memory_space<semaphore_mem>>) {add = true}
      %dma_wait3A_145 = arith.constant 0 : i32
      %dma_wait3A_146 = tpu.memref_slice %arg8[%run_scoped3A_136, %dma_wait3A_145] : memref<50x200xi32, #tpu.memory_space<vmem>> -> memref<1x200xi32, #tpu.memory_space<vmem>>
      %dma_wait3A_147 = tpu.memref_squeeze %dma_wait3A_146 : memref<1x200xi32, #tpu.memory_space<vmem>> -> memref<200xi32, #tpu.memory_space<vmem>>
      %dma_wait3A_148 = arith.constant 0 : i32
      %dma_wait3A_149 = arith.constant 0 : i32
      %dma_wait3A_150 = tpu.memref_slice %arg6[%dma_wait3A_148, %dma_wait3A_149] : memref<10112x128xbf16, #tpu.memory_space<vmem_shared>> -> memref<10112x128xbf16, #tpu.memory_space<vmem_shared>>
      tpu.wait_indirect_dma semaphore(%run_scoped3A_138 : memref<!tpu.dma_semaphore, #tpu.memory_space<semaphore_mem>>) src(%arg10 : memref<200x128xbf16, #tpu.memory_space<vmem>>) dst(%dma_wait3A_150 : memref<10112x128xbf16, #tpu.memory_space<vmem_shared>>)
      tpu.yield
    }) : () -> ()
    %barrier3A_137 = arith.constant 0 : index
    tpu.barrier barrier_id(%barrier3A_137)
    "tpu.region"() ({
      %run_scoped3A_138 = tpu.sem_alloc : memref<!tpu.dma_semaphore, #tpu.memory_space<semaphore_mem>>
      %dma_start3A_139 = arith.constant 0 : i32
      %dma_start3A_140 = tpu.memref_slice %arg5[%arg0, %mul3A_7, %dma_start3A_139] : memref<2x10112x128xbf16, #tpu.memory_space<hbm>> -> memref<1x632x128xbf16, #tpu.memory_space<hbm>>
      %dma_start3A_141 = tpu.memref_squeeze %dma_start3A_140 : memref<1x632x128xbf16, #tpu.memory_space<hbm>> -> memref<632x128xbf16, #tpu.memory_space<hbm>>
      %dma_start3A_142 = arith.constant 0 : i32
      %dma_start3A_143 = tpu.memref_slice %arg6[%mul3A_7, %dma_start3A_142] : memref<10112x128xbf16, #tpu.memory_space<vmem_shared>> -> memref<632x128xbf16, #tpu.memory_space<vmem_shared>>
      tpu.enqueue_dma source(%dma_start3A_143 : memref<632x128xbf16, #tpu.memory_space<vmem_shared>>) target(%dma_start3A_141 : memref<632x128xbf16, #tpu.memory_space<hbm>>) target_semaphore(%run_scoped3A_138 : memref<!tpu.dma_semaphore, #tpu.memory_space<semaphore_mem>>)
      %dma_wait3A_144 = arith.constant 0 : i32
      %dma_wait3A_145 = tpu.memref_slice %arg5[%arg0, %mul3A_7, %dma_wait3A_144] : memref<2x10112x128xbf16, #tpu.memory_space<hbm>> -> memref<1x632x128xbf16, #tpu.memory_space<hbm>>
      %dma_wait3A_146 = tpu.memref_squeeze %dma_wait3A_145 : memref<1x632x128xbf16, #tpu.memory_space<hbm>> -> memref<632x128xbf16, #tpu.memory_space<hbm>>
      %dma_wait3A_147 = arith.constant 0 : i32
      %dma_wait3A_148 = tpu.memref_slice %arg6[%mul3A_7, %dma_wait3A_147] : memref<10112x128xbf16, #tpu.memory_space<vmem_shared>> -> memref<632x128xbf16, #tpu.memory_space<vmem_shared>>
      tpu.wait_dma2 semaphore(%run_scoped3A_138 : memref<!tpu.dma_semaphore, #tpu.memory_space<semaphore_mem>>) src(%dma_wait3A_148 : memref<632x128xbf16, #tpu.memory_space<vmem_shared>>) dst(%dma_wait3A_146 : memref<632x128xbf16, #tpu.memory_space<hbm>>)
      tpu.yield
    }) : () -> ()
    return
  }
}

module attributes {stable_mosaic.version = 14 : i64} {
  func.func @_in_body(%arg0: memref<10000x128xf32, #tpu.memory_space<vmem>>, %arg1: memref<128x128xf32, #tpu.memory_space<vmem>>, %arg2: memref<128xf32, #tpu.memory_space<vmem>>, %arg3: memref<128xf32, #tpu.memory_space<vmem>>, %arg4: memref<128xf32, #tpu.memory_space<vmem>>, %arg5: memref<128x128xf32, #tpu.memory_space<vmem>>, %arg6: memref<128xf32, #tpu.memory_space<vmem>>, %arg7: memref<10000x128xbf16, #tpu.memory_space<vmem>>, %arg8: memref<10000x128xf32, #tpu.memory_space<vmem>>) attributes {dimension_semantics = [], scalar_prefetch = 0 : i64, scratch_operands = 0 : i64, tpu.core_type = #tpu.core_type<tc>} {
    %get3A = arith.constant 0 : index
    %get3A_0 = arith.constant 0 : index
    %get3A_1 = vector.load %arg0[%get3A, %get3A_0] : memref<10000x128xf32, #tpu.memory_space<vmem>>, vector<10000x128xf32>
    %get3A_2 = arith.constant 0 : index
    %get3A_3 = arith.constant 0 : index
    %get3A_4 = vector.load %arg1[%get3A_2, %get3A_3] : memref<128x128xf32, #tpu.memory_space<vmem>>, vector<128x128xf32>
    %dot_general3A = arith.constant dense<0.000000e+00> : vector<10000x128xf32>
    %dot_general3A_5 = tpu.matmul %get3A_1, %get3A_4, %dot_general3A {dimension_numbers = #tpu.dot_dimension_numbers<[1], [0], [0], [1], [0, 0, 1, 1], [], []>, transpose_lhs_hint = false} : vector<10000x128xf32>, vector<128x128xf32>, vector<10000x128xf32> -> vector<10000x128xf32>
    %get3A_6 = arith.constant 0 : index
    %get3A_7 = vector.load %arg2[%get3A_6] : memref<128xf32, #tpu.memory_space<vmem>>, vector<128xf32>
    %broadcast_in_dim3A = vector.shape_cast %get3A_7 : vector<128xf32> to vector<1x128xf32>
    %add3A = vector.broadcast %broadcast_in_dim3A : vector<1x128xf32> to vector<10000x128xf32>
    %add3A_8 = arith.addf %dot_general3A_5, %add3A : vector<10000x128xf32>
    %get3A_9 = arith.constant 0 : index
    %get3A_10 = vector.load %arg3[%get3A_9] : memref<128xf32, #tpu.memory_space<vmem>>, vector<128xf32>
    %get3A_11 = arith.constant 0 : index
    %get3A_12 = vector.load %arg4[%get3A_11] : memref<128xf32, #tpu.memory_space<vmem>>, vector<128xf32>
    %reduce_sum3A = arith.constant dense<0.000000e+00> : vector<10000xf32>
    %reduce_sum3A_13 = vector.multi_reduction <add>, %add3A_8, %reduce_sum3A [1] : vector<10000x128xf32> to vector<10000xf32>
    %broadcast_in_dim3A_14 = vector.shape_cast %reduce_sum3A_13 : vector<10000xf32> to vector<10000x1xf32>
    %div3A = arith.constant 1.280000e+02 : f32
    %div3A_15 = vector.broadcast %div3A : f32 to vector<10000x1xf32>
    %div3A_16 = arith.divf %broadcast_in_dim3A_14, %div3A_15 : vector<10000x1xf32>
    %sub3A = vector.broadcast %div3A_16 : vector<10000x1xf32> to vector<10000x128xf32>
    %sub3A_17 = arith.subf %add3A_8, %sub3A : vector<10000x128xf32>
    %sub3A_18 = vector.broadcast %div3A_16 : vector<10000x1xf32> to vector<10000x128xf32>
    %sub3A_19 = arith.subf %add3A_8, %sub3A_18 : vector<10000x128xf32>
    %mul3A = arith.mulf %sub3A_17, %sub3A_19 : vector<10000x128xf32>
    %reduce_sum3A_20 = arith.constant dense<0.000000e+00> : vector<10000xf32>
    %reduce_sum3A_21 = vector.multi_reduction <add>, %mul3A, %reduce_sum3A_20 [1] : vector<10000x128xf32> to vector<10000xf32>
    %broadcast_in_dim3A_22 = vector.shape_cast %reduce_sum3A_21 : vector<10000xf32> to vector<10000x1xf32>
    %div3A_23 = arith.constant 1.280000e+02 : f32
    %div3A_24 = vector.broadcast %div3A_23 : f32 to vector<10000x1xf32>
    %div3A_25 = arith.divf %broadcast_in_dim3A_22, %div3A_24 : vector<10000x1xf32>
    %sub3A_26 = vector.broadcast %div3A_16 : vector<10000x1xf32> to vector<10000x128xf32>
    %sub3A_27 = arith.subf %add3A_8, %sub3A_26 : vector<10000x128xf32>
    %add3A_28 = arith.constant 9.99999974E-6 : f32
    %add3A_29 = vector.broadcast %add3A_28 : f32 to vector<10000x1xf32>
    %add3A_30 = arith.addf %div3A_25, %add3A_29 : vector<10000x1xf32>
    %rsqrt3A = math.rsqrt %add3A_30 : vector<10000x1xf32>
    %mul3A_31 = vector.broadcast %rsqrt3A : vector<10000x1xf32> to vector<10000x128xf32>
    %mul3A_32 = arith.mulf %sub3A_27, %mul3A_31 : vector<10000x128xf32>
    %broadcast_in_dim3A_33 = vector.shape_cast %get3A_10 : vector<128xf32> to vector<1x128xf32>
    %mul3A_34 = vector.broadcast %broadcast_in_dim3A_33 : vector<1x128xf32> to vector<10000x128xf32>
    %mul3A_35 = arith.mulf %mul3A_32, %mul3A_34 : vector<10000x128xf32>
    %broadcast_in_dim3A_36 = vector.shape_cast %get3A_12 : vector<128xf32> to vector<1x128xf32>
    %add3A_37 = vector.broadcast %broadcast_in_dim3A_36 : vector<1x128xf32> to vector<10000x128xf32>
    %add3A_38 = arith.addf %mul3A_35, %add3A_37 : vector<10000x128xf32>
    %max3A = arith.constant 0.000000e+00 : f32
    %max3A_39 = vector.broadcast %max3A : f32 to vector<10000x128xf32>
    %max3A_40 = arith.maximumf %add3A_38, %max3A_39 : vector<10000x128xf32>
    %convert_element_type3A = arith.truncf %max3A_40 : vector<10000x128xf32> to vector<10000x128xbf16>
    %swap3A = arith.constant 0 : index
    %swap3A_41 = arith.constant 0 : index
    %swap3A_42 = vector.load %arg7[%swap3A, %swap3A_41] : memref<10000x128xbf16, #tpu.memory_space<vmem>>, vector<10000x128xbf16>
    tpu.vector_store %arg7[%swap3A, %swap3A_41], %convert_element_type3A {strides = array<i32>} : memref<10000x128xbf16, #tpu.memory_space<vmem>>, vector<10000x128xbf16>,
    %get3A_43 = arith.constant 0 : index
    %get3A_44 = arith.constant 0 : index
    %get3A_45 = vector.load %arg5[%get3A_43, %get3A_44] : memref<128x128xf32, #tpu.memory_space<vmem>>, vector<128x128xf32>
    %dot_general3A_46 = arith.constant dense<0.000000e+00> : vector<10000x128xf32>
    %dot_general3A_47 = tpu.matmul %max3A_40, %get3A_45, %dot_general3A_46 {dimension_numbers = #tpu.dot_dimension_numbers<[1], [0], [0], [1], [0, 0, 1, 1], [], []>, transpose_lhs_hint = false} : vector<10000x128xf32>, vector<128x128xf32>, vector<10000x128xf32> -> vector<10000x128xf32>
    %get3A_48 = arith.constant 0 : index
    %get3A_49 = vector.load %arg6[%get3A_48] : memref<128xf32, #tpu.memory_space<vmem>>, vector<128xf32>
    %broadcast_in_dim3A_50 = vector.shape_cast %get3A_49 : vector<128xf32> to vector<1x128xf32>
    %add3A_51 = vector.broadcast %broadcast_in_dim3A_50 : vector<1x128xf32> to vector<10000x128xf32>
    %add3A_52 = arith.addf %dot_general3A_47, %add3A_51 : vector<10000x128xf32>
    %swap3A_53 = arith.constant 0 : index
    %swap3A_54 = arith.constant 0 : index
    %swap3A_55 = vector.load %arg8[%swap3A_53, %swap3A_54] : memref<10000x128xf32, #tpu.memory_space<vmem>>, vector<10000x128xf32>
    tpu.vector_store %arg8[%swap3A_53, %swap3A_54], %add3A_52 {strides = array<i32>} : memref<10000x128xf32, #tpu.memory_space<vmem>>, vector<10000x128xf32>,
    return
  }
}

module attributes {stable_mosaic.version = 14 : i64} {
  func.func @_comb0_body(%arg0: memref<2x10112x128xbf16, #tpu.memory_space<vmem>>, %arg1: memref<2x10112x16xf32, #tpu.memory_space<vmem>>, %arg2: memref<10000x128xf32, #tpu.memory_space<vmem>>, %arg3: memref<128x128xf32, #tpu.memory_space<vmem>>, %arg4: memref<128xf32, #tpu.memory_space<vmem>>, %arg5: memref<128xf32, #tpu.memory_space<vmem>>, %arg6: memref<128x128xf32, #tpu.memory_space<vmem>>, %arg7: memref<128xf32, #tpu.memory_space<vmem>>, %arg8: memref<10000x128xf32, #tpu.memory_space<vmem>>, %arg9: memref<10000x128xbf16, #tpu.memory_space<vmem>>, %arg10: memref<10000x16xf32, #tpu.memory_space<vmem>>, %arg11: memref<10000x128xf32, #tpu.memory_space<vmem>>) attributes {dimension_semantics = [], scalar_prefetch = 0 : i64, scratch_operands = 0 : i64, tpu.core_type = #tpu.core_type<tc>} {
    %get3A = arith.constant 0 : index
    %get3A_0 = arith.constant 0 : index
    %get3A_1 = arith.constant 0 : index
    %get3A_2 = vector.load %arg1[%get3A, %get3A_0, %get3A_1] : memref<2x10112x16xf32, #tpu.memory_space<vmem>>, vector<1x10000x16xf32>
    %get3A_3 = vector.shape_cast %get3A_2 : vector<1x10000x16xf32> to vector<10000x16xf32>
    %get3A_4 = arith.constant 1 : index
    %get3A_5 = arith.constant 0 : index
    %get3A_6 = arith.constant 0 : index
    %get3A_7 = vector.load %arg1[%get3A_4, %get3A_5, %get3A_6] : memref<2x10112x16xf32, #tpu.memory_space<vmem>>, vector<1x10000x16xf32>
    %get3A_8 = vector.shape_cast %get3A_7 : vector<1x10000x16xf32> to vector<10000x16xf32>
    %add3A = arith.addf %get3A_3, %get3A_8 : vector<10000x16xf32>
    %max3A = arith.constant 1.000000e+00 : f32
    %max3A_9 = vector.broadcast %max3A : f32 to vector<10000x16xf32>
    %max3A_10 = arith.maximumf %add3A, %max3A_9 : vector<10000x16xf32>
    %div3A = arith.constant 1.000000e+00 : f32
    %div3A_11 = vector.broadcast %div3A : f32 to vector<10000x16xf32>
    %div3A_12 = arith.divf %div3A_11, %max3A_10 : vector<10000x16xf32>
    %swap3A = arith.constant 0 : index
    %swap3A_13 = arith.constant 0 : index
    %swap3A_14 = vector.load %arg10[%swap3A, %swap3A_13] : memref<10000x16xf32, #tpu.memory_space<vmem>>, vector<10000x16xf32>
    tpu.vector_store %arg10[%swap3A, %swap3A_13], %div3A_12 {strides = array<i32>} : memref<10000x16xf32, #tpu.memory_space<vmem>>, vector<10000x16xf32>,
    %slice3A = vector.extract_strided_slice %div3A_12 {offsets = [0, 0], sizes = [10000, 1], strides = [1, 1]} : vector<10000x16xf32> to vector<10000x1xf32>
    %get3A_15 = arith.constant 0 : index
    %get3A_16 = arith.constant 0 : index
    %get3A_17 = arith.constant 0 : index
    %get3A_18 = vector.load %arg0[%get3A_15, %get3A_16, %get3A_17] : memref<2x10112x128xbf16, #tpu.memory_space<vmem>>, vector<1x10000x128xbf16>
    %get3A_19 = vector.shape_cast %get3A_18 : vector<1x10000x128xbf16> to vector<10000x128xbf16>
    %convert_element_type3A = arith.extf %get3A_19 : vector<10000x128xbf16> to vector<10000x128xf32>
    %get3A_20 = arith.constant 1 : index
    %get3A_21 = arith.constant 0 : index
    %get3A_22 = arith.constant 0 : index
    %get3A_23 = vector.load %arg0[%get3A_20, %get3A_21, %get3A_22] : memref<2x10112x128xbf16, #tpu.memory_space<vmem>>, vector<1x10000x128xbf16>
    %get3A_24 = vector.shape_cast %get3A_23 : vector<1x10000x128xbf16> to vector<10000x128xbf16>
    %convert_element_type3A_25 = arith.extf %get3A_24 : vector<10000x128xbf16> to vector<10000x128xf32>
    %add3A_26 = arith.addf %convert_element_type3A, %convert_element_type3A_25 : vector<10000x128xf32>
    %mul3A = vector.broadcast %slice3A : vector<10000x1xf32> to vector<10000x128xf32>
    %mul3A_27 = arith.mulf %add3A_26, %mul3A : vector<10000x128xf32>
    %get3A_28 = arith.constant 0 : index
    %get3A_29 = arith.constant 0 : index
    %get3A_30 = vector.load %arg3[%get3A_28, %get3A_29] : memref<128x128xf32, #tpu.memory_space<vmem>>, vector<128x128xf32>
    %dot_general3A = arith.constant dense<0.000000e+00> : vector<10000x128xf32>
    %dot_general3A_31 = tpu.matmul %mul3A_27, %get3A_30, %dot_general3A {dimension_numbers = #tpu.dot_dimension_numbers<[1], [0], [0], [1], [0, 0, 1, 1], [], []>, transpose_lhs_hint = false} : vector<10000x128xf32>, vector<128x128xf32>, vector<10000x128xf32> -> vector<10000x128xf32>
    %get3A_32 = arith.constant 0 : index
    %get3A_33 = arith.constant 0 : index
    %get3A_34 = vector.load %arg2[%get3A_32, %get3A_33] : memref<10000x128xf32, #tpu.memory_space<vmem>>, vector<10000x128xf32>
    %add3A_35 = arith.addf %dot_general3A_31, %get3A_34 : vector<10000x128xf32>
    %mul3A_36 = arith.mulf %add3A_35, %add3A_35 : vector<10000x128xf32>
    %reduce_sum3A = arith.constant dense<0.000000e+00> : vector<10000xf32>
    %reduce_sum3A_37 = vector.multi_reduction <add>, %mul3A_36, %reduce_sum3A [1] : vector<10000x128xf32> to vector<10000xf32>
    %broadcast_in_dim3A = vector.shape_cast %reduce_sum3A_37 : vector<10000xf32> to vector<10000x1xf32>
    %sqrt3A = math.sqrt %broadcast_in_dim3A : vector<10000x1xf32>
    %max3A_38 = arith.constant 9.99999996E-13 : f32
    %max3A_39 = vector.broadcast %max3A_38 : f32 to vector<10000x1xf32>
    %max3A_40 = arith.maximumf %sqrt3A, %max3A_39 : vector<10000x1xf32>
    %div3A_41 = vector.broadcast %max3A_40 : vector<10000x1xf32> to vector<10000x128xf32>
    %div3A_42 = arith.divf %add3A_35, %div3A_41 : vector<10000x128xf32>
    %get3A_43 = arith.constant 0 : index
    %get3A_44 = vector.load %arg4[%get3A_43] : memref<128xf32, #tpu.memory_space<vmem>>, vector<128xf32>
    %get3A_45 = arith.constant 0 : index
    %get3A_46 = vector.load %arg5[%get3A_45] : memref<128xf32, #tpu.memory_space<vmem>>, vector<128xf32>
    %reduce_sum3A_47 = arith.constant dense<0.000000e+00> : vector<10000xf32>
    %reduce_sum3A_48 = vector.multi_reduction <add>, %div3A_42, %reduce_sum3A_47 [1] : vector<10000x128xf32> to vector<10000xf32>
    %broadcast_in_dim3A_49 = vector.shape_cast %reduce_sum3A_48 : vector<10000xf32> to vector<10000x1xf32>
    %div3A_50 = arith.constant 1.280000e+02 : f32
    %div3A_51 = vector.broadcast %div3A_50 : f32 to vector<10000x1xf32>
    %div3A_52 = arith.divf %broadcast_in_dim3A_49, %div3A_51 : vector<10000x1xf32>
    %sub3A = vector.broadcast %div3A_52 : vector<10000x1xf32> to vector<10000x128xf32>
    %sub3A_53 = arith.subf %div3A_42, %sub3A : vector<10000x128xf32>
    %sub3A_54 = vector.broadcast %div3A_52 : vector<10000x1xf32> to vector<10000x128xf32>
    %sub3A_55 = arith.subf %div3A_42, %sub3A_54 : vector<10000x128xf32>
    %mul3A_56 = arith.mulf %sub3A_53, %sub3A_55 : vector<10000x128xf32>
    %reduce_sum3A_57 = arith.constant dense<0.000000e+00> : vector<10000xf32>
    %reduce_sum3A_58 = vector.multi_reduction <add>, %mul3A_56, %reduce_sum3A_57 [1] : vector<10000x128xf32> to vector<10000xf32>
    %broadcast_in_dim3A_59 = vector.shape_cast %reduce_sum3A_58 : vector<10000xf32> to vector<10000x1xf32>
    %div3A_60 = arith.constant 1.280000e+02 : f32
    %div3A_61 = vector.broadcast %div3A_60 : f32 to vector<10000x1xf32>
    %div3A_62 = arith.divf %broadcast_in_dim3A_59, %div3A_61 : vector<10000x1xf32>
    %sub3A_63 = vector.broadcast %div3A_52 : vector<10000x1xf32> to vector<10000x128xf32>
    %sub3A_64 = arith.subf %div3A_42, %sub3A_63 : vector<10000x128xf32>
    %add3A_65 = arith.constant 9.99999974E-6 : f32
    %add3A_66 = vector.broadcast %add3A_65 : f32 to vector<10000x1xf32>
    %add3A_67 = arith.addf %div3A_62, %add3A_66 : vector<10000x1xf32>
    %rsqrt3A = math.rsqrt %add3A_67 : vector<10000x1xf32>
    %mul3A_68 = vector.broadcast %rsqrt3A : vector<10000x1xf32> to vector<10000x128xf32>
    %mul3A_69 = arith.mulf %sub3A_64, %mul3A_68 : vector<10000x128xf32>
    %broadcast_in_dim3A_70 = vector.shape_cast %get3A_44 : vector<128xf32> to vector<1x128xf32>
    %mul3A_71 = vector.broadcast %broadcast_in_dim3A_70 : vector<1x128xf32> to vector<10000x128xf32>
    %mul3A_72 = arith.mulf %mul3A_69, %mul3A_71 : vector<10000x128xf32>
    %broadcast_in_dim3A_73 = vector.shape_cast %get3A_46 : vector<128xf32> to vector<1x128xf32>
    %add3A_74 = vector.broadcast %broadcast_in_dim3A_73 : vector<1x128xf32> to vector<10000x128xf32>
    %add3A_75 = arith.addf %mul3A_72, %add3A_74 : vector<10000x128xf32>
    %max3A_76 = arith.constant 0.000000e+00 : f32
    %max3A_77 = vector.broadcast %max3A_76 : f32 to vector<10000x128xf32>
    %max3A_78 = arith.maximumf %add3A_75, %max3A_77 : vector<10000x128xf32>
    %swap3A_79 = arith.constant 0 : index
    %swap3A_80 = arith.constant 0 : index
    %swap3A_81 = vector.load %arg8[%swap3A_79, %swap3A_80] : memref<10000x128xf32, #tpu.memory_space<vmem>>, vector<10000x128xf32>
    tpu.vector_store %arg8[%swap3A_79, %swap3A_80], %max3A_78 {strides = array<i32>} : memref<10000x128xf32, #tpu.memory_space<vmem>>, vector<10000x128xf32>,
    %convert_element_type3A_82 = arith.truncf %max3A_78 : vector<10000x128xf32> to vector<10000x128xbf16>
    %swap3A_83 = arith.constant 0 : index
    %swap3A_84 = arith.constant 0 : index
    %swap3A_85 = vector.load %arg9[%swap3A_83, %swap3A_84] : memref<10000x128xbf16, #tpu.memory_space<vmem>>, vector<10000x128xbf16>
    tpu.vector_store %arg9[%swap3A_83, %swap3A_84], %convert_element_type3A_82 {strides = array<i32>} : memref<10000x128xbf16, #tpu.memory_space<vmem>>, vector<10000x128xbf16>,
    %get3A_86 = arith.constant 0 : index
    %get3A_87 = arith.constant 0 : index
    %get3A_88 = vector.load %arg6[%get3A_86, %get3A_87] : memref<128x128xf32, #tpu.memory_space<vmem>>, vector<128x128xf32>
    %dot_general3A_89 = arith.constant dense<0.000000e+00> : vector<10000x128xf32>
    %dot_general3A_90 = tpu.matmul %max3A_78, %get3A_88, %dot_general3A_89 {dimension_numbers = #tpu.dot_dimension_numbers<[1], [0], [0], [1], [0, 0, 1, 1], [], []>, transpose_lhs_hint = false} : vector<10000x128xf32>, vector<128x128xf32>, vector<10000x128xf32> -> vector<10000x128xf32>
    %get3A_91 = arith.constant 0 : index
    %get3A_92 = vector.load %arg7[%get3A_91] : memref<128xf32, #tpu.memory_space<vmem>>, vector<128xf32>
    %broadcast_in_dim3A_93 = vector.shape_cast %get3A_92 : vector<128xf32> to vector<1x128xf32>
    %add3A_94 = vector.broadcast %broadcast_in_dim3A_93 : vector<1x128xf32> to vector<10000x128xf32>
    %add3A_95 = arith.addf %dot_general3A_90, %add3A_94 : vector<10000x128xf32>
    %swap3A_96 = arith.constant 0 : index
    %swap3A_97 = arith.constant 0 : index
    %swap3A_98 = vector.load %arg11[%swap3A_96, %swap3A_97] : memref<10000x128xf32, #tpu.memory_space<vmem>>, vector<10000x128xf32>
    tpu.vector_store %arg11[%swap3A_96, %swap3A_97], %add3A_95 {strides = array<i32>} : memref<10000x128xf32, #tpu.memory_space<vmem>>, vector<10000x128xf32>,
    return
  }
}

module attributes {stable_mosaic.version = 14 : i64} {
  func.func @_comb_last_head_body(%arg0: memref<2x10112x128xbf16, #tpu.memory_space<vmem>>, %arg1: memref<10000x16xf32, #tpu.memory_space<vmem>>, %arg2: memref<10000x128xf32, #tpu.memory_space<vmem>>, %arg3: memref<128x128xf32, #tpu.memory_space<vmem>>, %arg4: memref<128xf32, #tpu.memory_space<vmem>>, %arg5: memref<128xf32, #tpu.memory_space<vmem>>, %arg6: memref<10000x128xf32, #tpu.memory_space<vmem>>, %arg7: memref<10000x128xf32, #tpu.memory_space<vmem>>, %arg8: memref<384x128xf32, #tpu.memory_space<vmem>>, %arg9: memref<128xf32, #tpu.memory_space<vmem>>, %arg10: memref<128xf32, #tpu.memory_space<vmem>>, %arg11: memref<128xf32, #tpu.memory_space<vmem>>, %arg12: memref<128x128xf32, #tpu.memory_space<vmem>>, %arg13: memref<128xf32, #tpu.memory_space<vmem>>, %arg14: memref<128xf32, #tpu.memory_space<vmem>>, %arg15: memref<128xf32, #tpu.memory_space<vmem>>, %arg16: memref<128x128xf32, #tpu.memory_space<vmem>>, %arg17: memref<128xf32, #tpu.memory_space<vmem>>, %arg18: memref<10000x128xf32, #tpu.memory_space<vmem>>) attributes {dimension_semantics = [], scalar_prefetch = 0 : i64, scratch_operands = 0 : i64, tpu.core_type = #tpu.core_type<tc>} {
    %get3A = arith.constant 0 : index
    %get3A_0 = arith.constant 0 : index
    %get3A_1 = vector.load %arg1[%get3A, %get3A_0] : memref<10000x16xf32, #tpu.memory_space<vmem>>, vector<10000x1xf32>
    %get3A_2 = arith.constant 0 : index
    %get3A_3 = arith.constant 0 : index
    %get3A_4 = arith.constant 0 : index
    %get3A_5 = vector.load %arg0[%get3A_2, %get3A_3, %get3A_4] : memref<2x10112x128xbf16, #tpu.memory_space<vmem>>, vector<1x10000x128xbf16>
    %get3A_6 = vector.shape_cast %get3A_5 : vector<1x10000x128xbf16> to vector<10000x128xbf16>
    %convert_element_type3A = arith.extf %get3A_6 : vector<10000x128xbf16> to vector<10000x128xf32>
    %get3A_7 = arith.constant 1 : index
    %get3A_8 = arith.constant 0 : index
    %get3A_9 = arith.constant 0 : index
    %get3A_10 = vector.load %arg0[%get3A_7, %get3A_8, %get3A_9] : memref<2x10112x128xbf16, #tpu.memory_space<vmem>>, vector<1x10000x128xbf16>
    %get3A_11 = vector.shape_cast %get3A_10 : vector<1x10000x128xbf16> to vector<10000x128xbf16>
    %convert_element_type3A_12 = arith.extf %get3A_11 : vector<10000x128xbf16> to vector<10000x128xf32>
    %add3A = arith.addf %convert_element_type3A, %convert_element_type3A_12 : vector<10000x128xf32>
    %mul3A = vector.broadcast %get3A_1 : vector<10000x1xf32> to vector<10000x128xf32>
    %mul3A_13 = arith.mulf %add3A, %mul3A : vector<10000x128xf32>
    %get3A_14 = arith.constant 0 : index
    %get3A_15 = arith.constant 0 : index
    %get3A_16 = vector.load %arg3[%get3A_14, %get3A_15] : memref<128x128xf32, #tpu.memory_space<vmem>>, vector<128x128xf32>
    %dot_general3A = arith.constant dense<0.000000e+00> : vector<10000x128xf32>
    %dot_general3A_17 = tpu.matmul %mul3A_13, %get3A_16, %dot_general3A {dimension_numbers = #tpu.dot_dimension_numbers<[1], [0], [0], [1], [0, 0, 1, 1], [], []>, transpose_lhs_hint = false} : vector<10000x128xf32>, vector<128x128xf32>, vector<10000x128xf32> -> vector<10000x128xf32>
    %get3A_18 = arith.constant 0 : index
    %get3A_19 = arith.constant 0 : index
    %get3A_20 = vector.load %arg2[%get3A_18, %get3A_19] : memref<10000x128xf32, #tpu.memory_space<vmem>>, vector<10000x128xf32>
    %add3A_21 = arith.addf %dot_general3A_17, %get3A_20 : vector<10000x128xf32>
    %mul3A_22 = arith.mulf %add3A_21, %add3A_21 : vector<10000x128xf32>
    %reduce_sum3A = arith.constant dense<0.000000e+00> : vector<10000xf32>
    %reduce_sum3A_23 = vector.multi_reduction <add>, %mul3A_22, %reduce_sum3A [1] : vector<10000x128xf32> to vector<10000xf32>
    %broadcast_in_dim3A = vector.shape_cast %reduce_sum3A_23 : vector<10000xf32> to vector<10000x1xf32>
    %sqrt3A = math.sqrt %broadcast_in_dim3A : vector<10000x1xf32>
    %max3A = arith.constant 9.99999996E-13 : f32
    %max3A_24 = vector.broadcast %max3A : f32 to vector<10000x1xf32>
    %max3A_25 = arith.maximumf %sqrt3A, %max3A_24 : vector<10000x1xf32>
    %div3A = vector.broadcast %max3A_25 : vector<10000x1xf32> to vector<10000x128xf32>
    %div3A_26 = arith.divf %add3A_21, %div3A : vector<10000x128xf32>
    %get3A_27 = arith.constant 0 : index
    %get3A_28 = vector.load %arg4[%get3A_27] : memref<128xf32, #tpu.memory_space<vmem>>, vector<128xf32>
    %get3A_29 = arith.constant 0 : index
    %get3A_30 = vector.load %arg5[%get3A_29] : memref<128xf32, #tpu.memory_space<vmem>>, vector<128xf32>
    %reduce_sum3A_31 = arith.constant dense<0.000000e+00> : vector<10000xf32>
    %reduce_sum3A_32 = vector.multi_reduction <add>, %div3A_26, %reduce_sum3A_31 [1] : vector<10000x128xf32> to vector<10000xf32>
    %broadcast_in_dim3A_33 = vector.shape_cast %reduce_sum3A_32 : vector<10000xf32> to vector<10000x1xf32>
    %div3A_34 = arith.constant 1.280000e+02 : f32
    %div3A_35 = vector.broadcast %div3A_34 : f32 to vector<10000x1xf32>
    %div3A_36 = arith.divf %broadcast_in_dim3A_33, %div3A_35 : vector<10000x1xf32>
    %sub3A = vector.broadcast %div3A_36 : vector<10000x1xf32> to vector<10000x128xf32>
    %sub3A_37 = arith.subf %div3A_26, %sub3A : vector<10000x128xf32>
    %sub3A_38 = vector.broadcast %div3A_36 : vector<10000x1xf32> to vector<10000x128xf32>
    %sub3A_39 = arith.subf %div3A_26, %sub3A_38 : vector<10000x128xf32>
    %mul3A_40 = arith.mulf %sub3A_37, %sub3A_39 : vector<10000x128xf32>
    %reduce_sum3A_41 = arith.constant dense<0.000000e+00> : vector<10000xf32>
    %reduce_sum3A_42 = vector.multi_reduction <add>, %mul3A_40, %reduce_sum3A_41 [1] : vector<10000x128xf32> to vector<10000xf32>
    %broadcast_in_dim3A_43 = vector.shape_cast %reduce_sum3A_42 : vector<10000xf32> to vector<10000x1xf32>
    %div3A_44 = arith.constant 1.280000e+02 : f32
    %div3A_45 = vector.broadcast %div3A_44 : f32 to vector<10000x1xf32>
    %div3A_46 = arith.divf %broadcast_in_dim3A_43, %div3A_45 : vector<10000x1xf32>
    %sub3A_47 = vector.broadcast %div3A_36 : vector<10000x1xf32> to vector<10000x128xf32>
    %sub3A_48 = arith.subf %div3A_26, %sub3A_47 : vector<10000x128xf32>
    %add3A_49 = arith.constant 9.99999974E-6 : f32
    %add3A_50 = vector.broadcast %add3A_49 : f32 to vector<10000x1xf32>
    %add3A_51 = arith.addf %div3A_46, %add3A_50 : vector<10000x1xf32>
    %rsqrt3A = math.rsqrt %add3A_51 : vector<10000x1xf32>
    %mul3A_52 = vector.broadcast %rsqrt3A : vector<10000x1xf32> to vector<10000x128xf32>
    %mul3A_53 = arith.mulf %sub3A_48, %mul3A_52 : vector<10000x128xf32>
    %broadcast_in_dim3A_54 = vector.shape_cast %get3A_28 : vector<128xf32> to vector<1x128xf32>
    %mul3A_55 = vector.broadcast %broadcast_in_dim3A_54 : vector<1x128xf32> to vector<10000x128xf32>
    %mul3A_56 = arith.mulf %mul3A_53, %mul3A_55 : vector<10000x128xf32>
    %broadcast_in_dim3A_57 = vector.shape_cast %get3A_30 : vector<128xf32> to vector<1x128xf32>
    %add3A_58 = vector.broadcast %broadcast_in_dim3A_57 : vector<1x128xf32> to vector<10000x128xf32>
    %add3A_59 = arith.addf %mul3A_56, %add3A_58 : vector<10000x128xf32>
    %max3A_60 = arith.constant 0.000000e+00 : f32
    %max3A_61 = vector.broadcast %max3A_60 : f32 to vector<10000x128xf32>
    %max3A_62 = arith.maximumf %add3A_59, %max3A_61 : vector<10000x128xf32>
    %get3A_63 = arith.constant 0 : index
    %get3A_64 = arith.constant 0 : index
    %get3A_65 = vector.load %arg6[%get3A_63, %get3A_64] : memref<10000x128xf32, #tpu.memory_space<vmem>>, vector<10000x128xf32>
    %get3A_66 = arith.constant 0 : index
    %get3A_67 = arith.constant 0 : index
    %get3A_68 = vector.load %arg8[%get3A_66, %get3A_67] : memref<384x128xf32, #tpu.memory_space<vmem>>, vector<128x128xf32>
    %dot_general3A_69 = arith.constant dense<0.000000e+00> : vector<10000x128xf32>
    %dot_general3A_70 = tpu.matmul %get3A_65, %get3A_68, %dot_general3A_69 {dimension_numbers = #tpu.dot_dimension_numbers<[1], [0], [0], [1], [0, 0, 1, 1], [], []>, transpose_lhs_hint = false} : vector<10000x128xf32>, vector<128x128xf32>, vector<10000x128xf32> -> vector<10000x128xf32>
    %get3A_71 = arith.constant 0 : index
    %get3A_72 = arith.constant 0 : index
    %get3A_73 = vector.load %arg7[%get3A_71, %get3A_72] : memref<10000x128xf32, #tpu.memory_space<vmem>>, vector<10000x128xf32>
    %get3A_74 = arith.constant 128 : index
    %get3A_75 = arith.constant 0 : index
    %get3A_76 = vector.load %arg8[%get3A_74, %get3A_75] : memref<384x128xf32, #tpu.memory_space<vmem>>, vector<128x128xf32>
    %dot_general3A_77 = arith.constant dense<0.000000e+00> : vector<10000x128xf32>
    %dot_general3A_78 = tpu.matmul %get3A_73, %get3A_76, %dot_general3A_77 {dimension_numbers = #tpu.dot_dimension_numbers<[1], [0], [0], [1], [0, 0, 1, 1], [], []>, transpose_lhs_hint = false} : vector<10000x128xf32>, vector<128x128xf32>, vector<10000x128xf32> -> vector<10000x128xf32>
    %add3A_79 = arith.addf %dot_general3A_70, %dot_general3A_78 : vector<10000x128xf32>
    %get3A_80 = arith.constant 256 : index
    %get3A_81 = arith.constant 0 : index
    %get3A_82 = vector.load %arg8[%get3A_80, %get3A_81] : memref<384x128xf32, #tpu.memory_space<vmem>>, vector<128x128xf32>
    %dot_general3A_83 = arith.constant dense<0.000000e+00> : vector<10000x128xf32>
    %dot_general3A_84 = tpu.matmul %max3A_62, %get3A_82, %dot_general3A_83 {dimension_numbers = #tpu.dot_dimension_numbers<[1], [0], [0], [1], [0, 0, 1, 1], [], []>, transpose_lhs_hint = false} : vector<10000x128xf32>, vector<128x128xf32>, vector<10000x128xf32> -> vector<10000x128xf32>
    %add3A_85 = arith.addf %add3A_79, %dot_general3A_84 : vector<10000x128xf32>
    %get3A_86 = arith.constant 0 : index
    %get3A_87 = vector.load %arg9[%get3A_86] : memref<128xf32, #tpu.memory_space<vmem>>, vector<128xf32>
    %broadcast_in_dim3A_88 = vector.shape_cast %get3A_87 : vector<128xf32> to vector<1x128xf32>
    %add3A_89 = vector.broadcast %broadcast_in_dim3A_88 : vector<1x128xf32> to vector<10000x128xf32>
    %add3A_90 = arith.addf %add3A_85, %add3A_89 : vector<10000x128xf32>
    %get3A_91 = arith.constant 0 : index
    %get3A_92 = vector.load %arg10[%get3A_91] : memref<128xf32, #tpu.memory_space<vmem>>, vector<128xf32>
    %get3A_93 = arith.constant 0 : index
    %get3A_94 = vector.load %arg11[%get3A_93] : memref<128xf32, #tpu.memory_space<vmem>>, vector<128xf32>
    %reduce_sum3A_95 = arith.constant dense<0.000000e+00> : vector<10000xf32>
    %reduce_sum3A_96 = vector.multi_reduction <add>, %add3A_90, %reduce_sum3A_95 [1] : vector<10000x128xf32> to vector<10000xf32>
    %broadcast_in_dim3A_97 = vector.shape_cast %reduce_sum3A_96 : vector<10000xf32> to vector<10000x1xf32>
    %div3A_98 = arith.constant 1.280000e+02 : f32
    %div3A_99 = vector.broadcast %div3A_98 : f32 to vector<10000x1xf32>
    %div3A_100 = arith.divf %broadcast_in_dim3A_97, %div3A_99 : vector<10000x1xf32>
    %sub3A_101 = vector.broadcast %div3A_100 : vector<10000x1xf32> to vector<10000x128xf32>
    %sub3A_102 = arith.subf %add3A_90, %sub3A_101 : vector<10000x128xf32>
    %sub3A_103 = vector.broadcast %div3A_100 : vector<10000x1xf32> to vector<10000x128xf32>
    %sub3A_104 = arith.subf %add3A_90, %sub3A_103 : vector<10000x128xf32>
    %mul3A_105 = arith.mulf %sub3A_102, %sub3A_104 : vector<10000x128xf32>
    %reduce_sum3A_106 = arith.constant dense<0.000000e+00> : vector<10000xf32>
    %reduce_sum3A_107 = vector.multi_reduction <add>, %mul3A_105, %reduce_sum3A_106 [1] : vector<10000x128xf32> to vector<10000xf32>
    %broadcast_in_dim3A_108 = vector.shape_cast %reduce_sum3A_107 : vector<10000xf32> to vector<10000x1xf32>
    %div3A_109 = arith.constant 1.280000e+02 : f32
    %div3A_110 = vector.broadcast %div3A_109 : f32 to vector<10000x1xf32>
    %div3A_111 = arith.divf %broadcast_in_dim3A_108, %div3A_110 : vector<10000x1xf32>
    %sub3A_112 = vector.broadcast %div3A_100 : vector<10000x1xf32> to vector<10000x128xf32>
    %sub3A_113 = arith.subf %add3A_90, %sub3A_112 : vector<10000x128xf32>
    %add3A_114 = arith.constant 9.99999974E-6 : f32
    %add3A_115 = vector.broadcast %add3A_114 : f32 to vector<10000x1xf32>
    %add3A_116 = arith.addf %div3A_111, %add3A_115 : vector<10000x1xf32>
    %rsqrt3A_117 = math.rsqrt %add3A_116 : vector<10000x1xf32>
    %mul3A_118 = vector.broadcast %rsqrt3A_117 : vector<10000x1xf32> to vector<10000x128xf32>
    %mul3A_119 = arith.mulf %sub3A_113, %mul3A_118 : vector<10000x128xf32>
    %broadcast_in_dim3A_120 = vector.shape_cast %get3A_92 : vector<128xf32> to vector<1x128xf32>
    %mul3A_121 = vector.broadcast %broadcast_in_dim3A_120 : vector<1x128xf32> to vector<10000x128xf32>
    %mul3A_122 = arith.mulf %mul3A_119, %mul3A_121 : vector<10000x128xf32>
    %broadcast_in_dim3A_123 = vector.shape_cast %get3A_94 : vector<128xf32> to vector<1x128xf32>
    %add3A_124 = vector.broadcast %broadcast_in_dim3A_123 : vector<1x128xf32> to vector<10000x128xf32>
    %add3A_125 = arith.addf %mul3A_122, %add3A_124 : vector<10000x128xf32>
    %max3A_126 = arith.constant 0.000000e+00 : f32
    %max3A_127 = vector.broadcast %max3A_126 : f32 to vector<10000x128xf32>
    %max3A_128 = arith.maximumf %add3A_125, %max3A_127 : vector<10000x128xf32>
    %get3A_129 = arith.constant 0 : index
    %get3A_130 = arith.constant 0 : index
    %get3A_131 = vector.load %arg12[%get3A_129, %get3A_130] : memref<128x128xf32, #tpu.memory_space<vmem>>, vector<128x128xf32>
    %dot_general3A_132 = arith.constant dense<0.000000e+00> : vector<10000x128xf32>
    %dot_general3A_133 = tpu.matmul %max3A_128, %get3A_131, %dot_general3A_132 {dimension_numbers = #tpu.dot_dimension_numbers<[1], [0], [0], [1], [0, 0, 1, 1], [], []>, transpose_lhs_hint = false} : vector<10000x128xf32>, vector<128x128xf32>, vector<10000x128xf32> -> vector<10000x128xf32>
    %get3A_134 = arith.constant 0 : index
    %get3A_135 = vector.load %arg13[%get3A_134] : memref<128xf32, #tpu.memory_space<vmem>>, vector<128xf32>
    %broadcast_in_dim3A_136 = vector.shape_cast %get3A_135 : vector<128xf32> to vector<1x128xf32>
    %add3A_137 = vector.broadcast %broadcast_in_dim3A_136 : vector<1x128xf32> to vector<10000x128xf32>
    %add3A_138 = arith.addf %dot_general3A_133, %add3A_137 : vector<10000x128xf32>
    %get3A_139 = arith.constant 0 : index
    %get3A_140 = vector.load %arg14[%get3A_139] : memref<128xf32, #tpu.memory_space<vmem>>, vector<128xf32>
    %get3A_141 = arith.constant 0 : index
    %get3A_142 = vector.load %arg15[%get3A_141] : memref<128xf32, #tpu.memory_space<vmem>>, vector<128xf32>
    %reduce_sum3A_143 = arith.constant dense<0.000000e+00> : vector<10000xf32>
    %reduce_sum3A_144 = vector.multi_reduction <add>, %add3A_138, %reduce_sum3A_143 [1] : vector<10000x128xf32> to vector<10000xf32>
    %broadcast_in_dim3A_145 = vector.shape_cast %reduce_sum3A_144 : vector<10000xf32> to vector<10000x1xf32>
    %div3A_146 = arith.constant 1.280000e+02 : f32
    %div3A_147 = vector.broadcast %div3A_146 : f32 to vector<10000x1xf32>
    %div3A_148 = arith.divf %broadcast_in_dim3A_145, %div3A_147 : vector<10000x1xf32>
    %sub3A_149 = vector.broadcast %div3A_148 : vector<10000x1xf32> to vector<10000x128xf32>
    %sub3A_150 = arith.subf %add3A_138, %sub3A_149 : vector<10000x128xf32>
    %sub3A_151 = vector.broadcast %div3A_148 : vector<10000x1xf32> to vector<10000x128xf32>
    %sub3A_152 = arith.subf %add3A_138, %sub3A_151 : vector<10000x128xf32>
    %mul3A_153 = arith.mulf %sub3A_150, %sub3A_152 : vector<10000x128xf32>
    %reduce_sum3A_154 = arith.constant dense<0.000000e+00> : vector<10000xf32>
    %reduce_sum3A_155 = vector.multi_reduction <add>, %mul3A_153, %reduce_sum3A_154 [1] : vector<10000x128xf32> to vector<10000xf32>
    %broadcast_in_dim3A_156 = vector.shape_cast %reduce_sum3A_155 : vector<10000xf32> to vector<10000x1xf32>
    %div3A_157 = arith.constant 1.280000e+02 : f32
    %div3A_158 = vector.broadcast %div3A_157 : f32 to vector<10000x1xf32>
    %div3A_159 = arith.divf %broadcast_in_dim3A_156, %div3A_158 : vector<10000x1xf32>
    %sub3A_160 = vector.broadcast %div3A_148 : vector<10000x1xf32> to vector<10000x128xf32>
    %sub3A_161 = arith.subf %add3A_138, %sub3A_160 : vector<10000x128xf32>
    %add3A_162 = arith.constant 9.99999974E-6 : f32
    %add3A_163 = vector.broadcast %add3A_162 : f32 to vector<10000x1xf32>
    %add3A_164 = arith.addf %div3A_159, %add3A_163 : vector<10000x1xf32>
    %rsqrt3A_165 = math.rsqrt %add3A_164 : vector<10000x1xf32>
    %mul3A_166 = vector.broadcast %rsqrt3A_165 : vector<10000x1xf32> to vector<10000x128xf32>
    %mul3A_167 = arith.mulf %sub3A_161, %mul3A_166 : vector<10000x128xf32>
    %broadcast_in_dim3A_168 = vector.shape_cast %get3A_140 : vector<128xf32> to vector<1x128xf32>
    %mul3A_169 = vector.broadcast %broadcast_in_dim3A_168 : vector<1x128xf32> to vector<10000x128xf32>
    %mul3A_170 = arith.mulf %mul3A_167, %mul3A_169 : vector<10000x128xf32>
    %broadcast_in_dim3A_171 = vector.shape_cast %get3A_142 : vector<128xf32> to vector<1x128xf32>
    %add3A_172 = vector.broadcast %broadcast_in_dim3A_171 : vector<1x128xf32> to vector<10000x128xf32>
    %add3A_173 = arith.addf %mul3A_170, %add3A_172 : vector<10000x128xf32>
    %max3A_174 = arith.constant 0.000000e+00 : f32
    %max3A_175 = vector.broadcast %max3A_174 : f32 to vector<10000x128xf32>
    %max3A_176 = arith.maximumf %add3A_173, %max3A_175 : vector<10000x128xf32>
    %get3A_177 = arith.constant 0 : index
    %get3A_178 = arith.constant 0 : index
    %get3A_179 = vector.load %arg16[%get3A_177, %get3A_178] : memref<128x128xf32, #tpu.memory_space<vmem>>, vector<128x128xf32>
    %dot_general3A_180 = arith.constant dense<0.000000e+00> : vector<10000x128xf32>
    %dot_general3A_181 = tpu.matmul %max3A_176, %get3A_179, %dot_general3A_180 {dimension_numbers = #tpu.dot_dimension_numbers<[1], [0], [0], [1], [0, 0, 1, 1], [], []>, transpose_lhs_hint = false} : vector<10000x128xf32>, vector<128x128xf32>, vector<10000x128xf32> -> vector<10000x128xf32>
    %get3A_182 = arith.constant 0 : index
    %get3A_183 = vector.load %arg17[%get3A_182] : memref<128xf32, #tpu.memory_space<vmem>>, vector<128xf32>
    %broadcast_in_dim3A_184 = vector.shape_cast %get3A_183 : vector<128xf32> to vector<1x128xf32>
    %add3A_185 = vector.broadcast %broadcast_in_dim3A_184 : vector<1x128xf32> to vector<10000x128xf32>
    %add3A_186 = arith.addf %dot_general3A_181, %add3A_185 : vector<10000x128xf32>
    %swap3A = arith.constant 0 : index
    %swap3A_187 = arith.constant 0 : index
    %swap3A_188 = vector.load %arg18[%swap3A, %swap3A_187] : memref<10000x128xf32, #tpu.memory_space<vmem>>, vector<10000x128xf32>
    tpu.vector_store %arg18[%swap3A, %swap3A_187], %add3A_186 {strides = array<i32>} : memref<10000x128xf32, #tpu.memory_space<vmem>>, vector<10000x128xf32>,
    return
  }
}

module attributes {stable_mosaic.version = 14 : i64} {
  func.func @_comb_mid_body(%arg0: memref<2x10112x128xbf16, #tpu.memory_space<vmem>>, %arg1: memref<10000x16xf32, #tpu.memory_space<vmem>>, %arg2: memref<10000x128xf32, #tpu.memory_space<vmem>>, %arg3: memref<128x128xf32, #tpu.memory_space<vmem>>, %arg4: memref<128xf32, #tpu.memory_space<vmem>>, %arg5: memref<128xf32, #tpu.memory_space<vmem>>, %arg6: memref<128x128xf32, #tpu.memory_space<vmem>>, %arg7: memref<128xf32, #tpu.memory_space<vmem>>, %arg8: memref<10000x128xf32, #tpu.memory_space<vmem>>, %arg9: memref<10000x128xbf16, #tpu.memory_space<vmem>>, %arg10: memref<10000x128xf32, #tpu.memory_space<vmem>>) attributes {dimension_semantics = [], scalar_prefetch = 0 : i64, scratch_operands = 0 : i64, tpu.core_type = #tpu.core_type<tc>} {
    %get3A = arith.constant 0 : index
    %get3A_0 = arith.constant 0 : index
    %get3A_1 = vector.load %arg1[%get3A, %get3A_0] : memref<10000x16xf32, #tpu.memory_space<vmem>>, vector<10000x1xf32>
    %get3A_2 = arith.constant 0 : index
    %get3A_3 = arith.constant 0 : index
    %get3A_4 = arith.constant 0 : index
    %get3A_5 = vector.load %arg0[%get3A_2, %get3A_3, %get3A_4] : memref<2x10112x128xbf16, #tpu.memory_space<vmem>>, vector<1x10000x128xbf16>
    %get3A_6 = vector.shape_cast %get3A_5 : vector<1x10000x128xbf16> to vector<10000x128xbf16>
    %convert_element_type3A = arith.extf %get3A_6 : vector<10000x128xbf16> to vector<10000x128xf32>
    %get3A_7 = arith.constant 1 : index
    %get3A_8 = arith.constant 0 : index
    %get3A_9 = arith.constant 0 : index
    %get3A_10 = vector.load %arg0[%get3A_7, %get3A_8, %get3A_9] : memref<2x10112x128xbf16, #tpu.memory_space<vmem>>, vector<1x10000x128xbf16>
    %get3A_11 = vector.shape_cast %get3A_10 : vector<1x10000x128xbf16> to vector<10000x128xbf16>
    %convert_element_type3A_12 = arith.extf %get3A_11 : vector<10000x128xbf16> to vector<10000x128xf32>
    %add3A = arith.addf %convert_element_type3A, %convert_element_type3A_12 : vector<10000x128xf32>
    %mul3A = vector.broadcast %get3A_1 : vector<10000x1xf32> to vector<10000x128xf32>
    %mul3A_13 = arith.mulf %add3A, %mul3A : vector<10000x128xf32>
    %get3A_14 = arith.constant 0 : index
    %get3A_15 = arith.constant 0 : index
    %get3A_16 = vector.load %arg3[%get3A_14, %get3A_15] : memref<128x128xf32, #tpu.memory_space<vmem>>, vector<128x128xf32>
    %dot_general3A = arith.constant dense<0.000000e+00> : vector<10000x128xf32>
    %dot_general3A_17 = tpu.matmul %mul3A_13, %get3A_16, %dot_general3A {dimension_numbers = #tpu.dot_dimension_numbers<[1], [0], [0], [1], [0, 0, 1, 1], [], []>, transpose_lhs_hint = false} : vector<10000x128xf32>, vector<128x128xf32>, vector<10000x128xf32> -> vector<10000x128xf32>
    %get3A_18 = arith.constant 0 : index
    %get3A_19 = arith.constant 0 : index
    %get3A_20 = vector.load %arg2[%get3A_18, %get3A_19] : memref<10000x128xf32, #tpu.memory_space<vmem>>, vector<10000x128xf32>
    %add3A_21 = arith.addf %dot_general3A_17, %get3A_20 : vector<10000x128xf32>
    %mul3A_22 = arith.mulf %add3A_21, %add3A_21 : vector<10000x128xf32>
    %reduce_sum3A = arith.constant dense<0.000000e+00> : vector<10000xf32>
    %reduce_sum3A_23 = vector.multi_reduction <add>, %mul3A_22, %reduce_sum3A [1] : vector<10000x128xf32> to vector<10000xf32>
    %broadcast_in_dim3A = vector.shape_cast %reduce_sum3A_23 : vector<10000xf32> to vector<10000x1xf32>
    %sqrt3A = math.sqrt %broadcast_in_dim3A : vector<10000x1xf32>
    %max3A = arith.constant 9.99999996E-13 : f32
    %max3A_24 = vector.broadcast %max3A : f32 to vector<10000x1xf32>
    %max3A_25 = arith.maximumf %sqrt3A, %max3A_24 : vector<10000x1xf32>
    %div3A = vector.broadcast %max3A_25 : vector<10000x1xf32> to vector<10000x128xf32>
    %div3A_26 = arith.divf %add3A_21, %div3A : vector<10000x128xf32>
    %get3A_27 = arith.constant 0 : index
    %get3A_28 = vector.load %arg4[%get3A_27] : memref<128xf32, #tpu.memory_space<vmem>>, vector<128xf32>
    %get3A_29 = arith.constant 0 : index
    %get3A_30 = vector.load %arg5[%get3A_29] : memref<128xf32, #tpu.memory_space<vmem>>, vector<128xf32>
    %reduce_sum3A_31 = arith.constant dense<0.000000e+00> : vector<10000xf32>
    %reduce_sum3A_32 = vector.multi_reduction <add>, %div3A_26, %reduce_sum3A_31 [1] : vector<10000x128xf32> to vector<10000xf32>
    %broadcast_in_dim3A_33 = vector.shape_cast %reduce_sum3A_32 : vector<10000xf32> to vector<10000x1xf32>
    %div3A_34 = arith.constant 1.280000e+02 : f32
    %div3A_35 = vector.broadcast %div3A_34 : f32 to vector<10000x1xf32>
    %div3A_36 = arith.divf %broadcast_in_dim3A_33, %div3A_35 : vector<10000x1xf32>
    %sub3A = vector.broadcast %div3A_36 : vector<10000x1xf32> to vector<10000x128xf32>
    %sub3A_37 = arith.subf %div3A_26, %sub3A : vector<10000x128xf32>
    %sub3A_38 = vector.broadcast %div3A_36 : vector<10000x1xf32> to vector<10000x128xf32>
    %sub3A_39 = arith.subf %div3A_26, %sub3A_38 : vector<10000x128xf32>
    %mul3A_40 = arith.mulf %sub3A_37, %sub3A_39 : vector<10000x128xf32>
    %reduce_sum3A_41 = arith.constant dense<0.000000e+00> : vector<10000xf32>
    %reduce_sum3A_42 = vector.multi_reduction <add>, %mul3A_40, %reduce_sum3A_41 [1] : vector<10000x128xf32> to vector<10000xf32>
    %broadcast_in_dim3A_43 = vector.shape_cast %reduce_sum3A_42 : vector<10000xf32> to vector<10000x1xf32>
    %div3A_44 = arith.constant 1.280000e+02 : f32
    %div3A_45 = vector.broadcast %div3A_44 : f32 to vector<10000x1xf32>
    %div3A_46 = arith.divf %broadcast_in_dim3A_43, %div3A_45 : vector<10000x1xf32>
    %sub3A_47 = vector.broadcast %div3A_36 : vector<10000x1xf32> to vector<10000x128xf32>
    %sub3A_48 = arith.subf %div3A_26, %sub3A_47 : vector<10000x128xf32>
    %add3A_49 = arith.constant 9.99999974E-6 : f32
    %add3A_50 = vector.broadcast %add3A_49 : f32 to vector<10000x1xf32>
    %add3A_51 = arith.addf %div3A_46, %add3A_50 : vector<10000x1xf32>
    %rsqrt3A = math.rsqrt %add3A_51 : vector<10000x1xf32>
    %mul3A_52 = vector.broadcast %rsqrt3A : vector<10000x1xf32> to vector<10000x128xf32>
    %mul3A_53 = arith.mulf %sub3A_48, %mul3A_52 : vector<10000x128xf32>
    %broadcast_in_dim3A_54 = vector.shape_cast %get3A_28 : vector<128xf32> to vector<1x128xf32>
    %mul3A_55 = vector.broadcast %broadcast_in_dim3A_54 : vector<1x128xf32> to vector<10000x128xf32>
    %mul3A_56 = arith.mulf %mul3A_53, %mul3A_55 : vector<10000x128xf32>
    %broadcast_in_dim3A_57 = vector.shape_cast %get3A_30 : vector<128xf32> to vector<1x128xf32>
    %add3A_58 = vector.broadcast %broadcast_in_dim3A_57 : vector<1x128xf32> to vector<10000x128xf32>
    %add3A_59 = arith.addf %mul3A_56, %add3A_58 : vector<10000x128xf32>
    %max3A_60 = arith.constant 0.000000e+00 : f32
    %max3A_61 = vector.broadcast %max3A_60 : f32 to vector<10000x128xf32>
    %max3A_62 = arith.maximumf %add3A_59, %max3A_61 : vector<10000x128xf32>
    %swap3A = arith.constant 0 : index
    %swap3A_63 = arith.constant 0 : index
    %swap3A_64 = vector.load %arg8[%swap3A, %swap3A_63] : memref<10000x128xf32, #tpu.memory_space<vmem>>, vector<10000x128xf32>
    tpu.vector_store %arg8[%swap3A, %swap3A_63], %max3A_62 {strides = array<i32>} : memref<10000x128xf32, #tpu.memory_space<vmem>>, vector<10000x128xf32>,
    %convert_element_type3A_65 = arith.truncf %max3A_62 : vector<10000x128xf32> to vector<10000x128xbf16>
    %swap3A_66 = arith.constant 0 : index
    %swap3A_67 = arith.constant 0 : index
    %swap3A_68 = vector.load %arg9[%swap3A_66, %swap3A_67] : memref<10000x128xbf16, #tpu.memory_space<vmem>>, vector<10000x128xbf16>
    tpu.vector_store %arg9[%swap3A_66, %swap3A_67], %convert_element_type3A_65 {strides = array<i32>} : memref<10000x128xbf16, #tpu.memory_space<vmem>>, vector<10000x128xbf16>,
    %get3A_69 = arith.constant 0 : index
    %get3A_70 = arith.constant 0 : index
    %get3A_71 = vector.load %arg6[%get3A_69, %get3A_70] : memref<128x128xf32, #tpu.memory_space<vmem>>, vector<128x128xf32>
    %dot_general3A_72 = arith.constant dense<0.000000e+00> : vector<10000x128xf32>
    %dot_general3A_73 = tpu.matmul %max3A_62, %get3A_71, %dot_general3A_72 {dimension_numbers = #tpu.dot_dimension_numbers<[1], [0], [0], [1], [0, 0, 1, 1], [], []>, transpose_lhs_hint = false} : vector<10000x128xf32>, vector<128x128xf32>, vector<10000x128xf32> -> vector<10000x128xf32>
    %get3A_74 = arith.constant 0 : index
    %get3A_75 = vector.load %arg7[%get3A_74] : memref<128xf32, #tpu.memory_space<vmem>>, vector<128xf32>
    %broadcast_in_dim3A_76 = vector.shape_cast %get3A_75 : vector<128xf32> to vector<1x128xf32>
    %add3A_77 = vector.broadcast %broadcast_in_dim3A_76 : vector<1x128xf32> to vector<10000x128xf32>
    %add3A_78 = arith.addf %dot_general3A_73, %add3A_77 : vector<10000x128xf32>
    %swap3A_79 = arith.constant 0 : index
    %swap3A_80 = arith.constant 0 : index
    %swap3A_81 = vector.load %arg10[%swap3A_79, %swap3A_80] : memref<10000x128xf32, #tpu.memory_space<vmem>>, vector<10000x128xf32>
    tpu.vector_store %arg10[%swap3A_79, %swap3A_80], %add3A_78 {strides = array<i32>} : memref<10000x128xf32, #tpu.memory_space<vmem>>, vector<10000x128xf32>,
    return
  }
}

</mosaic_0001>

<sc_bundles>
// kernel: kernel.10.cloned.1.call-start
scs
__scs_entry_jumppad:
0x0: {  	(pc) =	sbr.rel $0x88, $3  }
0x1: {  	(tag) =	ssettag $0x0;
	lr =	simm.s32 $0x1  }
0x2: {  	[smem:$0x3F82] =	sst lr;
	_ =	strace $0xD0000000  }
0x3: {  	_ = 	snop  }
0x4: {  	_ = 	snop  }
0x5: {  	_ = 	snop  }
0x6: {  	_ = 	snop  }
0x7: {  	_ = 	snop  }
__scs_overlays_trampoline_lowered:
0x8: {  	[smem:$0x3F91] =	sst s0  }
0x9: {  	[smem:$0x3F92] =	sst s1  }
0xa: {  	[smem:$0x3F93] =	sst s2  }
0xb: {  	[smem:$0x3F94] =	sst s3  }
0xc: {  	[smem:$0x3F95] =	sst s4  }
0xd: {  	[smem:$0x3F96] =	sst s5  }
0xe: {  	[smem:$0x3F97] =	sst s6  }
0xf: {  	[smem:$0x3F98] =	sst s7  }
0x10: {  	[smem:$0x3F99] =	sst s8  }
0x11: {  	[smem:$0x3F9A] =	sst s9;
	s0 =	simm.s32 @!p0 $0x0  }
0x12: {  	s1 =	sld [smem:$0x3F80];
	s0 =	simm.s32 @p0 $0x1  }
0x13: {  	[smem:$0x3F9B] =	sst s0;
	s0 =	simm.s32 @!p1 $0x0  }
0x14: {  	s2 =	sld [smem:$0x3F7F];
	s0 =	simm.s32 @p1 $0x1  }
0x15: {  	[smem:$0x3F9C] =	sst s0;
	s0 =	simm.s32 @!p2 $0x0  }
0x16: {  	s3 =	sld [smem:$0x3FDB];
	s0 =	simm.s32 @p2 $0x1  }
0x17: {  	s4 =	simm.s32 $0x1BF5;
	[smem:$0x3F9E] =	sst s0  }
0x18: {  	s0 =	sld [smem:$0x3F81];
	_ =	swait.ge [sflag:s4], $0x0  }
0x19: {  	s7 =	sld [smem:$0x3F82]  }
0x1a: {  	s8 =	sadd.s32 $0xFFFFE003, lr  }
0x1b: {  	s9 =	sadd.s32 $0xFFFFFEF7, lr;
	s5 =	simm.s32 $0xFFFFFFFF;
	p2 =	slt.u32 s8, $0xFFFFF086  }
0x1c: {  	p1 =	slt.u32 s9, $0xF7A;
	s5 =	simm.s32 @!p2 $0x0  }
0x1d: {  	s5 =	simm.s32 @p1 $0x1;
	p0 =	seq.s32 s7, s2  }
0x1e: {  	s7 =	smul.u32 @!p0 $0xF7A, s2;
	p2 =	seq.s32 @!p0 s5, $0x0  }
0x1f: {  	s9 =	smul.u32 $0xF7A, s1;
	s8 =	simm.s32 @!p0 $0x1BF5;
	p2 =	por !p2, p0  }
0x20: {  	[sflag:s8] =	ssyncset.s32 @!p0 $0xFFFFF086;
	s6 =	sadd.s32 @!p0 s3, s7;
	s7 =	simm.s32 @!p0 $0x108  }
0x21: {  	s3 =	sadd.s32 s3, s9;
	s6 =	sadd.s32 @!p0 $0x88, s6;
	s7 =	simm.s32 @p2 $0x1082  }
0x22: {  	[simem:s7], [sflag:s8] =	dma.local @!p0 [hbm:s6], $0xF7A  }
0x23: {  	s9 =	sor.u32 $0xD0000000, s2;
	s6 =	simm.s32 $0x108;
	_ =	swait.ge @!p0 [sflag:s8], $0x0  }
0x24: {  	s3 =	sadd.s32 $0x88, s3;
	s6 =	simm.s32 @!p1 $0x1082;
	[sflag:s4] =	ssyncset.s32 $0xFFFFF086  }
0x25: {  	[simem:s6], [sflag:s4] =	dma.local [hbm:s3], $0xF7A  }
0x26: {  	[smem:$0x3F82] =	sst s1;
	(tag) =	ssettag s2;
	_ =	strace s9  }
0x27: {  	s1 =	sld [smem:$0x3F92]  }
0x28: {  	s2 =	sld [smem:$0x3F93]  }
0x29: {  	s4 =	sld [smem:$0x3F95]  }
0x2a: {  	p0 =	seq.s32 s5, $0x0;
	s5 =	sld [smem:$0x3F96]  }
0x2b: {  	s6 =	sld [smem:$0x3F97]  }
0x2c: {  	s7 =	sld [smem:$0x3F98]  }
0x2d: {  	s3 =	simm.s32 $0x108;
	s8 =	sld [smem:$0x3F99]  }
0x2e: {  	s3 =	simm.s32 @!p0 $0x1082;
	s9 =	sld [smem:$0x3F9A]  }
0x2f: {  	lr =	sadd.s32 s0, s3;
	s0 =	sld [smem:$0x3F91]  }
0x30: {  	s3 =	sld [smem:$0x3F94]  }
0x31: {  	[smem:$0x3F9D] =	sst s10  }
0x32: {  	s10 =	sld [smem:$0x3F9B];
	_ =	sdelay $0x3  }
0x33: {  	p0 =	seq.s32 s10, $0x1;
	s10 =	sld [smem:$0x3F9D];
	_ =	sdelay $0x3  }
0x34: {  	[smem:$0x3F9D] =	sst s10  }
0x35: {  	s10 =	sld [smem:$0x3F9C];
	_ =	sdelay $0x3  }
0x36: {  	p1 =	seq.s32 s10, $0x1;
	s10 =	sld [smem:$0x3F9D];
	_ =	sdelay $0x3  }
0x37: {  	[smem:$0x3F9D] =	sst s10  }
0x38: {  	s10 =	sld [smem:$0x3F9E]  }
0x39: {  	_ = 	snop;
	(pc) =	sbr.ind lr, $3  }
0x3a: {  	_ = 	snop  }
0x3b: {  	_ = 	snop  }
0x3c: {  	p2 =	seq.s32 s10, $0x1;
	s10 =	sld [smem:$0x3F9D]  }
0x3d: {  	_ =	shalt  }
0x3e: {  	_ =	shalt  }
0x3f: {  	_ =	shalt  }
0x40: {  	_ =	shalt  }
0x41: {  	_ =	shalt  }
0x42: {  	_ =	shalt  }
0x43: {  	_ =	shalt  }
0x44: {  	_ =	shalt  }
0x45: {  	_ =	shalt  }
0x46: {  	_ =	shalt  }
0x47: {  	_ =	shalt  }
0x48: {  	_ =	shalt  }
0x49: {  	_ =	shalt  }
0x4a: {  	_ =	shalt  }
0x4b: {  	_ =	shalt  }
0x4c: {  	_ =	shalt  }
0x4d: {  	_ =	shalt  }
0x4e: {  	_ =	shalt  }
0x4f: {  	_ =	shalt  }
0x50: {  	_ =	shalt  }
0x51: {  	_ =	shalt  }
0x52: {  	_ =	shalt  }
0x53: {  	_ =	shalt  }
0x54: {  	_ =	shalt  }
0x55: {  	_ =	shalt  }
0x56: {  	_ =	shalt  }
0x57: {  	_ =	shalt  }
0x58: {  	_ =	shalt  }
0x59: {  	_ =	shalt  }
0x5a: {  	_ =	shalt  }
0x5b: {  	_ =	shalt  }
0x5c: {  	_ =	shalt  }
0x5d: {  	_ =	shalt  }
0x5e: {  	_ =	shalt  }
0x5f: {  	_ =	shalt  }
0x60: {  	_ =	shalt  }
0x61: {  	_ =	shalt  }
0x62: {  	_ =	shalt  }
0x63: {  	_ =	shalt  }
0x64: {  	_ =	shalt  }
0x65: {  	_ =	shalt  }
0x66: {  	_ =	shalt  }
0x67: {  	_ =	shalt  }
0x68: {  	_ =	shalt  }
0x69: {  	_ =	shalt  }
0x6a: {  	_ =	shalt  }
0x6b: {  	_ =	shalt  }
0x6c: {  	_ =	shalt  }
0x6d: {  	_ =	shalt  }
0x6e: {  	_ =	shalt  }
0x6f: {  	_ =	shalt  }
0x70: {  	_ =	shalt  }
0x71: {  	_ =	shalt  }
0x72: {  	_ =	shalt  }
0x73: {  	_ =	shalt  }
0x74: {  	_ =	shalt  }
0x75: {  	_ =	shalt  }
0x76: {  	_ =	shalt  }
0x77: {  	_ =	shalt  }
0x78: {  	_ =	shalt  }
0x79: {  	_ =	shalt  }
0x7a: {  	_ =	shalt  }
0x7b: {  	_ =	shalt  }
0x7c: {  	_ =	shalt  }
0x7d: {  	_ =	shalt  }
0x7e: {  	_ =	shalt  }
0x7f: {  	_ =	shalt  }
0x80: {  	_ =	shalt  }
0x81: {  	_ =	shalt  }
0x82: {  	_ =	shalt  }
0x83: {  	_ =	shalt  }
0x84: {  	_ =	shalt  }
0x85: {  	_ =	shalt  }
0x86: {  	_ =	shalt  }
0x87: {  	_ =	shalt  }
.Lfunc_end0:
.L_simem_size_0:
called_computation_lowered:
.L_overlay_start_0:
0x88: {  	s2 =	sld [smem:$0x3FD9]  }
0x89: {  	s3 =	sld [smem:$0x3FFE];
	_ =	sdelay $0x1  }
0x8a: {  	s1 =	srdreg.scid  }
0x8b: {  	s0 =	sand.u32 $0x1, s1  }
0x8c: {  	s17 =	sshll.u32 s0, $0xA;
	s2 =	sadd.s32 s3, s2  }
0x8d: {  	s2 =	sadd.s32 s2, s17  }
0x8e: {  	[smem:$0x3FA9] =	sst s2  }
0x8f: {  	_ = 	snop  }
0x90: {  	(tm) =	ssettm $0x1  }
0x91: {  	s18 =	sld [smem:$0x3FFB];
	_ =	sdelay $0x3  }
0x92: {  	_ =	strace s18  }
0x93: {  	s2 =	sld [smem:$0x3FFC];
	_ =	sdelay $0x3  }
0x94: {  	_ =	strace s2  }
0x95: {  	s2 =	sld [smem:$0x3FFD];
	_ =	sdelay $0x3  }
0x96: {  	_ =	strace s2  }
0x97: {  	_ =	strace $0x8FFFFFFF  }
0x98: {  	s19 =	sld [smem:$0x3FDB];
	_ =	sdelay $0x1  }
0x99: {  	s20 =	simm.s32 $_scs_section_size  }
0x9a: {  	s4 =	simm.s32 $_size__tile_overlayer_lowered;
	s5 =	simm.s32 $_tile_overlayer_lowered  }
0x9b: {  	s6 =	simm.s32 $0x1BFF;
	s21 =	sshll.u32 s5, $0x1;
	s3 =	sadd.s32 s20, s19  }
0x9c: {  	s22 =	simm.s32 $0x0;
	s4 =	sshll.u32 s4, $0x1;
	s5 =	sadd.s32 s21, s3  }
0x9d: {  	[timem:s22], [sflag:s6] =	dma.local [hbm:s5], s4  }
0x9e: {  	_ =	swait.ge [sflag:s6], s4  }
0x9f: {  	s4 =	ssub.s32 $0x0, s4;
	[sflag:s6] =	ssyncset.done $0x0  }
0xa0: {  	[sflag:s6] =	ssyncadd.s32 s4;
	_ =	sdelay $0x1  }
0xa1: {  	s23 =	simm.s32 $0x1B8B  }
0xa2: {  	_ =	swait.ge [sflag:s23], $0x1  }
0xa3: {  	[sflag:s23] =	ssyncset.done $0x0  }
0xa4: {  	[sflag:s23] =	ssyncadd.s32 $0xFFFFFFFF  }
0xa5: {  	s4 =	sld [smem:$0x0]  }
0xa6: {  	s5 =	sand.u32 $0xFFFFFFFE, s1  }
0xa7: {  	p0 =	sne.s32 s1, s5  }
0xa8: {  	s5 =	sshll.u32 @p0 s5, $0xE  }
0xa9: {  	s5 =	sadd.s32 @p0 $0x11B8D, s5;
	s6 =	sshll.u32 @p0 s4, $0x11  }
0xaa: {  	s5 =	sor.u32 @p0 s6, s5  }
0xab: {  	[sflag:s5] =	ssyncadd.remote.s32 @p0 $0x1;
	_ =	sdelay $0x1  }
0xac: {  	s5 =	simm.s32 @p0 $0x1B8D  }
0xad: {  	_ =	swait.eq @p0 [sflag:s5], $0x1  }
0xae: {  	[sflag:s5] =	ssyncadd.s32 @p0 $0xFFFFFFFF  }
0xaf: {  	s6 =	sshll.u32 @!p0 s1, $0xE  }
0xb0: {  	s6 =	sor.u32 @!p0 $0x4000, s6;
	s5 =	simm.s32 @!p0 $0x1B8D  }
0xb1: {  	s4 =	sshll.u32 @!p0 s4, $0x11;
	s6 =	sadd.s32 @!p0 $0x11B8D, s6;
	_ =	swait.eq @!p0 [sflag:s5], $0x1  }
0xb2: {  	s4 =	sor.u32 @!p0 s4, s6;
	[sflag:s5] =	ssyncadd.s32 @!p0 $0xFFFFFFFF  }
0xb3: {  	s25 =	simm.s32 $0x1B8E;
	s24 =	sld [smem:$0x3FFE];
	[sflag:s4] =	ssyncadd.remote.s32 @!p0 $0x1  }
0xb4: {  	s26 =	simm.s32 $execute0_lowered;
	[smem:$0x3FD2] =	sst s25  }
0xb5: {  	s5 =	sshll.u32 s26, $0x1;
	_ =	strace $0x80000049;
	[dreg:$0x1] =	wrdreg $0xFFFFFFFF  }
0xb6: {  	s28 =	simm.s32 $_size_execute0_lowered;
	s3 =	sadd.s32 s3, s5;
	[dreg:$0x0] =	wrdreg $0x0  }
0xb7: {  	s5 =	sshll.u32 s28, $0x1;
	[dreg:$0x2] =	wrdreg s3  }
0xb8: {  	[dreg:$0x3] =	wrdreg s5  }
0xb9: {  	[dreg:$0x4] =	wrdreg $0xC0  }
0xba: {  	_ =	task [dreg:s22], $0x5FFFF  }
0xbb: {  	[dreg:$0x1] =	wrdreg $0xFFFFFFFF  }
0xbc: {  	[dreg:$0x0] =	wrdreg $0x60  }
0xbd: {  	[dreg:$0x2] =	wrdreg s24  }
0xbe: {  	[dreg:$0x3] =	wrdreg $0x0  }
0xbf: {  	[dreg:$0x4] =	wrdreg $0x9  }
0xc0: {  	_ =	task.clear_ibuf [dreg:s22], $0x5FFFF;
	_ =	strace $0x90000049  }
0xc1: {  	s29 =	simm.s32 $0x9;
	_ =	strace $0x8000004B  }
0xc2: {  	_ =	swait.ge [sflag:s29], $0x1  }
0xc3: {  	[sflag:s29] =	ssyncadd.s32 $0xFFFFFFFF  }
0xc4: {  	_ =	strace $0x9000004B  }
0xc5: {  	_ =	sfence  }
0xc6: {  	s30 =	sld [smem:$0x0];
	_ =	sdelay $0x2  }
0xc7: {  	s31 =	sshll.u32 s1, $0xD;
	s1 =	sshrl.u32 s1, $0x2  }
0xc8: {  	s4 =	sand.u32 $0x4000, s31;
	s1 =	sadd.s32 s1, s30  }
0xc9: {  	s0 =	sor.u32 s4, s0;
	s1 =	sshll.u32 s1, $0x11  }
0xca: {  	s0 =	sor.u32 s1, s0  }
0xcb: {  	s0 =	sadd.s32 $0x8F2B, s0  }
0xcc: {  	[sflag:s0] =	ssyncadd.remote.s32 $0x1  }
0xcd: {  	_ =	sfence.sel $0xFFFF  }
0xce: {  	[dreg:$0x0] =	wrdreg $0xFFFFFFFF;
	(pc) =	sbr.abs _section_cstart, $3  }
0xcf: {  	[dreg:$0x1] =	wrdreg $0xFFFFFFFF  }
0xd0: {  	_ =	task.clear_ibuf [dreg:s22], $0x2FFFF;
	_ =	strace $0x9FFFFFFF  }
0xd1: {  	(tm) =	ssettm $0x7FFFFFFF  }
tec
execute0_lowered:
.L_overlay_start_1:
0x0: {  	(tag) =	ssettag $0x1  }
0x1: {  	s4 =	rddreg [dreg:$0x0]  }
0x2: {  	s2 =	rddreg [dreg:$0x1]  }
0x3: {  	s0 =	rddreg [dreg:$0x2]  }
0x4: {  	s5 =	srdreg.scid;
	s1 =	stileid.u32;
	s3 =	simm.s32 $0x0  }
0x5: {  	s14 =	simm.s32 $0xC8;
	s15 =	simm.s32 $0x2848;
	s16 =	simm.s32 $0x2910  }
0x6: {  	s17 =	simm.s32 $0x29D8;
	s18 =	simm.s32 $0x2AA0;
	s19 =	simm.s32 $0x2B68  }
0x7: {  	s20 =	simm.s32 $0x2C30;
	s21 =	simm.s32 $0x2CF8;
	s6 =	smul.u32 $0x2780, s1  }
0x8: {  	s22 =	simm.s32 $0x2DC0;
	s5 =	sand.u32 $0x1, s5;
	s9 =	smul.u32 $0x9E00, s1  }
0x9: {  	s23 =	simm.s32 $0x2E88;
	s24 =	simm.s32 $0x0;
	s7 =	smul.u32 $0x27800, s5  }
0xa: {  	[smem:$0x7FF] =	sst s3;
	s8 =	smul.u32 $0x4E20, s5;
	s5 =	ssub.s32 $0x2, s5  }
0xb: {  	s13 =	smul.u32 $0x4E2, s1;
	_ =	strace $0x8000004A;
	s29 =	sshrl.u32 s5, $0x1  }
0xc: {  	s30 =	sshrl.u32 s9, $0x2;
	s7 =	sadd.s32 s6, s7;
	s10 =	sadd.s32 s8, s4  }
0xd: {  	s12 =	ssub.s32 s5, s29;
	s31 =	sadd.s32 s30, s2;
	s7 =	sshrl.u32 s7, $0x3  }
0xe: {  	s5 =	sadd.s32 $0xC80, s31;
	s9 =	smax.u32 s12, $0x1;
	s10 =	sadd.s32 s13, s10  }
0xf: {  	s12 =	simm.s32 $0x1;
	s13 =	simm.s32 $0x2780;
	s11 =	sadd.s32 s7, s4  }
0x10: {  	s4 =	sadd.s32 s6, s2;
	s6 =	sadd.s32 $0x1900, s31;
	s7 =	sadd.s32 $0x2580, s31  }
0x11: {  	v0 =	vimm.f32 $0.0e+00;
	v1 =	vimm.f32 $1.000000000e+00;
	s10 =	sadd.s32 $0x4E00, s10;
	s8 =	sadd.s32 $0x53C00, s11;
	s11 =	simm.s32 $0x2F50  }
.LBB2_1:
0x12: {  	s25 =	simm.s32 $0x40;
	s26 =	simm.s32 $0x0  }
.LBB2_2:
0x13: {  	p0 =	sne.s32 s25, $0x31C0;
	[tilespmem:s26+$0x2F50] =	vst v0;
	s26 =	smov.u32 s25;
	s25 =	sadd.s32 $0x40, s25  }
.Ltmp0:
0x14: {  	(pc) =	sbr.rel @p0 .LBB2_2-.Ltmp0, $2  }
0x15: {  	_ =	sdelay $0x2  }
0x16: {  	s26 =	sshra.s32 s26, $0x2  }
0x17: {  	[tilespmem:s26+$0x2F50] =	vst v0  }
0x18: {  	[spmem:s4] =	stream.linear.scatter [tilespmem:s11], [sflag:$0x1], $0xC80, $0x38;
	[tilespmem:$0x3BD0] =	vst v63  }
0x19: {  	_ =	swait.ge [sflag:s12], $0xC80  }
0x1a: {  	[sflag:s12] =	ssyncset.done $0x0  }
0x1b: {  	[sflag:s12] =	ssyncadd.s32 $0xFFFFF380  }
0x1c: {  	[spmem:s5] =	stream.linear.scatter [tilespmem:s11], [sflag:$0x1], $0xC80, $0x38;
	[tilespmem:$0x3BD0] =	vst v63  }
0x1d: {  	_ =	swait.ge [sflag:s12], $0xC80  }
0x1e: {  	[sflag:s12] =	ssyncset.done $0x0  }
0x1f: {  	[sflag:s12] =	ssyncadd.s32 $0xFFFFF380  }
0x20: {  	[spmem:s6] =	stream.linear.scatter [tilespmem:s11], [sflag:$0x1], $0xC80, $0x38;
	[tilespmem:$0x3BD0] =	vst v63  }
0x21: {  	_ =	swait.ge [sflag:s12], $0xC80  }
0x22: {  	[sflag:s12] =	ssyncset.done $0x0  }
0x23: {  	[sflag:s12] =	ssyncadd.s32 $0xFFFFF380  }
0x24: {  	[spmem:s7] =	stream.linear.scatter [tilespmem:s11], [sflag:$0x1], $0x200, $0x38;
	[tilespmem:$0x3BD0] =	vst v63  }
0x25: {  	_ =	swait.ge [sflag:s12], $0x200  }
0x26: {  	[sflag:s12] =	ssyncset.done $0x0  }
0x27: {  	s25 =	simm.s32 $0x40;
	s26 =	simm.s32 $0x0;
	[sflag:s12] =	ssyncadd.s32 $0xFFFFFE00  }
.LBB2_4:
0x28: {  	p0 =	sne.s32 s25, $0x31C0;
	[tilespmem:s26+$0x2F50] =	vst v1;
	s26 =	smov.u32 s25;
	s25 =	sadd.s32 $0x40, s25  }
.Ltmp1:
0x29: {  	(pc) =	sbr.rel @p0 .LBB2_4-.Ltmp1, $2  }
0x2a: {  	_ =	sdelay $0x2  }
0x2b: {  	s26 =	sshra.s32 s26, $0x2  }
0x2c: {  	[tilespmem:s26+$0x2F50] =	vst v1  }
0x2d: {  	s25 =	sadd.s32 $0x0, s10;
	[bflag:$0x0] =	sbarrier.arrive $0xFFFF  }
0x2e: {  	[tilespmem:s13], [sflag:$0x1] =	stream.linear.gather [hbm4b:s25+s3], $0x7D0, $0x38;
	[tilespmem:$0x3BD0] =	vst v63  }
0x2f: {  	_ =	swait.ge [sflag:s12], $0x7D0  }
0x30: {  	[sflag:s12] =	ssyncset.done $0x0  }
0x31: {  	[sflag:s12] =	ssyncadd.s32 $0xFFFFF830  }
0x32: {  	[spmem:s2] =	stream.indirect.scatter.add.f32 [tilespmem:s11], [sflag:$0x1], $0x10, s13, s14, $0xb8;
	[tilespmem:$0x3BD0] =	vst v63  }
0x33: {  	_ =	swait.ge [sflag:s12], $0xC80  }
0x34: {  	[sflag:s12] =	ssyncset.done $0x0  }
0x35: {  	[sflag:s12] =	ssyncadd.s32 $0xFFFFF380  }
0x36: {  	[spmem:s2] =	stream.indirect.scatter.add.f32 [tilespmem:s11], [sflag:$0x1], $0x10, s15, s14, $0xb8;
	[tilespmem:$0x3BD0] =	vst v63  }
0x37: {  	_ =	swait.ge [sflag:s12], $0xC80  }
0x38: {  	[sflag:s12] =	ssyncset.done $0x0  }
0x39: {  	[sflag:s12] =	ssyncadd.s32 $0xFFFFF380  }
0x3a: {  	[spmem:s2] =	stream.indirect.scatter.add.f32 [tilespmem:s11], [sflag:$0x1], $0x10, s16, s14, $0xb8;
	[tilespmem:$0x3BD0] =	vst v63  }
0x3b: {  	_ =	swait.ge [sflag:s12], $0xC80  }
0x3c: {  	[sflag:s12] =	ssyncset.done $0x0  }
0x3d: {  	[sflag:s12] =	ssyncadd.s32 $0xFFFFF380  }
0x3e: {  	[spmem:s2] =	stream.indirect.scatter.add.f32 [tilespmem:s11], [sflag:$0x1], $0x10, s17, s14, $0xb8;
	[tilespmem:$0x3BD0] =	vst v63  }
0x3f: {  	_ =	swait.ge [sflag:s12], $0xC80  }
0x40: {  	[sflag:s12] =	ssyncset.done $0x0  }
0x41: {  	[sflag:s12] =	ssyncadd.s32 $0xFFFFF380  }
0x42: {  	[spmem:s2] =	stream.indirect.scatter.add.f32 [tilespmem:s11], [sflag:$0x1], $0x10, s18, s14, $0xb8;
	[tilespmem:$0x3BD0] =	vst v63  }
0x43: {  	_ =	swait.ge [sflag:s12], $0xC80  }
0x44: {  	[sflag:s12] =	ssyncset.done $0x0  }
0x45: {  	[sflag:s12] =	ssyncadd.s32 $0xFFFFF380  }
0x46: {  	[spmem:s2] =	stream.indirect.scatter.add.f32 [tilespmem:s11], [sflag:$0x1], $0x10, s19, s14, $0xb8;
	[tilespmem:$0x3BD0] =	vst v63  }
0x47: {  	_ =	swait.ge [sflag:s12], $0xC80  }
0x48: {  	[sflag:s12] =	ssyncset.done $0x0  }
0x49: {  	[sflag:s12] =	ssyncadd.s32 $0xFFFFF380  }
0x4a: {  	[spmem:s2] =	stream.indirect.scatter.add.f32 [tilespmem:s11], [sflag:$0x1], $0x10, s20, s14, $0xb8;
	[tilespmem:$0x3BD0] =	vst v63  }
0x4b: {  	_ =	swait.ge [sflag:s12], $0xC80  }
0x4c: {  	[sflag:s12] =	ssyncset.done $0x0  }
0x4d: {  	[sflag:s12] =	ssyncadd.s32 $0xFFFFF380  }
0x4e: {  	[spmem:s2] =	stream.indirect.scatter.add.f32 [tilespmem:s11], [sflag:$0x1], $0x10, s21, s14, $0xb8;
	[tilespmem:$0x3BD0] =	vst v63  }
0x4f: {  	_ =	swait.ge [sflag:s12], $0xC80  }
0x50: {  	[sflag:s12] =	ssyncset.done $0x0  }
0x51: {  	[sflag:s12] =	ssyncadd.s32 $0xFFFFF380  }
0x52: {  	[spmem:s2] =	stream.indirect.scatter.add.f32 [tilespmem:s11], [sflag:$0x1], $0x10, s22, s14, $0xb8;
	[tilespmem:$0x3BD0] =	vst v63  }
0x53: {  	_ =	swait.ge [sflag:s12], $0xC80  }
0x54: {  	[sflag:s12] =	ssyncset.done $0x0  }
0x55: {  	[sflag:s12] =	ssyncadd.s32 $0xFFFFF380  }
0x56: {  	[spmem:s2] =	stream.indirect.scatter.add.f32 [tilespmem:s11], [sflag:$0x1], $0x10, s23, s14, $0xb8;
	[tilespmem:$0x3BD0] =	vst v63  }
0x57: {  	_ =	swait.ge [sflag:s12], $0xC80  }
0x58: {  	s28 =	simm.s32 $0x1F4;
	s25 =	simm.s32 $0xFA;
	[sflag:s12] =	ssyncset.done $0x0  }
.LBB2_6:
0x59: {  	s29 =	sadd.s32 s25, s10  }
0x5a: {  	[sflag:s12] =	ssyncadd.s32 $0xFFFFF380;
	s25 =	smov.u32 s28;
	s26 =	sadd.s32 $0xFA, s28  }
0x5b: {  	[tilespmem:s13], [sflag:$0x1] =	stream.linear.gather [hbm4b:s29+s3], $0x7D0, $0x38;
	[tilespmem:$0x3BD0] =	vst v63  }
0x5c: {  	p0 =	sne.s32 s28, $0x3E8;
	_ =	swait.ge [sflag:s12], $0x7D0  }
0x5d: {  	[sflag:s12] =	ssyncset.done $0x0  }
0x5e: {  	[sflag:s12] =	ssyncadd.s32 $0xFFFFF830  }
0x5f: {  	[spmem:s2] =	stream.indirect.scatter.add.f32 [tilespmem:s11], [sflag:$0x1], $0x10, s13, s14, $0xb8;
	[tilespmem:$0x3BD0] =	vst v63  }
0x60: {  	_ =	swait.ge [sflag:s12], $0xC80  }
0x61: {  	[sflag:s12] =	ssyncset.done $0x0  }
0x62: {  	[sflag:s12] =	ssyncadd.s32 $0xFFFFF380  }
0x63: {  	[spmem:s2] =	stream.indirect.scatter.add.f32 [tilespmem:s11], [sflag:$0x1], $0x10, s15, s14, $0xb8;
	[tilespmem:$0x3BD0] =	vst v63  }
0x64: {  	_ =	swait.ge [sflag:s12], $0xC80  }
0x65: {  	[sflag:s12] =	ssyncset.done $0x0  }
0x66: {  	[sflag:s12] =	ssyncadd.s32 $0xFFFFF380  }
0x67: {  	[spmem:s2] =	stream.indirect.scatter.add.f32 [tilespmem:s11], [sflag:$0x1], $0x10, s16, s14, $0xb8;
	[tilespmem:$0x3BD0] =	vst v63  }
0x68: {  	_ =	swait.ge [sflag:s12], $0xC80  }
0x69: {  	[sflag:s12] =	ssyncset.done $0x0  }
0x6a: {  	[sflag:s12] =	ssyncadd.s32 $0xFFFFF380  }
0x6b: {  	[spmem:s2] =	stream.indirect.scatter.add.f32 [tilespmem:s11], [sflag:$0x1], $0x10, s17, s14, $0xb8;
	[tilespmem:$0x3BD0] =	vst v63  }
0x6c: {  	_ =	swait.ge [sflag:s12], $0xC80  }
0x6d: {  	[sflag:s12] =	ssyncset.done $0x0  }
0x6e: {  	[sflag:s12] =	ssyncadd.s32 $0xFFFFF380  }
0x6f: {  	[spmem:s2] =	stream.indirect.scatter.add.f32 [tilespmem:s11], [sflag:$0x1], $0x10, s18, s14, $0xb8;
	[tilespmem:$0x3BD0] =	vst v63  }
0x70: {  	_ =	swait.ge [sflag:s12], $0xC80  }
0x71: {  	[sflag:s12] =	ssyncset.done $0x0  }
0x72: {  	[sflag:s12] =	ssyncadd.s32 $0xFFFFF380  }
0x73: {  	[spmem:s2] =	stream.indirect.scatter.add.f32 [tilespmem:s11], [sflag:$0x1], $0x10, s19, s14, $0xb8;
	[tilespmem:$0x3BD0] =	vst v63  }
0x74: {  	_ =	swait.ge [sflag:s12], $0xC80  }
0x75: {  	[sflag:s12] =	ssyncset.done $0x0  }
0x76: {  	[sflag:s12] =	ssyncadd.s32 $0xFFFFF380  }
0x77: {  	[spmem:s2] =	stream.indirect.scatter.add.f32 [tilespmem:s11], [sflag:$0x1], $0x10, s20, s14, $0xb8;
	[tilespmem:$0x3BD0] =	vst v63  }
0x78: {  	_ =	swait.ge [sflag:s12], $0xC80  }
0x79: {  	[sflag:s12] =	ssyncset.done $0x0  }
0x7a: {  	[sflag:s12] =	ssyncadd.s32 $0xFFFFF380  }
0x7b: {  	[spmem:s2] =	stream.indirect.scatter.add.f32 [tilespmem:s11], [sflag:$0x1], $0x10, s21, s14, $0xb8;
	[tilespmem:$0x3BD0] =	vst v63  }
0x7c: {  	_ =	swait.ge [sflag:s12], $0xC80  }
0x7d: {  	[sflag:s12] =	ssyncset.done $0x0  }
0x7e: {  	[sflag:s12] =	ssyncadd.s32 $0xFFFFF380  }
0x7f: {  	[spmem:s2] =	stream.indirect.scatter.add.f32 [tilespmem:s11], [sflag:$0x1], $0x10, s22, s14, $0xb8;
	[tilespmem:$0x3BD0] =	vst v63  }
0x80: {  	_ =	swait.ge [sflag:s12], $0xC80  }
.Ltmp2:
0x81: {  	[sflag:s12] =	ssyncset.done $0x0;
	(pc) =	sbr.rel @p0 .LBB2_6-.Ltmp2, $4  }
0x82: {  	[sflag:s12] =	ssyncadd.s32 $0xFFFFF380  }
0x83: {  	[spmem:s2] =	stream.indirect.scatter.add.f32 [tilespmem:s11], [sflag:$0x1], $0x10, s23, s14, $0xb8;
	[tilespmem:$0x3BD0] =	vst v63  }
0x84: {  	_ =	swait.ge [sflag:s12], $0xC80  }
0x85: {  	s28 =	smov.u32 s26;
	[sflag:s12] =	ssyncset.done $0x0  }
0x86: {  	s25 =	sadd.s32 s25, s10;
	[sflag:s12] =	ssyncadd.s32 $0xFFFFF380  }
0x87: {  	[tilespmem:s13], [sflag:$0x1] =	stream.linear.gather [hbm4b:s25+s3], $0x7D0, $0x38;
	[tilespmem:$0x3BD0] =	vst v63  }
0x88: {  	_ =	swait.ge [sflag:s12], $0x7D0  }
0x89: {  	[sflag:s12] =	ssyncset.done $0x0  }
0x8a: {  	[sflag:s12] =	ssyncadd.s32 $0xFFFFF830  }
0x8b: {  	[spmem:s2] =	stream.indirect.scatter.add.f32 [tilespmem:s11], [sflag:$0x1], $0x10, s13, s14, $0xb8;
	[tilespmem:$0x3BD0] =	vst v63  }
0x8c: {  	_ =	swait.ge [sflag:s12], $0xC80  }
0x8d: {  	[sflag:s12] =	ssyncset.done $0x0  }
0x8e: {  	[sflag:s12] =	ssyncadd.s32 $0xFFFFF380  }
0x8f: {  	[spmem:s2] =	stream.indirect.scatter.add.f32 [tilespmem:s11], [sflag:$0x1], $0x10, s15, s14, $0xb8;
	[tilespmem:$0x3BD0] =	vst v63  }
0x90: {  	_ =	swait.ge [sflag:s12], $0xC80  }
0x91: {  	[sflag:s12] =	ssyncset.done $0x0  }
0x92: {  	[sflag:s12] =	ssyncadd.s32 $0xFFFFF380  }
0x93: {  	[spmem:s2] =	stream.indirect.scatter.add.f32 [tilespmem:s11], [sflag:$0x1], $0x10, s16, s14, $0xb8;
	[tilespmem:$0x3BD0] =	vst v63  }
0x94: {  	_ =	swait.ge [sflag:s12], $0xC80  }
0x95: {  	[sflag:s12] =	ssyncset.done $0x0  }
0x96: {  	[sflag:s12] =	ssyncadd.s32 $0xFFFFF380  }
0x97: {  	[spmem:s2] =	stream.indirect.scatter.add.f32 [tilespmem:s11], [sflag:$0x1], $0x10, s17, s14, $0xb8;
	[tilespmem:$0x3BD0] =	vst v63  }
0x98: {  	_ =	swait.ge [sflag:s12], $0xC80  }
0x99: {  	[sflag:s12] =	ssyncset.done $0x0  }
0x9a: {  	[sflag:s12] =	ssyncadd.s32 $0xFFFFF380  }
0x9b: {  	[spmem:s2] =	stream.indirect.scatter.add.f32 [tilespmem:s11], [sflag:$0x1], $0x10, s18, s14, $0xb8;
	[tilespmem:$0x3BD0] =	vst v63  }
0x9c: {  	_ =	swait.ge [sflag:s12], $0xC80  }
0x9d: {  	[sflag:s12] =	ssyncset.done $0x0  }
0x9e: {  	[sflag:s12] =	ssyncadd.s32 $0xFFFFF380  }
0x9f: {  	[spmem:s2] =	stream.indirect.scatter.add.f32 [tilespmem:s11], [sflag:$0x1], $0x10, s19, s14, $0xb8;
	[tilespmem:$0x3BD0] =	vst v63  }
0xa0: {  	_ =	swait.ge [sflag:s12], $0xC80  }
0xa1: {  	[sflag:s12] =	ssyncset.done $0x0  }
0xa2: {  	[sflag:s12] =	ssyncadd.s32 $0xFFFFF380  }
0xa3: {  	[spmem:s2] =	stream.indirect.scatter.add.f32 [tilespmem:s11], [sflag:$0x1], $0x10, s20, s14, $0xb8;
	[tilespmem:$0x3BD0] =	vst v63  }
0xa4: {  	_ =	swait.ge [sflag:s12], $0xC80  }
0xa5: {  	[sflag:s12] =	ssyncset.done $0x0  }
0xa6: {  	[sflag:s12] =	ssyncadd.s32 $0xFFFFF380  }
0xa7: {  	[spmem:s2] =	stream.indirect.scatter.add.f32 [tilespmem:s11], [sflag:$0x1], $0x10, s21, s14, $0xb8;
	[tilespmem:$0x3BD0] =	vst v63  }
0xa8: {  	_ =	swait.ge [sflag:s12], $0xC80  }
0xa9: {  	[sflag:s12] =	ssyncset.done $0x0  }
0xaa: {  	[sflag:s12] =	ssyncadd.s32 $0xFFFFF380  }
0xab: {  	[spmem:s2] =	stream.indirect.scatter.add.f32 [tilespmem:s11], [sflag:$0x1], $0x10, s22, s14, $0xb8;
	[tilespmem:$0x3BD0] =	vst v63  }
0xac: {  	_ =	swait.ge [sflag:s12], $0xC80  }
0xad: {  	[sflag:s12] =	ssyncset.done $0x0  }
0xae: {  	[sflag:s12] =	ssyncadd.s32 $0xFFFFF380  }
0xaf: {  	[spmem:s2] =	stream.indirect.scatter.add.f32 [tilespmem:s11], [sflag:$0x1], $0x10, s23, s14, $0xb8;
	[tilespmem:$0x3BD0] =	vst v63  }
0xb0: {  	_ =	swait.ge [sflag:s12], $0xC80  }
0xb1: {  	s31 =	sshll.u32 s1, $0x6;
	s24 =	sadd.s32 $0x1, s24;
	[sflag:s12] =	ssyncset.done $0x0  }
0xb2: {  	s26 =	sshrl.u32 s4, $0x3;
	p0 =	sne.s32 s24, s9;
	[sflag:s12] =	ssyncadd.s32 $0xFFFFF380  }
.Ltmp3:
0xb3: {  	s25 =	sor.u32 $0x1C01, s31;
	[bflag:$0x0] =	sbarrier.arrive $0xFFFF;
	(pc) =	sbr.rel @p0 .LBB2_1-.Ltmp3, $4  }
0xb4: {  	[hbm:s8], [sflag:s25] =	dma.local [spmem:s26], $0x4F0  }
0xb5: {  	_ =	swait.ge [sflag:s12], $0x4F0  }
0xb6: {  	[sflag:s12] =	ssyncset.done $0x0  }
0xb7: {  	[sflag:s12] =	ssyncadd.s32 $0xFFFFFB10  }
0xb8: {  	_ =	sfence.sel $0x180000  }
0xb9: {  	[bflag:$0x0] =	sbarrier.arrive $0xFFFF  }
0xba: {  	p0 =	sne.s32 s1, $0x0;
	_ =	strace $0x9000004A  }
0xbb: {  	s0 =	sadd.s32 @!p0 $0x100000, s0;
	[bflag:$0x2] =	sbarrier.arrive $0xFFFF  }
0xbc: {  	[sflag:s0] =	ssyncadd.tile.s32 @!p0 $0x1;
	_ =	shalt  }
.Lfunc_end2:
_tile_overlayer_lowered:
.L_overlay_start_2:
0xbd: {  	(tag) =	ssettag $0x2  }
0xbe: {  	s0 =	rddreg [dreg:$0x0];
	s2 =	stileid.u32  }
0xbf: {  	s1 =	rddreg [dreg:$0x1];
	p0 =	sne.s32 s2, $0x0  }
0xc0: {  	s3 =	rddreg [dreg:$0x2];
	[bflag:$0x3] =	sbarrier.arrive $0xFFFF;
	s2 =	simm.s32 @!p0 $0x1C01  }
0xc1: {  	[timem:s3], [sflag:s2] =	dma.local @!p0 [hbm:s0], s1  }
0xc2: {  	s0 =	simm.s32 @!p0 $0x1  }
0xc3: {  	_ =	swait.ge @!p0 [sflag:s0], s1  }
0xc4: {  	s1 =	ssub.s32 @!p0 $0x0, s1;
	[sflag:s0] =	ssyncset.done @!p0 $0x0  }
0xc5: {  	[sflag:s0] =	ssyncadd.s32 @!p0 s1  }
0xc6: {  	[bflag:$0x3] =	sbarrier.arrive $0xFFFF  }
0xc7: {  	_ =	shalt  }

// kernel: kernel.13.cloned.1.call-start
scs
__scs_entry_jumppad:
0x0: {  	(pc) =	sbr.rel $0x88, $3  }
0x1: {  	(tag) =	ssettag $0x0;
	lr =	simm.s32 $0x1  }
0x2: {  	[smem:$0x3F82] =	sst lr;
	_ =	strace $0xD0000000  }
0x3: {  	_ = 	snop  }
0x4: {  	_ = 	snop  }
0x5: {  	_ = 	snop  }
0x6: {  	_ = 	snop  }
0x7: {  	_ = 	snop  }
__scs_overlays_trampoline_lowered:
0x8: {  	[smem:$0x3F91] =	sst s0  }
0x9: {  	[smem:$0x3F92] =	sst s1  }
0xa: {  	[smem:$0x3F93] =	sst s2  }
0xb: {  	[smem:$0x3F94] =	sst s3  }
0xc: {  	[smem:$0x3F95] =	sst s4  }
0xd: {  	[smem:$0x3F96] =	sst s5  }
0xe: {  	[smem:$0x3F97] =	sst s6  }
0xf: {  	[smem:$0x3F98] =	sst s7  }
0x10: {  	[smem:$0x3F99] =	sst s8  }
0x11: {  	[smem:$0x3F9A] =	sst s9;
	s0 =	simm.s32 @!p0 $0x0  }
0x12: {  	s1 =	sld [smem:$0x3F80];
	s0 =	simm.s32 @p0 $0x1  }
0x13: {  	[smem:$0x3F9B] =	sst s0;
	s0 =	simm.s32 @!p1 $0x0  }
0x14: {  	s2 =	sld [smem:$0x3F7F];
	s0 =	simm.s32 @p1 $0x1  }
0x15: {  	[smem:$0x3F9C] =	sst s0;
	s0 =	simm.s32 @!p2 $0x0  }
0x16: {  	s3 =	sld [smem:$0x3FDB];
	s0 =	simm.s32 @p2 $0x1  }
0x17: {  	s4 =	simm.s32 $0x1BF5;
	[smem:$0x3F9E] =	sst s0  }
0x18: {  	s0 =	sld [smem:$0x3F81];
	_ =	swait.ge [sflag:s4], $0x0  }
0x19: {  	s7 =	sld [smem:$0x3F82]  }
0x1a: {  	s8 =	sadd.s32 $0xFFFFE003, lr  }
0x1b: {  	s9 =	sadd.s32 $0xFFFFFEF7, lr;
	s5 =	simm.s32 $0xFFFFFFFF;
	p2 =	slt.u32 s8, $0xFFFFF086  }
0x1c: {  	p1 =	slt.u32 s9, $0xF7A;
	s5 =	simm.s32 @!p2 $0x0  }
0x1d: {  	s5 =	simm.s32 @p1 $0x1;
	p0 =	seq.s32 s7, s2  }
0x1e: {  	s7 =	smul.u32 @!p0 $0xF7A, s2;
	p2 =	seq.s32 @!p0 s5, $0x0  }
0x1f: {  	s9 =	smul.u32 $0xF7A, s1;
	s8 =	simm.s32 @!p0 $0x1BF5;
	p2 =	por !p2, p0  }
0x20: {  	[sflag:s8] =	ssyncset.s32 @!p0 $0xFFFFF086;
	s6 =	sadd.s32 @!p0 s3, s7;
	s7 =	simm.s32 @!p0 $0x108  }
0x21: {  	s3 =	sadd.s32 s3, s9;
	s6 =	sadd.s32 @!p0 $0x88, s6;
	s7 =	simm.s32 @p2 $0x1082  }
0x22: {  	[simem:s7], [sflag:s8] =	dma.local @!p0 [hbm:s6], $0xF7A  }
0x23: {  	s9 =	sor.u32 $0xD0000000, s2;
	s6 =	simm.s32 $0x108;
	_ =	swait.ge @!p0 [sflag:s8], $0x0  }
0x24: {  	s3 =	sadd.s32 $0x88, s3;
	s6 =	simm.s32 @!p1 $0x1082;
	[sflag:s4] =	ssyncset.s32 $0xFFFFF086  }
0x25: {  	[simem:s6], [sflag:s4] =	dma.local [hbm:s3], $0xF7A  }
0x26: {  	[smem:$0x3F82] =	sst s1;
	(tag) =	ssettag s2;
	_ =	strace s9  }
0x27: {  	s1 =	sld [smem:$0x3F92]  }
0x28: {  	s2 =	sld [smem:$0x3F93]  }
0x29: {  	s4 =	sld [smem:$0x3F95]  }
0x2a: {  	p0 =	seq.s32 s5, $0x0;
	s5 =	sld [smem:$0x3F96]  }
0x2b: {  	s6 =	sld [smem:$0x3F97]  }
0x2c: {  	s7 =	sld [smem:$0x3F98]  }
0x2d: {  	s3 =	simm.s32 $0x108;
	s8 =	sld [smem:$0x3F99]  }
0x2e: {  	s3 =	simm.s32 @!p0 $0x1082;
	s9 =	sld [smem:$0x3F9A]  }
0x2f: {  	lr =	sadd.s32 s0, s3;
	s0 =	sld [smem:$0x3F91]  }
0x30: {  	s3 =	sld [smem:$0x3F94]  }
0x31: {  	[smem:$0x3F9D] =	sst s10  }
0x32: {  	s10 =	sld [smem:$0x3F9B];
	_ =	sdelay $0x3  }
0x33: {  	p0 =	seq.s32 s10, $0x1;
	s10 =	sld [smem:$0x3F9D];
	_ =	sdelay $0x3  }
0x34: {  	[smem:$0x3F9D] =	sst s10  }
0x35: {  	s10 =	sld [smem:$0x3F9C];
	_ =	sdelay $0x3  }
0x36: {  	p1 =	seq.s32 s10, $0x1;
	s10 =	sld [smem:$0x3F9D];
	_ =	sdelay $0x3  }
0x37: {  	[smem:$0x3F9D] =	sst s10  }
0x38: {  	s10 =	sld [smem:$0x3F9E]  }
0x39: {  	_ = 	snop;
	(pc) =	sbr.ind lr, $3  }
0x3a: {  	_ = 	snop  }
0x3b: {  	_ = 	snop  }
0x3c: {  	p2 =	seq.s32 s10, $0x1;
	s10 =	sld [smem:$0x3F9D]  }
0x3d: {  	_ =	shalt  }
0x3e: {  	_ =	shalt  }
0x3f: {  	_ =	shalt  }
0x40: {  	_ =	shalt  }
0x41: {  	_ =	shalt  }
0x42: {  	_ =	shalt  }
0x43: {  	_ =	shalt  }
0x44: {  	_ =	shalt  }
0x45: {  	_ =	shalt  }
0x46: {  	_ =	shalt  }
0x47: {  	_ =	shalt  }
0x48: {  	_ =	shalt  }
0x49: {  	_ =	shalt  }
0x4a: {  	_ =	shalt  }
0x4b: {  	_ =	shalt  }
0x4c: {  	_ =	shalt  }
0x4d: {  	_ =	shalt  }
0x4e: {  	_ =	shalt  }
0x4f: {  	_ =	shalt  }
0x50: {  	_ =	shalt  }
0x51: {  	_ =	shalt  }
0x52: {  	_ =	shalt  }
0x53: {  	_ =	shalt  }
0x54: {  	_ =	shalt  }
0x55: {  	_ =	shalt  }
0x56: {  	_ =	shalt  }
0x57: {  	_ =	shalt  }
0x58: {  	_ =	shalt  }
0x59: {  	_ =	shalt  }
0x5a: {  	_ =	shalt  }
0x5b: {  	_ =	shalt  }
0x5c: {  	_ =	shalt  }
0x5d: {  	_ =	shalt  }
0x5e: {  	_ =	shalt  }
0x5f: {  	_ =	shalt  }
0x60: {  	_ =	shalt  }
0x61: {  	_ =	shalt  }
0x62: {  	_ =	shalt  }
0x63: {  	_ =	shalt  }
0x64: {  	_ =	shalt  }
0x65: {  	_ =	shalt  }
0x66: {  	_ =	shalt  }
0x67: {  	_ =	shalt  }
0x68: {  	_ =	shalt  }
0x69: {  	_ =	shalt  }
0x6a: {  	_ =	shalt  }
0x6b: {  	_ =	shalt  }
0x6c: {  	_ =	shalt  }
0x6d: {  	_ =	shalt  }
0x6e: {  	_ =	shalt  }
0x6f: {  	_ =	shalt  }
0x70: {  	_ =	shalt  }
0x71: {  	_ =	shalt  }
0x72: {  	_ =	shalt  }
0x73: {  	_ =	shalt  }
0x74: {  	_ =	shalt  }
0x75: {  	_ =	shalt  }
0x76: {  	_ =	shalt  }
0x77: {  	_ =	shalt  }
0x78: {  	_ =	shalt  }
0x79: {  	_ =	shalt  }
0x7a: {  	_ =	shalt  }
0x7b: {  	_ =	shalt  }
0x7c: {  	_ =	shalt  }
0x7d: {  	_ =	shalt  }
0x7e: {  	_ =	shalt  }
0x7f: {  	_ =	shalt  }
0x80: {  	_ =	shalt  }
0x81: {  	_ =	shalt  }
0x82: {  	_ =	shalt  }
0x83: {  	_ =	shalt  }
0x84: {  	_ =	shalt  }
0x85: {  	_ =	shalt  }
0x86: {  	_ =	shalt  }
0x87: {  	_ =	shalt  }
.Lfunc_end0:
.L_simem_size_0:
called_computation.1_lowered:
.L_overlay_start_0:
0x88: {  	s2 =	sld [smem:$0x3FD9]  }
0x89: {  	s3 =	sld [smem:$0x3FFE];
	_ =	sdelay $0x1  }
0x8a: {  	s1 =	srdreg.scid  }
0x8b: {  	s0 =	sand.u32 $0x1, s1  }
0x8c: {  	s16 =	sshll.u32 s0, $0xA;
	s2 =	sadd.s32 s3, s2  }
0x8d: {  	s2 =	sadd.s32 s2, s16  }
0x8e: {  	[smem:$0x3FA9] =	sst s2  }
0x8f: {  	_ = 	snop  }
0x90: {  	(tm) =	ssettm $0x1  }
0x91: {  	s17 =	sld [smem:$0x3FFB];
	_ =	sdelay $0x3  }
0x92: {  	_ =	strace s17  }
0x93: {  	s2 =	sld [smem:$0x3FFC];
	_ =	sdelay $0x3  }
0x94: {  	_ =	strace s2  }
0x95: {  	s2 =	sld [smem:$0x3FFD];
	_ =	sdelay $0x3  }
0x96: {  	_ =	strace s2  }
0x97: {  	_ =	strace $0x8FFFFFFF  }
0x98: {  	s18 =	sld [smem:$0x3FDB];
	_ =	sdelay $0x1  }
0x99: {  	s19 =	simm.s32 $_scs_section_size  }
0x9a: {  	s4 =	simm.s32 $_size__tile_overlayer_lowered;
	s5 =	simm.s32 $_tile_overlayer_lowered  }
0x9b: {  	s22 =	simm.s32 $0x1BFF;
	s21 =	sshll.u32 s5, $0x1;
	s2 =	sadd.s32 s19, s18  }
0x9c: {  	s6 =	simm.s32 $0x0;
	s20 =	sshll.u32 s4, $0x1;
	s4 =	sadd.s32 s21, s2  }
0x9d: {  	[timem:s6], [sflag:s22] =	dma.local [hbm:s4], s20  }
0x9e: {  	_ =	swait.ge [sflag:s22], s20  }
0x9f: {  	s3 =	ssub.s32 $0x0, s20;
	[sflag:s22] =	ssyncset.done $0x0  }
0xa0: {  	[sflag:s22] =	ssyncadd.s32 s3;
	_ =	sdelay $0x1  }
0xa1: {  	s23 =	simm.s32 $0x1B8B  }
0xa2: {  	_ =	swait.ge [sflag:s23], $0x1  }
0xa3: {  	[sflag:s23] =	ssyncset.done $0x0  }
0xa4: {  	s25 =	simm.s32 $0x1B8E;
	s24 =	sld [smem:$0x3FFE];
	[sflag:s23] =	ssyncadd.s32 $0xFFFFFFFF  }
0xa5: {  	s26 =	simm.s32 $execute0_lowered;
	[smem:$0x3FD2] =	sst s25  }
0xa6: {  	s4 =	sshll.u32 s26, $0x1;
	_ =	strace $0x80000046;
	[dreg:$0x1] =	wrdreg $0xFFFFFFFF  }
0xa7: {  	s28 =	simm.s32 $_size_execute0_lowered;
	s2 =	sadd.s32 s2, s4;
	[dreg:$0x0] =	wrdreg $0x0  }
0xa8: {  	s4 =	sshll.u32 s28, $0x1;
	[dreg:$0x2] =	wrdreg s2  }
0xa9: {  	[dreg:$0x3] =	wrdreg s4  }
0xaa: {  	[dreg:$0x4] =	wrdreg $0xC0  }
0xab: {  	_ =	task [dreg:s6], $0x5FFFF  }
0xac: {  	[dreg:$0x1] =	wrdreg $0xFFFFFFFF  }
0xad: {  	[dreg:$0x0] =	wrdreg $0x60  }
0xae: {  	[dreg:$0x2] =	wrdreg s24  }
0xaf: {  	[dreg:$0x3] =	wrdreg $0x0  }
0xb0: {  	[dreg:$0x4] =	wrdreg $0xA  }
0xb1: {  	_ =	task.clear_ibuf [dreg:s6], $0x5FFFF;
	_ =	strace $0x90000046  }
0xb2: {  	s29 =	simm.s32 $0xA;
	_ =	strace $0x80000048  }
0xb3: {  	_ =	swait.ge [sflag:s29], $0x1  }
0xb4: {  	[sflag:s29] =	ssyncadd.s32 $0xFFFFFFFF  }
0xb5: {  	_ =	strace $0x90000048  }
0xb6: {  	_ =	sfence  }
0xb7: {  	s30 =	sld [smem:$0x0];
	_ =	sdelay $0x2  }
0xb8: {  	s31 =	sshll.u32 s1, $0xD;
	s1 =	sshrl.u32 s1, $0x2  }
0xb9: {  	s3 =	sand.u32 $0x4000, s31;
	s1 =	sadd.s32 s1, s30  }
0xba: {  	s0 =	sor.u32 s3, s0;
	s1 =	sshll.u32 s1, $0x11  }
0xbb: {  	s0 =	sor.u32 s1, s0  }
0xbc: {  	s0 =	sadd.s32 $0x8F2B, s0  }
0xbd: {  	[sflag:s0] =	ssyncadd.remote.s32 $0x1  }
0xbe: {  	_ =	sfence.sel $0xFFFF  }
0xbf: {  	[dreg:$0x0] =	wrdreg $0xFFFFFFFF;
	(pc) =	sbr.abs _section_cstart, $3  }
0xc0: {  	[dreg:$0x1] =	wrdreg $0xFFFFFFFF  }
0xc1: {  	_ =	task.clear_ibuf [dreg:s6], $0x2FFFF;
	_ =	strace $0x9FFFFFFF  }
0xc2: {  	(tm) =	ssettm $0x7FFFFFFF  }
0xc3: {  	_ =	shalt  }
tec
execute0_lowered:
.L_overlay_start_1:
0x0: {  	(tag) =	ssettag $0x1  }
0x1: {  	s0 =	rddreg [dreg:$0x0]  }
0x2: {  	s1 =	srdreg.scid;
	s2 =	rddreg [dreg:$0x1]  }
0x3: {  	s8 =	stileid.u32;
	s3 =	simm.s32 $0x0;
	s13 =	simm.s32 $0xEC20  }
0x4: {  	s14 =	simm.s32 $0x5;
	s15 =	simm.s32 $0x9E00;
	s16 =	simm.s32 $0x6  }
0x5: {  	s18 =	simm.s32 $0xC8;
	s20 =	simm.s32 $0x11E20;
	s22 =	simm.s32 $0x15020  }
0x6: {  	s23 =	simm.s32 $0x18220;
	s24 =	simm.s32 $0x1;
	s25 =	simm.s32 $0x2  }
0x7: {  	s26 =	simm.s32 $0x3;
	s28 =	simm.s32 $0x4;
	s19 =	simm.s32 $0xE9C8  }
0x8: {  	s21 =	simm.s32 $0xEA90;
	s29 =	simm.s32 $0xEB58;
	s1 =	sand.u32 $0x1, s1  }
0x9: {  	s5 =	smul.u32 $0x13C00, s8;
	[smem:$0x7FF] =	sst s3;
	s4 =	sshll.u32 s1, $0x4  }
0xa: {  	s6 =	smul.u32 $0x13C000, s1;
	_ =	strace $0x80000047;
	s1 =	ssub.s32 $0x2, s1  }
0xb: {  	s4 =	sor.u32 s8, s4;
	s8 =	smul.u32 $0x27800, s8;
	s31 =	sshrl.u32 s1, $0x1  }
0xc: {  	s7 =	smul.u32 $0x4E2, s4;
	s6 =	sadd.s32 s5, s6;
	s4 =	sadd.s32 $0x18A00, s0  }
0xd: {  	s5 =	sshrl.u32 s5, $0x1;
	s1 =	ssub.s32 s1, s31;
	s6 =	sshrl.u32 s6, $0x4  }
0xe: {  	s30 =	sshrl.u32 s8, $0x2;
	s5 =	sadd.s32 s5, s2;
	s12 =	smax.u32 s1, $0x1  }
0xf: {  	s10 =	sadd.s32 s7, s0;
	s0 =	sadd.s32 s6, s0;
	s8 =	sadd.s32 s30, s2  }
0x10: {  	s6 =	sadd.s32 $0x3200, s8;
	s7 =	sadd.s32 $0x6400, s8;
	s8 =	sadd.s32 $0x9600, s8  }
0x11: {  	v0 =	vimm.bf16 $0.0e+00;
	s9 =	sadd.s32 $0xEC00, s10;
	s10 =	sadd.s32 $0x4E00, s10;
	s11 =	sadd.s32 $0x2C400, s0  }
.LBB2_1:
0x12: {  	s30 =	simm.s32 $0x100;
	s0 =	simm.s32 $0x0  }
.LBB2_2:
0x13: {  	p0 =	sne.s32 s30, $0xC700;
	[tilespmem:s0+$0xEC50] =	vst v0;
	s1 =	smov.u32 s30;
	s30 =	sadd.s32 $0x100, s30  }
.Ltmp0:
0x14: {  	[tilespmem:s0+$0xEC40] =	vst v0;
	(pc) =	sbr.rel @p0 .LBB2_2-.Ltmp0, $3  }
0x15: {  	[tilespmem:s0+$0xEC20] =	vst v0  }
0x16: {  	[tilespmem:s0+$0xEC30] =	vst v0;
	_ =	sdelay $0x1  }
0x17: {  	s0 =	sshra.s32 s1, $0x2  }
0x18: {  	[tilespmem:s0+$0xEC50] =	vst v0  }
0x19: {  	[tilespmem:s0+$0xEC40] =	vst v0  }
0x1a: {  	[tilespmem:s0+$0xEC20] =	vst v0  }
0x1b: {  	[tilespmem:s0+$0xEC30] =	vst v0  }
0x1c: {  	[spmem:s5] =	stream.linear.scatter [tilespmem:s13], [sflag:$0x5], $0x3200, $0x38;
	[tilespmem:$0x1B420] =	vst v63  }
0x1d: {  	_ = 	snop  }
0x1e: {  	[spmem:s6] =	stream.linear.scatter [tilespmem:s13], [sflag:$0x5], $0x3200, $0x38;
	[tilespmem:$0x1B420] =	vst v63  }
0x1f: {  	_ = 	snop  }
0x20: {  	[spmem:s7] =	stream.linear.scatter [tilespmem:s13], [sflag:$0x5], $0x3200, $0x38;
	[tilespmem:$0x1B420] =	vst v63  }
0x21: {  	_ = 	snop  }
0x22: {  	[spmem:s8] =	stream.linear.scatter [tilespmem:s13], [sflag:$0x5], $0x800, $0x38;
	[tilespmem:$0x1B420] =	vst v63  }
0x23: {  	_ =	swait.ge [sflag:s14], $0x3200  }
0x24: {  	[sflag:s14] =	ssyncset.done $0x0  }
0x25: {  	[sflag:s14] =	ssyncadd.s32 $0xFFFFCE00  }
0x26: {  	_ =	swait.ge [sflag:s14], $0x3200  }
0x27: {  	[sflag:s14] =	ssyncset.done $0x0  }
0x28: {  	[sflag:s14] =	ssyncadd.s32 $0xFFFFCE00  }
0x29: {  	_ =	swait.ge [sflag:s14], $0x3200  }
0x2a: {  	[sflag:s14] =	ssyncset.done $0x0  }
0x2b: {  	[sflag:s14] =	ssyncadd.s32 $0xFFFFCE00  }
0x2c: {  	_ =	swait.ge [sflag:s14], $0x800  }
0x2d: {  	[sflag:s14] =	ssyncset.done $0x0  }
0x2e: {  	[sflag:s14] =	ssyncadd.s32 $0xFFFFF800  }
0x2f: {  	s17 =	simm.s32 $0x0;
	[bflag:$0x0] =	sbarrier.arrive $0xFFFF  }
0x30: {  	[tilespmem:s15], [sflag:$0x6] =	stream.linear.gather [hbm4b:s9+s17], $0x2710, $0x38;
	[tilespmem:$0x1B420] =	vst v63  }
0x31: {  	_ =	swait.ge [sflag:s16], $0x2710  }
0x32: {  	[sflag:s16] =	ssyncset.done $0x0  }
0x33: {  	s1 =	simm.s32 $0xC510;
	[sflag:s16] =	ssyncadd.s32 $0xFFFFD8F0  }
0x34: {  	[tilespmem:s1], [sflag:$0x6] =	stream.linear.gather [hbm4b:s10+s17], $0x2710, $0x38;
	[tilespmem:$0x1B420] =	vst v63  }
0x35: {  	_ =	swait.ge [sflag:s16], $0x2710  }
0x36: {  	[sflag:s16] =	ssyncset.done $0x0  }
0x37: {  	[sflag:s16] =	ssyncadd.s32 $0xFFFFD8F0  }
0x38: {  	[tilespmem:s13], [sflag:$0x1] =	stream.indirect.gather [hbm4b:s4+s18], $0x40, s15, s18, $0xb8;
	[tilespmem:$0x1B420] =	vst v63  }
0x39: {  	s1 =	simm.s32 $0x9EC8  }
0x3a: {  	[tilespmem:s20], [sflag:$0x2] =	stream.indirect.gather [hbm4b:s4+s18], $0x40, s1, s18, $0xb8;
	[tilespmem:$0x1B420] =	vst v63  }
0x3b: {  	s17 =	simm.s32 $0x9F90  }
0x3c: {  	[tilespmem:s22], [sflag:$0x3] =	stream.indirect.gather [hbm4b:s4+s18], $0x40, s17, s18, $0xb8;
	[tilespmem:$0x1B420] =	vst v63  }
0x3d: {  	s1 =	simm.s32 $0xA058  }
0x3e: {  	[tilespmem:s23], [sflag:$0x4] =	stream.indirect.gather [hbm4b:s4+s18], $0x40, s1, s18, $0xb8;
	[tilespmem:$0x1B420] =	vst v63  }
0x3f: {  	_ =	swait.ge [sflag:s24], $0x3200  }
0x40: {  	[sflag:s24] =	ssyncset.done $0x0  }
0x41: {  	s17 =	simm.s32 $0xC510;
	[sflag:s24] =	ssyncadd.s32 $0xFFFFCE00  }
0x42: {  	[spmem:s2] =	stream.indirect.scatter.add.bf16 [tilespmem:s13], [sflag:$0x6], $0x40, s17, s18, $0xb8;
	[tilespmem:$0x1B420] =	vst v63  }
0x43: {  	_ =	swait.ge [sflag:s16], $0x3200  }
0x44: {  	[sflag:s16] =	ssyncset.done $0x0  }
0x45: {  	s1 =	simm.s32 $0xA120;
	[sflag:s16] =	ssyncadd.s32 $0xFFFFCE00  }
0x46: {  	[tilespmem:s13], [sflag:$0x1] =	stream.indirect.gather [hbm4b:s4+s18], $0x40, s1, s18, $0xb8;
	[tilespmem:$0x1B420] =	vst v63  }
0x47: {  	_ =	swait.ge [sflag:s25], $0x3200  }
0x48: {  	[sflag:s25] =	ssyncset.done $0x0  }
0x49: {  	s17 =	simm.s32 $0xC5D8;
	[sflag:s25] =	ssyncadd.s32 $0xFFFFCE00  }
0x4a: {  	[spmem:s2] =	stream.indirect.scatter.add.bf16 [tilespmem:s20], [sflag:$0x6], $0x40, s17, s18, $0xb8;
	[tilespmem:$0x1B420] =	vst v63  }
0x4b: {  	_ =	swait.ge [sflag:s16], $0x3200  }
0x4c: {  	[sflag:s16] =	ssyncset.done $0x0  }
0x4d: {  	s1 =	simm.s32 $0xA1E8;
	[sflag:s16] =	ssyncadd.s32 $0xFFFFCE00  }
0x4e: {  	[tilespmem:s20], [sflag:$0x2] =	stream.indirect.gather [hbm4b:s4+s18], $0x40, s1, s18, $0xb8;
	[tilespmem:$0x1B420] =	vst v63  }
0x4f: {  	_ =	swait.ge [sflag:s26], $0x3200  }
0x50: {  	[sflag:s26] =	ssyncset.done $0x0  }
0x51: {  	s17 =	simm.s32 $0xC6A0;
	[sflag:s26] =	ssyncadd.s32 $0xFFFFCE00  }
0x52: {  	[spmem:s2] =	stream.indirect.scatter.add.bf16 [tilespmem:s22], [sflag:$0x6], $0x40, s17, s18, $0xb8;
	[tilespmem:$0x1B420] =	vst v63  }
0x53: {  	_ =	swait.ge [sflag:s16], $0x3200  }
0x54: {  	[sflag:s16] =	ssyncset.done $0x0  }
0x55: {  	s1 =	simm.s32 $0xA2B0;
	[sflag:s16] =	ssyncadd.s32 $0xFFFFCE00  }
0x56: {  	[tilespmem:s22], [sflag:$0x3] =	stream.indirect.gather [hbm4b:s4+s18], $0x40, s1, s18, $0xb8;
	[tilespmem:$0x1B420] =	vst v63  }
0x57: {  	_ =	swait.ge [sflag:s28], $0x3200  }
0x58: {  	[sflag:s28] =	ssyncset.done $0x0  }
0x59: {  	s17 =	simm.s32 $0xC768;
	[sflag:s28] =	ssyncadd.s32 $0xFFFFCE00  }
0x5a: {  	[spmem:s2] =	stream.indirect.scatter.add.bf16 [tilespmem:s23], [sflag:$0x6], $0x40, s17, s18, $0xb8;
	[tilespmem:$0x1B420] =	vst v63  }
0x5b: {  	_ =	swait.ge [sflag:s16], $0x3200  }
0x5c: {  	s31 =	simm.s32 $0x1900;
	s30 =	simm.s32 $0x320;
	[sflag:s16] =	ssyncset.done $0x0  }
.LBB2_4:
0x5d: {  	s17 =	sadd.s32 $0xA058, s30  }
0x5e: {  	[sflag:s16] =	ssyncadd.s32 $0xFFFFCE00;
	s0 =	smov.u32 s31;
	s1 =	sadd.s32 $0xC80, s31  }
0x5f: {  	[tilespmem:s23], [sflag:$0x4] =	stream.indirect.gather [hbm4b:s4+s18], $0x40, s17, s18, $0xb8;
	[tilespmem:$0x1B420] =	vst v63  }
0x60: {  	p0 =	sne.s32 s31, $0x7D00;
	_ =	swait.ge [sflag:s24], $0x3200  }
0x61: {  	[sflag:s24] =	ssyncset.done $0x0  }
0x62: {  	s17 =	sadd.s32 $0xC510, s30;
	[sflag:s24] =	ssyncadd.s32 $0xFFFFCE00  }
0x63: {  	[spmem:s2] =	stream.indirect.scatter.add.bf16 [tilespmem:s13], [sflag:$0x6], $0x40, s17, s18, $0xb8;
	[tilespmem:$0x1B420] =	vst v63  }
0x64: {  	_ =	swait.ge [sflag:s16], $0x3200  }
0x65: {  	[sflag:s16] =	ssyncset.done $0x0  }
0x66: {  	s17 =	sadd.s32 $0xA120, s30;
	[sflag:s16] =	ssyncadd.s32 $0xFFFFCE00  }
0x67: {  	[tilespmem:s13], [sflag:$0x1] =	stream.indirect.gather [hbm4b:s4+s18], $0x40, s17, s18, $0xb8;
	[tilespmem:$0x1B420] =	vst v63  }
0x68: {  	_ =	swait.ge [sflag:s25], $0x3200  }
0x69: {  	[sflag:s25] =	ssyncset.done $0x0  }
0x6a: {  	s17 =	sadd.s32 $0xC5D8, s30;
	[sflag:s25] =	ssyncadd.s32 $0xFFFFCE00  }
0x6b: {  	[spmem:s2] =	stream.indirect.scatter.add.bf16 [tilespmem:s20], [sflag:$0x6], $0x40, s17, s18, $0xb8;
	[tilespmem:$0x1B420] =	vst v63  }
0x6c: {  	_ =	swait.ge [sflag:s16], $0x3200  }
0x6d: {  	[sflag:s16] =	ssyncset.done $0x0  }
0x6e: {  	s17 =	sadd.s32 $0xA1E8, s30;
	[sflag:s16] =	ssyncadd.s32 $0xFFFFCE00  }
0x6f: {  	[tilespmem:s20], [sflag:$0x2] =	stream.indirect.gather [hbm4b:s4+s18], $0x40, s17, s18, $0xb8;
	[tilespmem:$0x1B420] =	vst v63  }
0x70: {  	_ =	swait.ge [sflag:s26], $0x3200  }
0x71: {  	[sflag:s26] =	ssyncset.done $0x0  }
0x72: {  	s17 =	sadd.s32 $0xC6A0, s30;
	[sflag:s26] =	ssyncadd.s32 $0xFFFFCE00  }
0x73: {  	[spmem:s2] =	stream.indirect.scatter.add.bf16 [tilespmem:s22], [sflag:$0x6], $0x40, s17, s18, $0xb8;
	[tilespmem:$0x1B420] =	vst v63  }
0x74: {  	_ =	swait.ge [sflag:s16], $0x3200  }
0x75: {  	[sflag:s16] =	ssyncset.done $0x0  }
0x76: {  	s17 =	sadd.s32 $0xA2B0, s30;
	[sflag:s16] =	ssyncadd.s32 $0xFFFFCE00  }
0x77: {  	[tilespmem:s22], [sflag:$0x3] =	stream.indirect.gather [hbm4b:s4+s18], $0x40, s17, s18, $0xb8;
	[tilespmem:$0x1B420] =	vst v63  }
0x78: {  	_ =	swait.ge [sflag:s28], $0x3200  }
.Ltmp1:
0x79: {  	[sflag:s28] =	ssyncset.done $0x0;
	(pc) =	sbr.rel @p0 .LBB2_4-.Ltmp1, $4  }
0x7a: {  	s17 =	sadd.s32 $0xC768, s30;
	[sflag:s28] =	ssyncadd.s32 $0xFFFFCE00  }
0x7b: {  	[spmem:s2] =	stream.indirect.scatter.add.bf16 [tilespmem:s23], [sflag:$0x6], $0x40, s17, s18, $0xb8;
	[tilespmem:$0x1B420] =	vst v63  }
0x7c: {  	_ =	swait.ge [sflag:s16], $0x3200  }
0x7d: {  	s31 =	smov.u32 s1;
	s30 =	sshra.s32 s0, $0x2;
	[sflag:s16] =	ssyncset.done $0x0  }
0x7e: {  	s0 =	sadd.s32 $0xA058, s30;
	[sflag:s16] =	ssyncadd.s32 $0xFFFFCE00  }
0x7f: {  	[tilespmem:s23], [sflag:$0x4] =	stream.indirect.gather [hbm4b:s4+s18], $0x40, s0, s18, $0xb8;
	[tilespmem:$0x1B420] =	vst v63  }
0x80: {  	_ =	swait.ge [sflag:s24], $0x3200  }
0x81: {  	[sflag:s24] =	ssyncset.done $0x0  }
0x82: {  	s1 =	sadd.s32 $0xC510, s30;
	[sflag:s24] =	ssyncadd.s32 $0xFFFFCE00  }
0x83: {  	[spmem:s2] =	stream.indirect.scatter.add.bf16 [tilespmem:s13], [sflag:$0x6], $0x40, s1, s18, $0xb8;
	[tilespmem:$0x1B420] =	vst v63  }
0x84: {  	_ =	swait.ge [sflag:s16], $0x3200  }
0x85: {  	[sflag:s16] =	ssyncset.done $0x0  }
0x86: {  	s17 =	sadd.s32 $0xA120, s30;
	[sflag:s16] =	ssyncadd.s32 $0xFFFFCE00  }
0x87: {  	[tilespmem:s13], [sflag:$0x1] =	stream.indirect.gather [hbm4b:s4+s18], $0x40, s17, s18, $0xb8;
	[tilespmem:$0x1B420] =	vst v63  }
0x88: {  	_ =	swait.ge [sflag:s25], $0x3200  }
0x89: {  	[sflag:s25] =	ssyncset.done $0x0  }
0x8a: {  	s31 =	sadd.s32 $0xC5D8, s30;
	[sflag:s25] =	ssyncadd.s32 $0xFFFFCE00  }
0x8b: {  	[spmem:s2] =	stream.indirect.scatter.add.bf16 [tilespmem:s20], [sflag:$0x6], $0x40, s31, s18, $0xb8;
	[tilespmem:$0x1B420] =	vst v63  }
0x8c: {  	_ =	swait.ge [sflag:s16], $0x3200  }
0x8d: {  	[sflag:s16] =	ssyncset.done $0x0  }
0x8e: {  	s1 =	sadd.s32 $0xA1E8, s30;
	[sflag:s16] =	ssyncadd.s32 $0xFFFFCE00  }
0x8f: {  	[tilespmem:s20], [sflag:$0x2] =	stream.indirect.gather [hbm4b:s4+s18], $0x40, s1, s18, $0xb8;
	[tilespmem:$0x1B420] =	vst v63  }
0x90: {  	_ =	swait.ge [sflag:s26], $0x3200  }
0x91: {  	[sflag:s26] =	ssyncset.done $0x0  }
0x92: {  	s17 =	sadd.s32 $0xC6A0, s30;
	[sflag:s26] =	ssyncadd.s32 $0xFFFFCE00  }
0x93: {  	[spmem:s2] =	stream.indirect.scatter.add.bf16 [tilespmem:s22], [sflag:$0x6], $0x40, s17, s18, $0xb8;
	[tilespmem:$0x1B420] =	vst v63  }
0x94: {  	_ =	swait.ge [sflag:s16], $0x3200  }
0x95: {  	[sflag:s16] =	ssyncset.done $0x0  }
0x96: {  	s31 =	sadd.s32 $0xA2B0, s30;
	[sflag:s16] =	ssyncadd.s32 $0xFFFFCE00  }
0x97: {  	[tilespmem:s22], [sflag:$0x3] =	stream.indirect.gather [hbm4b:s4+s18], $0x40, s31, s18, $0xb8;
	[tilespmem:$0x1B420] =	vst v63  }
0x98: {  	_ =	swait.ge [sflag:s28], $0x3200  }
0x99: {  	[sflag:s28] =	ssyncset.done $0x0  }
0x9a: {  	s1 =	sadd.s32 $0xC768, s30;
	[sflag:s28] =	ssyncadd.s32 $0xFFFFCE00  }
0x9b: {  	[spmem:s2] =	stream.indirect.scatter.add.bf16 [tilespmem:s23], [sflag:$0x6], $0x40, s1, s18, $0xb8;
	[tilespmem:$0x1B420] =	vst v63  }
0x9c: {  	_ =	swait.ge [sflag:s16], $0x3200  }
0x9d: {  	[sflag:s16] =	ssyncset.done $0x0  }
0x9e: {  	s17 =	simm.s32 $0xC2B8;
	[sflag:s16] =	ssyncadd.s32 $0xFFFFCE00  }
0x9f: {  	[tilespmem:s23], [sflag:$0x4] =	stream.indirect.gather [hbm4b:s4+s18], $0x40, s17, s18, $0xb8;
	[tilespmem:$0x1B420] =	vst v63  }
0xa0: {  	_ =	swait.ge [sflag:s24], $0x3200  }
0xa1: {  	[sflag:s24] =	ssyncset.done $0x0  }
0xa2: {  	s30 =	simm.s32 $0xE770;
	[sflag:s24] =	ssyncadd.s32 $0xFFFFCE00  }
0xa3: {  	[spmem:s2] =	stream.indirect.scatter.add.bf16 [tilespmem:s13], [sflag:$0x6], $0x40, s30, s18, $0xb8;
	[tilespmem:$0x1B420] =	vst v63  }
0xa4: {  	_ =	swait.ge [sflag:s16], $0x3200  }
0xa5: {  	[sflag:s16] =	ssyncset.done $0x0  }
0xa6: {  	s31 =	simm.s32 $0xC380;
	[sflag:s16] =	ssyncadd.s32 $0xFFFFCE00  }
0xa7: {  	[tilespmem:s13], [sflag:$0x1] =	stream.indirect.gather [hbm4b:s4+s18], $0x40, s31, s18, $0xb8;
	[tilespmem:$0x1B420] =	vst v63  }
0xa8: {  	_ =	swait.ge [sflag:s25], $0x3200  }
0xa9: {  	[sflag:s25] =	ssyncset.done $0x0  }
0xaa: {  	s1 =	simm.s32 $0xE838;
	[sflag:s25] =	ssyncadd.s32 $0xFFFFCE00  }
0xab: {  	[spmem:s2] =	stream.indirect.scatter.add.bf16 [tilespmem:s20], [sflag:$0x6], $0x40, s1, s18, $0xb8;
	[tilespmem:$0x1B420] =	vst v63  }
0xac: {  	_ =	swait.ge [sflag:s16], $0x3200  }
0xad: {  	[sflag:s16] =	ssyncset.done $0x0  }
0xae: {  	s17 =	simm.s32 $0xC448;
	[sflag:s16] =	ssyncadd.s32 $0xFFFFCE00  }
0xaf: {  	[tilespmem:s20], [sflag:$0x2] =	stream.indirect.gather [hbm4b:s4+s18], $0x40, s17, s18, $0xb8;
	[tilespmem:$0x1B420] =	vst v63  }
0xb0: {  	_ =	swait.ge [sflag:s26], $0x3200  }
0xb1: {  	[sflag:s26] =	ssyncset.done $0x0  }
0xb2: {  	s30 =	simm.s32 $0xE900;
	[sflag:s26] =	ssyncadd.s32 $0xFFFFCE00  }
0xb3: {  	[spmem:s2] =	stream.indirect.scatter.add.bf16 [tilespmem:s22], [sflag:$0x6], $0x40, s30, s18, $0xb8;
	[tilespmem:$0x1B420] =	vst v63  }
0xb4: {  	_ =	swait.ge [sflag:s16], $0x3200  }
0xb5: {  	[sflag:s16] =	ssyncset.done $0x0  }
0xb6: {  	[sflag:s16] =	ssyncadd.s32 $0xFFFFCE00  }
0xb7: {  	_ =	swait.ge [sflag:s28], $0x3200  }
0xb8: {  	[sflag:s28] =	ssyncset.done $0x0  }
0xb9: {  	[sflag:s28] =	ssyncadd.s32 $0xFFFFCE00  }
0xba: {  	[spmem:s2] =	stream.indirect.scatter.add.bf16 [tilespmem:s23], [sflag:$0x6], $0x40, s19, s18, $0xb8;
	[tilespmem:$0x1B420] =	vst v63  }
0xbb: {  	_ =	swait.ge [sflag:s16], $0x3200  }
0xbc: {  	[sflag:s16] =	ssyncset.done $0x0  }
0xbd: {  	[sflag:s16] =	ssyncadd.s32 $0xFFFFCE00  }
0xbe: {  	_ =	swait.ge [sflag:s24], $0x3200  }
0xbf: {  	[sflag:s24] =	ssyncset.done $0x0  }
0xc0: {  	[sflag:s24] =	ssyncadd.s32 $0xFFFFCE00  }
0xc1: {  	[spmem:s2] =	stream.indirect.scatter.add.bf16 [tilespmem:s13], [sflag:$0x6], $0x40, s21, s18, $0xb8;
	[tilespmem:$0x1B420] =	vst v63  }
0xc2: {  	_ =	swait.ge [sflag:s16], $0x3200  }
0xc3: {  	[sflag:s16] =	ssyncset.done $0x0  }
0xc4: {  	[sflag:s16] =	ssyncadd.s32 $0xFFFFCE00  }
0xc5: {  	_ =	swait.ge [sflag:s25], $0x3200  }
0xc6: {  	[sflag:s25] =	ssyncset.done $0x0  }
0xc7: {  	[sflag:s25] =	ssyncadd.s32 $0xFFFFCE00  }
0xc8: {  	[spmem:s2] =	stream.indirect.scatter.add.bf16 [tilespmem:s20], [sflag:$0x6], $0x40, s29, s18, $0xb8;
	[tilespmem:$0x1B420] =	vst v63  }
0xc9: {  	s31 =	stileid.u32;
	_ =	swait.ge [sflag:s16], $0x3200  }
0xca: {  	s3 =	sadd.s32 $0x1, s3;
	s0 =	sshll.u32 s31, $0x6;
	[sflag:s16] =	ssyncset.done $0x0  }
0xcb: {  	p0 =	sne.s32 s3, s12;
	s0 =	sor.u32 $0x1C06, s0;
	[sflag:s16] =	ssyncadd.s32 $0xFFFFCE00  }
.Ltmp2:
0xcc: {  	s1 =	sshrl.u32 s5, $0x3;
	[bflag:$0x0] =	sbarrier.arrive $0xFFFF;
	(pc) =	sbr.rel @p0 .LBB2_1-.Ltmp2, $4  }
0xcd: {  	[hbm:s11], [sflag:s0] =	dma.local [spmem:s1], $0x13C0  }
0xce: {  	_ =	swait.ge [sflag:s16], $0x13C0  }
0xcf: {  	[sflag:s16] =	ssyncset.done $0x0  }
0xd0: {  	[sflag:s16] =	ssyncadd.s32 $0xFFFFEC40  }
0xd1: {  	_ =	sfence.sel $0x180000  }
0xd2: {  	[bflag:$0x0] =	sbarrier.arrive $0xFFFF  }
0xd3: {  	_ =	strace $0x90000047  }
0xd4: {  	s0 =	stileid.u32;
	[bflag:$0x2] =	sbarrier.arrive $0xFFFF  }
0xd5: {  	p0 =	sne.s32 s0, $0x0;
	s0 =	rddreg [dreg:$0x2]  }
0xd6: {  	s0 =	sadd.s32 @!p0 $0x100000, s0  }
0xd7: {  	[sflag:s0] =	ssyncadd.tile.s32 @!p0 $0x1;
	_ =	shalt  }
.Lfunc_end2:
_tile_overlayer_lowered:
.L_overlay_start_2:
0xd8: {  	(tag) =	ssettag $0x2  }
0xd9: {  	s0 =	rddreg [dreg:$0x0];
	s2 =	stileid.u32  }
0xda: {  	s1 =	rddreg [dreg:$0x1];
	p0 =	sne.s32 s2, $0x0  }
0xdb: {  	s3 =	rddreg [dreg:$0x2];
	[bflag:$0x3] =	sbarrier.arrive $0xFFFF;
	s2 =	simm.s32 @!p0 $0x1C06  }
0xdc: {  	[timem:s3], [sflag:s2] =	dma.local @!p0 [hbm:s0], s1  }
0xdd: {  	s0 =	simm.s32 @!p0 $0x6  }
0xde: {  	_ =	swait.ge @!p0 [sflag:s0], s1  }
0xdf: {  	s1 =	ssub.s32 @!p0 $0x0, s1;
	[sflag:s0] =	ssyncset.done @!p0 $0x0  }
0xe0: {  	[sflag:s0] =	ssyncadd.s32 @!p0 s1  }
0xe1: {  	[bflag:$0x3] =	sbarrier.arrive $0xFFFF  }
0xe2: {  	_ =	shalt  }

// kernel: kernel.16.cloned.1.call-start
scs
__scs_entry_jumppad:
0x0: {  	(pc) =	sbr.rel $0x88, $3  }
0x1: {  	(tag) =	ssettag $0x0;
	lr =	simm.s32 $0x1  }
0x2: {  	[smem:$0x3F82] =	sst lr;
	_ =	strace $0xD0000000  }
0x3: {  	_ = 	snop  }
0x4: {  	_ = 	snop  }
0x5: {  	_ = 	snop  }
0x6: {  	_ = 	snop  }
0x7: {  	_ = 	snop  }
__scs_overlays_trampoline_lowered:
0x8: {  	[smem:$0x3F91] =	sst s0  }
0x9: {  	[smem:$0x3F92] =	sst s1  }
0xa: {  	[smem:$0x3F93] =	sst s2  }
0xb: {  	[smem:$0x3F94] =	sst s3  }
0xc: {  	[smem:$0x3F95] =	sst s4  }
0xd: {  	[smem:$0x3F96] =	sst s5  }
0xe: {  	[smem:$0x3F97] =	sst s6  }
0xf: {  	[smem:$0x3F98] =	sst s7  }
0x10: {  	[smem:$0x3F99] =	sst s8  }
0x11: {  	[smem:$0x3F9A] =	sst s9;
	s0 =	simm.s32 @!p0 $0x0  }
0x12: {  	s1 =	sld [smem:$0x3F80];
	s0 =	simm.s32 @p0 $0x1  }
0x13: {  	[smem:$0x3F9B] =	sst s0;
	s0 =	simm.s32 @!p1 $0x0  }
0x14: {  	s2 =	sld [smem:$0x3F7F];
	s0 =	simm.s32 @p1 $0x1  }
0x15: {  	[smem:$0x3F9C] =	sst s0;
	s0 =	simm.s32 @!p2 $0x0  }
0x16: {  	s3 =	sld [smem:$0x3FDB];
	s0 =	simm.s32 @p2 $0x1  }
0x17: {  	s4 =	simm.s32 $0x1BF5;
	[smem:$0x3F9E] =	sst s0  }
0x18: {  	s0 =	sld [smem:$0x3F81];
	_ =	swait.ge [sflag:s4], $0x0  }
0x19: {  	s7 =	sld [smem:$0x3F82]  }
0x1a: {  	s8 =	sadd.s32 $0xFFFFE003, lr  }
0x1b: {  	s9 =	sadd.s32 $0xFFFFFEF7, lr;
	s5 =	simm.s32 $0xFFFFFFFF;
	p2 =	slt.u32 s8, $0xFFFFF086  }
0x1c: {  	p1 =	slt.u32 s9, $0xF7A;
	s5 =	simm.s32 @!p2 $0x0  }
0x1d: {  	s5 =	simm.s32 @p1 $0x1;
	p0 =	seq.s32 s7, s2  }
0x1e: {  	s7 =	smul.u32 @!p0 $0xF7A, s2;
	p2 =	seq.s32 @!p0 s5, $0x0  }
0x1f: {  	s9 =	smul.u32 $0xF7A, s1;
	s8 =	simm.s32 @!p0 $0x1BF5;
	p2 =	por !p2, p0  }
0x20: {  	[sflag:s8] =	ssyncset.s32 @!p0 $0xFFFFF086;
	s6 =	sadd.s32 @!p0 s3, s7;
	s7 =	simm.s32 @!p0 $0x108  }
0x21: {  	s3 =	sadd.s32 s3, s9;
	s6 =	sadd.s32 @!p0 $0x88, s6;
	s7 =	simm.s32 @p2 $0x1082  }
0x22: {  	[simem:s7], [sflag:s8] =	dma.local @!p0 [hbm:s6], $0xF7A  }
0x23: {  	s9 =	sor.u32 $0xD0000000, s2;
	s6 =	simm.s32 $0x108;
	_ =	swait.ge @!p0 [sflag:s8], $0x0  }
0x24: {  	s3 =	sadd.s32 $0x88, s3;
	s6 =	simm.s32 @!p1 $0x1082;
	[sflag:s4] =	ssyncset.s32 $0xFFFFF086  }
0x25: {  	[simem:s6], [sflag:s4] =	dma.local [hbm:s3], $0xF7A  }
0x26: {  	[smem:$0x3F82] =	sst s1;
	(tag) =	ssettag s2;
	_ =	strace s9  }
0x27: {  	s1 =	sld [smem:$0x3F92]  }
0x28: {  	s2 =	sld [smem:$0x3F93]  }
0x29: {  	s4 =	sld [smem:$0x3F95]  }
0x2a: {  	p0 =	seq.s32 s5, $0x0;
	s5 =	sld [smem:$0x3F96]  }
0x2b: {  	s6 =	sld [smem:$0x3F97]  }
0x2c: {  	s7 =	sld [smem:$0x3F98]  }
0x2d: {  	s3 =	simm.s32 $0x108;
	s8 =	sld [smem:$0x3F99]  }
0x2e: {  	s3 =	simm.s32 @!p0 $0x1082;
	s9 =	sld [smem:$0x3F9A]  }
0x2f: {  	lr =	sadd.s32 s0, s3;
	s0 =	sld [smem:$0x3F91]  }
0x30: {  	s3 =	sld [smem:$0x3F94]  }
0x31: {  	[smem:$0x3F9D] =	sst s10  }
0x32: {  	s10 =	sld [smem:$0x3F9B];
	_ =	sdelay $0x3  }
0x33: {  	p0 =	seq.s32 s10, $0x1;
	s10 =	sld [smem:$0x3F9D];
	_ =	sdelay $0x3  }
0x34: {  	[smem:$0x3F9D] =	sst s10  }
0x35: {  	s10 =	sld [smem:$0x3F9C];
	_ =	sdelay $0x3  }
0x36: {  	p1 =	seq.s32 s10, $0x1;
	s10 =	sld [smem:$0x3F9D];
	_ =	sdelay $0x3  }
0x37: {  	[smem:$0x3F9D] =	sst s10  }
0x38: {  	s10 =	sld [smem:$0x3F9E]  }
0x39: {  	_ = 	snop;
	(pc) =	sbr.ind lr, $3  }
0x3a: {  	_ = 	snop  }
0x3b: {  	_ = 	snop  }
0x3c: {  	p2 =	seq.s32 s10, $0x1;
	s10 =	sld [smem:$0x3F9D]  }
0x3d: {  	_ =	shalt  }
0x3e: {  	_ =	shalt  }
0x3f: {  	_ =	shalt  }
0x40: {  	_ =	shalt  }
0x41: {  	_ =	shalt  }
0x42: {  	_ =	shalt  }
0x43: {  	_ =	shalt  }
0x44: {  	_ =	shalt  }
0x45: {  	_ =	shalt  }
0x46: {  	_ =	shalt  }
0x47: {  	_ =	shalt  }
0x48: {  	_ =	shalt  }
0x49: {  	_ =	shalt  }
0x4a: {  	_ =	shalt  }
0x4b: {  	_ =	shalt  }
0x4c: {  	_ =	shalt  }
0x4d: {  	_ =	shalt  }
0x4e: {  	_ =	shalt  }
0x4f: {  	_ =	shalt  }
0x50: {  	_ =	shalt  }
0x51: {  	_ =	shalt  }
0x52: {  	_ =	shalt  }
0x53: {  	_ =	shalt  }
0x54: {  	_ =	shalt  }
0x55: {  	_ =	shalt  }
0x56: {  	_ =	shalt  }
0x57: {  	_ =	shalt  }
0x58: {  	_ =	shalt  }
0x59: {  	_ =	shalt  }
0x5a: {  	_ =	shalt  }
0x5b: {  	_ =	shalt  }
0x5c: {  	_ =	shalt  }
0x5d: {  	_ =	shalt  }
0x5e: {  	_ =	shalt  }
0x5f: {  	_ =	shalt  }
0x60: {  	_ =	shalt  }
0x61: {  	_ =	shalt  }
0x62: {  	_ =	shalt  }
0x63: {  	_ =	shalt  }
0x64: {  	_ =	shalt  }
0x65: {  	_ =	shalt  }
0x66: {  	_ =	shalt  }
0x67: {  	_ =	shalt  }
0x68: {  	_ =	shalt  }
0x69: {  	_ =	shalt  }
0x6a: {  	_ =	shalt  }
0x6b: {  	_ =	shalt  }
0x6c: {  	_ =	shalt  }
0x6d: {  	_ =	shalt  }
0x6e: {  	_ =	shalt  }
0x6f: {  	_ =	shalt  }
0x70: {  	_ =	shalt  }
0x71: {  	_ =	shalt  }
0x72: {  	_ =	shalt  }
0x73: {  	_ =	shalt  }
0x74: {  	_ =	shalt  }
0x75: {  	_ =	shalt  }
0x76: {  	_ =	shalt  }
0x77: {  	_ =	shalt  }
0x78: {  	_ =	shalt  }
0x79: {  	_ =	shalt  }
0x7a: {  	_ =	shalt  }
0x7b: {  	_ =	shalt  }
0x7c: {  	_ =	shalt  }
0x7d: {  	_ =	shalt  }
0x7e: {  	_ =	shalt  }
0x7f: {  	_ =	shalt  }
0x80: {  	_ =	shalt  }
0x81: {  	_ =	shalt  }
0x82: {  	_ =	shalt  }
0x83: {  	_ =	shalt  }
0x84: {  	_ =	shalt  }
0x85: {  	_ =	shalt  }
0x86: {  	_ =	shalt  }
0x87: {  	_ =	shalt  }
.Lfunc_end0:
.L_simem_size_0:
called_computation.2_lowered:
.L_overlay_start_0:
0x88: {  	s2 =	sld [smem:$0x3FD9]  }
0x89: {  	s3 =	sld [smem:$0x3FFE];
	_ =	sdelay $0x1  }
0x8a: {  	s1 =	srdreg.scid  }
0x8b: {  	s0 =	sand.u32 $0x1, s1  }
0x8c: {  	s16 =	sshll.u32 s0, $0xA;
	s2 =	sadd.s32 s3, s2  }
0x8d: {  	s2 =	sadd.s32 s2, s16  }
0x8e: {  	[smem:$0x3FA9] =	sst s2  }
0x8f: {  	_ = 	snop  }
0x90: {  	(tm) =	ssettm $0x1  }
0x91: {  	s17 =	sld [smem:$0x3FFB];
	_ =	sdelay $0x3  }
0x92: {  	_ =	strace s17  }
0x93: {  	s2 =	sld [smem:$0x3FFC];
	_ =	sdelay $0x3  }
0x94: {  	_ =	strace s2  }
0x95: {  	s2 =	sld [smem:$0x3FFD];
	_ =	sdelay $0x3  }
0x96: {  	_ =	strace s2  }
0x97: {  	_ =	strace $0x8FFFFFFF  }
0x98: {  	s18 =	sld [smem:$0x3FDB];
	_ =	sdelay $0x1  }
0x99: {  	s19 =	simm.s32 $_scs_section_size  }
0x9a: {  	s4 =	simm.s32 $_size__tile_overlayer_lowered;
	s5 =	simm.s32 $_tile_overlayer_lowered  }
0x9b: {  	s22 =	simm.s32 $0x1BFF;
	s21 =	sshll.u32 s5, $0x1;
	s2 =	sadd.s32 s19, s18  }
0x9c: {  	s6 =	simm.s32 $0x0;
	s20 =	sshll.u32 s4, $0x1;
	s4 =	sadd.s32 s21, s2  }
0x9d: {  	[timem:s6], [sflag:s22] =	dma.local [hbm:s4], s20  }
0x9e: {  	_ =	swait.ge [sflag:s22], s20  }
0x9f: {  	s3 =	ssub.s32 $0x0, s20;
	[sflag:s22] =	ssyncset.done $0x0  }
0xa0: {  	[sflag:s22] =	ssyncadd.s32 s3;
	_ =	sdelay $0x1  }
0xa1: {  	s23 =	simm.s32 $0x1B8B  }
0xa2: {  	_ =	swait.ge [sflag:s23], $0x1  }
0xa3: {  	[sflag:s23] =	ssyncset.done $0x0  }
0xa4: {  	s25 =	simm.s32 $0x1B8E;
	s24 =	sld [smem:$0x3FFE];
	[sflag:s23] =	ssyncadd.s32 $0xFFFFFFFF  }
0xa5: {  	s26 =	simm.s32 $execute0_lowered;
	[smem:$0x3FD2] =	sst s25  }
0xa6: {  	s4 =	sshll.u32 s26, $0x1;
	_ =	strace $0x8000004C;
	[dreg:$0x1] =	wrdreg $0xFFFFFFFF  }
0xa7: {  	s28 =	simm.s32 $_size_execute0_lowered;
	s2 =	sadd.s32 s2, s4;
	[dreg:$0x0] =	wrdreg $0x0  }
0xa8: {  	s4 =	sshll.u32 s28, $0x1;
	[dreg:$0x2] =	wrdreg s2  }
0xa9: {  	[dreg:$0x3] =	wrdreg s4  }
0xaa: {  	[dreg:$0x4] =	wrdreg $0xC0  }
0xab: {  	_ =	task [dreg:s6], $0x5FFFF  }
0xac: {  	[dreg:$0x1] =	wrdreg $0xFFFFFFFF  }
0xad: {  	[dreg:$0x0] =	wrdreg $0x60  }
0xae: {  	[dreg:$0x2] =	wrdreg s24  }
0xaf: {  	[dreg:$0x3] =	wrdreg $0x0  }
0xb0: {  	[dreg:$0x4] =	wrdreg $0x9  }
0xb1: {  	_ =	task.clear_ibuf [dreg:s6], $0x5FFFF;
	_ =	strace $0x9000004C  }
0xb2: {  	s29 =	simm.s32 $0x9;
	_ =	strace $0x8000004E  }
0xb3: {  	_ =	swait.ge [sflag:s29], $0x1  }
0xb4: {  	[sflag:s29] =	ssyncadd.s32 $0xFFFFFFFF  }
0xb5: {  	_ =	strace $0x9000004E  }
0xb6: {  	_ =	sfence  }
0xb7: {  	s30 =	sld [smem:$0x0];
	_ =	sdelay $0x2  }
0xb8: {  	s31 =	sshll.u32 s1, $0xD;
	s1 =	sshrl.u32 s1, $0x2  }
0xb9: {  	s3 =	sand.u32 $0x4000, s31;
	s1 =	sadd.s32 s1, s30  }
0xba: {  	s0 =	sor.u32 s3, s0;
	s1 =	sshll.u32 s1, $0x11  }
0xbb: {  	s0 =	sor.u32 s1, s0  }
0xbc: {  	s0 =	sadd.s32 $0x8F2B, s0  }
0xbd: {  	[sflag:s0] =	ssyncadd.remote.s32 $0x1  }
0xbe: {  	_ =	sfence.sel $0xFFFF  }
0xbf: {  	[dreg:$0x0] =	wrdreg $0xFFFFFFFF;
	(pc) =	sbr.abs _section_cstart, $3  }
0xc0: {  	[dreg:$0x1] =	wrdreg $0xFFFFFFFF  }
0xc1: {  	_ =	task.clear_ibuf [dreg:s6], $0x2FFFF;
	_ =	strace $0x9FFFFFFF  }
0xc2: {  	(tm) =	ssettm $0x7FFFFFFF  }
0xc3: {  	_ =	shalt  }
tec
execute0_lowered:
.L_overlay_start_1:
0x0: {  	(tag) =	ssettag $0x1  }
0x1: {  	s0 =	rddreg [dreg:$0x0]  }
0x2: {  	s1 =	srdreg.scid;
	s2 =	rddreg [dreg:$0x1]  }
0x3: {  	s8 =	stileid.u32;
	s3 =	simm.s32 $0x0;
	s13 =	simm.s32 $0xEC20  }
0x4: {  	s14 =	simm.s32 $0x5;
	s15 =	simm.s32 $0x9E00;
	s16 =	simm.s32 $0x6  }
0x5: {  	s18 =	simm.s32 $0xC8;
	s20 =	simm.s32 $0x11E20;
	s22 =	simm.s32 $0x15020  }
0x6: {  	s23 =	simm.s32 $0x18220;
	s24 =	simm.s32 $0x1;
	s25 =	simm.s32 $0x2  }
0x7: {  	s26 =	simm.s32 $0x3;
	s28 =	simm.s32 $0x4;
	s19 =	simm.s32 $0xE9C8  }
0x8: {  	s21 =	simm.s32 $0xEA90;
	s29 =	simm.s32 $0xEB58;
	s1 =	sand.u32 $0x1, s1  }
0x9: {  	s5 =	smul.u32 $0x13C00, s8;
	[smem:$0x7FF] =	sst s3;
	s4 =	sshll.u32 s1, $0x4  }
0xa: {  	s6 =	smul.u32 $0x13C000, s1;
	_ =	strace $0x8000004D;
	s1 =	ssub.s32 $0x2, s1  }
0xb: {  	s4 =	sor.u32 s8, s4;
	s8 =	smul.u32 $0x27800, s8;
	s31 =	sshrl.u32 s1, $0x1  }
0xc: {  	s7 =	smul.u32 $0x4E2, s4;
	s6 =	sadd.s32 s5, s6;
	s4 =	sadd.s32 $0x18A00, s0  }
0xd: {  	s5 =	sshrl.u32 s5, $0x1;
	s1 =	ssub.s32 s1, s31;
	s6 =	sshrl.u32 s6, $0x4  }
0xe: {  	s30 =	sshrl.u32 s8, $0x2;
	s5 =	sadd.s32 s5, s2;
	s12 =	smax.u32 s1, $0x1  }
0xf: {  	s10 =	sadd.s32 s7, s0;
	s0 =	sadd.s32 s6, s0;
	s8 =	sadd.s32 s30, s2  }
0x10: {  	s6 =	sadd.s32 $0x3200, s8;
	s7 =	sadd.s32 $0x6400, s8;
	s8 =	sadd.s32 $0x9600, s8  }
0x11: {  	v0 =	vimm.bf16 $0.0e+00;
	s9 =	sadd.s32 $0xEC00, s10;
	s10 =	sadd.s32 $0x4E00, s10;
	s11 =	sadd.s32 $0x2C400, s0  }
.LBB2_1:
0x12: {  	s30 =	simm.s32 $0x100;
	s0 =	simm.s32 $0x0  }
.LBB2_2:
0x13: {  	p0 =	sne.s32 s30, $0xC700;
	[tilespmem:s0+$0xEC50] =	vst v0;
	s1 =	smov.u32 s30;
	s30 =	sadd.s32 $0x100, s30  }
.Ltmp0:
0x14: {  	[tilespmem:s0+$0xEC40] =	vst v0;
	(pc) =	sbr.rel @p0 .LBB2_2-.Ltmp0, $3  }
0x15: {  	[tilespmem:s0+$0xEC20] =	vst v0  }
0x16: {  	[tilespmem:s0+$0xEC30] =	vst v0;
	_ =	sdelay $0x1  }
0x17: {  	s0 =	sshra.s32 s1, $0x2  }
0x18: {  	[tilespmem:s0+$0xEC50] =	vst v0  }
0x19: {  	[tilespmem:s0+$0xEC40] =	vst v0  }
0x1a: {  	[tilespmem:s0+$0xEC20] =	vst v0  }
0x1b: {  	[tilespmem:s0+$0xEC30] =	vst v0  }
0x1c: {  	[spmem:s5] =	stream.linear.scatter [tilespmem:s13], [sflag:$0x5], $0x3200, $0x38;
	[tilespmem:$0x1B420] =	vst v63  }
0x1d: {  	_ = 	snop  }
0x1e: {  	[spmem:s6] =	stream.linear.scatter [tilespmem:s13], [sflag:$0x5], $0x3200, $0x38;
	[tilespmem:$0x1B420] =	vst v63  }
0x1f: {  	_ = 	snop  }
0x20: {  	[spmem:s7] =	stream.linear.scatter [tilespmem:s13], [sflag:$0x5], $0x3200, $0x38;
	[tilespmem:$0x1B420] =	vst v63  }
0x21: {  	_ = 	snop  }
0x22: {  	[spmem:s8] =	stream.linear.scatter [tilespmem:s13], [sflag:$0x5], $0x800, $0x38;
	[tilespmem:$0x1B420] =	vst v63  }
0x23: {  	_ =	swait.ge [sflag:s14], $0x3200  }
0x24: {  	[sflag:s14] =	ssyncset.done $0x0  }
0x25: {  	[sflag:s14] =	ssyncadd.s32 $0xFFFFCE00  }
0x26: {  	_ =	swait.ge [sflag:s14], $0x3200  }
0x27: {  	[sflag:s14] =	ssyncset.done $0x0  }
0x28: {  	[sflag:s14] =	ssyncadd.s32 $0xFFFFCE00  }
0x29: {  	_ =	swait.ge [sflag:s14], $0x3200  }
0x2a: {  	[sflag:s14] =	ssyncset.done $0x0  }
0x2b: {  	[sflag:s14] =	ssyncadd.s32 $0xFFFFCE00  }
0x2c: {  	_ =	swait.ge [sflag:s14], $0x800  }
0x2d: {  	[sflag:s14] =	ssyncset.done $0x0  }
0x2e: {  	[sflag:s14] =	ssyncadd.s32 $0xFFFFF800  }
0x2f: {  	s17 =	simm.s32 $0x0;
	[bflag:$0x0] =	sbarrier.arrive $0xFFFF  }
0x30: {  	[tilespmem:s15], [sflag:$0x6] =	stream.linear.gather [hbm4b:s9+s17], $0x2710, $0x38;
	[tilespmem:$0x1B420] =	vst v63  }
0x31: {  	_ =	swait.ge [sflag:s16], $0x2710  }
0x32: {  	[sflag:s16] =	ssyncset.done $0x0  }
0x33: {  	s1 =	simm.s32 $0xC510;
	[sflag:s16] =	ssyncadd.s32 $0xFFFFD8F0  }
0x34: {  	[tilespmem:s1], [sflag:$0x6] =	stream.linear.gather [hbm4b:s10+s17], $0x2710, $0x38;
	[tilespmem:$0x1B420] =	vst v63  }
0x35: {  	_ =	swait.ge [sflag:s16], $0x2710  }
0x36: {  	[sflag:s16] =	ssyncset.done $0x0  }
0x37: {  	[sflag:s16] =	ssyncadd.s32 $0xFFFFD8F0  }
0x38: {  	[tilespmem:s13], [sflag:$0x1] =	stream.indirect.gather [hbm4b:s4+s18], $0x40, s15, s18, $0xb8;
	[tilespmem:$0x1B420] =	vst v63  }
0x39: {  	s1 =	simm.s32 $0x9EC8  }
0x3a: {  	[tilespmem:s20], [sflag:$0x2] =	stream.indirect.gather [hbm4b:s4+s18], $0x40, s1, s18, $0xb8;
	[tilespmem:$0x1B420] =	vst v63  }
0x3b: {  	s17 =	simm.s32 $0x9F90  }
0x3c: {  	[tilespmem:s22], [sflag:$0x3] =	stream.indirect.gather [hbm4b:s4+s18], $0x40, s17, s18, $0xb8;
	[tilespmem:$0x1B420] =	vst v63  }
0x3d: {  	s1 =	simm.s32 $0xA058  }
0x3e: {  	[tilespmem:s23], [sflag:$0x4] =	stream.indirect.gather [hbm4b:s4+s18], $0x40, s1, s18, $0xb8;
	[tilespmem:$0x1B420] =	vst v63  }
0x3f: {  	_ =	swait.ge [sflag:s24], $0x3200  }
0x40: {  	[sflag:s24] =	ssyncset.done $0x0  }
0x41: {  	s17 =	simm.s32 $0xC510;
	[sflag:s24] =	ssyncadd.s32 $0xFFFFCE00  }
0x42: {  	[spmem:s2] =	stream.indirect.scatter.add.bf16 [tilespmem:s13], [sflag:$0x6], $0x40, s17, s18, $0xb8;
	[tilespmem:$0x1B420] =	vst v63  }
0x43: {  	_ =	swait.ge [sflag:s16], $0x3200  }
0x44: {  	[sflag:s16] =	ssyncset.done $0x0  }
0x45: {  	s1 =	simm.s32 $0xA120;
	[sflag:s16] =	ssyncadd.s32 $0xFFFFCE00  }
0x46: {  	[tilespmem:s13], [sflag:$0x1] =	stream.indirect.gather [hbm4b:s4+s18], $0x40, s1, s18, $0xb8;
	[tilespmem:$0x1B420] =	vst v63  }
0x47: {  	_ =	swait.ge [sflag:s25], $0x3200  }
0x48: {  	[sflag:s25] =	ssyncset.done $0x0  }
0x49: {  	s17 =	simm.s32 $0xC5D8;
	[sflag:s25] =	ssyncadd.s32 $0xFFFFCE00  }
0x4a: {  	[spmem:s2] =	stream.indirect.scatter.add.bf16 [tilespmem:s20], [sflag:$0x6], $0x40, s17, s18, $0xb8;
	[tilespmem:$0x1B420] =	vst v63  }
0x4b: {  	_ =	swait.ge [sflag:s16], $0x3200  }
0x4c: {  	[sflag:s16] =	ssyncset.done $0x0  }
0x4d: {  	s1 =	simm.s32 $0xA1E8;
	[sflag:s16] =	ssyncadd.s32 $0xFFFFCE00  }
0x4e: {  	[tilespmem:s20], [sflag:$0x2] =	stream.indirect.gather [hbm4b:s4+s18], $0x40, s1, s18, $0xb8;
	[tilespmem:$0x1B420] =	vst v63  }
0x4f: {  	_ =	swait.ge [sflag:s26], $0x3200  }
0x50: {  	[sflag:s26] =	ssyncset.done $0x0  }
0x51: {  	s17 =	simm.s32 $0xC6A0;
	[sflag:s26] =	ssyncadd.s32 $0xFFFFCE00  }
0x52: {  	[spmem:s2] =	stream.indirect.scatter.add.bf16 [tilespmem:s22], [sflag:$0x6], $0x40, s17, s18, $0xb8;
	[tilespmem:$0x1B420] =	vst v63  }
0x53: {  	_ =	swait.ge [sflag:s16], $0x3200  }
0x54: {  	[sflag:s16] =	ssyncset.done $0x0  }
0x55: {  	s1 =	simm.s32 $0xA2B0;
	[sflag:s16] =	ssyncadd.s32 $0xFFFFCE00  }
0x56: {  	[tilespmem:s22], [sflag:$0x3] =	stream.indirect.gather [hbm4b:s4+s18], $0x40, s1, s18, $0xb8;
	[tilespmem:$0x1B420] =	vst v63  }
0x57: {  	_ =	swait.ge [sflag:s28], $0x3200  }
0x58: {  	[sflag:s28] =	ssyncset.done $0x0  }
0x59: {  	s17 =	simm.s32 $0xC768;
	[sflag:s28] =	ssyncadd.s32 $0xFFFFCE00  }
0x5a: {  	[spmem:s2] =	stream.indirect.scatter.add.bf16 [tilespmem:s23], [sflag:$0x6], $0x40, s17, s18, $0xb8;
	[tilespmem:$0x1B420] =	vst v63  }
0x5b: {  	_ =	swait.ge [sflag:s16], $0x3200  }
0x5c: {  	s31 =	simm.s32 $0x1900;
	s30 =	simm.s32 $0x320;
	[sflag:s16] =	ssyncset.done $0x0  }
.LBB2_4:
0x5d: {  	s17 =	sadd.s32 $0xA058, s30  }
0x5e: {  	[sflag:s16] =	ssyncadd.s32 $0xFFFFCE00;
	s0 =	smov.u32 s31;
	s1 =	sadd.s32 $0xC80, s31  }
0x5f: {  	[tilespmem:s23], [sflag:$0x4] =	stream.indirect.gather [hbm4b:s4+s18], $0x40, s17, s18, $0xb8;
	[tilespmem:$0x1B420] =	vst v63  }
0x60: {  	p0 =	sne.s32 s31, $0x7D00;
	_ =	swait.ge [sflag:s24], $0x3200  }
0x61: {  	[sflag:s24] =	ssyncset.done $0x0  }
0x62: {  	s17 =	sadd.s32 $0xC510, s30;
	[sflag:s24] =	ssyncadd.s32 $0xFFFFCE00  }
0x63: {  	[spmem:s2] =	stream.indirect.scatter.add.bf16 [tilespmem:s13], [sflag:$0x6], $0x40, s17, s18, $0xb8;
	[tilespmem:$0x1B420] =	vst v63  }
0x64: {  	_ =	swait.ge [sflag:s16], $0x3200  }
0x65: {  	[sflag:s16] =	ssyncset.done $0x0  }
0x66: {  	s17 =	sadd.s32 $0xA120, s30;
	[sflag:s16] =	ssyncadd.s32 $0xFFFFCE00  }
0x67: {  	[tilespmem:s13], [sflag:$0x1] =	stream.indirect.gather [hbm4b:s4+s18], $0x40, s17, s18, $0xb8;
	[tilespmem:$0x1B420] =	vst v63  }
0x68: {  	_ =	swait.ge [sflag:s25], $0x3200  }
0x69: {  	[sflag:s25] =	ssyncset.done $0x0  }
0x6a: {  	s17 =	sadd.s32 $0xC5D8, s30;
	[sflag:s25] =	ssyncadd.s32 $0xFFFFCE00  }
0x6b: {  	[spmem:s2] =	stream.indirect.scatter.add.bf16 [tilespmem:s20], [sflag:$0x6], $0x40, s17, s18, $0xb8;
	[tilespmem:$0x1B420] =	vst v63  }
0x6c: {  	_ =	swait.ge [sflag:s16], $0x3200  }
0x6d: {  	[sflag:s16] =	ssyncset.done $0x0  }
0x6e: {  	s17 =	sadd.s32 $0xA1E8, s30;
	[sflag:s16] =	ssyncadd.s32 $0xFFFFCE00  }
0x6f: {  	[tilespmem:s20], [sflag:$0x2] =	stream.indirect.gather [hbm4b:s4+s18], $0x40, s17, s18, $0xb8;
	[tilespmem:$0x1B420] =	vst v63  }
0x70: {  	_ =	swait.ge [sflag:s26], $0x3200  }
0x71: {  	[sflag:s26] =	ssyncset.done $0x0  }
0x72: {  	s17 =	sadd.s32 $0xC6A0, s30;
	[sflag:s26] =	ssyncadd.s32 $0xFFFFCE00  }
0x73: {  	[spmem:s2] =	stream.indirect.scatter.add.bf16 [tilespmem:s22], [sflag:$0x6], $0x40, s17, s18, $0xb8;
	[tilespmem:$0x1B420] =	vst v63  }
0x74: {  	_ =	swait.ge [sflag:s16], $0x3200  }
0x75: {  	[sflag:s16] =	ssyncset.done $0x0  }
0x76: {  	s17 =	sadd.s32 $0xA2B0, s30;
	[sflag:s16] =	ssyncadd.s32 $0xFFFFCE00  }
0x77: {  	[tilespmem:s22], [sflag:$0x3] =	stream.indirect.gather [hbm4b:s4+s18], $0x40, s17, s18, $0xb8;
	[tilespmem:$0x1B420] =	vst v63  }
0x78: {  	_ =	swait.ge [sflag:s28], $0x3200  }
.Ltmp1:
0x79: {  	[sflag:s28] =	ssyncset.done $0x0;
	(pc) =	sbr.rel @p0 .LBB2_4-.Ltmp1, $4  }
0x7a: {  	s17 =	sadd.s32 $0xC768, s30;
	[sflag:s28] =	ssyncadd.s32 $0xFFFFCE00  }
0x7b: {  	[spmem:s2] =	stream.indirect.scatter.add.bf16 [tilespmem:s23], [sflag:$0x6], $0x40, s17, s18, $0xb8;
	[tilespmem:$0x1B420] =	vst v63  }
0x7c: {  	_ =	swait.ge [sflag:s16], $0x3200  }
0x7d: {  	s31 =	smov.u32 s1;
	s30 =	sshra.s32 s0, $0x2;
	[sflag:s16] =	ssyncset.done $0x0  }
0x7e: {  	s0 =	sadd.s32 $0xA058, s30;
	[sflag:s16] =	ssyncadd.s32 $0xFFFFCE00  }
0x7f: {  	[tilespmem:s23], [sflag:$0x4] =	stream.indirect.gather [hbm4b:s4+s18], $0x40, s0, s18, $0xb8;
	[tilespmem:$0x1B420] =	vst v63  }
0x80: {  	_ =	swait.ge [sflag:s24], $0x3200  }
0x81: {  	[sflag:s24] =	ssyncset.done $0x0  }
0x82: {  	s1 =	sadd.s32 $0xC510, s30;
	[sflag:s24] =	ssyncadd.s32 $0xFFFFCE00  }
0x83: {  	[spmem:s2] =	stream.indirect.scatter.add.bf16 [tilespmem:s13], [sflag:$0x6], $0x40, s1, s18, $0xb8;
	[tilespmem:$0x1B420] =	vst v63  }
0x84: {  	_ =	swait.ge [sflag:s16], $0x3200  }
0x85: {  	[sflag:s16] =	ssyncset.done $0x0  }
0x86: {  	s17 =	sadd.s32 $0xA120, s30;
	[sflag:s16] =	ssyncadd.s32 $0xFFFFCE00  }
0x87: {  	[tilespmem:s13], [sflag:$0x1] =	stream.indirect.gather [hbm4b:s4+s18], $0x40, s17, s18, $0xb8;
	[tilespmem:$0x1B420] =	vst v63  }
0x88: {  	_ =	swait.ge [sflag:s25], $0x3200  }
0x89: {  	[sflag:s25] =	ssyncset.done $0x0  }
0x8a: {  	s31 =	sadd.s32 $0xC5D8, s30;
	[sflag:s25] =	ssyncadd.s32 $0xFFFFCE00  }
0x8b: {  	[spmem:s2] =	stream.indirect.scatter.add.bf16 [tilespmem:s20], [sflag:$0x6], $0x40, s31, s18, $0xb8;
	[tilespmem:$0x1B420] =	vst v63  }
0x8c: {  	_ =	swait.ge [sflag:s16], $0x3200  }
0x8d: {  	[sflag:s16] =	ssyncset.done $0x0  }
0x8e: {  	s1 =	sadd.s32 $0xA1E8, s30;
	[sflag:s16] =	ssyncadd.s32 $0xFFFFCE00  }
0x8f: {  	[tilespmem:s20], [sflag:$0x2] =	stream.indirect.gather [hbm4b:s4+s18], $0x40, s1, s18, $0xb8;
	[tilespmem:$0x1B420] =	vst v63  }
0x90: {  	_ =	swait.ge [sflag:s26], $0x3200  }
0x91: {  	[sflag:s26] =	ssyncset.done $0x0  }
0x92: {  	s17 =	sadd.s32 $0xC6A0, s30;
	[sflag:s26] =	ssyncadd.s32 $0xFFFFCE00  }
0x93: {  	[spmem:s2] =	stream.indirect.scatter.add.bf16 [tilespmem:s22], [sflag:$0x6], $0x40, s17, s18, $0xb8;
	[tilespmem:$0x1B420] =	vst v63  }
0x94: {  	_ =	swait.ge [sflag:s16], $0x3200  }
0x95: {  	[sflag:s16] =	ssyncset.done $0x0  }
0x96: {  	s31 =	sadd.s32 $0xA2B0, s30;
	[sflag:s16] =	ssyncadd.s32 $0xFFFFCE00  }
0x97: {  	[tilespmem:s22], [sflag:$0x3] =	stream.indirect.gather [hbm4b:s4+s18], $0x40, s31, s18, $0xb8;
	[tilespmem:$0x1B420] =	vst v63  }
0x98: {  	_ =	swait.ge [sflag:s28], $0x3200  }
0x99: {  	[sflag:s28] =	ssyncset.done $0x0  }
0x9a: {  	s1 =	sadd.s32 $0xC768, s30;
	[sflag:s28] =	ssyncadd.s32 $0xFFFFCE00  }
0x9b: {  	[spmem:s2] =	stream.indirect.scatter.add.bf16 [tilespmem:s23], [sflag:$0x6], $0x40, s1, s18, $0xb8;
	[tilespmem:$0x1B420] =	vst v63  }
0x9c: {  	_ =	swait.ge [sflag:s16], $0x3200  }
0x9d: {  	[sflag:s16] =	ssyncset.done $0x0  }
0x9e: {  	s17 =	simm.s32 $0xC2B8;
	[sflag:s16] =	ssyncadd.s32 $0xFFFFCE00  }
0x9f: {  	[tilespmem:s23], [sflag:$0x4] =	stream.indirect.gather [hbm4b:s4+s18], $0x40, s17, s18, $0xb8;
	[tilespmem:$0x1B420] =	vst v63  }
0xa0: {  	_ =	swait.ge [sflag:s24], $0x3200  }
0xa1: {  	[sflag:s24] =	ssyncset.done $0x0  }
0xa2: {  	s30 =	simm.s32 $0xE770;
	[sflag:s24] =	ssyncadd.s32 $0xFFFFCE00  }
0xa3: {  	[spmem:s2] =	stream.indirect.scatter.add.bf16 [tilespmem:s13], [sflag:$0x6], $0x40, s30, s18, $0xb8;
	[tilespmem:$0x1B420] =	vst v63  }
0xa4: {  	_ =	swait.ge [sflag:s16], $0x3200  }
0xa5: {  	[sflag:s16] =	ssyncset.done $0x0  }
0xa6: {  	s31 =	simm.s32 $0xC380;
	[sflag:s16] =	ssyncadd.s32 $0xFFFFCE00  }
0xa7: {  	[tilespmem:s13], [sflag:$0x1] =	stream.indirect.gather [hbm4b:s4+s18], $0x40, s31, s18, $0xb8;
	[tilespmem:$0x1B420] =	vst v63  }
0xa8: {  	_ =	swait.ge [sflag:s25], $0x3200  }
0xa9: {  	[sflag:s25] =	ssyncset.done $0x0  }
0xaa: {  	s1 =	simm.s32 $0xE838;
	[sflag:s25] =	ssyncadd.s32 $0xFFFFCE00  }
0xab: {  	[spmem:s2] =	stream.indirect.scatter.add.bf16 [tilespmem:s20], [sflag:$0x6], $0x40, s1, s18, $0xb8;
	[tilespmem:$0x1B420] =	vst v63  }
0xac: {  	_ =	swait.ge [sflag:s16], $0x3200  }
0xad: {  	[sflag:s16] =	ssyncset.done $0x0  }
0xae: {  	s17 =	simm.s32 $0xC448;
	[sflag:s16] =	ssyncadd.s32 $0xFFFFCE00  }
0xaf: {  	[tilespmem:s20], [sflag:$0x2] =	stream.indirect.gather [hbm4b:s4+s18], $0x40, s17, s18, $0xb8;
	[tilespmem:$0x1B420] =	vst v63  }
0xb0: {  	_ =	swait.ge [sflag:s26], $0x3200  }
0xb1: {  	[sflag:s26] =	ssyncset.done $0x0  }
0xb2: {  	s30 =	simm.s32 $0xE900;
	[sflag:s26] =	ssyncadd.s32 $0xFFFFCE00  }
0xb3: {  	[spmem:s2] =	stream.indirect.scatter.add.bf16 [tilespmem:s22], [sflag:$0x6], $0x40, s30, s18, $0xb8;
	[tilespmem:$0x1B420] =	vst v63  }
0xb4: {  	_ =	swait.ge [sflag:s16], $0x3200  }
0xb5: {  	[sflag:s16] =	ssyncset.done $0x0  }
0xb6: {  	[sflag:s16] =	ssyncadd.s32 $0xFFFFCE00  }
0xb7: {  	_ =	swait.ge [sflag:s28], $0x3200  }
0xb8: {  	[sflag:s28] =	ssyncset.done $0x0  }
0xb9: {  	[sflag:s28] =	ssyncadd.s32 $0xFFFFCE00  }
0xba: {  	[spmem:s2] =	stream.indirect.scatter.add.bf16 [tilespmem:s23], [sflag:$0x6], $0x40, s19, s18, $0xb8;
	[tilespmem:$0x1B420] =	vst v63  }
0xbb: {  	_ =	swait.ge [sflag:s16], $0x3200  }
0xbc: {  	[sflag:s16] =	ssyncset.done $0x0  }
0xbd: {  	[sflag:s16] =	ssyncadd.s32 $0xFFFFCE00  }
0xbe: {  	_ =	swait.ge [sflag:s24], $0x3200  }
0xbf: {  	[sflag:s24] =	ssyncset.done $0x0  }
0xc0: {  	[sflag:s24] =	ssyncadd.s32 $0xFFFFCE00  }
0xc1: {  	[spmem:s2] =	stream.indirect.scatter.add.bf16 [tilespmem:s13], [sflag:$0x6], $0x40, s21, s18, $0xb8;
	[tilespmem:$0x1B420] =	vst v63  }
0xc2: {  	_ =	swait.ge [sflag:s16], $0x3200  }
0xc3: {  	[sflag:s16] =	ssyncset.done $0x0  }
0xc4: {  	[sflag:s16] =	ssyncadd.s32 $0xFFFFCE00  }
0xc5: {  	_ =	swait.ge [sflag:s25], $0x3200  }
0xc6: {  	[sflag:s25] =	ssyncset.done $0x0  }
0xc7: {  	[sflag:s25] =	ssyncadd.s32 $0xFFFFCE00  }
0xc8: {  	[spmem:s2] =	stream.indirect.scatter.add.bf16 [tilespmem:s20], [sflag:$0x6], $0x40, s29, s18, $0xb8;
	[tilespmem:$0x1B420] =	vst v63  }
0xc9: {  	s31 =	stileid.u32;
	_ =	swait.ge [sflag:s16], $0x3200  }
0xca: {  	s3 =	sadd.s32 $0x1, s3;
	s0 =	sshll.u32 s31, $0x6;
	[sflag:s16] =	ssyncset.done $0x0  }
0xcb: {  	p0 =	sne.s32 s3, s12;
	s0 =	sor.u32 $0x1C06, s0;
	[sflag:s16] =	ssyncadd.s32 $0xFFFFCE00  }
.Ltmp2:
0xcc: {  	s1 =	sshrl.u32 s5, $0x3;
	[bflag:$0x0] =	sbarrier.arrive $0xFFFF;
	(pc) =	sbr.rel @p0 .LBB2_1-.Ltmp2, $4  }
0xcd: {  	[hbm:s11], [sflag:s0] =	dma.local [spmem:s1], $0x13C0  }
0xce: {  	_ =	swait.ge [sflag:s16], $0x13C0  }
0xcf: {  	[sflag:s16] =	ssyncset.done $0x0  }
0xd0: {  	[sflag:s16] =	ssyncadd.s32 $0xFFFFEC40  }
0xd1: {  	_ =	sfence.sel $0x180000  }
0xd2: {  	[bflag:$0x0] =	sbarrier.arrive $0xFFFF  }
0xd3: {  	_ =	strace $0x9000004D  }
0xd4: {  	s0 =	stileid.u32;
	[bflag:$0x2] =	sbarrier.arrive $0xFFFF  }
0xd5: {  	p0 =	sne.s32 s0, $0x0;
	s0 =	rddreg [dreg:$0x2]  }
0xd6: {  	s0 =	sadd.s32 @!p0 $0x100000, s0  }
0xd7: {  	[sflag:s0] =	ssyncadd.tile.s32 @!p0 $0x1;
	_ =	shalt  }
.Lfunc_end2:
_tile_overlayer_lowered:
.L_overlay_start_2:
0xd8: {  	(tag) =	ssettag $0x2  }
0xd9: {  	s0 =	rddreg [dreg:$0x0];
	s2 =	stileid.u32  }
0xda: {  	s1 =	rddreg [dreg:$0x1];
	p0 =	sne.s32 s2, $0x0  }
0xdb: {  	s3 =	rddreg [dreg:$0x2];
	[bflag:$0x3] =	sbarrier.arrive $0xFFFF;
	s2 =	simm.s32 @!p0 $0x1C06  }
0xdc: {  	[timem:s3], [sflag:s2] =	dma.local @!p0 [hbm:s0], s1  }
0xdd: {  	s0 =	simm.s32 @!p0 $0x6  }
0xde: {  	_ =	swait.ge @!p0 [sflag:s0], s1  }
0xdf: {  	s1 =	ssub.s32 @!p0 $0x0, s1;
	[sflag:s0] =	ssyncset.done @!p0 $0x0  }
0xe0: {  	[sflag:s0] =	ssyncadd.s32 @!p0 s1  }
0xe1: {  	[bflag:$0x3] =	sbarrier.arrive $0xFFFF  }
0xe2: {  	_ =	shalt  }

// kernel: kernel.19.cloned.1.call-start
scs
__scs_entry_jumppad:
0x0: {  	(pc) =	sbr.rel $0x88, $3  }
0x1: {  	(tag) =	ssettag $0x0;
	lr =	simm.s32 $0x1  }
0x2: {  	[smem:$0x3F82] =	sst lr;
	_ =	strace $0xD0000000  }
0x3: {  	_ = 	snop  }
0x4: {  	_ = 	snop  }
0x5: {  	_ = 	snop  }
0x6: {  	_ = 	snop  }
0x7: {  	_ = 	snop  }
__scs_overlays_trampoline_lowered:
0x8: {  	[smem:$0x3F91] =	sst s0  }
0x9: {  	[smem:$0x3F92] =	sst s1  }
0xa: {  	[smem:$0x3F93] =	sst s2  }
0xb: {  	[smem:$0x3F94] =	sst s3  }
0xc: {  	[smem:$0x3F95] =	sst s4  }
0xd: {  	[smem:$0x3F96] =	sst s5  }
0xe: {  	[smem:$0x3F97] =	sst s6  }
0xf: {  	[smem:$0x3F98] =	sst s7  }
0x10: {  	[smem:$0x3F99] =	sst s8  }
0x11: {  	[smem:$0x3F9A] =	sst s9;
	s0 =	simm.s32 @!p0 $0x0  }
0x12: {  	s1 =	sld [smem:$0x3F80];
	s0 =	simm.s32 @p0 $0x1  }
0x13: {  	[smem:$0x3F9B] =	sst s0;
	s0 =	simm.s32 @!p1 $0x0  }
0x14: {  	s2 =	sld [smem:$0x3F7F];
	s0 =	simm.s32 @p1 $0x1  }
0x15: {  	[smem:$0x3F9C] =	sst s0;
	s0 =	simm.s32 @!p2 $0x0  }
0x16: {  	s3 =	sld [smem:$0x3FDB];
	s0 =	simm.s32 @p2 $0x1  }
0x17: {  	s4 =	simm.s32 $0x1BF5;
	[smem:$0x3F9E] =	sst s0  }
0x18: {  	s0 =	sld [smem:$0x3F81];
	_ =	swait.ge [sflag:s4], $0x0  }
0x19: {  	s7 =	sld [smem:$0x3F82]  }
0x1a: {  	s8 =	sadd.s32 $0xFFFFE003, lr  }
0x1b: {  	s9 =	sadd.s32 $0xFFFFFEF7, lr;
	s5 =	simm.s32 $0xFFFFFFFF;
	p2 =	slt.u32 s8, $0xFFFFF086  }
0x1c: {  	p1 =	slt.u32 s9, $0xF7A;
	s5 =	simm.s32 @!p2 $0x0  }
0x1d: {  	s5 =	simm.s32 @p1 $0x1;
	p0 =	seq.s32 s7, s2  }
0x1e: {  	s7 =	smul.u32 @!p0 $0xF7A, s2;
	p2 =	seq.s32 @!p0 s5, $0x0  }
0x1f: {  	s9 =	smul.u32 $0xF7A, s1;
	s8 =	simm.s32 @!p0 $0x1BF5;
	p2 =	por !p2, p0  }
0x20: {  	[sflag:s8] =	ssyncset.s32 @!p0 $0xFFFFF086;
	s6 =	sadd.s32 @!p0 s3, s7;
	s7 =	simm.s32 @!p0 $0x108  }
0x21: {  	s3 =	sadd.s32 s3, s9;
	s6 =	sadd.s32 @!p0 $0x88, s6;
	s7 =	simm.s32 @p2 $0x1082  }
0x22: {  	[simem:s7], [sflag:s8] =	dma.local @!p0 [hbm:s6], $0xF7A  }
0x23: {  	s9 =	sor.u32 $0xD0000000, s2;
	s6 =	simm.s32 $0x108;
	_ =	swait.ge @!p0 [sflag:s8], $0x0  }
0x24: {  	s3 =	sadd.s32 $0x88, s3;
	s6 =	simm.s32 @!p1 $0x1082;
	[sflag:s4] =	ssyncset.s32 $0xFFFFF086  }
0x25: {  	[simem:s6], [sflag:s4] =	dma.local [hbm:s3], $0xF7A  }
0x26: {  	[smem:$0x3F82] =	sst s1;
	(tag) =	ssettag s2;
	_ =	strace s9  }
0x27: {  	s1 =	sld [smem:$0x3F92]  }
0x28: {  	s2 =	sld [smem:$0x3F93]  }
0x29: {  	s4 =	sld [smem:$0x3F95]  }
0x2a: {  	p0 =	seq.s32 s5, $0x0;
	s5 =	sld [smem:$0x3F96]  }
0x2b: {  	s6 =	sld [smem:$0x3F97]  }
0x2c: {  	s7 =	sld [smem:$0x3F98]  }
0x2d: {  	s3 =	simm.s32 $0x108;
	s8 =	sld [smem:$0x3F99]  }
0x2e: {  	s3 =	simm.s32 @!p0 $0x1082;
	s9 =	sld [smem:$0x3F9A]  }
0x2f: {  	lr =	sadd.s32 s0, s3;
	s0 =	sld [smem:$0x3F91]  }
0x30: {  	s3 =	sld [smem:$0x3F94]  }
0x31: {  	[smem:$0x3F9D] =	sst s10  }
0x32: {  	s10 =	sld [smem:$0x3F9B];
	_ =	sdelay $0x3  }
0x33: {  	p0 =	seq.s32 s10, $0x1;
	s10 =	sld [smem:$0x3F9D];
	_ =	sdelay $0x3  }
0x34: {  	[smem:$0x3F9D] =	sst s10  }
0x35: {  	s10 =	sld [smem:$0x3F9C];
	_ =	sdelay $0x3  }
0x36: {  	p1 =	seq.s32 s10, $0x1;
	s10 =	sld [smem:$0x3F9D];
	_ =	sdelay $0x3  }
0x37: {  	[smem:$0x3F9D] =	sst s10  }
0x38: {  	s10 =	sld [smem:$0x3F9E]  }
0x39: {  	_ = 	snop;
	(pc) =	sbr.ind lr, $3  }
0x3a: {  	_ = 	snop  }
0x3b: {  	_ = 	snop  }
0x3c: {  	p2 =	seq.s32 s10, $0x1;
	s10 =	sld [smem:$0x3F9D]  }
0x3d: {  	_ =	shalt  }
0x3e: {  	_ =	shalt  }
0x3f: {  	_ =	shalt  }
0x40: {  	_ =	shalt  }
0x41: {  	_ =	shalt  }
0x42: {  	_ =	shalt  }
0x43: {  	_ =	shalt  }
0x44: {  	_ =	shalt  }
0x45: {  	_ =	shalt  }
0x46: {  	_ =	shalt  }
0x47: {  	_ =	shalt  }
0x48: {  	_ =	shalt  }
0x49: {  	_ =	shalt  }
0x4a: {  	_ =	shalt  }
0x4b: {  	_ =	shalt  }
0x4c: {  	_ =	shalt  }
0x4d: {  	_ =	shalt  }
0x4e: {  	_ =	shalt  }
0x4f: {  	_ =	shalt  }
0x50: {  	_ =	shalt  }
0x51: {  	_ =	shalt  }
0x52: {  	_ =	shalt  }
0x53: {  	_ =	shalt  }
0x54: {  	_ =	shalt  }
0x55: {  	_ =	shalt  }
0x56: {  	_ =	shalt  }
0x57: {  	_ =	shalt  }
0x58: {  	_ =	shalt  }
0x59: {  	_ =	shalt  }
0x5a: {  	_ =	shalt  }
0x5b: {  	_ =	shalt  }
0x5c: {  	_ =	shalt  }
0x5d: {  	_ =	shalt  }
0x5e: {  	_ =	shalt  }
0x5f: {  	_ =	shalt  }
0x60: {  	_ =	shalt  }
0x61: {  	_ =	shalt  }
0x62: {  	_ =	shalt  }
0x63: {  	_ =	shalt  }
0x64: {  	_ =	shalt  }
0x65: {  	_ =	shalt  }
0x66: {  	_ =	shalt  }
0x67: {  	_ =	shalt  }
0x68: {  	_ =	shalt  }
0x69: {  	_ =	shalt  }
0x6a: {  	_ =	shalt  }
0x6b: {  	_ =	shalt  }
0x6c: {  	_ =	shalt  }
0x6d: {  	_ =	shalt  }
0x6e: {  	_ =	shalt  }
0x6f: {  	_ =	shalt  }
0x70: {  	_ =	shalt  }
0x71: {  	_ =	shalt  }
0x72: {  	_ =	shalt  }
0x73: {  	_ =	shalt  }
0x74: {  	_ =	shalt  }
0x75: {  	_ =	shalt  }
0x76: {  	_ =	shalt  }
0x77: {  	_ =	shalt  }
0x78: {  	_ =	shalt  }
0x79: {  	_ =	shalt  }
0x7a: {  	_ =	shalt  }
0x7b: {  	_ =	shalt  }
0x7c: {  	_ =	shalt  }
0x7d: {  	_ =	shalt  }
0x7e: {  	_ =	shalt  }
0x7f: {  	_ =	shalt  }
0x80: {  	_ =	shalt  }
0x81: {  	_ =	shalt  }
0x82: {  	_ =	shalt  }
0x83: {  	_ =	shalt  }
0x84: {  	_ =	shalt  }
0x85: {  	_ =	shalt  }
0x86: {  	_ =	shalt  }
0x87: {  	_ =	shalt  }
.Lfunc_end0:
.L_simem_size_0:
called_computation.3_lowered:
.L_overlay_start_0:
0x88: {  	s2 =	sld [smem:$0x3FD9]  }
0x89: {  	s3 =	sld [smem:$0x3FFE];
	_ =	sdelay $0x1  }
0x8a: {  	s1 =	srdreg.scid  }
0x8b: {  	s0 =	sand.u32 $0x1, s1  }
0x8c: {  	s17 =	sshll.u32 s0, $0xA;
	s2 =	sadd.s32 s3, s2  }
0x8d: {  	s2 =	sadd.s32 s2, s17  }
0x8e: {  	[smem:$0x3FA9] =	sst s2  }
0x8f: {  	_ = 	snop  }
0x90: {  	s2 =	sld [smem:$0x3FD0];
	(tm) =	ssettm $0x1  }
0x91: {  	s18 =	sld [smem:$0x3FFB];
	_ =	sdelay $0x3  }
0x92: {  	_ =	strace s18  }
0x93: {  	s3 =	sld [smem:$0x3FFC];
	_ =	sdelay $0x3  }
0x94: {  	_ =	strace s3  }
0x95: {  	s3 =	sld [smem:$0x3FFD];
	_ =	sdelay $0x3  }
0x96: {  	_ =	strace s3  }
0x97: {  	_ =	strace $0x8FFFFFFF  }
0x98: {  	s19 =	sld [smem:$0x3FDB];
	_ =	sdelay $0x1  }
0x99: {  	s4 =	simm.s32 $_scs_section_size  }
0x9a: {  	s5 =	simm.s32 $_size__tile_overlayer_lowered;
	s6 =	simm.s32 $_tile_overlayer_lowered  }
0x9b: {  	s22 =	simm.s32 $0x1BFF;
	s21 =	sshll.u32 s6, $0x1;
	s3 =	sadd.s32 s4, s19  }
0x9c: {  	s7 =	simm.s32 $0x0;
	s20 =	sshll.u32 s5, $0x1;
	s5 =	sadd.s32 s21, s3  }
0x9d: {  	[timem:s7], [sflag:s22] =	dma.local [hbm:s5], s20  }
0x9e: {  	_ =	swait.ge [sflag:s22], s20  }
0x9f: {  	s4 =	ssub.s32 $0x0, s20;
	[sflag:s22] =	ssyncset.done $0x0  }
0xa0: {  	[sflag:s22] =	ssyncadd.s32 s4;
	_ =	sdelay $0x1  }
0xa1: {  	s23 =	simm.s32 $0x1B8B  }
0xa2: {  	_ =	swait.ge [sflag:s23], $0x1  }
0xa3: {  	[sflag:s23] =	ssyncset.done $0x0  }
0xa4: {  	s25 =	simm.s32 $0x1B8E;
	s24 =	sld [smem:$0x3FFE];
	[sflag:s23] =	ssyncadd.s32 $0xFFFFFFFF  }
0xa5: {  	s26 =	simm.s32 $execute0_lowered;
	[smem:$0x3FD2] =	sst s25  }
0xa6: {  	s5 =	sshll.u32 s26, $0x1;
	_ =	strace $0x8000004F;
	[dreg:$0x1] =	wrdreg $0xFFFFFFFF  }
0xa7: {  	s28 =	simm.s32 $_size_execute0_lowered;
	s3 =	sadd.s32 s3, s5;
	[dreg:$0x0] =	wrdreg $0x0  }
0xa8: {  	s5 =	sshll.u32 s28, $0x1;
	[dreg:$0x2] =	wrdreg s3  }
0xa9: {  	[dreg:$0x3] =	wrdreg s5  }
0xaa: {  	[dreg:$0x4] =	wrdreg $0xC0  }
0xab: {  	_ =	task [dreg:s7], $0x5FFFF  }
0xac: {  	[dreg:$0x1] =	wrdreg $0xFFFFFFFF  }
0xad: {  	[dreg:$0x0] =	wrdreg $0x60  }
0xae: {  	[dreg:$0x2] =	wrdreg s2  }
0xaf: {  	[dreg:$0x3] =	wrdreg s24  }
0xb0: {  	[dreg:$0x4] =	wrdreg $0x0  }
0xb1: {  	[dreg:$0x5] =	wrdreg $0x9  }
0xb2: {  	_ =	task.clear_ibuf [dreg:s7], $0x6FFFF;
	_ =	strace $0x9000004F  }
0xb3: {  	s29 =	simm.s32 $0x9;
	_ =	strace $0x80000051  }
0xb4: {  	_ =	swait.ge [sflag:s29], $0x1  }
0xb5: {  	[sflag:s29] =	ssyncadd.s32 $0xFFFFFFFF  }
0xb6: {  	_ =	strace $0x90000051  }
0xb7: {  	_ =	sfence  }
0xb8: {  	s30 =	sld [smem:$0x0];
	_ =	sdelay $0x2  }
0xb9: {  	s31 =	sshll.u32 s1, $0xD;
	s1 =	sshrl.u32 s1, $0x2  }
0xba: {  	s3 =	sand.u32 $0x4000, s31;
	s1 =	sadd.s32 s1, s30  }
0xbb: {  	s0 =	sor.u32 s3, s0;
	s1 =	sshll.u32 s1, $0x11  }
0xbc: {  	s0 =	sor.u32 s1, s0  }
0xbd: {  	s0 =	sadd.s32 $0x8F2B, s0  }
0xbe: {  	[sflag:s0] =	ssyncadd.remote.s32 $0x1  }
0xbf: {  	_ =	sfence.sel $0xFFFF  }
0xc0: {  	[dreg:$0x0] =	wrdreg $0xFFFFFFFF;
	(pc) =	sbr.abs _section_cstart, $3  }
0xc1: {  	[dreg:$0x1] =	wrdreg $0xFFFFFFFF  }
0xc2: {  	_ =	task.clear_ibuf [dreg:s7], $0x2FFFF;
	_ =	strace $0x9FFFFFFF  }
0xc3: {  	(tm) =	ssettm $0x7FFFFFFF  }
tec
execute0_lowered:
.L_overlay_start_1:
0x0: {  	(tag) =	ssettag $0x1  }
0x1: {  	s1 =	rddreg [dreg:$0x0]  }
0x2: {  	s0 =	srdreg.scid;
	s2 =	rddreg [dreg:$0x1]  }
0x3: {  	s8 =	stileid.u32;
	s3 =	rddreg [dreg:$0x2];
	s13 =	simm.s32 $0xEC20  }
0x4: {  	s14 =	simm.s32 $0x5;
	s15 =	simm.s32 $0x9E00;
	s16 =	simm.s32 $0x6  }
0x5: {  	s18 =	simm.s32 $0xC8;
	s20 =	simm.s32 $0x11E20;
	s22 =	simm.s32 $0x15020  }
0x6: {  	s23 =	simm.s32 $0x18220;
	s24 =	simm.s32 $0x1;
	s25 =	simm.s32 $0x2  }
0x7: {  	s28 =	simm.s32 $0x4;
	s19 =	simm.s32 $0xE9C8;
	s21 =	simm.s32 $0xEA90  }
0x8: {  	s29 =	simm.s32 $0xEB58;
	s0 =	sand.u32 $0x1, s0;
	s5 =	smul.u32 $0x13C00, s8  }
0x9: {  	s4 =	sshll.u32 s0, $0x4;
	s7 =	smul.u32 $0x13C000, s0;
	s0 =	ssub.s32 $0x2, s0  }
0xa: {  	s6 =	sor.u32 s8, s4;
	s4 =	simm.s32 $0x0;
	s8 =	smul.u32 $0x27800, s8  }
0xb: {  	s31 =	sshrl.u32 s0, $0x1;
	s6 =	smul.u32 $0x4E2, s6;
	[smem:$0x7FF] =	sst s4  }
0xc: {  	s7 =	sadd.s32 s5, s7;
	s5 =	sshrl.u32 s5, $0x1;
	s0 =	ssub.s32 s0, s31  }
0xd: {  	_ =	strace $0x80000050;
	s26 =	sshrl.u32 s7, $0x4;
	s30 =	sshrl.u32 s8, $0x2  }
0xe: {  	s5 =	sadd.s32 s5, s3;
	s12 =	smax.u32 s0, $0x1;
	s10 =	sadd.s32 s6, s2  }
0xf: {  	s2 =	sadd.s32 s26, s2;
	s8 =	sadd.s32 s30, s3;
	s26 =	simm.s32 $0x3  }
0x10: {  	s6 =	sadd.s32 $0x3200, s8;
	s7 =	sadd.s32 $0x6400, s8;
	s8 =	sadd.s32 $0x9600, s8  }
0x11: {  	v0 =	vimm.bf16 $0.0e+00;
	s9 =	sadd.s32 $0xEC00, s10;
	s10 =	sadd.s32 $0x4E00, s10;
	s11 =	sadd.s32 $0x18A00, s2  }
.LBB2_1:
0x12: {  	s30 =	simm.s32 $0x100;
	s2 =	simm.s32 $0x0  }
.LBB2_2:
0x13: {  	p0 =	sne.s32 s30, $0xC700;
	[tilespmem:s2+$0xEC50] =	vst v0;
	s0 =	smov.u32 s30;
	s30 =	sadd.s32 $0x100, s30  }
.Ltmp0:
0x14: {  	[tilespmem:s2+$0xEC40] =	vst v0;
	(pc) =	sbr.rel @p0 .LBB2_2-.Ltmp0, $3  }
0x15: {  	[tilespmem:s2+$0xEC20] =	vst v0  }
0x16: {  	[tilespmem:s2+$0xEC30] =	vst v0;
	_ =	sdelay $0x1  }
0x17: {  	s2 =	sshra.s32 s0, $0x2  }
0x18: {  	[tilespmem:s2+$0xEC50] =	vst v0  }
0x19: {  	[tilespmem:s2+$0xEC40] =	vst v0  }
0x1a: {  	[tilespmem:s2+$0xEC20] =	vst v0  }
0x1b: {  	[tilespmem:s2+$0xEC30] =	vst v0  }
0x1c: {  	[spmem:s5] =	stream.linear.scatter [tilespmem:s13], [sflag:$0x5], $0x3200, $0x38;
	[tilespmem:$0x1B420] =	vst v63  }
0x1d: {  	_ = 	snop  }
0x1e: {  	[spmem:s6] =	stream.linear.scatter [tilespmem:s13], [sflag:$0x5], $0x3200, $0x38;
	[tilespmem:$0x1B420] =	vst v63  }
0x1f: {  	_ = 	snop  }
0x20: {  	[spmem:s7] =	stream.linear.scatter [tilespmem:s13], [sflag:$0x5], $0x3200, $0x38;
	[tilespmem:$0x1B420] =	vst v63  }
0x21: {  	_ = 	snop  }
0x22: {  	[spmem:s8] =	stream.linear.scatter [tilespmem:s13], [sflag:$0x5], $0x800, $0x38;
	[tilespmem:$0x1B420] =	vst v63  }
0x23: {  	_ =	swait.ge [sflag:s14], $0x3200  }
0x24: {  	[sflag:s14] =	ssyncset.done $0x0  }
0x25: {  	[sflag:s14] =	ssyncadd.s32 $0xFFFFCE00  }
0x26: {  	_ =	swait.ge [sflag:s14], $0x3200  }
0x27: {  	[sflag:s14] =	ssyncset.done $0x0  }
0x28: {  	[sflag:s14] =	ssyncadd.s32 $0xFFFFCE00  }
0x29: {  	_ =	swait.ge [sflag:s14], $0x3200  }
0x2a: {  	[sflag:s14] =	ssyncset.done $0x0  }
0x2b: {  	[sflag:s14] =	ssyncadd.s32 $0xFFFFCE00  }
0x2c: {  	_ =	swait.ge [sflag:s14], $0x800  }
0x2d: {  	[sflag:s14] =	ssyncset.done $0x0  }
0x2e: {  	[sflag:s14] =	ssyncadd.s32 $0xFFFFF800  }
0x2f: {  	s0 =	simm.s32 $0x0;
	[bflag:$0x0] =	sbarrier.arrive $0xFFFF  }
0x30: {  	[tilespmem:s15], [sflag:$0x6] =	stream.linear.gather [hbm4b:s9+s0], $0x2710, $0x38;
	[tilespmem:$0x1B420] =	vst v63  }
0x31: {  	_ =	swait.ge [sflag:s16], $0x2710  }
0x32: {  	[sflag:s16] =	ssyncset.done $0x0  }
0x33: {  	s17 =	simm.s32 $0xC510;
	[sflag:s16] =	ssyncadd.s32 $0xFFFFD8F0  }
0x34: {  	[tilespmem:s17], [sflag:$0x6] =	stream.linear.gather [hbm4b:s10+s0], $0x2710, $0x38;
	[tilespmem:$0x1B420] =	vst v63  }
0x35: {  	_ =	swait.ge [sflag:s16], $0x2710  }
0x36: {  	[sflag:s16] =	ssyncset.done $0x0  }
0x37: {  	[sflag:s16] =	ssyncadd.s32 $0xFFFFD8F0  }
0x38: {  	[tilespmem:s13], [sflag:$0x1] =	stream.indirect.gather [hbm4b:s1+s18], $0x40, s15, s18, $0xb8;
	[tilespmem:$0x1B420] =	vst v63  }
0x39: {  	s2 =	simm.s32 $0x9EC8  }
0x3a: {  	[tilespmem:s20], [sflag:$0x2] =	stream.indirect.gather [hbm4b:s1+s18], $0x40, s2, s18, $0xb8;
	[tilespmem:$0x1B420] =	vst v63  }
0x3b: {  	s17 =	simm.s32 $0x9F90  }
0x3c: {  	[tilespmem:s22], [sflag:$0x3] =	stream.indirect.gather [hbm4b:s1+s18], $0x40, s17, s18, $0xb8;
	[tilespmem:$0x1B420] =	vst v63  }
0x3d: {  	s2 =	simm.s32 $0xA058  }
0x3e: {  	[tilespmem:s23], [sflag:$0x4] =	stream.indirect.gather [hbm4b:s1+s18], $0x40, s2, s18, $0xb8;
	[tilespmem:$0x1B420] =	vst v63  }
0x3f: {  	_ =	swait.ge [sflag:s24], $0x3200  }
0x40: {  	[sflag:s24] =	ssyncset.done $0x0  }
0x41: {  	s17 =	simm.s32 $0xC510;
	[sflag:s24] =	ssyncadd.s32 $0xFFFFCE00  }
0x42: {  	[spmem:s3] =	stream.indirect.scatter.add.bf16 [tilespmem:s13], [sflag:$0x6], $0x40, s17, s18, $0xb8;
	[tilespmem:$0x1B420] =	vst v63  }
0x43: {  	_ =	swait.ge [sflag:s16], $0x3200  }
0x44: {  	[sflag:s16] =	ssyncset.done $0x0  }
0x45: {  	s2 =	simm.s32 $0xA120;
	[sflag:s16] =	ssyncadd.s32 $0xFFFFCE00  }
0x46: {  	[tilespmem:s13], [sflag:$0x1] =	stream.indirect.gather [hbm4b:s1+s18], $0x40, s2, s18, $0xb8;
	[tilespmem:$0x1B420] =	vst v63  }
0x47: {  	_ =	swait.ge [sflag:s25], $0x3200  }
0x48: {  	[sflag:s25] =	ssyncset.done $0x0  }
0x49: {  	s17 =	simm.s32 $0xC5D8;
	[sflag:s25] =	ssyncadd.s32 $0xFFFFCE00  }
0x4a: {  	[spmem:s3] =	stream.indirect.scatter.add.bf16 [tilespmem:s20], [sflag:$0x6], $0x40, s17, s18, $0xb8;
	[tilespmem:$0x1B420] =	vst v63  }
0x4b: {  	_ =	swait.ge [sflag:s16], $0x3200  }
0x4c: {  	[sflag:s16] =	ssyncset.done $0x0  }
0x4d: {  	s2 =	simm.s32 $0xA1E8;
	[sflag:s16] =	ssyncadd.s32 $0xFFFFCE00  }
0x4e: {  	[tilespmem:s20], [sflag:$0x2] =	stream.indirect.gather [hbm4b:s1+s18], $0x40, s2, s18, $0xb8;
	[tilespmem:$0x1B420] =	vst v63  }
0x4f: {  	_ =	swait.ge [sflag:s26], $0x3200  }
0x50: {  	[sflag:s26] =	ssyncset.done $0x0  }
0x51: {  	s17 =	simm.s32 $0xC6A0;
	[sflag:s26] =	ssyncadd.s32 $0xFFFFCE00  }
0x52: {  	[spmem:s3] =	stream.indirect.scatter.add.bf16 [tilespmem:s22], [sflag:$0x6], $0x40, s17, s18, $0xb8;
	[tilespmem:$0x1B420] =	vst v63  }
0x53: {  	_ =	swait.ge [sflag:s16], $0x3200  }
0x54: {  	[sflag:s16] =	ssyncset.done $0x0  }
0x55: {  	s2 =	simm.s32 $0xA2B0;
	[sflag:s16] =	ssyncadd.s32 $0xFFFFCE00  }
0x56: {  	[tilespmem:s22], [sflag:$0x3] =	stream.indirect.gather [hbm4b:s1+s18], $0x40, s2, s18, $0xb8;
	[tilespmem:$0x1B420] =	vst v63  }
0x57: {  	_ =	swait.ge [sflag:s28], $0x3200  }
0x58: {  	[sflag:s28] =	ssyncset.done $0x0  }
0x59: {  	s17 =	simm.s32 $0xC768;
	[sflag:s28] =	ssyncadd.s32 $0xFFFFCE00  }
0x5a: {  	[spmem:s3] =	stream.indirect.scatter.add.bf16 [tilespmem:s23], [sflag:$0x6], $0x40, s17, s18, $0xb8;
	[tilespmem:$0x1B420] =	vst v63  }
0x5b: {  	_ =	swait.ge [sflag:s16], $0x3200  }
0x5c: {  	s31 =	simm.s32 $0x1900;
	s30 =	simm.s32 $0x320;
	[sflag:s16] =	ssyncset.done $0x0  }
.LBB2_4:
0x5d: {  	s17 =	sadd.s32 $0xA058, s30  }
0x5e: {  	[sflag:s16] =	ssyncadd.s32 $0xFFFFCE00;
	s2 =	smov.u32 s31;
	s0 =	sadd.s32 $0xC80, s31  }
0x5f: {  	[tilespmem:s23], [sflag:$0x4] =	stream.indirect.gather [hbm4b:s1+s18], $0x40, s17, s18, $0xb8;
	[tilespmem:$0x1B420] =	vst v63  }
0x60: {  	p0 =	sne.s32 s31, $0x7D00;
	_ =	swait.ge [sflag:s24], $0x3200  }
0x61: {  	[sflag:s24] =	ssyncset.done $0x0  }
0x62: {  	s17 =	sadd.s32 $0xC510, s30;
	[sflag:s24] =	ssyncadd.s32 $0xFFFFCE00  }
0x63: {  	[spmem:s3] =	stream.indirect.scatter.add.bf16 [tilespmem:s13], [sflag:$0x6], $0x40, s17, s18, $0xb8;
	[tilespmem:$0x1B420] =	vst v63  }
0x64: {  	_ =	swait.ge [sflag:s16], $0x3200  }
0x65: {  	[sflag:s16] =	ssyncset.done $0x0  }
0x66: {  	s17 =	sadd.s32 $0xA120, s30;
	[sflag:s16] =	ssyncadd.s32 $0xFFFFCE00  }
0x67: {  	[tilespmem:s13], [sflag:$0x1] =	stream.indirect.gather [hbm4b:s1+s18], $0x40, s17, s18, $0xb8;
	[tilespmem:$0x1B420] =	vst v63  }
0x68: {  	_ =	swait.ge [sflag:s25], $0x3200  }
0x69: {  	[sflag:s25] =	ssyncset.done $0x0  }
0x6a: {  	s17 =	sadd.s32 $0xC5D8, s30;
	[sflag:s25] =	ssyncadd.s32 $0xFFFFCE00  }
0x6b: {  	[spmem:s3] =	stream.indirect.scatter.add.bf16 [tilespmem:s20], [sflag:$0x6], $0x40, s17, s18, $0xb8;
	[tilespmem:$0x1B420] =	vst v63  }
0x6c: {  	_ =	swait.ge [sflag:s16], $0x3200  }
0x6d: {  	[sflag:s16] =	ssyncset.done $0x0  }
0x6e: {  	s17 =	sadd.s32 $0xA1E8, s30;
	[sflag:s16] =	ssyncadd.s32 $0xFFFFCE00  }
0x6f: {  	[tilespmem:s20], [sflag:$0x2] =	stream.indirect.gather [hbm4b:s1+s18], $0x40, s17, s18, $0xb8;
	[tilespmem:$0x1B420] =	vst v63  }
0x70: {  	_ =	swait.ge [sflag:s26], $0x3200  }
0x71: {  	[sflag:s26] =	ssyncset.done $0x0  }
0x72: {  	s17 =	sadd.s32 $0xC6A0, s30;
	[sflag:s26] =	ssyncadd.s32 $0xFFFFCE00  }
0x73: {  	[spmem:s3] =	stream.indirect.scatter.add.bf16 [tilespmem:s22], [sflag:$0x6], $0x40, s17, s18, $0xb8;
	[tilespmem:$0x1B420] =	vst v63  }
0x74: {  	_ =	swait.ge [sflag:s16], $0x3200  }
0x75: {  	[sflag:s16] =	ssyncset.done $0x0  }
0x76: {  	s17 =	sadd.s32 $0xA2B0, s30;
	[sflag:s16] =	ssyncadd.s32 $0xFFFFCE00  }
0x77: {  	[tilespmem:s22], [sflag:$0x3] =	stream.indirect.gather [hbm4b:s1+s18], $0x40, s17, s18, $0xb8;
	[tilespmem:$0x1B420] =	vst v63  }
0x78: {  	_ =	swait.ge [sflag:s28], $0x3200  }
.Ltmp1:
0x79: {  	[sflag:s28] =	ssyncset.done $0x0;
	(pc) =	sbr.rel @p0 .LBB2_4-.Ltmp1, $4  }
0x7a: {  	s17 =	sadd.s32 $0xC768, s30;
	[sflag:s28] =	ssyncadd.s32 $0xFFFFCE00  }
0x7b: {  	[spmem:s3] =	stream.indirect.scatter.add.bf16 [tilespmem:s23], [sflag:$0x6], $0x40, s17, s18, $0xb8;
	[tilespmem:$0x1B420] =	vst v63  }
0x7c: {  	_ =	swait.ge [sflag:s16], $0x3200  }
0x7d: {  	s31 =	smov.u32 s0;
	s30 =	sshra.s32 s2, $0x2;
	[sflag:s16] =	ssyncset.done $0x0  }
0x7e: {  	s0 =	sadd.s32 $0xA058, s30;
	[sflag:s16] =	ssyncadd.s32 $0xFFFFCE00  }
0x7f: {  	[tilespmem:s23], [sflag:$0x4] =	stream.indirect.gather [hbm4b:s1+s18], $0x40, s0, s18, $0xb8;
	[tilespmem:$0x1B420] =	vst v63  }
0x80: {  	_ =	swait.ge [sflag:s24], $0x3200  }
0x81: {  	[sflag:s24] =	ssyncset.done $0x0  }
0x82: {  	s2 =	sadd.s32 $0xC510, s30;
	[sflag:s24] =	ssyncadd.s32 $0xFFFFCE00  }
0x83: {  	[spmem:s3] =	stream.indirect.scatter.add.bf16 [tilespmem:s13], [sflag:$0x6], $0x40, s2, s18, $0xb8;
	[tilespmem:$0x1B420] =	vst v63  }
0x84: {  	_ =	swait.ge [sflag:s16], $0x3200  }
0x85: {  	[sflag:s16] =	ssyncset.done $0x0  }
0x86: {  	s17 =	sadd.s32 $0xA120, s30;
	[sflag:s16] =	ssyncadd.s32 $0xFFFFCE00  }
0x87: {  	[tilespmem:s13], [sflag:$0x1] =	stream.indirect.gather [hbm4b:s1+s18], $0x40, s17, s18, $0xb8;
	[tilespmem:$0x1B420] =	vst v63  }
0x88: {  	_ =	swait.ge [sflag:s25], $0x3200  }
0x89: {  	[sflag:s25] =	ssyncset.done $0x0  }
0x8a: {  	s31 =	sadd.s32 $0xC5D8, s30;
	[sflag:s25] =	ssyncadd.s32 $0xFFFFCE00  }
0x8b: {  	[spmem:s3] =	stream.indirect.scatter.add.bf16 [tilespmem:s20], [sflag:$0x6], $0x40, s31, s18, $0xb8;
	[tilespmem:$0x1B420] =	vst v63  }
0x8c: {  	_ =	swait.ge [sflag:s16], $0x3200  }
0x8d: {  	[sflag:s16] =	ssyncset.done $0x0  }
0x8e: {  	s2 =	sadd.s32 $0xA1E8, s30;
	[sflag:s16] =	ssyncadd.s32 $0xFFFFCE00  }
0x8f: {  	[tilespmem:s20], [sflag:$0x2] =	stream.indirect.gather [hbm4b:s1+s18], $0x40, s2, s18, $0xb8;
	[tilespmem:$0x1B420] =	vst v63  }
0x90: {  	_ =	swait.ge [sflag:s26], $0x3200  }
0x91: {  	[sflag:s26] =	ssyncset.done $0x0  }
0x92: {  	s17 =	sadd.s32 $0xC6A0, s30;
	[sflag:s26] =	ssyncadd.s32 $0xFFFFCE00  }
0x93: {  	[spmem:s3] =	stream.indirect.scatter.add.bf16 [tilespmem:s22], [sflag:$0x6], $0x40, s17, s18, $0xb8;
	[tilespmem:$0x1B420] =	vst v63  }
0x94: {  	_ =	swait.ge [sflag:s16], $0x3200  }
0x95: {  	[sflag:s16] =	ssyncset.done $0x0  }
0x96: {  	s31 =	sadd.s32 $0xA2B0, s30;
	[sflag:s16] =	ssyncadd.s32 $0xFFFFCE00  }
0x97: {  	[tilespmem:s22], [sflag:$0x3] =	stream.indirect.gather [hbm4b:s1+s18], $0x40, s31, s18, $0xb8;
	[tilespmem:$0x1B420] =	vst v63  }
0x98: {  	_ =	swait.ge [sflag:s28], $0x3200  }
0x99: {  	[sflag:s28] =	ssyncset.done $0x0  }
0x9a: {  	s2 =	sadd.s32 $0xC768, s30;
	[sflag:s28] =	ssyncadd.s32 $0xFFFFCE00  }
0x9b: {  	[spmem:s3] =	stream.indirect.scatter.add.bf16 [tilespmem:s23], [sflag:$0x6], $0x40, s2, s18, $0xb8;
	[tilespmem:$0x1B420] =	vst v63  }
0x9c: {  	_ =	swait.ge [sflag:s16], $0x3200  }
0x9d: {  	[sflag:s16] =	ssyncset.done $0x0  }
0x9e: {  	s17 =	simm.s32 $0xC2B8;
	[sflag:s16] =	ssyncadd.s32 $0xFFFFCE00  }
0x9f: {  	[tilespmem:s23], [sflag:$0x4] =	stream.indirect.gather [hbm4b:s1+s18], $0x40, s17, s18, $0xb8;
	[tilespmem:$0x1B420] =	vst v63  }
0xa0: {  	_ =	swait.ge [sflag:s24], $0x3200  }
0xa1: {  	[sflag:s24] =	ssyncset.done $0x0  }
0xa2: {  	s30 =	simm.s32 $0xE770;
	[sflag:s24] =	ssyncadd.s32 $0xFFFFCE00  }
0xa3: {  	[spmem:s3] =	stream.indirect.scatter.add.bf16 [tilespmem:s13], [sflag:$0x6], $0x40, s30, s18, $0xb8;
	[tilespmem:$0x1B420] =	vst v63  }
0xa4: {  	_ =	swait.ge [sflag:s16], $0x3200  }
0xa5: {  	[sflag:s16] =	ssyncset.done $0x0  }
0xa6: {  	s31 =	simm.s32 $0xC380;
	[sflag:s16] =	ssyncadd.s32 $0xFFFFCE00  }
0xa7: {  	[tilespmem:s13], [sflag:$0x1] =	stream.indirect.gather [hbm4b:s1+s18], $0x40, s31, s18, $0xb8;
	[tilespmem:$0x1B420] =	vst v63  }
0xa8: {  	_ =	swait.ge [sflag:s25], $0x3200  }
0xa9: {  	[sflag:s25] =	ssyncset.done $0x0  }
0xaa: {  	s2 =	simm.s32 $0xE838;
	[sflag:s25] =	ssyncadd.s32 $0xFFFFCE00  }
0xab: {  	[spmem:s3] =	stream.indirect.scatter.add.bf16 [tilespmem:s20], [sflag:$0x6], $0x40, s2, s18, $0xb8;
	[tilespmem:$0x1B420] =	vst v63  }
0xac: {  	_ =	swait.ge [sflag:s16], $0x3200  }
0xad: {  	[sflag:s16] =	ssyncset.done $0x0  }
0xae: {  	s17 =	simm.s32 $0xC448;
	[sflag:s16] =	ssyncadd.s32 $0xFFFFCE00  }
0xaf: {  	[tilespmem:s20], [sflag:$0x2] =	stream.indirect.gather [hbm4b:s1+s18], $0x40, s17, s18, $0xb8;
	[tilespmem:$0x1B420] =	vst v63  }
0xb0: {  	_ =	swait.ge [sflag:s26], $0x3200  }
0xb1: {  	[sflag:s26] =	ssyncset.done $0x0  }
0xb2: {  	s30 =	simm.s32 $0xE900;
	[sflag:s26] =	ssyncadd.s32 $0xFFFFCE00  }
0xb3: {  	[spmem:s3] =	stream.indirect.scatter.add.bf16 [tilespmem:s22], [sflag:$0x6], $0x40, s30, s18, $0xb8;
	[tilespmem:$0x1B420] =	vst v63  }
0xb4: {  	_ =	swait.ge [sflag:s16], $0x3200  }
0xb5: {  	[sflag:s16] =	ssyncset.done $0x0  }
0xb6: {  	[sflag:s16] =	ssyncadd.s32 $0xFFFFCE00  }
0xb7: {  	_ =	swait.ge [sflag:s28], $0x3200  }
0xb8: {  	[sflag:s28] =	ssyncset.done $0x0  }
0xb9: {  	[sflag:s28] =	ssyncadd.s32 $0xFFFFCE00  }
0xba: {  	[spmem:s3] =	stream.indirect.scatter.add.bf16 [tilespmem:s23], [sflag:$0x6], $0x40, s19, s18, $0xb8;
	[tilespmem:$0x1B420] =	vst v63  }
0xbb: {  	_ =	swait.ge [sflag:s16], $0x3200  }
0xbc: {  	[sflag:s16] =	ssyncset.done $0x0  }
0xbd: {  	[sflag:s16] =	ssyncadd.s32 $0xFFFFCE00  }
0xbe: {  	_ =	swait.ge [sflag:s24], $0x3200  }
0xbf: {  	[sflag:s24] =	ssyncset.done $0x0  }
0xc0: {  	[sflag:s24] =	ssyncadd.s32 $0xFFFFCE00  }
0xc1: {  	[spmem:s3] =	stream.indirect.scatter.add.bf16 [tilespmem:s13], [sflag:$0x6], $0x40, s21, s18, $0xb8;
	[tilespmem:$0x1B420] =	vst v63  }
0xc2: {  	_ =	swait.ge [sflag:s16], $0x3200  }
0xc3: {  	[sflag:s16] =	ssyncset.done $0x0  }
0xc4: {  	[sflag:s16] =	ssyncadd.s32 $0xFFFFCE00  }
0xc5: {  	_ =	swait.ge [sflag:s25], $0x3200  }
0xc6: {  	[sflag:s25] =	ssyncset.done $0x0  }
0xc7: {  	[sflag:s25] =	ssyncadd.s32 $0xFFFFCE00  }
0xc8: {  	[spmem:s3] =	stream.indirect.scatter.add.bf16 [tilespmem:s20], [sflag:$0x6], $0x40, s29, s18, $0xb8;
	[tilespmem:$0x1B420] =	vst v63  }
0xc9: {  	s31 =	stileid.u32;
	_ =	swait.ge [sflag:s16], $0x3200  }
0xca: {  	s4 =	sadd.s32 $0x1, s4;
	s0 =	sshll.u32 s31, $0x6;
	[sflag:s16] =	ssyncset.done $0x0  }
0xcb: {  	p0 =	sne.s32 s4, s12;
	s0 =	sor.u32 $0x1C06, s0;
	[sflag:s16] =	ssyncadd.s32 $0xFFFFCE00  }
.Ltmp2:
0xcc: {  	s2 =	sshrl.u32 s5, $0x3;
	[bflag:$0x0] =	sbarrier.arrive $0xFFFF;
	(pc) =	sbr.rel @p0 .LBB2_1-.Ltmp2, $4  }
0xcd: {  	[hbm:s11], [sflag:s0] =	dma.local [spmem:s2], $0x13C0  }
0xce: {  	_ =	swait.ge [sflag:s16], $0x13C0  }
0xcf: {  	[sflag:s16] =	ssyncset.done $0x0  }
0xd0: {  	[sflag:s16] =	ssyncadd.s32 $0xFFFFEC40  }
0xd1: {  	_ =	sfence.sel $0x180000  }
0xd2: {  	[bflag:$0x0] =	sbarrier.arrive $0xFFFF  }
0xd3: {  	_ =	strace $0x90000050  }
0xd4: {  	s0 =	stileid.u32;
	[bflag:$0x2] =	sbarrier.arrive $0xFFFF  }
0xd5: {  	p0 =	sne.s32 s0, $0x0;
	s0 =	rddreg [dreg:$0x3]  }
0xd6: {  	s0 =	sadd.s32 @!p0 $0x100000, s0  }
0xd7: {  	[sflag:s0] =	ssyncadd.tile.s32 @!p0 $0x1;
	_ =	shalt  }
.Lfunc_end2:
_tile_overlayer_lowered:
.L_overlay_start_2:
0xd8: {  	(tag) =	ssettag $0x2  }
0xd9: {  	s0 =	rddreg [dreg:$0x0];
	s2 =	stileid.u32  }
0xda: {  	s1 =	rddreg [dreg:$0x1];
	p0 =	sne.s32 s2, $0x0  }
0xdb: {  	s3 =	rddreg [dreg:$0x2];
	[bflag:$0x3] =	sbarrier.arrive $0xFFFF;
	s2 =	simm.s32 @!p0 $0x1C06  }
0xdc: {  	[timem:s3], [sflag:s2] =	dma.local @!p0 [hbm:s0], s1  }
0xdd: {  	s0 =	simm.s32 @!p0 $0x6  }
0xde: {  	_ =	swait.ge @!p0 [sflag:s0], s1  }
0xdf: {  	s1 =	ssub.s32 @!p0 $0x0, s1;
	[sflag:s0] =	ssyncset.done @!p0 $0x0  }
0xe0: {  	[sflag:s0] =	ssyncadd.s32 @!p0 s1  }
0xe1: {  	[bflag:$0x3] =	sbarrier.arrive $0xFFFF  }
0xe2: {  	_ =	shalt  }

</sc_bundles>
